<compile_context>
chip_gen: v7x
topology: tpu7x:2x2x1
jax: 0.10.2.dev20260603
libtpu: 0.0.44.dev20260713+nightly
codegen_flags: <defaults>
</compile_context>

<pallas_src>
import functools
import math

import jax
import jax.numpy as jnp
from jax import lax
from jax.experimental import pallas as pl
from jax.experimental.pallas import tpu as pltpu
from jax.experimental.pallas import tpu_sc as plsc

D = 256
NH = 8
HD = 32
NQ = 1024
K = 128
TOTAL = 43520
LVL_W0 = 1024
LVL_H0 = 32
SCALE = math.sqrt(HD)

SC_CORES = 2
SC_SUBCORES = 16
NW = SC_CORES * SC_SUBCORES
ROWS = NQ * K
RPW = ROWS // NW
CH = 128
NCH = RPW // CH
NBUF = 3
NSPLIT = 4


def _prep_kernel(q_ref, tc_ref, fc_ref, wqt_ref, bq_ref,
                 qout_ref, idx_ref, mask_ref):
    qout_ref[...] = (
        jnp.dot(q_ref[...], wqt_ref[...], preferred_element_type=jnp.float32)
        + bq_ref[...]
    )
    tc = tc_ref[...]
    fc = fc_ref[...]
    col = lax.broadcasted_iota(jnp.int32, (NQ, K), 1)
    lvl = col // 32
    within = col % 32
    t_off = within % 8 - 4
    f_off = within // 8 - 2
    w_i = jnp.int32(LVL_W0) >> lvl
    h_i = jnp.int32(LVL_H0) >> lvl
    lsi = jnp.where(lvl == 0, 0,
          jnp.where(lvl == 1, 32768,
          jnp.where(lvl == 2, 40960, 43008)))
    tpx = jnp.round(tc * w_i.astype(jnp.float32) - 0.5).astype(jnp.int32)
    fpx = jnp.round(fc * h_i.astype(jnp.float32) - 0.5).astype(jnp.int32)
    tt = tpx + t_off
    ff = fpx + f_off
    oob = (tt < 0) | (tt >= w_i) | (ff < 0) | (ff >= h_i)
    ttc = jnp.clip(tt, 0, w_i - 1)
    ffc = jnp.clip(ff, 0, h_i - 1)
    idx_ref[...] = lsi + ffc * w_i + ttc
    mask_ref[...] = jnp.where(oob, 0.0, 1.0)


def _prep(q2, tc2, fc2, wqt, bq2):
    return pl.pallas_call(
        _prep_kernel,
        out_shape=[
            jax.ShapeDtypeStruct((NQ, D), jnp.float32),
            jax.ShapeDtypeStruct((NQ, K), jnp.int32),
            jax.ShapeDtypeStruct((NQ, K), jnp.float32),
        ],
    )(q2, tc2, fc2, wqt, bq2)


def _sc_gather(value2, idx_flat, nrows):
    mesh = plsc.VectorSubcoreMesh(core_axis_name="c", subcore_axis_name="s")
    rpw = nrows // NW
    nch = rpw // CH

    @functools.partial(
        pl.kernel,
        mesh=mesh,
        out_type=jax.ShapeDtypeStruct((nrows, D), jnp.float32),
        scratch_types=[
            pltpu.VMEM((rpw,), jnp.int32),
            [pltpu.VMEM((CH, D), jnp.float32) for _ in range(NBUF)],
            [pltpu.SemaphoreType.DMA for _ in range(NBUF)],
            [pltpu.SemaphoreType.DMA for _ in range(NBUF)],
        ],
    )
    def gather(value_hbm, idx_hbm, out_hbm, idx_all, bufs, gsems, ssems):
        wid = lax.axis_index("s") * SC_CORES + lax.axis_index("c")
        base = wid * rpw
        pltpu.sync_copy(idx_hbm.at[pl.ds(base, rpw)], idx_all)

        def fire_gather(g, b):
            return pltpu.async_copy(
                value_hbm.at[idx_all.at[pl.ds(g * CH, CH)]], bufs[b], gsems[b])

        def fire_scatter(g, b):
            return pltpu.async_copy(
                bufs[b], out_hbm.at[pl.ds(base + g * CH, CH)], ssems[b])

        gd = [None] * NBUF
        sd = [None] * NBUF
        for g in range(NBUF):
            gd[g] = fire_gather(g, g)
        for g in range(nch):
            b = g % NBUF
            gd[b].wait()
            sd[b] = fire_scatter(g, b)
            nxt = g + NBUF
            if nxt < nch:
                sd[b].wait()
                gd[b] = fire_gather(nxt, b)
        for g in range(nch - min(NBUF, nch), nch):
            sd[g % NBUF].wait()

    return gather(value2, idx_flat)


QB = 64
TB = QB * K


def _attn_kernel(toks_ref, q_ref, mask_ref, wkt_ref, wvt_ref, wot_ref,
                 bk_ref, bv_ref, bo_ref, out_ref):
    toks = toks_ref[...].astype(jnp.bfloat16)
    k = (jnp.dot(toks, wkt_ref[...], preferred_element_type=jnp.float32)
         + bk_ref[...]).astype(jnp.bfloat16)
    v = jnp.dot(toks, wvt_ref[...], preferred_element_type=jnp.float32) + bv_ref[...]
    qb = q_ref[...].astype(jnp.bfloat16)
    row = lax.broadcasted_iota(jnp.int32, (D, NH), 0)
    colh = lax.broadcasted_iota(jnp.int32, (D, NH), 1)
    ind = (row // HD == colh).astype(jnp.bfloat16)
    indt = (lax.broadcasted_iota(jnp.int32, (NH, D), 1) // HD
            == lax.broadcasted_iota(jnp.int32, (NH, D), 0)).astype(jnp.float32)
    qk = (qb[:, None, :] * k.reshape(QB, K, D)).reshape(TB, D)
    s = jnp.dot(qk, ind, preferred_element_type=jnp.float32) * (1.0 / SCALE)
    s3 = s.reshape(QB, K, NH)
    m3 = mask_ref[...][:, :, None]
    s3 = s3 * m3
    mx = jnp.max(s3, axis=1, keepdims=True)
    p = jnp.exp(s3 - mx)
    denom = jnp.sum(p, axis=1, keepdims=True)
    pv = (p * m3).reshape(TB, NH)
    wexp = jnp.dot(pv, indt, preferred_element_type=jnp.float32)
    osum = jnp.sum((wexp * v).reshape(QB, K, D), axis=1)
    dexp = jnp.dot(denom.reshape(QB, NH), indt,
                   preferred_element_type=jnp.float32)
    attn = osum / dexp
    out_ref[...] = (
        jnp.dot(attn, wot_ref[...], preferred_element_type=jnp.float32)
        + bo_ref[...]
    )


def _attention(gathered, q, maskf, wkt, wvt, wot, bk2, bv2, bo2):
    nq = q.shape[0]
    grid = (nq // QB,)
    return pl.pallas_call(
        _attn_kernel,
        grid=grid,
        in_specs=[
            pl.BlockSpec((TB, D), lambda i: (i, 0)),
            pl.BlockSpec((QB, D), lambda i: (i, 0)),
            pl.BlockSpec((QB, K), lambda i: (i, 0)),
            pl.BlockSpec((D, D), lambda i: (0, 0)),
            pl.BlockSpec((D, D), lambda i: (0, 0)),
            pl.BlockSpec((D, D), lambda i: (0, 0)),
            pl.BlockSpec((1, D), lambda i: (0, 0)),
            pl.BlockSpec((1, D), lambda i: (0, 0)),
            pl.BlockSpec((1, D), lambda i: (0, 0)),
        ],
        out_specs=pl.BlockSpec((QB, D), lambda i: (i, 0)),
        out_shape=jax.ShapeDtypeStruct((nq, D), jnp.float32),
    )(gathered, q, maskf, wkt, wvt, wot, bk2, bv2, bo2)


def kernel(query, time_center, freq_center, value, spatial_shapes,
           level_start_index, Wq, bq, Wk, bk, Wv, bv, Wo, bo):
    q2 = query.reshape(NQ, D)
    tc2 = time_center.reshape(NQ, 1)
    fc2 = freq_center.reshape(NQ, 1)
    value2 = value.reshape(TOTAL, D)
    q, idx, maskf = _prep(q2, tc2, fc2, Wq.T, bq.reshape(1, D))
    wkt = Wk.T.astype(jnp.bfloat16)
    wvt = Wv.T.astype(jnp.bfloat16)
    wot = Wo.T
    bk2, bv2, bo2 = bk.reshape(1, D), bv.reshape(1, D), bo.reshape(1, D)
    nh = NQ // NSPLIT
    outs = []
    for s0 in range(NSPLIT):
        lo = s0 * nh
        g_h = _sc_gather(value2, idx[lo:lo + nh].reshape(nh * K), nh * K)
        outs.append(_attention(g_h, q[lo:lo + nh], maskf[lo:lo + nh],
                               wkt, wvt, wot, bk2, bv2, bo2))
    out = jnp.concatenate(outs, axis=0)
    return out.reshape(1, NQ, D)

# --- scband reference (transcript-rebuilt; emitter-appended) ---
"""Pipeline reference for scband-window-cross-attention-82429012345311 (READ-ONLY COPY).

The authoritative reference and input builder live on the scoring server;
editing this copy changes nothing except your own understanding.
"""

import math
import jax, jax.numpy as jnp
import numpy as np

D_MODEL = 256
N_LEVELS = 4
N_HEADS = 8
HEAD_DIM = D_MODEL // N_HEADS
WT = 8
WF = 4
CHUNK = 512
SPATIAL = np.array([[32, 1024], [16, 512], [8, 256], [4, 128]], dtype=np.int32)
LEVEL_START = np.array([0, 32768, 40960, 43008], dtype=np.int32)
TOTAL = 43520
B = 1
N_Q = 1024


def _xavier(key, fan):
    a = math.sqrt(6.0 / (fan + fan))
    return jax.random.uniform(key, (fan, fan), jnp.float32, -a, a)


def setup_inputs(seed: int = 0):
    key = jax.random.key(seed)
    ks = jax.random.split(key, 8)
    return {
        'query': jax.random.normal(ks[0], (B, N_Q, D_MODEL), jnp.float32),
        'time_center': jax.random.uniform(ks[1], (B, N_Q, 1), jnp.float32),
        'freq_center': jax.random.uniform(ks[2], (B, N_Q, 1), jnp.float32),
        'value': jax.random.normal(ks[3], (B, TOTAL, D_MODEL), jnp.float32),
        'spatial_shapes': jnp.asarray(SPATIAL),
        'level_start_index': jnp.asarray(LEVEL_START),
        'Wq': _xavier(ks[4], D_MODEL), 'bq': jnp.zeros((D_MODEL,), jnp.float32),
        'Wk': _xavier(ks[5], D_MODEL), 'bk': jnp.zeros((D_MODEL,), jnp.float32),
        'Wv': _xavier(ks[6], D_MODEL), 'bv': jnp.zeros((D_MODEL,), jnp.float32),
        'Wo': _xavier(ks[7], D_MODEL), 'bo': jnp.zeros((D_MODEL,), jnp.float32),
    }


def _forward(query, time_center, freq_center, value, ss, lsi, Wq, bq, Wk, bk, Wv, bv, Wo, bo):
    Bq, N_q, _ = query.shape
    q = query @ Wq.T + bq
    q = q.reshape(Bq, N_q, N_HEADS, HEAD_DIM)
    tc = time_center[..., 0]
    fc = freq_center[..., 0]
    scale = math.sqrt(HEAD_DIM)
    outs = []
    for start in range(0, N_q, CHUNK):
        end = min(start + CHUNK, N_q)
        C = end - start
        q_chunk = q[:, start:end]
        q_exp = q_chunk[:, :, :, None, :]
        tc_c = tc[:, start:end]
        fc_c = fc[:, start:end]
        out_acc = None
        lse_acc = None
        for lid in range(N_LEVELS):
            H_l = int(SPATIAL[lid][0])
            W_l = int(SPATIAL[lid][1])
            H_t = ss[lid, 0]
            W_t = ss[lid, 1]
            wt = min(WT, W_l)
            wf = min(WF, H_l) if H_l > 1 else 1
            K_l = wt * wf
            tc_px = jnp.round(jax.lax.stop_gradient(tc_c) * W_t - 0.5).astype(jnp.int32)
            fc_px = jnp.round(jax.lax.stop_gradient(fc_c) * H_t - 0.5).astype(jnp.int32)
            t_off = jnp.arange(wt, dtype=jnp.int32) - wt // 2
            f_off = jnp.arange(wf, dtype=jnp.int32) - wf // 2
            tc_grid = tc_px[..., None] + t_off
            fc_grid = fc_px[..., None] + f_off
            tc_flat = jnp.broadcast_to(tc_grid[:, :, None, :], (Bq, C, wf, wt)).reshape(Bq, C, K_l)
            fc_flat = jnp.broadcast_to(fc_grid[:, :, :, None], (Bq, C, wf, wt)).reshape(Bq, C, K_l)
            oob = (tc_flat < 0) | (tc_flat >= W_t) | (fc_flat < 0) | (fc_flat >= H_t)
            tc_cl = jnp.clip(tc_flat, 0, W_t - 1)
            fc_cl = jnp.clip(fc_flat, 0, H_t - 1)
            flat_idx = lsi[lid] + fc_cl * W_t + tc_cl
            tokens = jnp.take_along_axis(value, flat_idx.reshape(Bq, C * K_l)[:, :, None], axis=1).reshape(Bq, C, K_l, D_MODEL)
            tokens = jnp.where(oob[..., None], 0.0, tokens)
            k_g = tokens @ Wk.T + bk
            v_g = tokens @ Wv.T + bv
            k_s = k_g.reshape(Bq, C, K_l, N_HEADS, HEAD_DIM).transpose(0, 1, 3, 2, 4)
            v_s = v_g.reshape(Bq, C, K_l, N_HEADS, HEAD_DIM).transpose(0, 1, 3, 2, 4)
            scores = jnp.matmul(q_exp, jnp.swapaxes(k_s, -1, -2)) / scale
            lse = jax.scipy.special.logsumexp(scores, axis=-1, keepdims=True)
            w = jnp.exp(scores - lse)
            out_l = jnp.matmul(w, v_s)[..., 0, :]
            lse_sq = lse[..., 0]
            if lse_acc is None:
                out_acc = out_l
                lse_acc = lse_sq
            else:
                lse_new = jnp.logaddexp(lse_acc, lse_sq)
                a_prev = jnp.exp(lse_acc - lse_new)
                a_curr = jnp.exp(lse_sq - lse_new)
                out_acc = a_prev * out_acc + a_curr * out_l
                lse_acc = lse_new
        outs.append(out_acc.reshape(Bq, C, -1))
    out = jnp.concatenate(outs, axis=1)
    return out @ Wo.T + bo


def reference(query, time_center, freq_center, value, spatial_shapes, level_start_index, Wq, bq, Wk, bk, Wv, bv, Wo, bo):
    ss = jnp.asarray(spatial_shapes)
    lsi = jnp.asarray(level_start_index)
    return _forward(query, time_center, freq_center, value, ss, lsi, Wq, bq, Wk, bk, Wv, bv, Wo, bo)

if __name__ == "__main__":
    import jax
    _d = setup_inputs()
    print(jax.jit(kernel)(*tuple(_d.values())))

</pallas_src>

<mosaic_0001>
#map = affine_map<(d0, d1) -> (0, 0)>
#map1 = affine_map<(d0, d1) -> (0)>
module attributes {stable_mosaic.version = 14 : i64} {
  func.func @gather(%arg0: i32, %arg1: i32, %arg2: memref<43520x256xf32, #tpu.memory_space<hbm>>, %arg3: memref<32768xi32, #tpu.memory_space<hbm>>, %arg4: memref<32768x256xf32, #tpu.memory_space<hbm>>, %arg5: memref<1024xi32, #tpu.memory_space<vmem>>, %arg6: memref<128x256xf32, #tpu.memory_space<vmem>>, %arg7: memref<128x256xf32, #tpu.memory_space<vmem>>, %arg8: memref<128x256xf32, #tpu.memory_space<vmem>>, %arg9: memref<!tpu.dma_semaphore, #tpu.memory_space<semaphore_mem>>, %arg10: memref<!tpu.dma_semaphore, #tpu.memory_space<semaphore_mem>>, %arg11: memref<!tpu.dma_semaphore, #tpu.memory_space<semaphore_mem>>, %arg12: memref<!tpu.dma_semaphore, #tpu.memory_space<semaphore_mem>>, %arg13: memref<!tpu.dma_semaphore, #tpu.memory_space<semaphore_mem>>, %arg14: memref<!tpu.dma_semaphore, #tpu.memory_space<semaphore_mem>>) attributes {dimension_semantics = [#tpu.dimension_semantics<core_parallel>, #tpu.dimension_semantics<subcore_parallel>], iteration_bounds = array<i64: 2, 16>, scalar_prefetch = 0 : i64, scratch_operands = 10 : i64, tpu.core_type = #tpu.core_type<sc_vector_subcore>, window_params = [{transform_indices = #map}, {transform_indices = #map1}, {transform_indices = #map}]} {
    %mul3A = arith.constant 2 : i32
    %mul3A_0 = arith.muli %arg1, %mul3A : i32
    %add3A = arith.addi %mul3A_0, %arg0 : i32
    %mul3A_1 = arith.constant 1024 : i32
    %mul3A_2 = arith.muli %add3A, %mul3A_1 : i32
    "tpu.region"() ({
      %run_scoped3A = tpu.sem_alloc : memref<!tpu.dma_semaphore, #tpu.memory_space<semaphore_mem>>
      %dma_start3A_161 = tpu.memref_slice %arg3[%mul3A_2] : memref<32768xi32, #tpu.memory_space<hbm>> -> memref<1024xi32, #tpu.memory_space<hbm>>
      %dma_start3A_162 = tpu.memref_slice %arg3[%mul3A_2] : memref<32768xi32, #tpu.memory_space<hbm>> -> memref<1024xi32, #tpu.memory_space<hbm>>
      tpu.enqueue_dma source(%dma_start3A_162 : memref<1024xi32, #tpu.memory_space<hbm>>) target(%arg5 : memref<1024xi32, #tpu.memory_space<vmem>>) target_semaphore(%run_scoped3A : memref<!tpu.dma_semaphore, #tpu.memory_space<semaphore_mem>>)
      %dma_wait3A_163 = tpu.memref_slice %arg3[%mul3A_2] : memref<32768xi32, #tpu.memory_space<hbm>> -> memref<1024xi32, #tpu.memory_space<hbm>>
      %dma_wait3A_164 = tpu.memref_slice %arg3[%mul3A_2] : memref<32768xi32, #tpu.memory_space<hbm>> -> memref<1024xi32, #tpu.memory_space<hbm>>
      tpu.wait_dma2 semaphore(%run_scoped3A : memref<!tpu.dma_semaphore, #tpu.memory_space<semaphore_mem>>) src(%dma_wait3A_164 : memref<1024xi32, #tpu.memory_space<hbm>>) dst(%arg5 : memref<1024xi32, #tpu.memory_space<vmem>>)
      tpu.yield
    }) : () -> ()
    %dma_start3A = arith.constant 0 : i32
    %dma_start3A_3 = tpu.memref_slice %arg5[%dma_start3A] : memref<1024xi32, #tpu.memory_space<vmem>> -> memref<128xi32, #tpu.memory_space<vmem>>
    %dma_start3A_4 = arith.constant 0 : i32
    %dma_start3A_5 = arith.constant 0 : i32
    %dma_start3A_6 = tpu.memref_slice %arg2[%dma_start3A_4, %dma_start3A_5] : memref<43520x256xf32, #tpu.memory_space<hbm>> -> memref<43520x256xf32, #tpu.memory_space<hbm>>
    tpu.enqueue_indirect_dma source(%dma_start3A_6 : memref<43520x256xf32, #tpu.memory_space<hbm>>) target(%arg6 : memref<128x256xf32, #tpu.memory_space<vmem>>) offsets(%dma_start3A_3 : memref<128xi32, #tpu.memory_space<vmem>>) semaphore(%arg9 : memref<!tpu.dma_semaphore, #tpu.memory_space<semaphore_mem>>)
    %dma_start3A_7 = arith.constant 128 : i32
    %dma_start3A_8 = tpu.memref_slice %arg5[%dma_start3A_7] : memref<1024xi32, #tpu.memory_space<vmem>> -> memref<128xi32, #tpu.memory_space<vmem>>
    %dma_start3A_9 = arith.constant 0 : i32
    %dma_start3A_10 = arith.constant 0 : i32
    %dma_start3A_11 = tpu.memref_slice %arg2[%dma_start3A_9, %dma_start3A_10] : memref<43520x256xf32, #tpu.memory_space<hbm>> -> memref<43520x256xf32, #tpu.memory_space<hbm>>
    tpu.enqueue_indirect_dma source(%dma_start3A_11 : memref<43520x256xf32, #tpu.memory_space<hbm>>) target(%arg7 : memref<128x256xf32, #tpu.memory_space<vmem>>) offsets(%dma_start3A_8 : memref<128xi32, #tpu.memory_space<vmem>>) semaphore(%arg10 : memref<!tpu.dma_semaphore, #tpu.memory_space<semaphore_mem>>)
    %dma_start3A_12 = arith.constant 256 : i32
    %dma_start3A_13 = tpu.memref_slice %arg5[%dma_start3A_12] : memref<1024xi32, #tpu.memory_space<vmem>> -> memref<128xi32, #tpu.memory_space<vmem>>
    %dma_start3A_14 = arith.constant 0 : i32
    %dma_start3A_15 = arith.constant 0 : i32
    %dma_start3A_16 = tpu.memref_slice %arg2[%dma_start3A_14, %dma_start3A_15] : memref<43520x256xf32, #tpu.memory_space<hbm>> -> memref<43520x256xf32, #tpu.memory_space<hbm>>
    tpu.enqueue_indirect_dma source(%dma_start3A_16 : memref<43520x256xf32, #tpu.memory_space<hbm>>) target(%arg8 : memref<128x256xf32, #tpu.memory_space<vmem>>) offsets(%dma_start3A_13 : memref<128xi32, #tpu.memory_space<vmem>>) semaphore(%arg11 : memref<!tpu.dma_semaphore, #tpu.memory_space<semaphore_mem>>)
    %dma_wait3A = arith.constant 0 : i32
    %dma_wait3A_17 = tpu.memref_slice %arg5[%dma_wait3A] : memref<1024xi32, #tpu.memory_space<vmem>> -> memref<128xi32, #tpu.memory_space<vmem>>
    %dma_wait3A_18 = arith.constant 0 : i32
    %dma_wait3A_19 = arith.constant 0 : i32
    %dma_wait3A_20 = tpu.memref_slice %arg2[%dma_wait3A_18, %dma_wait3A_19] : memref<43520x256xf32, #tpu.memory_space<hbm>> -> memref<43520x256xf32, #tpu.memory_space<hbm>>
    tpu.wait_indirect_dma semaphore(%arg9 : memref<!tpu.dma_semaphore, #tpu.memory_space<semaphore_mem>>) src(%dma_wait3A_20 : memref<43520x256xf32, #tpu.memory_space<hbm>>) dst(%arg6 : memref<128x256xf32, #tpu.memory_space<vmem>>)
    %add3A_21 = arith.constant 0 : i32
    %add3A_22 = arith.addi %mul3A_2, %add3A_21 : i32
    %dma_start3A_23 = arith.constant 0 : i32
    %dma_start3A_24 = tpu.memref_slice %arg4[%add3A_22, %dma_start3A_23] : memref<32768x256xf32, #tpu.memory_space<hbm>> -> memref<128x256xf32, #tpu.memory_space<hbm>>
    %dma_start3A_25 = arith.constant 0 : i32
    %dma_start3A_26 = tpu.memref_slice %arg4[%add3A_22, %dma_start3A_25] : memref<32768x256xf32, #tpu.memory_space<hbm>> -> memref<128x256xf32, #tpu.memory_space<hbm>>
    tpu.enqueue_dma source(%arg6 : memref<128x256xf32, #tpu.memory_space<vmem>>) target(%dma_start3A_26 : memref<128x256xf32, #tpu.memory_space<hbm>>) target_semaphore(%arg12 : memref<!tpu.dma_semaphore, #tpu.memory_space<semaphore_mem>>)
    %dma_wait3A_27 = arith.constant 0 : i32
    %dma_wait3A_28 = tpu.memref_slice %arg4[%add3A_22, %dma_wait3A_27] : memref<32768x256xf32, #tpu.memory_space<hbm>> -> memref<128x256xf32, #tpu.memory_space<hbm>>
    %dma_wait3A_29 = arith.constant 0 : i32
    %dma_wait3A_30 = tpu.memref_slice %arg4[%add3A_22, %dma_wait3A_29] : memref<32768x256xf32, #tpu.memory_space<hbm>> -> memref<128x256xf32, #tpu.memory_space<hbm>>
    tpu.wait_dma2 semaphore(%arg12 : memref<!tpu.dma_semaphore, #tpu.memory_space<semaphore_mem>>) src(%arg6 : memref<128x256xf32, #tpu.memory_space<vmem>>) dst(%dma_wait3A_30 : memref<128x256xf32, #tpu.memory_space<hbm>>)
    %dma_start3A_31 = arith.constant 384 : i32
    %dma_start3A_32 = tpu.memref_slice %arg5[%dma_start3A_31] : memref<1024xi32, #tpu.memory_space<vmem>> -> memref<128xi32, #tpu.memory_space<vmem>>
    %dma_start3A_33 = arith.constant 0 : i32
    %dma_start3A_34 = arith.constant 0 : i32
    %dma_start3A_35 = tpu.memref_slice %arg2[%dma_start3A_33, %dma_start3A_34] : memref<43520x256xf32, #tpu.memory_space<hbm>> -> memref<43520x256xf32, #tpu.memory_space<hbm>>
    tpu.enqueue_indirect_dma source(%dma_start3A_35 : memref<43520x256xf32, #tpu.memory_space<hbm>>) target(%arg6 : memref<128x256xf32, #tpu.memory_space<vmem>>) offsets(%dma_start3A_32 : memref<128xi32, #tpu.memory_space<vmem>>) semaphore(%arg9 : memref<!tpu.dma_semaphore, #tpu.memory_space<semaphore_mem>>)
    %dma_wait3A_36 = arith.constant 128 : i32
    %dma_wait3A_37 = tpu.memref_slice %arg5[%dma_wait3A_36] : memref<1024xi32, #tpu.memory_space<vmem>> -> memref<128xi32, #tpu.memory_space<vmem>>
    %dma_wait3A_38 = arith.constant 0 : i32
    %dma_wait3A_39 = arith.constant 0 : i32
    %dma_wait3A_40 = tpu.memref_slice %arg2[%dma_wait3A_38, %dma_wait3A_39] : memref<43520x256xf32, #tpu.memory_space<hbm>> -> memref<43520x256xf32, #tpu.memory_space<hbm>>
    tpu.wait_indirect_dma semaphore(%arg10 : memref<!tpu.dma_semaphore, #tpu.memory_space<semaphore_mem>>) src(%dma_wait3A_40 : memref<43520x256xf32, #tpu.memory_space<hbm>>) dst(%arg7 : memref<128x256xf32, #tpu.memory_space<vmem>>)
    %add3A_41 = arith.constant 128 : i32
    %add3A_42 = arith.addi %mul3A_2, %add3A_41 : i32
    %dma_start3A_43 = arith.constant 0 : i32
    %dma_start3A_44 = tpu.memref_slice %arg4[%add3A_42, %dma_start3A_43] : memref<32768x256xf32, #tpu.memory_space<hbm>> -> memref<128x256xf32, #tpu.memory_space<hbm>>
    %dma_start3A_45 = arith.constant 0 : i32
    %dma_start3A_46 = tpu.memref_slice %arg4[%add3A_42, %dma_start3A_45] : memref<32768x256xf32, #tpu.memory_space<hbm>> -> memref<128x256xf32, #tpu.memory_space<hbm>>
    tpu.enqueue_dma source(%arg7 : memref<128x256xf32, #tpu.memory_space<vmem>>) target(%dma_start3A_46 : memref<128x256xf32, #tpu.memory_space<hbm>>) target_semaphore(%arg13 : memref<!tpu.dma_semaphore, #tpu.memory_space<semaphore_mem>>)
    %dma_wait3A_47 = arith.constant 0 : i32
    %dma_wait3A_48 = tpu.memref_slice %arg4[%add3A_42, %dma_wait3A_47] : memref<32768x256xf32, #tpu.memory_space<hbm>> -> memref<128x256xf32, #tpu.memory_space<hbm>>
    %dma_wait3A_49 = arith.constant 0 : i32
    %dma_wait3A_50 = tpu.memref_slice %arg4[%add3A_42, %dma_wait3A_49] : memref<32768x256xf32, #tpu.memory_space<hbm>> -> memref<128x256xf32, #tpu.memory_space<hbm>>
    tpu.wait_dma2 semaphore(%arg13 : memref<!tpu.dma_semaphore, #tpu.memory_space<semaphore_mem>>) src(%arg7 : memref<128x256xf32, #tpu.memory_space<vmem>>) dst(%dma_wait3A_50 : memref<128x256xf32, #tpu.memory_space<hbm>>)
    %dma_start3A_51 = arith.constant 512 : i32
    %dma_start3A_52 = tpu.memref_slice %arg5[%dma_start3A_51] : memref<1024xi32, #tpu.memory_space<vmem>> -> memref<128xi32, #tpu.memory_space<vmem>>
    %dma_start3A_53 = arith.constant 0 : i32
    %dma_start3A_54 = arith.constant 0 : i32
    %dma_start3A_55 = tpu.memref_slice %arg2[%dma_start3A_53, %dma_start3A_54] : memref<43520x256xf32, #tpu.memory_space<hbm>> -> memref<43520x256xf32, #tpu.memory_space<hbm>>
    tpu.enqueue_indirect_dma source(%dma_start3A_55 : memref<43520x256xf32, #tpu.memory_space<hbm>>) target(%arg7 : memref<128x256xf32, #tpu.memory_space<vmem>>) offsets(%dma_start3A_52 : memref<128xi32, #tpu.memory_space<vmem>>) semaphore(%arg10 : memref<!tpu.dma_semaphore, #tpu.memory_space<semaphore_mem>>)
    %dma_wait3A_56 = arith.constant 256 : i32
    %dma_wait3A_57 = tpu.memref_slice %arg5[%dma_wait3A_56] : memref<1024xi32, #tpu.memory_space<vmem>> -> memref<128xi32, #tpu.memory_space<vmem>>
    %dma_wait3A_58 = arith.constant 0 : i32
    %dma_wait3A_59 = arith.constant 0 : i32
    %dma_wait3A_60 = tpu.memref_slice %arg2[%dma_wait3A_58, %dma_wait3A_59] : memref<43520x256xf32, #tpu.memory_space<hbm>> -> memref<43520x256xf32, #tpu.memory_space<hbm>>
    tpu.wait_indirect_dma semaphore(%arg11 : memref<!tpu.dma_semaphore, #tpu.memory_space<semaphore_mem>>) src(%dma_wait3A_60 : memref<43520x256xf32, #tpu.memory_space<hbm>>) dst(%arg8 : memref<128x256xf32, #tpu.memory_space<vmem>>)
    %add3A_61 = arith.constant 256 : i32
    %add3A_62 = arith.addi %mul3A_2, %add3A_61 : i32
    %dma_start3A_63 = arith.constant 0 : i32
    %dma_start3A_64 = tpu.memref_slice %arg4[%add3A_62, %dma_start3A_63] : memref<32768x256xf32, #tpu.memory_space<hbm>> -> memref<128x256xf32, #tpu.memory_space<hbm>>
    %dma_start3A_65 = arith.constant 0 : i32
    %dma_start3A_66 = tpu.memref_slice %arg4[%add3A_62, %dma_start3A_65] : memref<32768x256xf32, #tpu.memory_space<hbm>> -> memref<128x256xf32, #tpu.memory_space<hbm>>
    tpu.enqueue_dma source(%arg8 : memref<128x256xf32, #tpu.memory_space<vmem>>) target(%dma_start3A_66 : memref<128x256xf32, #tpu.memory_space<hbm>>) target_semaphore(%arg14 : memref<!tpu.dma_semaphore, #tpu.memory_space<semaphore_mem>>)
    %dma_wait3A_67 = arith.constant 0 : i32
    %dma_wait3A_68 = tpu.memref_slice %arg4[%add3A_62, %dma_wait3A_67] : memref<32768x256xf32, #tpu.memory_space<hbm>> -> memref<128x256xf32, #tpu.memory_space<hbm>>
    %dma_wait3A_69 = arith.constant 0 : i32
    %dma_wait3A_70 = tpu.memref_slice %arg4[%add3A_62, %dma_wait3A_69] : memref<32768x256xf32, #tpu.memory_space<hbm>> -> memref<128x256xf32, #tpu.memory_space<hbm>>
    tpu.wait_dma2 semaphore(%arg14 : memref<!tpu.dma_semaphore, #tpu.memory_space<semaphore_mem>>) src(%arg8 : memref<128x256xf32, #tpu.memory_space<vmem>>) dst(%dma_wait3A_70 : memref<128x256xf32, #tpu.memory_space<hbm>>)
    %dma_start3A_71 = arith.constant 640 : i32
    %dma_start3A_72 = tpu.memref_slice %arg5[%dma_start3A_71] : memref<1024xi32, #tpu.memory_space<vmem>> -> memref<128xi32, #tpu.memory_space<vmem>>
    %dma_start3A_73 = arith.constant 0 : i32
    %dma_start3A_74 = arith.constant 0 : i32
    %dma_start3A_75 = tpu.memref_slice %arg2[%dma_start3A_73, %dma_start3A_74] : memref<43520x256xf32, #tpu.memory_space<hbm>> -> memref<43520x256xf32, #tpu.memory_space<hbm>>
    tpu.enqueue_indirect_dma source(%dma_start3A_75 : memref<43520x256xf32, #tpu.memory_space<hbm>>) target(%arg8 : memref<128x256xf32, #tpu.memory_space<vmem>>) offsets(%dma_start3A_72 : memref<128xi32, #tpu.memory_space<vmem>>) semaphore(%arg11 : memref<!tpu.dma_semaphore, #tpu.memory_space<semaphore_mem>>)
    %dma_wait3A_76 = arith.constant 384 : i32
    %dma_wait3A_77 = tpu.memref_slice %arg5[%dma_wait3A_76] : memref<1024xi32, #tpu.memory_space<vmem>> -> memref<128xi32, #tpu.memory_space<vmem>>
    %dma_wait3A_78 = arith.constant 0 : i32
    %dma_wait3A_79 = arith.constant 0 : i32
    %dma_wait3A_80 = tpu.memref_slice %arg2[%dma_wait3A_78, %dma_wait3A_79] : memref<43520x256xf32, #tpu.memory_space<hbm>> -> memref<43520x256xf32, #tpu.memory_space<hbm>>
    tpu.wait_indirect_dma semaphore(%arg9 : memref<!tpu.dma_semaphore, #tpu.memory_space<semaphore_mem>>) src(%dma_wait3A_80 : memref<43520x256xf32, #tpu.memory_space<hbm>>) dst(%arg6 : memref<128x256xf32, #tpu.memory_space<vmem>>)
    %add3A_81 = arith.constant 384 : i32
    %add3A_82 = arith.addi %mul3A_2, %add3A_81 : i32
    %dma_start3A_83 = arith.constant 0 : i32
    %dma_start3A_84 = tpu.memref_slice %arg4[%add3A_82, %dma_start3A_83] : memref<32768x256xf32, #tpu.memory_space<hbm>> -> memref<128x256xf32, #tpu.memory_space<hbm>>
    %dma_start3A_85 = arith.constant 0 : i32
    %dma_start3A_86 = tpu.memref_slice %arg4[%add3A_82, %dma_start3A_85] : memref<32768x256xf32, #tpu.memory_space<hbm>> -> memref<128x256xf32, #tpu.memory_space<hbm>>
    tpu.enqueue_dma source(%arg6 : memref<128x256xf32, #tpu.memory_space<vmem>>) target(%dma_start3A_86 : memref<128x256xf32, #tpu.memory_space<hbm>>) target_semaphore(%arg12 : memref<!tpu.dma_semaphore, #tpu.memory_space<semaphore_mem>>)
    %dma_wait3A_87 = arith.constant 0 : i32
    %dma_wait3A_88 = tpu.memref_slice %arg4[%add3A_82, %dma_wait3A_87] : memref<32768x256xf32, #tpu.memory_space<hbm>> -> memref<128x256xf32, #tpu.memory_space<hbm>>
    %dma_wait3A_89 = arith.constant 0 : i32
    %dma_wait3A_90 = tpu.memref_slice %arg4[%add3A_82, %dma_wait3A_89] : memref<32768x256xf32, #tpu.memory_space<hbm>> -> memref<128x256xf32, #tpu.memory_space<hbm>>
    tpu.wait_dma2 semaphore(%arg12 : memref<!tpu.dma_semaphore, #tpu.memory_space<semaphore_mem>>) src(%arg6 : memref<128x256xf32, #tpu.memory_space<vmem>>) dst(%dma_wait3A_90 : memref<128x256xf32, #tpu.memory_space<hbm>>)
    %dma_start3A_91 = arith.constant 768 : i32
    %dma_start3A_92 = tpu.memref_slice %arg5[%dma_start3A_91] : memref<1024xi32, #tpu.memory_space<vmem>> -> memref<128xi32, #tpu.memory_space<vmem>>
    %dma_start3A_93 = arith.constant 0 : i32
    %dma_start3A_94 = arith.constant 0 : i32
    %dma_start3A_95 = tpu.memref_slice %arg2[%dma_start3A_93, %dma_start3A_94] : memref<43520x256xf32, #tpu.memory_space<hbm>> -> memref<43520x256xf32, #tpu.memory_space<hbm>>
    tpu.enqueue_indirect_dma source(%dma_start3A_95 : memref<43520x256xf32, #tpu.memory_space<hbm>>) target(%arg6 : memref<128x256xf32, #tpu.memory_space<vmem>>) offsets(%dma_start3A_92 : memref<128xi32, #tpu.memory_space<vmem>>) semaphore(%arg9 : memref<!tpu.dma_semaphore, #tpu.memory_space<semaphore_mem>>)
    %dma_wait3A_96 = arith.constant 512 : i32
    %dma_wait3A_97 = tpu.memref_slice %arg5[%dma_wait3A_96] : memref<1024xi32, #tpu.memory_space<vmem>> -> memref<128xi32, #tpu.memory_space<vmem>>
    %dma_wait3A_98 = arith.constant 0 : i32
    %dma_wait3A_99 = arith.constant 0 : i32
    %dma_wait3A_100 = tpu.memref_slice %arg2[%dma_wait3A_98, %dma_wait3A_99] : memref<43520x256xf32, #tpu.memory_space<hbm>> -> memref<43520x256xf32, #tpu.memory_space<hbm>>
    tpu.wait_indirect_dma semaphore(%arg10 : memref<!tpu.dma_semaphore, #tpu.memory_space<semaphore_mem>>) src(%dma_wait3A_100 : memref<43520x256xf32, #tpu.memory_space<hbm>>) dst(%arg7 : memref<128x256xf32, #tpu.memory_space<vmem>>)
    %add3A_101 = arith.constant 512 : i32
    %add3A_102 = arith.addi %mul3A_2, %add3A_101 : i32
    %dma_start3A_103 = arith.constant 0 : i32
    %dma_start3A_104 = tpu.memref_slice %arg4[%add3A_102, %dma_start3A_103] : memref<32768x256xf32, #tpu.memory_space<hbm>> -> memref<128x256xf32, #tpu.memory_space<hbm>>
    %dma_start3A_105 = arith.constant 0 : i32
    %dma_start3A_106 = tpu.memref_slice %arg4[%add3A_102, %dma_start3A_105] : memref<32768x256xf32, #tpu.memory_space<hbm>> -> memref<128x256xf32, #tpu.memory_space<hbm>>
    tpu.enqueue_dma source(%arg7 : memref<128x256xf32, #tpu.memory_space<vmem>>) target(%dma_start3A_106 : memref<128x256xf32, #tpu.memory_space<hbm>>) target_semaphore(%arg13 : memref<!tpu.dma_semaphore, #tpu.memory_space<semaphore_mem>>)
    %dma_wait3A_107 = arith.constant 0 : i32
    %dma_wait3A_108 = tpu.memref_slice %arg4[%add3A_102, %dma_wait3A_107] : memref<32768x256xf32, #tpu.memory_space<hbm>> -> memref<128x256xf32, #tpu.memory_space<hbm>>
    %dma_wait3A_109 = arith.constant 0 : i32
    %dma_wait3A_110 = tpu.memref_slice %arg4[%add3A_102, %dma_wait3A_109] : memref<32768x256xf32, #tpu.memory_space<hbm>> -> memref<128x256xf32, #tpu.memory_space<hbm>>
    tpu.wait_dma2 semaphore(%arg13 : memref<!tpu.dma_semaphore, #tpu.memory_space<semaphore_mem>>) src(%arg7 : memref<128x256xf32, #tpu.memory_space<vmem>>) dst(%dma_wait3A_110 : memref<128x256xf32, #tpu.memory_space<hbm>>)
    %dma_start3A_111 = arith.constant 896 : i32
    %dma_start3A_112 = tpu.memref_slice %arg5[%dma_start3A_111] : memref<1024xi32, #tpu.memory_space<vmem>> -> memref<128xi32, #tpu.memory_space<vmem>>
    %dma_start3A_113 = arith.constant 0 : i32
    %dma_start3A_114 = arith.constant 0 : i32
    %dma_start3A_115 = tpu.memref_slice %arg2[%dma_start3A_113, %dma_start3A_114] : memref<43520x256xf32, #tpu.memory_space<hbm>> -> memref<43520x256xf32, #tpu.memory_space<hbm>>
    tpu.enqueue_indirect_dma source(%dma_start3A_115 : memref<43520x256xf32, #tpu.memory_space<hbm>>) target(%arg7 : memref<128x256xf32, #tpu.memory_space<vmem>>) offsets(%dma_start3A_112 : memref<128xi32, #tpu.memory_space<vmem>>) semaphore(%arg10 : memref<!tpu.dma_semaphore, #tpu.memory_space<semaphore_mem>>)
    %dma_wait3A_116 = arith.constant 640 : i32
    %dma_wait3A_117 = tpu.memref_slice %arg5[%dma_wait3A_116] : memref<1024xi32, #tpu.memory_space<vmem>> -> memref<128xi32, #tpu.memory_space<vmem>>
    %dma_wait3A_118 = arith.constant 0 : i32
    %dma_wait3A_119 = arith.constant 0 : i32
    %dma_wait3A_120 = tpu.memref_slice %arg2[%dma_wait3A_118, %dma_wait3A_119] : memref<43520x256xf32, #tpu.memory_space<hbm>> -> memref<43520x256xf32, #tpu.memory_space<hbm>>
    tpu.wait_indirect_dma semaphore(%arg11 : memref<!tpu.dma_semaphore, #tpu.memory_space<semaphore_mem>>) src(%dma_wait3A_120 : memref<43520x256xf32, #tpu.memory_space<hbm>>) dst(%arg8 : memref<128x256xf32, #tpu.memory_space<vmem>>)
    %add3A_121 = arith.constant 640 : i32
    %add3A_122 = arith.addi %mul3A_2, %add3A_121 : i32
    %dma_start3A_123 = arith.constant 0 : i32
    %dma_start3A_124 = tpu.memref_slice %arg4[%add3A_122, %dma_start3A_123] : memref<32768x256xf32, #tpu.memory_space<hbm>> -> memref<128x256xf32, #tpu.memory_space<hbm>>
    %dma_start3A_125 = arith.constant 0 : i32
    %dma_start3A_126 = tpu.memref_slice %arg4[%add3A_122, %dma_start3A_125] : memref<32768x256xf32, #tpu.memory_space<hbm>> -> memref<128x256xf32, #tpu.memory_space<hbm>>
    tpu.enqueue_dma source(%arg8 : memref<128x256xf32, #tpu.memory_space<vmem>>) target(%dma_start3A_126 : memref<128x256xf32, #tpu.memory_space<hbm>>) target_semaphore(%arg14 : memref<!tpu.dma_semaphore, #tpu.memory_space<semaphore_mem>>)
    %dma_wait3A_127 = arith.constant 768 : i32
    %dma_wait3A_128 = tpu.memref_slice %arg5[%dma_wait3A_127] : memref<1024xi32, #tpu.memory_space<vmem>> -> memref<128xi32, #tpu.memory_space<vmem>>
    %dma_wait3A_129 = arith.constant 0 : i32
    %dma_wait3A_130 = arith.constant 0 : i32
    %dma_wait3A_131 = tpu.memref_slice %arg2[%dma_wait3A_129, %dma_wait3A_130] : memref<43520x256xf32, #tpu.memory_space<hbm>> -> memref<43520x256xf32, #tpu.memory_space<hbm>>
    tpu.wait_indirect_dma semaphore(%arg9 : memref<!tpu.dma_semaphore, #tpu.memory_space<semaphore_mem>>) src(%dma_wait3A_131 : memref<43520x256xf32, #tpu.memory_space<hbm>>) dst(%arg6 : memref<128x256xf32, #tpu.memory_space<vmem>>)
    %add3A_132 = arith.constant 768 : i32
    %add3A_133 = arith.addi %mul3A_2, %add3A_132 : i32
    %dma_start3A_134 = arith.constant 0 : i32
    %dma_start3A_135 = tpu.memref_slice %arg4[%add3A_133, %dma_start3A_134] : memref<32768x256xf32, #tpu.memory_space<hbm>> -> memref<128x256xf32, #tpu.memory_space<hbm>>
    %dma_start3A_136 = arith.constant 0 : i32
    %dma_start3A_137 = tpu.memref_slice %arg4[%add3A_133, %dma_start3A_136] : memref<32768x256xf32, #tpu.memory_space<hbm>> -> memref<128x256xf32, #tpu.memory_space<hbm>>
    tpu.enqueue_dma source(%arg6 : memref<128x256xf32, #tpu.memory_space<vmem>>) target(%dma_start3A_137 : memref<128x256xf32, #tpu.memory_space<hbm>>) target_semaphore(%arg12 : memref<!tpu.dma_semaphore, #tpu.memory_space<semaphore_mem>>)
    %dma_wait3A_138 = arith.constant 896 : i32
    %dma_wait3A_139 = tpu.memref_slice %arg5[%dma_wait3A_138] : memref<1024xi32, #tpu.memory_space<vmem>> -> memref<128xi32, #tpu.memory_space<vmem>>
    %dma_wait3A_140 = arith.constant 0 : i32
    %dma_wait3A_141 = arith.constant 0 : i32
    %dma_wait3A_142 = tpu.memref_slice %arg2[%dma_wait3A_140, %dma_wait3A_141] : memref<43520x256xf32, #tpu.memory_space<hbm>> -> memref<43520x256xf32, #tpu.memory_space<hbm>>
    tpu.wait_indirect_dma semaphore(%arg10 : memref<!tpu.dma_semaphore, #tpu.memory_space<semaphore_mem>>) src(%dma_wait3A_142 : memref<43520x256xf32, #tpu.memory_space<hbm>>) dst(%arg7 : memref<128x256xf32, #tpu.memory_space<vmem>>)
    %add3A_143 = arith.constant 896 : i32
    %add3A_144 = arith.addi %mul3A_2, %add3A_143 : i32
    %dma_start3A_145 = arith.constant 0 : i32
    %dma_start3A_146 = tpu.memref_slice %arg4[%add3A_144, %dma_start3A_145] : memref<32768x256xf32, #tpu.memory_space<hbm>> -> memref<128x256xf32, #tpu.memory_space<hbm>>
    %dma_start3A_147 = arith.constant 0 : i32
    %dma_start3A_148 = tpu.memref_slice %arg4[%add3A_144, %dma_start3A_147] : memref<32768x256xf32, #tpu.memory_space<hbm>> -> memref<128x256xf32, #tpu.memory_space<hbm>>
    tpu.enqueue_dma source(%arg7 : memref<128x256xf32, #tpu.memory_space<vmem>>) target(%dma_start3A_148 : memref<128x256xf32, #tpu.memory_space<hbm>>) target_semaphore(%arg13 : memref<!tpu.dma_semaphore, #tpu.memory_space<semaphore_mem>>)
    %dma_wait3A_149 = arith.constant 0 : i32
    %dma_wait3A_150 = tpu.memref_slice %arg4[%add3A_122, %dma_wait3A_149] : memref<32768x256xf32, #tpu.memory_space<hbm>> -> memref<128x256xf32, #tpu.memory_space<hbm>>
    %dma_wait3A_151 = arith.constant 0 : i32
    %dma_wait3A_152 = tpu.memref_slice %arg4[%add3A_122, %dma_wait3A_151] : memref<32768x256xf32, #tpu.memory_space<hbm>> -> memref<128x256xf32, #tpu.memory_space<hbm>>
    tpu.wait_dma2 semaphore(%arg14 : memref<!tpu.dma_semaphore, #tpu.memory_space<semaphore_mem>>) src(%arg8 : memref<128x256xf32, #tpu.memory_space<vmem>>) dst(%dma_wait3A_152 : memref<128x256xf32, #tpu.memory_space<hbm>>)
    %dma_wait3A_153 = arith.constant 0 : i32
    %dma_wait3A_154 = tpu.memref_slice %arg4[%add3A_133, %dma_wait3A_153] : memref<32768x256xf32, #tpu.memory_space<hbm>> -> memref<128x256xf32, #tpu.memory_space<hbm>>
    %dma_wait3A_155 = arith.constant 0 : i32
    %dma_wait3A_156 = tpu.memref_slice %arg4[%add3A_133, %dma_wait3A_155] : memref<32768x256xf32, #tpu.memory_space<hbm>> -> memref<128x256xf32, #tpu.memory_space<hbm>>
    tpu.wait_dma2 semaphore(%arg12 : memref<!tpu.dma_semaphore, #tpu.memory_space<semaphore_mem>>) src(%arg6 : memref<128x256xf32, #tpu.memory_space<vmem>>) dst(%dma_wait3A_156 : memref<128x256xf32, #tpu.memory_space<hbm>>)
    %dma_wait3A_157 = arith.constant 0 : i32
    %dma_wait3A_158 = tpu.memref_slice %arg4[%add3A_144, %dma_wait3A_157] : memref<32768x256xf32, #tpu.memory_space<hbm>> -> memref<128x256xf32, #tpu.memory_space<hbm>>
    %dma_wait3A_159 = arith.constant 0 : i32
    %dma_wait3A_160 = tpu.memref_slice %arg4[%add3A_144, %dma_wait3A_159] : memref<32768x256xf32, #tpu.memory_space<hbm>> -> memref<128x256xf32, #tpu.memory_space<hbm>>
    tpu.wait_dma2 semaphore(%arg13 : memref<!tpu.dma_semaphore, #tpu.memory_space<semaphore_mem>>) src(%arg7 : memref<128x256xf32, #tpu.memory_space<vmem>>) dst(%dma_wait3A_160 : memref<128x256xf32, #tpu.memory_space<hbm>>)
    return
  }
}

#map = affine_map<(d0, d1) -> (0, 0)>
#map1 = affine_map<(d0, d1) -> (0)>
module attributes {stable_mosaic.version = 14 : i64} {
  func.func @gather(%arg0: i32, %arg1: i32, %arg2: memref<43520x256xf32, #tpu.memory_space<hbm>>, %arg3: memref<32768xi32, #tpu.memory_space<hbm>>, %arg4: memref<32768x256xf32, #tpu.memory_space<hbm>>, %arg5: memref<1024xi32, #tpu.memory_space<vmem>>, %arg6: memref<128x256xf32, #tpu.memory_space<vmem>>, %arg7: memref<128x256xf32, #tpu.memory_space<vmem>>, %arg8: memref<128x256xf32, #tpu.memory_space<vmem>>, %arg9: memref<!tpu.dma_semaphore, #tpu.memory_space<semaphore_mem>>, %arg10: memref<!tpu.dma_semaphore, #tpu.memory_space<semaphore_mem>>, %arg11: memref<!tpu.dma_semaphore, #tpu.memory_space<semaphore_mem>>, %arg12: memref<!tpu.dma_semaphore, #tpu.memory_space<semaphore_mem>>, %arg13: memref<!tpu.dma_semaphore, #tpu.memory_space<semaphore_mem>>, %arg14: memref<!tpu.dma_semaphore, #tpu.memory_space<semaphore_mem>>) attributes {dimension_semantics = [#tpu.dimension_semantics<core_parallel>, #tpu.dimension_semantics<subcore_parallel>], iteration_bounds = array<i64: 2, 16>, scalar_prefetch = 0 : i64, scratch_operands = 10 : i64, tpu.core_type = #tpu.core_type<sc_vector_subcore>, window_params = [{transform_indices = #map}, {transform_indices = #map1}, {transform_indices = #map}]} {
    %mul3A = arith.constant 2 : i32
    %mul3A_0 = arith.muli %arg1, %mul3A : i32
    %add3A = arith.addi %mul3A_0, %arg0 : i32
    %mul3A_1 = arith.constant 1024 : i32
    %mul3A_2 = arith.muli %add3A, %mul3A_1 : i32
    "tpu.region"() ({
      %run_scoped3A = tpu.sem_alloc : memref<!tpu.dma_semaphore, #tpu.memory_space<semaphore_mem>>
      %dma_start3A_161 = tpu.memref_slice %arg3[%mul3A_2] : memref<32768xi32, #tpu.memory_space<hbm>> -> memref<1024xi32, #tpu.memory_space<hbm>>
      %dma_start3A_162 = tpu.memref_slice %arg3[%mul3A_2] : memref<32768xi32, #tpu.memory_space<hbm>> -> memref<1024xi32, #tpu.memory_space<hbm>>
      tpu.enqueue_dma source(%dma_start3A_162 : memref<1024xi32, #tpu.memory_space<hbm>>) target(%arg5 : memref<1024xi32, #tpu.memory_space<vmem>>) target_semaphore(%run_scoped3A : memref<!tpu.dma_semaphore, #tpu.memory_space<semaphore_mem>>)
      %dma_wait3A_163 = tpu.memref_slice %arg3[%mul3A_2] : memref<32768xi32, #tpu.memory_space<hbm>> -> memref<1024xi32, #tpu.memory_space<hbm>>
      %dma_wait3A_164 = tpu.memref_slice %arg3[%mul3A_2] : memref<32768xi32, #tpu.memory_space<hbm>> -> memref<1024xi32, #tpu.memory_space<hbm>>
      tpu.wait_dma2 semaphore(%run_scoped3A : memref<!tpu.dma_semaphore, #tpu.memory_space<semaphore_mem>>) src(%dma_wait3A_164 : memref<1024xi32, #tpu.memory_space<hbm>>) dst(%arg5 : memref<1024xi32, #tpu.memory_space<vmem>>)
      tpu.yield
    }) : () -> ()
    %dma_start3A = arith.constant 0 : i32
    %dma_start3A_3 = tpu.memref_slice %arg5[%dma_start3A] : memref<1024xi32, #tpu.memory_space<vmem>> -> memref<128xi32, #tpu.memory_space<vmem>>
    %dma_start3A_4 = arith.constant 0 : i32
    %dma_start3A_5 = arith.constant 0 : i32
    %dma_start3A_6 = tpu.memref_slice %arg2[%dma_start3A_4, %dma_start3A_5] : memref<43520x256xf32, #tpu.memory_space<hbm>> -> memref<43520x256xf32, #tpu.memory_space<hbm>>
    tpu.enqueue_indirect_dma source(%dma_start3A_6 : memref<43520x256xf32, #tpu.memory_space<hbm>>) target(%arg6 : memref<128x256xf32, #tpu.memory_space<vmem>>) offsets(%dma_start3A_3 : memref<128xi32, #tpu.memory_space<vmem>>) semaphore(%arg9 : memref<!tpu.dma_semaphore, #tpu.memory_space<semaphore_mem>>)
    %dma_start3A_7 = arith.constant 128 : i32
    %dma_start3A_8 = tpu.memref_slice %arg5[%dma_start3A_7] : memref<1024xi32, #tpu.memory_space<vmem>> -> memref<128xi32, #tpu.memory_space<vmem>>
    %dma_start3A_9 = arith.constant 0 : i32
    %dma_start3A_10 = arith.constant 0 : i32
    %dma_start3A_11 = tpu.memref_slice %arg2[%dma_start3A_9, %dma_start3A_10] : memref<43520x256xf32, #tpu.memory_space<hbm>> -> memref<43520x256xf32, #tpu.memory_space<hbm>>
    tpu.enqueue_indirect_dma source(%dma_start3A_11 : memref<43520x256xf32, #tpu.memory_space<hbm>>) target(%arg7 : memref<128x256xf32, #tpu.memory_space<vmem>>) offsets(%dma_start3A_8 : memref<128xi32, #tpu.memory_space<vmem>>) semaphore(%arg10 : memref<!tpu.dma_semaphore, #tpu.memory_space<semaphore_mem>>)
    %dma_start3A_12 = arith.constant 256 : i32
    %dma_start3A_13 = tpu.memref_slice %arg5[%dma_start3A_12] : memref<1024xi32, #tpu.memory_space<vmem>> -> memref<128xi32, #tpu.memory_space<vmem>>
    %dma_start3A_14 = arith.constant 0 : i32
    %dma_start3A_15 = arith.constant 0 : i32
    %dma_start3A_16 = tpu.memref_slice %arg2[%dma_start3A_14, %dma_start3A_15] : memref<43520x256xf32, #tpu.memory_space<hbm>> -> memref<43520x256xf32, #tpu.memory_space<hbm>>
    tpu.enqueue_indirect_dma source(%dma_start3A_16 : memref<43520x256xf32, #tpu.memory_space<hbm>>) target(%arg8 : memref<128x256xf32, #tpu.memory_space<vmem>>) offsets(%dma_start3A_13 : memref<128xi32, #tpu.memory_space<vmem>>) semaphore(%arg11 : memref<!tpu.dma_semaphore, #tpu.memory_space<semaphore_mem>>)
    %dma_wait3A = arith.constant 0 : i32
    %dma_wait3A_17 = tpu.memref_slice %arg5[%dma_wait3A] : memref<1024xi32, #tpu.memory_space<vmem>> -> memref<128xi32, #tpu.memory_space<vmem>>
    %dma_wait3A_18 = arith.constant 0 : i32
    %dma_wait3A_19 = arith.constant 0 : i32
    %dma_wait3A_20 = tpu.memref_slice %arg2[%dma_wait3A_18, %dma_wait3A_19] : memref<43520x256xf32, #tpu.memory_space<hbm>> -> memref<43520x256xf32, #tpu.memory_space<hbm>>
    tpu.wait_indirect_dma semaphore(%arg9 : memref<!tpu.dma_semaphore, #tpu.memory_space<semaphore_mem>>) src(%dma_wait3A_20 : memref<43520x256xf32, #tpu.memory_space<hbm>>) dst(%arg6 : memref<128x256xf32, #tpu.memory_space<vmem>>)
    %add3A_21 = arith.constant 0 : i32
    %add3A_22 = arith.addi %mul3A_2, %add3A_21 : i32
    %dma_start3A_23 = arith.constant 0 : i32
    %dma_start3A_24 = tpu.memref_slice %arg4[%add3A_22, %dma_start3A_23] : memref<32768x256xf32, #tpu.memory_space<hbm>> -> memref<128x256xf32, #tpu.memory_space<hbm>>
    %dma_start3A_25 = arith.constant 0 : i32
    %dma_start3A_26 = tpu.memref_slice %arg4[%add3A_22, %dma_start3A_25] : memref<32768x256xf32, #tpu.memory_space<hbm>> -> memref<128x256xf32, #tpu.memory_space<hbm>>
    tpu.enqueue_dma source(%arg6 : memref<128x256xf32, #tpu.memory_space<vmem>>) target(%dma_start3A_26 : memref<128x256xf32, #tpu.memory_space<hbm>>) target_semaphore(%arg12 : memref<!tpu.dma_semaphore, #tpu.memory_space<semaphore_mem>>)
    %dma_wait3A_27 = arith.constant 0 : i32
    %dma_wait3A_28 = tpu.memref_slice %arg4[%add3A_22, %dma_wait3A_27] : memref<32768x256xf32, #tpu.memory_space<hbm>> -> memref<128x256xf32, #tpu.memory_space<hbm>>
    %dma_wait3A_29 = arith.constant 0 : i32
    %dma_wait3A_30 = tpu.memref_slice %arg4[%add3A_22, %dma_wait3A_29] : memref<32768x256xf32, #tpu.memory_space<hbm>> -> memref<128x256xf32, #tpu.memory_space<hbm>>
    tpu.wait_dma2 semaphore(%arg12 : memref<!tpu.dma_semaphore, #tpu.memory_space<semaphore_mem>>) src(%arg6 : memref<128x256xf32, #tpu.memory_space<vmem>>) dst(%dma_wait3A_30 : memref<128x256xf32, #tpu.memory_space<hbm>>)
    %dma_start3A_31 = arith.constant 384 : i32
    %dma_start3A_32 = tpu.memref_slice %arg5[%dma_start3A_31] : memref<1024xi32, #tpu.memory_space<vmem>> -> memref<128xi32, #tpu.memory_space<vmem>>
    %dma_start3A_33 = arith.constant 0 : i32
    %dma_start3A_34 = arith.constant 0 : i32
    %dma_start3A_35 = tpu.memref_slice %arg2[%dma_start3A_33, %dma_start3A_34] : memref<43520x256xf32, #tpu.memory_space<hbm>> -> memref<43520x256xf32, #tpu.memory_space<hbm>>
    tpu.enqueue_indirect_dma source(%dma_start3A_35 : memref<43520x256xf32, #tpu.memory_space<hbm>>) target(%arg6 : memref<128x256xf32, #tpu.memory_space<vmem>>) offsets(%dma_start3A_32 : memref<128xi32, #tpu.memory_space<vmem>>) semaphore(%arg9 : memref<!tpu.dma_semaphore, #tpu.memory_space<semaphore_mem>>)
    %dma_wait3A_36 = arith.constant 128 : i32
    %dma_wait3A_37 = tpu.memref_slice %arg5[%dma_wait3A_36] : memref<1024xi32, #tpu.memory_space<vmem>> -> memref<128xi32, #tpu.memory_space<vmem>>
    %dma_wait3A_38 = arith.constant 0 : i32
    %dma_wait3A_39 = arith.constant 0 : i32
    %dma_wait3A_40 = tpu.memref_slice %arg2[%dma_wait3A_38, %dma_wait3A_39] : memref<43520x256xf32, #tpu.memory_space<hbm>> -> memref<43520x256xf32, #tpu.memory_space<hbm>>
    tpu.wait_indirect_dma semaphore(%arg10 : memref<!tpu.dma_semaphore, #tpu.memory_space<semaphore_mem>>) src(%dma_wait3A_40 : memref<43520x256xf32, #tpu.memory_space<hbm>>) dst(%arg7 : memref<128x256xf32, #tpu.memory_space<vmem>>)
    %add3A_41 = arith.constant 128 : i32
    %add3A_42 = arith.addi %mul3A_2, %add3A_41 : i32
    %dma_start3A_43 = arith.constant 0 : i32
    %dma_start3A_44 = tpu.memref_slice %arg4[%add3A_42, %dma_start3A_43] : memref<32768x256xf32, #tpu.memory_space<hbm>> -> memref<128x256xf32, #tpu.memory_space<hbm>>
    %dma_start3A_45 = arith.constant 0 : i32
    %dma_start3A_46 = tpu.memref_slice %arg4[%add3A_42, %dma_start3A_45] : memref<32768x256xf32, #tpu.memory_space<hbm>> -> memref<128x256xf32, #tpu.memory_space<hbm>>
    tpu.enqueue_dma source(%arg7 : memref<128x256xf32, #tpu.memory_space<vmem>>) target(%dma_start3A_46 : memref<128x256xf32, #tpu.memory_space<hbm>>) target_semaphore(%arg13 : memref<!tpu.dma_semaphore, #tpu.memory_space<semaphore_mem>>)
    %dma_wait3A_47 = arith.constant 0 : i32
    %dma_wait3A_48 = tpu.memref_slice %arg4[%add3A_42, %dma_wait3A_47] : memref<32768x256xf32, #tpu.memory_space<hbm>> -> memref<128x256xf32, #tpu.memory_space<hbm>>
    %dma_wait3A_49 = arith.constant 0 : i32
    %dma_wait3A_50 = tpu.memref_slice %arg4[%add3A_42, %dma_wait3A_49] : memref<32768x256xf32, #tpu.memory_space<hbm>> -> memref<128x256xf32, #tpu.memory_space<hbm>>
    tpu.wait_dma2 semaphore(%arg13 : memref<!tpu.dma_semaphore, #tpu.memory_space<semaphore_mem>>) src(%arg7 : memref<128x256xf32, #tpu.memory_space<vmem>>) dst(%dma_wait3A_50 : memref<128x256xf32, #tpu.memory_space<hbm>>)
    %dma_start3A_51 = arith.constant 512 : i32
    %dma_start3A_52 = tpu.memref_slice %arg5[%dma_start3A_51] : memref<1024xi32, #tpu.memory_space<vmem>> -> memref<128xi32, #tpu.memory_space<vmem>>
    %dma_start3A_53 = arith.constant 0 : i32
    %dma_start3A_54 = arith.constant 0 : i32
    %dma_start3A_55 = tpu.memref_slice %arg2[%dma_start3A_53, %dma_start3A_54] : memref<43520x256xf32, #tpu.memory_space<hbm>> -> memref<43520x256xf32, #tpu.memory_space<hbm>>
    tpu.enqueue_indirect_dma source(%dma_start3A_55 : memref<43520x256xf32, #tpu.memory_space<hbm>>) target(%arg7 : memref<128x256xf32, #tpu.memory_space<vmem>>) offsets(%dma_start3A_52 : memref<128xi32, #tpu.memory_space<vmem>>) semaphore(%arg10 : memref<!tpu.dma_semaphore, #tpu.memory_space<semaphore_mem>>)
    %dma_wait3A_56 = arith.constant 256 : i32
    %dma_wait3A_57 = tpu.memref_slice %arg5[%dma_wait3A_56] : memref<1024xi32, #tpu.memory_space<vmem>> -> memref<128xi32, #tpu.memory_space<vmem>>
    %dma_wait3A_58 = arith.constant 0 : i32
    %dma_wait3A_59 = arith.constant 0 : i32
    %dma_wait3A_60 = tpu.memref_slice %arg2[%dma_wait3A_58, %dma_wait3A_59] : memref<43520x256xf32, #tpu.memory_space<hbm>> -> memref<43520x256xf32, #tpu.memory_space<hbm>>
    tpu.wait_indirect_dma semaphore(%arg11 : memref<!tpu.dma_semaphore, #tpu.memory_space<semaphore_mem>>) src(%dma_wait3A_60 : memref<43520x256xf32, #tpu.memory_space<hbm>>) dst(%arg8 : memref<128x256xf32, #tpu.memory_space<vmem>>)
    %add3A_61 = arith.constant 256 : i32
    %add3A_62 = arith.addi %mul3A_2, %add3A_61 : i32
    %dma_start3A_63 = arith.constant 0 : i32
    %dma_start3A_64 = tpu.memref_slice %arg4[%add3A_62, %dma_start3A_63] : memref<32768x256xf32, #tpu.memory_space<hbm>> -> memref<128x256xf32, #tpu.memory_space<hbm>>
    %dma_start3A_65 = arith.constant 0 : i32
    %dma_start3A_66 = tpu.memref_slice %arg4[%add3A_62, %dma_start3A_65] : memref<32768x256xf32, #tpu.memory_space<hbm>> -> memref<128x256xf32, #tpu.memory_space<hbm>>
    tpu.enqueue_dma source(%arg8 : memref<128x256xf32, #tpu.memory_space<vmem>>) target(%dma_start3A_66 : memref<128x256xf32, #tpu.memory_space<hbm>>) target_semaphore(%arg14 : memref<!tpu.dma_semaphore, #tpu.memory_space<semaphore_mem>>)
    %dma_wait3A_67 = arith.constant 0 : i32
    %dma_wait3A_68 = tpu.memref_slice %arg4[%add3A_62, %dma_wait3A_67] : memref<32768x256xf32, #tpu.memory_space<hbm>> -> memref<128x256xf32, #tpu.memory_space<hbm>>
    %dma_wait3A_69 = arith.constant 0 : i32
    %dma_wait3A_70 = tpu.memref_slice %arg4[%add3A_62, %dma_wait3A_69] : memref<32768x256xf32, #tpu.memory_space<hbm>> -> memref<128x256xf32, #tpu.memory_space<hbm>>
    tpu.wait_dma2 semaphore(%arg14 : memref<!tpu.dma_semaphore, #tpu.memory_space<semaphore_mem>>) src(%arg8 : memref<128x256xf32, #tpu.memory_space<vmem>>) dst(%dma_wait3A_70 : memref<128x256xf32, #tpu.memory_space<hbm>>)
    %dma_start3A_71 = arith.constant 640 : i32
    %dma_start3A_72 = tpu.memref_slice %arg5[%dma_start3A_71] : memref<1024xi32, #tpu.memory_space<vmem>> -> memref<128xi32, #tpu.memory_space<vmem>>
    %dma_start3A_73 = arith.constant 0 : i32
    %dma_start3A_74 = arith.constant 0 : i32
    %dma_start3A_75 = tpu.memref_slice %arg2[%dma_start3A_73, %dma_start3A_74] : memref<43520x256xf32, #tpu.memory_space<hbm>> -> memref<43520x256xf32, #tpu.memory_space<hbm>>
    tpu.enqueue_indirect_dma source(%dma_start3A_75 : memref<43520x256xf32, #tpu.memory_space<hbm>>) target(%arg8 : memref<128x256xf32, #tpu.memory_space<vmem>>) offsets(%dma_start3A_72 : memref<128xi32, #tpu.memory_space<vmem>>) semaphore(%arg11 : memref<!tpu.dma_semaphore, #tpu.memory_space<semaphore_mem>>)
    %dma_wait3A_76 = arith.constant 384 : i32
    %dma_wait3A_77 = tpu.memref_slice %arg5[%dma_wait3A_76] : memref<1024xi32, #tpu.memory_space<vmem>> -> memref<128xi32, #tpu.memory_space<vmem>>
    %dma_wait3A_78 = arith.constant 0 : i32
    %dma_wait3A_79 = arith.constant 0 : i32
    %dma_wait3A_80 = tpu.memref_slice %arg2[%dma_wait3A_78, %dma_wait3A_79] : memref<43520x256xf32, #tpu.memory_space<hbm>> -> memref<43520x256xf32, #tpu.memory_space<hbm>>
    tpu.wait_indirect_dma semaphore(%arg9 : memref<!tpu.dma_semaphore, #tpu.memory_space<semaphore_mem>>) src(%dma_wait3A_80 : memref<43520x256xf32, #tpu.memory_space<hbm>>) dst(%arg6 : memref<128x256xf32, #tpu.memory_space<vmem>>)
    %add3A_81 = arith.constant 384 : i32
    %add3A_82 = arith.addi %mul3A_2, %add3A_81 : i32
    %dma_start3A_83 = arith.constant 0 : i32
    %dma_start3A_84 = tpu.memref_slice %arg4[%add3A_82, %dma_start3A_83] : memref<32768x256xf32, #tpu.memory_space<hbm>> -> memref<128x256xf32, #tpu.memory_space<hbm>>
    %dma_start3A_85 = arith.constant 0 : i32
    %dma_start3A_86 = tpu.memref_slice %arg4[%add3A_82, %dma_start3A_85] : memref<32768x256xf32, #tpu.memory_space<hbm>> -> memref<128x256xf32, #tpu.memory_space<hbm>>
    tpu.enqueue_dma source(%arg6 : memref<128x256xf32, #tpu.memory_space<vmem>>) target(%dma_start3A_86 : memref<128x256xf32, #tpu.memory_space<hbm>>) target_semaphore(%arg12 : memref<!tpu.dma_semaphore, #tpu.memory_space<semaphore_mem>>)
    %dma_wait3A_87 = arith.constant 0 : i32
    %dma_wait3A_88 = tpu.memref_slice %arg4[%add3A_82, %dma_wait3A_87] : memref<32768x256xf32, #tpu.memory_space<hbm>> -> memref<128x256xf32, #tpu.memory_space<hbm>>
    %dma_wait3A_89 = arith.constant 0 : i32
    %dma_wait3A_90 = tpu.memref_slice %arg4[%add3A_82, %dma_wait3A_89] : memref<32768x256xf32, #tpu.memory_space<hbm>> -> memref<128x256xf32, #tpu.memory_space<hbm>>
    tpu.wait_dma2 semaphore(%arg12 : memref<!tpu.dma_semaphore, #tpu.memory_space<semaphore_mem>>) src(%arg6 : memref<128x256xf32, #tpu.memory_space<vmem>>) dst(%dma_wait3A_90 : memref<128x256xf32, #tpu.memory_space<hbm>>)
    %dma_start3A_91 = arith.constant 768 : i32
    %dma_start3A_92 = tpu.memref_slice %arg5[%dma_start3A_91] : memref<1024xi32, #tpu.memory_space<vmem>> -> memref<128xi32, #tpu.memory_space<vmem>>
    %dma_start3A_93 = arith.constant 0 : i32
    %dma_start3A_94 = arith.constant 0 : i32
    %dma_start3A_95 = tpu.memref_slice %arg2[%dma_start3A_93, %dma_start3A_94] : memref<43520x256xf32, #tpu.memory_space<hbm>> -> memref<43520x256xf32, #tpu.memory_space<hbm>>
    tpu.enqueue_indirect_dma source(%dma_start3A_95 : memref<43520x256xf32, #tpu.memory_space<hbm>>) target(%arg6 : memref<128x256xf32, #tpu.memory_space<vmem>>) offsets(%dma_start3A_92 : memref<128xi32, #tpu.memory_space<vmem>>) semaphore(%arg9 : memref<!tpu.dma_semaphore, #tpu.memory_space<semaphore_mem>>)
    %dma_wait3A_96 = arith.constant 512 : i32
    %dma_wait3A_97 = tpu.memref_slice %arg5[%dma_wait3A_96] : memref<1024xi32, #tpu.memory_space<vmem>> -> memref<128xi32, #tpu.memory_space<vmem>>
    %dma_wait3A_98 = arith.constant 0 : i32
    %dma_wait3A_99 = arith.constant 0 : i32
    %dma_wait3A_100 = tpu.memref_slice %arg2[%dma_wait3A_98, %dma_wait3A_99] : memref<43520x256xf32, #tpu.memory_space<hbm>> -> memref<43520x256xf32, #tpu.memory_space<hbm>>
    tpu.wait_indirect_dma semaphore(%arg10 : memref<!tpu.dma_semaphore, #tpu.memory_space<semaphore_mem>>) src(%dma_wait3A_100 : memref<43520x256xf32, #tpu.memory_space<hbm>>) dst(%arg7 : memref<128x256xf32, #tpu.memory_space<vmem>>)
    %add3A_101 = arith.constant 512 : i32
    %add3A_102 = arith.addi %mul3A_2, %add3A_101 : i32
    %dma_start3A_103 = arith.constant 0 : i32
    %dma_start3A_104 = tpu.memref_slice %arg4[%add3A_102, %dma_start3A_103] : memref<32768x256xf32, #tpu.memory_space<hbm>> -> memref<128x256xf32, #tpu.memory_space<hbm>>
    %dma_start3A_105 = arith.constant 0 : i32
    %dma_start3A_106 = tpu.memref_slice %arg4[%add3A_102, %dma_start3A_105] : memref<32768x256xf32, #tpu.memory_space<hbm>> -> memref<128x256xf32, #tpu.memory_space<hbm>>
    tpu.enqueue_dma source(%arg7 : memref<128x256xf32, #tpu.memory_space<vmem>>) target(%dma_start3A_106 : memref<128x256xf32, #tpu.memory_space<hbm>>) target_semaphore(%arg13 : memref<!tpu.dma_semaphore, #tpu.memory_space<semaphore_mem>>)
    %dma_wait3A_107 = arith.constant 0 : i32
    %dma_wait3A_108 = tpu.memref_slice %arg4[%add3A_102, %dma_wait3A_107] : memref<32768x256xf32, #tpu.memory_space<hbm>> -> memref<128x256xf32, #tpu.memory_space<hbm>>
    %dma_wait3A_109 = arith.constant 0 : i32
    %dma_wait3A_110 = tpu.memref_slice %arg4[%add3A_102, %dma_wait3A_109] : memref<32768x256xf32, #tpu.memory_space<hbm>> -> memref<128x256xf32, #tpu.memory_space<hbm>>
    tpu.wait_dma2 semaphore(%arg13 : memref<!tpu.dma_semaphore, #tpu.memory_space<semaphore_mem>>) src(%arg7 : memref<128x256xf32, #tpu.memory_space<vmem>>) dst(%dma_wait3A_110 : memref<128x256xf32, #tpu.memory_space<hbm>>)
    %dma_start3A_111 = arith.constant 896 : i32
    %dma_start3A_112 = tpu.memref_slice %arg5[%dma_start3A_111] : memref<1024xi32, #tpu.memory_space<vmem>> -> memref<128xi32, #tpu.memory_space<vmem>>
    %dma_start3A_113 = arith.constant 0 : i32
    %dma_start3A_114 = arith.constant 0 : i32
    %dma_start3A_115 = tpu.memref_slice %arg2[%dma_start3A_113, %dma_start3A_114] : memref<43520x256xf32, #tpu.memory_space<hbm>> -> memref<43520x256xf32, #tpu.memory_space<hbm>>
    tpu.enqueue_indirect_dma source(%dma_start3A_115 : memref<43520x256xf32, #tpu.memory_space<hbm>>) target(%arg7 : memref<128x256xf32, #tpu.memory_space<vmem>>) offsets(%dma_start3A_112 : memref<128xi32, #tpu.memory_space<vmem>>) semaphore(%arg10 : memref<!tpu.dma_semaphore, #tpu.memory_space<semaphore_mem>>)
    %dma_wait3A_116 = arith.constant 640 : i32
    %dma_wait3A_117 = tpu.memref_slice %arg5[%dma_wait3A_116] : memref<1024xi32, #tpu.memory_space<vmem>> -> memref<128xi32, #tpu.memory_space<vmem>>
    %dma_wait3A_118 = arith.constant 0 : i32
    %dma_wait3A_119 = arith.constant 0 : i32
    %dma_wait3A_120 = tpu.memref_slice %arg2[%dma_wait3A_118, %dma_wait3A_119] : memref<43520x256xf32, #tpu.memory_space<hbm>> -> memref<43520x256xf32, #tpu.memory_space<hbm>>
    tpu.wait_indirect_dma semaphore(%arg11 : memref<!tpu.dma_semaphore, #tpu.memory_space<semaphore_mem>>) src(%dma_wait3A_120 : memref<43520x256xf32, #tpu.memory_space<hbm>>) dst(%arg8 : memref<128x256xf32, #tpu.memory_space<vmem>>)
    %add3A_121 = arith.constant 640 : i32
    %add3A_122 = arith.addi %mul3A_2, %add3A_121 : i32
    %dma_start3A_123 = arith.constant 0 : i32
    %dma_start3A_124 = tpu.memref_slice %arg4[%add3A_122, %dma_start3A_123] : memref<32768x256xf32, #tpu.memory_space<hbm>> -> memref<128x256xf32, #tpu.memory_space<hbm>>
    %dma_start3A_125 = arith.constant 0 : i32
    %dma_start3A_126 = tpu.memref_slice %arg4[%add3A_122, %dma_start3A_125] : memref<32768x256xf32, #tpu.memory_space<hbm>> -> memref<128x256xf32, #tpu.memory_space<hbm>>
    tpu.enqueue_dma source(%arg8 : memref<128x256xf32, #tpu.memory_space<vmem>>) target(%dma_start3A_126 : memref<128x256xf32, #tpu.memory_space<hbm>>) target_semaphore(%arg14 : memref<!tpu.dma_semaphore, #tpu.memory_space<semaphore_mem>>)
    %dma_wait3A_127 = arith.constant 768 : i32
    %dma_wait3A_128 = tpu.memref_slice %arg5[%dma_wait3A_127] : memref<1024xi32, #tpu.memory_space<vmem>> -> memref<128xi32, #tpu.memory_space<vmem>>
    %dma_wait3A_129 = arith.constant 0 : i32
    %dma_wait3A_130 = arith.constant 0 : i32
    %dma_wait3A_131 = tpu.memref_slice %arg2[%dma_wait3A_129, %dma_wait3A_130] : memref<43520x256xf32, #tpu.memory_space<hbm>> -> memref<43520x256xf32, #tpu.memory_space<hbm>>
    tpu.wait_indirect_dma semaphore(%arg9 : memref<!tpu.dma_semaphore, #tpu.memory_space<semaphore_mem>>) src(%dma_wait3A_131 : memref<43520x256xf32, #tpu.memory_space<hbm>>) dst(%arg6 : memref<128x256xf32, #tpu.memory_space<vmem>>)
    %add3A_132 = arith.constant 768 : i32
    %add3A_133 = arith.addi %mul3A_2, %add3A_132 : i32
    %dma_start3A_134 = arith.constant 0 : i32
    %dma_start3A_135 = tpu.memref_slice %arg4[%add3A_133, %dma_start3A_134] : memref<32768x256xf32, #tpu.memory_space<hbm>> -> memref<128x256xf32, #tpu.memory_space<hbm>>
    %dma_start3A_136 = arith.constant 0 : i32
    %dma_start3A_137 = tpu.memref_slice %arg4[%add3A_133, %dma_start3A_136] : memref<32768x256xf32, #tpu.memory_space<hbm>> -> memref<128x256xf32, #tpu.memory_space<hbm>>
    tpu.enqueue_dma source(%arg6 : memref<128x256xf32, #tpu.memory_space<vmem>>) target(%dma_start3A_137 : memref<128x256xf32, #tpu.memory_space<hbm>>) target_semaphore(%arg12 : memref<!tpu.dma_semaphore, #tpu.memory_space<semaphore_mem>>)
    %dma_wait3A_138 = arith.constant 896 : i32
    %dma_wait3A_139 = tpu.memref_slice %arg5[%dma_wait3A_138] : memref<1024xi32, #tpu.memory_space<vmem>> -> memref<128xi32, #tpu.memory_space<vmem>>
    %dma_wait3A_140 = arith.constant 0 : i32
    %dma_wait3A_141 = arith.constant 0 : i32
    %dma_wait3A_142 = tpu.memref_slice %arg2[%dma_wait3A_140, %dma_wait3A_141] : memref<43520x256xf32, #tpu.memory_space<hbm>> -> memref<43520x256xf32, #tpu.memory_space<hbm>>
    tpu.wait_indirect_dma semaphore(%arg10 : memref<!tpu.dma_semaphore, #tpu.memory_space<semaphore_mem>>) src(%dma_wait3A_142 : memref<43520x256xf32, #tpu.memory_space<hbm>>) dst(%arg7 : memref<128x256xf32, #tpu.memory_space<vmem>>)
    %add3A_143 = arith.constant 896 : i32
    %add3A_144 = arith.addi %mul3A_2, %add3A_143 : i32
    %dma_start3A_145 = arith.constant 0 : i32
    %dma_start3A_146 = tpu.memref_slice %arg4[%add3A_144, %dma_start3A_145] : memref<32768x256xf32, #tpu.memory_space<hbm>> -> memref<128x256xf32, #tpu.memory_space<hbm>>
    %dma_start3A_147 = arith.constant 0 : i32
    %dma_start3A_148 = tpu.memref_slice %arg4[%add3A_144, %dma_start3A_147] : memref<32768x256xf32, #tpu.memory_space<hbm>> -> memref<128x256xf32, #tpu.memory_space<hbm>>
    tpu.enqueue_dma source(%arg7 : memref<128x256xf32, #tpu.memory_space<vmem>>) target(%dma_start3A_148 : memref<128x256xf32, #tpu.memory_space<hbm>>) target_semaphore(%arg13 : memref<!tpu.dma_semaphore, #tpu.memory_space<semaphore_mem>>)
    %dma_wait3A_149 = arith.constant 0 : i32
    %dma_wait3A_150 = tpu.memref_slice %arg4[%add3A_122, %dma_wait3A_149] : memref<32768x256xf32, #tpu.memory_space<hbm>> -> memref<128x256xf32, #tpu.memory_space<hbm>>
    %dma_wait3A_151 = arith.constant 0 : i32
    %dma_wait3A_152 = tpu.memref_slice %arg4[%add3A_122, %dma_wait3A_151] : memref<32768x256xf32, #tpu.memory_space<hbm>> -> memref<128x256xf32, #tpu.memory_space<hbm>>
    tpu.wait_dma2 semaphore(%arg14 : memref<!tpu.dma_semaphore, #tpu.memory_space<semaphore_mem>>) src(%arg8 : memref<128x256xf32, #tpu.memory_space<vmem>>) dst(%dma_wait3A_152 : memref<128x256xf32, #tpu.memory_space<hbm>>)
    %dma_wait3A_153 = arith.constant 0 : i32
    %dma_wait3A_154 = tpu.memref_slice %arg4[%add3A_133, %dma_wait3A_153] : memref<32768x256xf32, #tpu.memory_space<hbm>> -> memref<128x256xf32, #tpu.memory_space<hbm>>
    %dma_wait3A_155 = arith.constant 0 : i32
    %dma_wait3A_156 = tpu.memref_slice %arg4[%add3A_133, %dma_wait3A_155] : memref<32768x256xf32, #tpu.memory_space<hbm>> -> memref<128x256xf32, #tpu.memory_space<hbm>>
    tpu.wait_dma2 semaphore(%arg12 : memref<!tpu.dma_semaphore, #tpu.memory_space<semaphore_mem>>) src(%arg6 : memref<128x256xf32, #tpu.memory_space<vmem>>) dst(%dma_wait3A_156 : memref<128x256xf32, #tpu.memory_space<hbm>>)
    %dma_wait3A_157 = arith.constant 0 : i32
    %dma_wait3A_158 = tpu.memref_slice %arg4[%add3A_144, %dma_wait3A_157] : memref<32768x256xf32, #tpu.memory_space<hbm>> -> memref<128x256xf32, #tpu.memory_space<hbm>>
    %dma_wait3A_159 = arith.constant 0 : i32
    %dma_wait3A_160 = tpu.memref_slice %arg4[%add3A_144, %dma_wait3A_159] : memref<32768x256xf32, #tpu.memory_space<hbm>> -> memref<128x256xf32, #tpu.memory_space<hbm>>
    tpu.wait_dma2 semaphore(%arg13 : memref<!tpu.dma_semaphore, #tpu.memory_space<semaphore_mem>>) src(%arg7 : memref<128x256xf32, #tpu.memory_space<vmem>>) dst(%dma_wait3A_160 : memref<128x256xf32, #tpu.memory_space<hbm>>)
    return
  }
}

#map = affine_map<(d0, d1) -> (0, 0)>
#map1 = affine_map<(d0, d1) -> (0)>
module attributes {stable_mosaic.version = 14 : i64} {
  func.func @gather(%arg0: i32, %arg1: i32, %arg2: memref<43520x256xf32, #tpu.memory_space<hbm>>, %arg3: memref<32768xi32, #tpu.memory_space<hbm>>, %arg4: memref<32768x256xf32, #tpu.memory_space<hbm>>, %arg5: memref<1024xi32, #tpu.memory_space<vmem>>, %arg6: memref<128x256xf32, #tpu.memory_space<vmem>>, %arg7: memref<128x256xf32, #tpu.memory_space<vmem>>, %arg8: memref<128x256xf32, #tpu.memory_space<vmem>>, %arg9: memref<!tpu.dma_semaphore, #tpu.memory_space<semaphore_mem>>, %arg10: memref<!tpu.dma_semaphore, #tpu.memory_space<semaphore_mem>>, %arg11: memref<!tpu.dma_semaphore, #tpu.memory_space<semaphore_mem>>, %arg12: memref<!tpu.dma_semaphore, #tpu.memory_space<semaphore_mem>>, %arg13: memref<!tpu.dma_semaphore, #tpu.memory_space<semaphore_mem>>, %arg14: memref<!tpu.dma_semaphore, #tpu.memory_space<semaphore_mem>>) attributes {dimension_semantics = [#tpu.dimension_semantics<core_parallel>, #tpu.dimension_semantics<subcore_parallel>], iteration_bounds = array<i64: 2, 16>, scalar_prefetch = 0 : i64, scratch_operands = 10 : i64, tpu.core_type = #tpu.core_type<sc_vector_subcore>, window_params = [{transform_indices = #map}, {transform_indices = #map1}, {transform_indices = #map}]} {
    %mul3A = arith.constant 2 : i32
    %mul3A_0 = arith.muli %arg1, %mul3A : i32
    %add3A = arith.addi %mul3A_0, %arg0 : i32
    %mul3A_1 = arith.constant 1024 : i32
    %mul3A_2 = arith.muli %add3A, %mul3A_1 : i32
    "tpu.region"() ({
      %run_scoped3A = tpu.sem_alloc : memref<!tpu.dma_semaphore, #tpu.memory_space<semaphore_mem>>
      %dma_start3A_161 = tpu.memref_slice %arg3[%mul3A_2] : memref<32768xi32, #tpu.memory_space<hbm>> -> memref<1024xi32, #tpu.memory_space<hbm>>
      %dma_start3A_162 = tpu.memref_slice %arg3[%mul3A_2] : memref<32768xi32, #tpu.memory_space<hbm>> -> memref<1024xi32, #tpu.memory_space<hbm>>
      tpu.enqueue_dma source(%dma_start3A_162 : memref<1024xi32, #tpu.memory_space<hbm>>) target(%arg5 : memref<1024xi32, #tpu.memory_space<vmem>>) target_semaphore(%run_scoped3A : memref<!tpu.dma_semaphore, #tpu.memory_space<semaphore_mem>>)
      %dma_wait3A_163 = tpu.memref_slice %arg3[%mul3A_2] : memref<32768xi32, #tpu.memory_space<hbm>> -> memref<1024xi32, #tpu.memory_space<hbm>>
      %dma_wait3A_164 = tpu.memref_slice %arg3[%mul3A_2] : memref<32768xi32, #tpu.memory_space<hbm>> -> memref<1024xi32, #tpu.memory_space<hbm>>
      tpu.wait_dma2 semaphore(%run_scoped3A : memref<!tpu.dma_semaphore, #tpu.memory_space<semaphore_mem>>) src(%dma_wait3A_164 : memref<1024xi32, #tpu.memory_space<hbm>>) dst(%arg5 : memref<1024xi32, #tpu.memory_space<vmem>>)
      tpu.yield
    }) : () -> ()
    %dma_start3A = arith.constant 0 : i32
    %dma_start3A_3 = tpu.memref_slice %arg5[%dma_start3A] : memref<1024xi32, #tpu.memory_space<vmem>> -> memref<128xi32, #tpu.memory_space<vmem>>
    %dma_start3A_4 = arith.constant 0 : i32
    %dma_start3A_5 = arith.constant 0 : i32
    %dma_start3A_6 = tpu.memref_slice %arg2[%dma_start3A_4, %dma_start3A_5] : memref<43520x256xf32, #tpu.memory_space<hbm>> -> memref<43520x256xf32, #tpu.memory_space<hbm>>
    tpu.enqueue_indirect_dma source(%dma_start3A_6 : memref<43520x256xf32, #tpu.memory_space<hbm>>) target(%arg6 : memref<128x256xf32, #tpu.memory_space<vmem>>) offsets(%dma_start3A_3 : memref<128xi32, #tpu.memory_space<vmem>>) semaphore(%arg9 : memref<!tpu.dma_semaphore, #tpu.memory_space<semaphore_mem>>)
    %dma_start3A_7 = arith.constant 128 : i32
    %dma_start3A_8 = tpu.memref_slice %arg5[%dma_start3A_7] : memref<1024xi32, #tpu.memory_space<vmem>> -> memref<128xi32, #tpu.memory_space<vmem>>
    %dma_start3A_9 = arith.constant 0 : i32
    %dma_start3A_10 = arith.constant 0 : i32
    %dma_start3A_11 = tpu.memref_slice %arg2[%dma_start3A_9, %dma_start3A_10] : memref<43520x256xf32, #tpu.memory_space<hbm>> -> memref<43520x256xf32, #tpu.memory_space<hbm>>
    tpu.enqueue_indirect_dma source(%dma_start3A_11 : memref<43520x256xf32, #tpu.memory_space<hbm>>) target(%arg7 : memref<128x256xf32, #tpu.memory_space<vmem>>) offsets(%dma_start3A_8 : memref<128xi32, #tpu.memory_space<vmem>>) semaphore(%arg10 : memref<!tpu.dma_semaphore, #tpu.memory_space<semaphore_mem>>)
    %dma_start3A_12 = arith.constant 256 : i32
    %dma_start3A_13 = tpu.memref_slice %arg5[%dma_start3A_12] : memref<1024xi32, #tpu.memory_space<vmem>> -> memref<128xi32, #tpu.memory_space<vmem>>
    %dma_start3A_14 = arith.constant 0 : i32
    %dma_start3A_15 = arith.constant 0 : i32
    %dma_start3A_16 = tpu.memref_slice %arg2[%dma_start3A_14, %dma_start3A_15] : memref<43520x256xf32, #tpu.memory_space<hbm>> -> memref<43520x256xf32, #tpu.memory_space<hbm>>
    tpu.enqueue_indirect_dma source(%dma_start3A_16 : memref<43520x256xf32, #tpu.memory_space<hbm>>) target(%arg8 : memref<128x256xf32, #tpu.memory_space<vmem>>) offsets(%dma_start3A_13 : memref<128xi32, #tpu.memory_space<vmem>>) semaphore(%arg11 : memref<!tpu.dma_semaphore, #tpu.memory_space<semaphore_mem>>)
    %dma_wait3A = arith.constant 0 : i32
    %dma_wait3A_17 = tpu.memref_slice %arg5[%dma_wait3A] : memref<1024xi32, #tpu.memory_space<vmem>> -> memref<128xi32, #tpu.memory_space<vmem>>
    %dma_wait3A_18 = arith.constant 0 : i32
    %dma_wait3A_19 = arith.constant 0 : i32
    %dma_wait3A_20 = tpu.memref_slice %arg2[%dma_wait3A_18, %dma_wait3A_19] : memref<43520x256xf32, #tpu.memory_space<hbm>> -> memref<43520x256xf32, #tpu.memory_space<hbm>>
    tpu.wait_indirect_dma semaphore(%arg9 : memref<!tpu.dma_semaphore, #tpu.memory_space<semaphore_mem>>) src(%dma_wait3A_20 : memref<43520x256xf32, #tpu.memory_space<hbm>>) dst(%arg6 : memref<128x256xf32, #tpu.memory_space<vmem>>)
    %add3A_21 = arith.constant 0 : i32
    %add3A_22 = arith.addi %mul3A_2, %add3A_21 : i32
    %dma_start3A_23 = arith.constant 0 : i32
    %dma_start3A_24 = tpu.memref_slice %arg4[%add3A_22, %dma_start3A_23] : memref<32768x256xf32, #tpu.memory_space<hbm>> -> memref<128x256xf32, #tpu.memory_space<hbm>>
    %dma_start3A_25 = arith.constant 0 : i32
    %dma_start3A_26 = tpu.memref_slice %arg4[%add3A_22, %dma_start3A_25] : memref<32768x256xf32, #tpu.memory_space<hbm>> -> memref<128x256xf32, #tpu.memory_space<hbm>>
    tpu.enqueue_dma source(%arg6 : memref<128x256xf32, #tpu.memory_space<vmem>>) target(%dma_start3A_26 : memref<128x256xf32, #tpu.memory_space<hbm>>) target_semaphore(%arg12 : memref<!tpu.dma_semaphore, #tpu.memory_space<semaphore_mem>>)
    %dma_wait3A_27 = arith.constant 0 : i32
    %dma_wait3A_28 = tpu.memref_slice %arg4[%add3A_22, %dma_wait3A_27] : memref<32768x256xf32, #tpu.memory_space<hbm>> -> memref<128x256xf32, #tpu.memory_space<hbm>>
    %dma_wait3A_29 = arith.constant 0 : i32
    %dma_wait3A_30 = tpu.memref_slice %arg4[%add3A_22, %dma_wait3A_29] : memref<32768x256xf32, #tpu.memory_space<hbm>> -> memref<128x256xf32, #tpu.memory_space<hbm>>
    tpu.wait_dma2 semaphore(%arg12 : memref<!tpu.dma_semaphore, #tpu.memory_space<semaphore_mem>>) src(%arg6 : memref<128x256xf32, #tpu.memory_space<vmem>>) dst(%dma_wait3A_30 : memref<128x256xf32, #tpu.memory_space<hbm>>)
    %dma_start3A_31 = arith.constant 384 : i32
    %dma_start3A_32 = tpu.memref_slice %arg5[%dma_start3A_31] : memref<1024xi32, #tpu.memory_space<vmem>> -> memref<128xi32, #tpu.memory_space<vmem>>
    %dma_start3A_33 = arith.constant 0 : i32
    %dma_start3A_34 = arith.constant 0 : i32
    %dma_start3A_35 = tpu.memref_slice %arg2[%dma_start3A_33, %dma_start3A_34] : memref<43520x256xf32, #tpu.memory_space<hbm>> -> memref<43520x256xf32, #tpu.memory_space<hbm>>
    tpu.enqueue_indirect_dma source(%dma_start3A_35 : memref<43520x256xf32, #tpu.memory_space<hbm>>) target(%arg6 : memref<128x256xf32, #tpu.memory_space<vmem>>) offsets(%dma_start3A_32 : memref<128xi32, #tpu.memory_space<vmem>>) semaphore(%arg9 : memref<!tpu.dma_semaphore, #tpu.memory_space<semaphore_mem>>)
    %dma_wait3A_36 = arith.constant 128 : i32
    %dma_wait3A_37 = tpu.memref_slice %arg5[%dma_wait3A_36] : memref<1024xi32, #tpu.memory_space<vmem>> -> memref<128xi32, #tpu.memory_space<vmem>>
    %dma_wait3A_38 = arith.constant 0 : i32
    %dma_wait3A_39 = arith.constant 0 : i32
    %dma_wait3A_40 = tpu.memref_slice %arg2[%dma_wait3A_38, %dma_wait3A_39] : memref<43520x256xf32, #tpu.memory_space<hbm>> -> memref<43520x256xf32, #tpu.memory_space<hbm>>
    tpu.wait_indirect_dma semaphore(%arg10 : memref<!tpu.dma_semaphore, #tpu.memory_space<semaphore_mem>>) src(%dma_wait3A_40 : memref<43520x256xf32, #tpu.memory_space<hbm>>) dst(%arg7 : memref<128x256xf32, #tpu.memory_space<vmem>>)
    %add3A_41 = arith.constant 128 : i32
    %add3A_42 = arith.addi %mul3A_2, %add3A_41 : i32
    %dma_start3A_43 = arith.constant 0 : i32
    %dma_start3A_44 = tpu.memref_slice %arg4[%add3A_42, %dma_start3A_43] : memref<32768x256xf32, #tpu.memory_space<hbm>> -> memref<128x256xf32, #tpu.memory_space<hbm>>
    %dma_start3A_45 = arith.constant 0 : i32
    %dma_start3A_46 = tpu.memref_slice %arg4[%add3A_42, %dma_start3A_45] : memref<32768x256xf32, #tpu.memory_space<hbm>> -> memref<128x256xf32, #tpu.memory_space<hbm>>
    tpu.enqueue_dma source(%arg7 : memref<128x256xf32, #tpu.memory_space<vmem>>) target(%dma_start3A_46 : memref<128x256xf32, #tpu.memory_space<hbm>>) target_semaphore(%arg13 : memref<!tpu.dma_semaphore, #tpu.memory_space<semaphore_mem>>)
    %dma_wait3A_47 = arith.constant 0 : i32
    %dma_wait3A_48 = tpu.memref_slice %arg4[%add3A_42, %dma_wait3A_47] : memref<32768x256xf32, #tpu.memory_space<hbm>> -> memref<128x256xf32, #tpu.memory_space<hbm>>
    %dma_wait3A_49 = arith.constant 0 : i32
    %dma_wait3A_50 = tpu.memref_slice %arg4[%add3A_42, %dma_wait3A_49] : memref<32768x256xf32, #tpu.memory_space<hbm>> -> memref<128x256xf32, #tpu.memory_space<hbm>>
    tpu.wait_dma2 semaphore(%arg13 : memref<!tpu.dma_semaphore, #tpu.memory_space<semaphore_mem>>) src(%arg7 : memref<128x256xf32, #tpu.memory_space<vmem>>) dst(%dma_wait3A_50 : memref<128x256xf32, #tpu.memory_space<hbm>>)
    %dma_start3A_51 = arith.constant 512 : i32
    %dma_start3A_52 = tpu.memref_slice %arg5[%dma_start3A_51] : memref<1024xi32, #tpu.memory_space<vmem>> -> memref<128xi32, #tpu.memory_space<vmem>>
    %dma_start3A_53 = arith.constant 0 : i32
    %dma_start3A_54 = arith.constant 0 : i32
    %dma_start3A_55 = tpu.memref_slice %arg2[%dma_start3A_53, %dma_start3A_54] : memref<43520x256xf32, #tpu.memory_space<hbm>> -> memref<43520x256xf32, #tpu.memory_space<hbm>>
    tpu.enqueue_indirect_dma source(%dma_start3A_55 : memref<43520x256xf32, #tpu.memory_space<hbm>>) target(%arg7 : memref<128x256xf32, #tpu.memory_space<vmem>>) offsets(%dma_start3A_52 : memref<128xi32, #tpu.memory_space<vmem>>) semaphore(%arg10 : memref<!tpu.dma_semaphore, #tpu.memory_space<semaphore_mem>>)
    %dma_wait3A_56 = arith.constant 256 : i32
    %dma_wait3A_57 = tpu.memref_slice %arg5[%dma_wait3A_56] : memref<1024xi32, #tpu.memory_space<vmem>> -> memref<128xi32, #tpu.memory_space<vmem>>
    %dma_wait3A_58 = arith.constant 0 : i32
    %dma_wait3A_59 = arith.constant 0 : i32
    %dma_wait3A_60 = tpu.memref_slice %arg2[%dma_wait3A_58, %dma_wait3A_59] : memref<43520x256xf32, #tpu.memory_space<hbm>> -> memref<43520x256xf32, #tpu.memory_space<hbm>>
    tpu.wait_indirect_dma semaphore(%arg11 : memref<!tpu.dma_semaphore, #tpu.memory_space<semaphore_mem>>) src(%dma_wait3A_60 : memref<43520x256xf32, #tpu.memory_space<hbm>>) dst(%arg8 : memref<128x256xf32, #tpu.memory_space<vmem>>)
    %add3A_61 = arith.constant 256 : i32
    %add3A_62 = arith.addi %mul3A_2, %add3A_61 : i32
    %dma_start3A_63 = arith.constant 0 : i32
    %dma_start3A_64 = tpu.memref_slice %arg4[%add3A_62, %dma_start3A_63] : memref<32768x256xf32, #tpu.memory_space<hbm>> -> memref<128x256xf32, #tpu.memory_space<hbm>>
    %dma_start3A_65 = arith.constant 0 : i32
    %dma_start3A_66 = tpu.memref_slice %arg4[%add3A_62, %dma_start3A_65] : memref<32768x256xf32, #tpu.memory_space<hbm>> -> memref<128x256xf32, #tpu.memory_space<hbm>>
    tpu.enqueue_dma source(%arg8 : memref<128x256xf32, #tpu.memory_space<vmem>>) target(%dma_start3A_66 : memref<128x256xf32, #tpu.memory_space<hbm>>) target_semaphore(%arg14 : memref<!tpu.dma_semaphore, #tpu.memory_space<semaphore_mem>>)
    %dma_wait3A_67 = arith.constant 0 : i32
    %dma_wait3A_68 = tpu.memref_slice %arg4[%add3A_62, %dma_wait3A_67] : memref<32768x256xf32, #tpu.memory_space<hbm>> -> memref<128x256xf32, #tpu.memory_space<hbm>>
    %dma_wait3A_69 = arith.constant 0 : i32
    %dma_wait3A_70 = tpu.memref_slice %arg4[%add3A_62, %dma_wait3A_69] : memref<32768x256xf32, #tpu.memory_space<hbm>> -> memref<128x256xf32, #tpu.memory_space<hbm>>
    tpu.wait_dma2 semaphore(%arg14 : memref<!tpu.dma_semaphore, #tpu.memory_space<semaphore_mem>>) src(%arg8 : memref<128x256xf32, #tpu.memory_space<vmem>>) dst(%dma_wait3A_70 : memref<128x256xf32, #tpu.memory_space<hbm>>)
    %dma_start3A_71 = arith.constant 640 : i32
    %dma_start3A_72 = tpu.memref_slice %arg5[%dma_start3A_71] : memref<1024xi32, #tpu.memory_space<vmem>> -> memref<128xi32, #tpu.memory_space<vmem>>
    %dma_start3A_73 = arith.constant 0 : i32
    %dma_start3A_74 = arith.constant 0 : i32
    %dma_start3A_75 = tpu.memref_slice %arg2[%dma_start3A_73, %dma_start3A_74] : memref<43520x256xf32, #tpu.memory_space<hbm>> -> memref<43520x256xf32, #tpu.memory_space<hbm>>
    tpu.enqueue_indirect_dma source(%dma_start3A_75 : memref<43520x256xf32, #tpu.memory_space<hbm>>) target(%arg8 : memref<128x256xf32, #tpu.memory_space<vmem>>) offsets(%dma_start3A_72 : memref<128xi32, #tpu.memory_space<vmem>>) semaphore(%arg11 : memref<!tpu.dma_semaphore, #tpu.memory_space<semaphore_mem>>)
    %dma_wait3A_76 = arith.constant 384 : i32
    %dma_wait3A_77 = tpu.memref_slice %arg5[%dma_wait3A_76] : memref<1024xi32, #tpu.memory_space<vmem>> -> memref<128xi32, #tpu.memory_space<vmem>>
    %dma_wait3A_78 = arith.constant 0 : i32
    %dma_wait3A_79 = arith.constant 0 : i32
    %dma_wait3A_80 = tpu.memref_slice %arg2[%dma_wait3A_78, %dma_wait3A_79] : memref<43520x256xf32, #tpu.memory_space<hbm>> -> memref<43520x256xf32, #tpu.memory_space<hbm>>
    tpu.wait_indirect_dma semaphore(%arg9 : memref<!tpu.dma_semaphore, #tpu.memory_space<semaphore_mem>>) src(%dma_wait3A_80 : memref<43520x256xf32, #tpu.memory_space<hbm>>) dst(%arg6 : memref<128x256xf32, #tpu.memory_space<vmem>>)
    %add3A_81 = arith.constant 384 : i32
    %add3A_82 = arith.addi %mul3A_2, %add3A_81 : i32
    %dma_start3A_83 = arith.constant 0 : i32
    %dma_start3A_84 = tpu.memref_slice %arg4[%add3A_82, %dma_start3A_83] : memref<32768x256xf32, #tpu.memory_space<hbm>> -> memref<128x256xf32, #tpu.memory_space<hbm>>
    %dma_start3A_85 = arith.constant 0 : i32
    %dma_start3A_86 = tpu.memref_slice %arg4[%add3A_82, %dma_start3A_85] : memref<32768x256xf32, #tpu.memory_space<hbm>> -> memref<128x256xf32, #tpu.memory_space<hbm>>
    tpu.enqueue_dma source(%arg6 : memref<128x256xf32, #tpu.memory_space<vmem>>) target(%dma_start3A_86 : memref<128x256xf32, #tpu.memory_space<hbm>>) target_semaphore(%arg12 : memref<!tpu.dma_semaphore, #tpu.memory_space<semaphore_mem>>)
    %dma_wait3A_87 = arith.constant 0 : i32
    %dma_wait3A_88 = tpu.memref_slice %arg4[%add3A_82, %dma_wait3A_87] : memref<32768x256xf32, #tpu.memory_space<hbm>> -> memref<128x256xf32, #tpu.memory_space<hbm>>
    %dma_wait3A_89 = arith.constant 0 : i32
    %dma_wait3A_90 = tpu.memref_slice %arg4[%add3A_82, %dma_wait3A_89] : memref<32768x256xf32, #tpu.memory_space<hbm>> -> memref<128x256xf32, #tpu.memory_space<hbm>>
    tpu.wait_dma2 semaphore(%arg12 : memref<!tpu.dma_semaphore, #tpu.memory_space<semaphore_mem>>) src(%arg6 : memref<128x256xf32, #tpu.memory_space<vmem>>) dst(%dma_wait3A_90 : memref<128x256xf32, #tpu.memory_space<hbm>>)
    %dma_start3A_91 = arith.constant 768 : i32
    %dma_start3A_92 = tpu.memref_slice %arg5[%dma_start3A_91] : memref<1024xi32, #tpu.memory_space<vmem>> -> memref<128xi32, #tpu.memory_space<vmem>>
    %dma_start3A_93 = arith.constant 0 : i32
    %dma_start3A_94 = arith.constant 0 : i32
    %dma_start3A_95 = tpu.memref_slice %arg2[%dma_start3A_93, %dma_start3A_94] : memref<43520x256xf32, #tpu.memory_space<hbm>> -> memref<43520x256xf32, #tpu.memory_space<hbm>>
    tpu.enqueue_indirect_dma source(%dma_start3A_95 : memref<43520x256xf32, #tpu.memory_space<hbm>>) target(%arg6 : memref<128x256xf32, #tpu.memory_space<vmem>>) offsets(%dma_start3A_92 : memref<128xi32, #tpu.memory_space<vmem>>) semaphore(%arg9 : memref<!tpu.dma_semaphore, #tpu.memory_space<semaphore_mem>>)
    %dma_wait3A_96 = arith.constant 512 : i32
    %dma_wait3A_97 = tpu.memref_slice %arg5[%dma_wait3A_96] : memref<1024xi32, #tpu.memory_space<vmem>> -> memref<128xi32, #tpu.memory_space<vmem>>
    %dma_wait3A_98 = arith.constant 0 : i32
    %dma_wait3A_99 = arith.constant 0 : i32
    %dma_wait3A_100 = tpu.memref_slice %arg2[%dma_wait3A_98, %dma_wait3A_99] : memref<43520x256xf32, #tpu.memory_space<hbm>> -> memref<43520x256xf32, #tpu.memory_space<hbm>>
    tpu.wait_indirect_dma semaphore(%arg10 : memref<!tpu.dma_semaphore, #tpu.memory_space<semaphore_mem>>) src(%dma_wait3A_100 : memref<43520x256xf32, #tpu.memory_space<hbm>>) dst(%arg7 : memref<128x256xf32, #tpu.memory_space<vmem>>)
    %add3A_101 = arith.constant 512 : i32
    %add3A_102 = arith.addi %mul3A_2, %add3A_101 : i32
    %dma_start3A_103 = arith.constant 0 : i32
    %dma_start3A_104 = tpu.memref_slice %arg4[%add3A_102, %dma_start3A_103] : memref<32768x256xf32, #tpu.memory_space<hbm>> -> memref<128x256xf32, #tpu.memory_space<hbm>>
    %dma_start3A_105 = arith.constant 0 : i32
    %dma_start3A_106 = tpu.memref_slice %arg4[%add3A_102, %dma_start3A_105] : memref<32768x256xf32, #tpu.memory_space<hbm>> -> memref<128x256xf32, #tpu.memory_space<hbm>>
    tpu.enqueue_dma source(%arg7 : memref<128x256xf32, #tpu.memory_space<vmem>>) target(%dma_start3A_106 : memref<128x256xf32, #tpu.memory_space<hbm>>) target_semaphore(%arg13 : memref<!tpu.dma_semaphore, #tpu.memory_space<semaphore_mem>>)
    %dma_wait3A_107 = arith.constant 0 : i32
    %dma_wait3A_108 = tpu.memref_slice %arg4[%add3A_102, %dma_wait3A_107] : memref<32768x256xf32, #tpu.memory_space<hbm>> -> memref<128x256xf32, #tpu.memory_space<hbm>>
    %dma_wait3A_109 = arith.constant 0 : i32
    %dma_wait3A_110 = tpu.memref_slice %arg4[%add3A_102, %dma_wait3A_109] : memref<32768x256xf32, #tpu.memory_space<hbm>> -> memref<128x256xf32, #tpu.memory_space<hbm>>
    tpu.wait_dma2 semaphore(%arg13 : memref<!tpu.dma_semaphore, #tpu.memory_space<semaphore_mem>>) src(%arg7 : memref<128x256xf32, #tpu.memory_space<vmem>>) dst(%dma_wait3A_110 : memref<128x256xf32, #tpu.memory_space<hbm>>)
    %dma_start3A_111 = arith.constant 896 : i32
    %dma_start3A_112 = tpu.memref_slice %arg5[%dma_start3A_111] : memref<1024xi32, #tpu.memory_space<vmem>> -> memref<128xi32, #tpu.memory_space<vmem>>
    %dma_start3A_113 = arith.constant 0 : i32
    %dma_start3A_114 = arith.constant 0 : i32
    %dma_start3A_115 = tpu.memref_slice %arg2[%dma_start3A_113, %dma_start3A_114] : memref<43520x256xf32, #tpu.memory_space<hbm>> -> memref<43520x256xf32, #tpu.memory_space<hbm>>
    tpu.enqueue_indirect_dma source(%dma_start3A_115 : memref<43520x256xf32, #tpu.memory_space<hbm>>) target(%arg7 : memref<128x256xf32, #tpu.memory_space<vmem>>) offsets(%dma_start3A_112 : memref<128xi32, #tpu.memory_space<vmem>>) semaphore(%arg10 : memref<!tpu.dma_semaphore, #tpu.memory_space<semaphore_mem>>)
    %dma_wait3A_116 = arith.constant 640 : i32
    %dma_wait3A_117 = tpu.memref_slice %arg5[%dma_wait3A_116] : memref<1024xi32, #tpu.memory_space<vmem>> -> memref<128xi32, #tpu.memory_space<vmem>>
    %dma_wait3A_118 = arith.constant 0 : i32
    %dma_wait3A_119 = arith.constant 0 : i32
    %dma_wait3A_120 = tpu.memref_slice %arg2[%dma_wait3A_118, %dma_wait3A_119] : memref<43520x256xf32, #tpu.memory_space<hbm>> -> memref<43520x256xf32, #tpu.memory_space<hbm>>
    tpu.wait_indirect_dma semaphore(%arg11 : memref<!tpu.dma_semaphore, #tpu.memory_space<semaphore_mem>>) src(%dma_wait3A_120 : memref<43520x256xf32, #tpu.memory_space<hbm>>) dst(%arg8 : memref<128x256xf32, #tpu.memory_space<vmem>>)
    %add3A_121 = arith.constant 640 : i32
    %add3A_122 = arith.addi %mul3A_2, %add3A_121 : i32
    %dma_start3A_123 = arith.constant 0 : i32
    %dma_start3A_124 = tpu.memref_slice %arg4[%add3A_122, %dma_start3A_123] : memref<32768x256xf32, #tpu.memory_space<hbm>> -> memref<128x256xf32, #tpu.memory_space<hbm>>
    %dma_start3A_125 = arith.constant 0 : i32
    %dma_start3A_126 = tpu.memref_slice %arg4[%add3A_122, %dma_start3A_125] : memref<32768x256xf32, #tpu.memory_space<hbm>> -> memref<128x256xf32, #tpu.memory_space<hbm>>
    tpu.enqueue_dma source(%arg8 : memref<128x256xf32, #tpu.memory_space<vmem>>) target(%dma_start3A_126 : memref<128x256xf32, #tpu.memory_space<hbm>>) target_semaphore(%arg14 : memref<!tpu.dma_semaphore, #tpu.memory_space<semaphore_mem>>)
    %dma_wait3A_127 = arith.constant 768 : i32
    %dma_wait3A_128 = tpu.memref_slice %arg5[%dma_wait3A_127] : memref<1024xi32, #tpu.memory_space<vmem>> -> memref<128xi32, #tpu.memory_space<vmem>>
    %dma_wait3A_129 = arith.constant 0 : i32
    %dma_wait3A_130 = arith.constant 0 : i32
    %dma_wait3A_131 = tpu.memref_slice %arg2[%dma_wait3A_129, %dma_wait3A_130] : memref<43520x256xf32, #tpu.memory_space<hbm>> -> memref<43520x256xf32, #tpu.memory_space<hbm>>
    tpu.wait_indirect_dma semaphore(%arg9 : memref<!tpu.dma_semaphore, #tpu.memory_space<semaphore_mem>>) src(%dma_wait3A_131 : memref<43520x256xf32, #tpu.memory_space<hbm>>) dst(%arg6 : memref<128x256xf32, #tpu.memory_space<vmem>>)
    %add3A_132 = arith.constant 768 : i32
    %add3A_133 = arith.addi %mul3A_2, %add3A_132 : i32
    %dma_start3A_134 = arith.constant 0 : i32
    %dma_start3A_135 = tpu.memref_slice %arg4[%add3A_133, %dma_start3A_134] : memref<32768x256xf32, #tpu.memory_space<hbm>> -> memref<128x256xf32, #tpu.memory_space<hbm>>
    %dma_start3A_136 = arith.constant 0 : i32
    %dma_start3A_137 = tpu.memref_slice %arg4[%add3A_133, %dma_start3A_136] : memref<32768x256xf32, #tpu.memory_space<hbm>> -> memref<128x256xf32, #tpu.memory_space<hbm>>
    tpu.enqueue_dma source(%arg6 : memref<128x256xf32, #tpu.memory_space<vmem>>) target(%dma_start3A_137 : memref<128x256xf32, #tpu.memory_space<hbm>>) target_semaphore(%arg12 : memref<!tpu.dma_semaphore, #tpu.memory_space<semaphore_mem>>)
    %dma_wait3A_138 = arith.constant 896 : i32
    %dma_wait3A_139 = tpu.memref_slice %arg5[%dma_wait3A_138] : memref<1024xi32, #tpu.memory_space<vmem>> -> memref<128xi32, #tpu.memory_space<vmem>>
    %dma_wait3A_140 = arith.constant 0 : i32
    %dma_wait3A_141 = arith.constant 0 : i32
    %dma_wait3A_142 = tpu.memref_slice %arg2[%dma_wait3A_140, %dma_wait3A_141] : memref<43520x256xf32, #tpu.memory_space<hbm>> -> memref<43520x256xf32, #tpu.memory_space<hbm>>
    tpu.wait_indirect_dma semaphore(%arg10 : memref<!tpu.dma_semaphore, #tpu.memory_space<semaphore_mem>>) src(%dma_wait3A_142 : memref<43520x256xf32, #tpu.memory_space<hbm>>) dst(%arg7 : memref<128x256xf32, #tpu.memory_space<vmem>>)
    %add3A_143 = arith.constant 896 : i32
    %add3A_144 = arith.addi %mul3A_2, %add3A_143 : i32
    %dma_start3A_145 = arith.constant 0 : i32
    %dma_start3A_146 = tpu.memref_slice %arg4[%add3A_144, %dma_start3A_145] : memref<32768x256xf32, #tpu.memory_space<hbm>> -> memref<128x256xf32, #tpu.memory_space<hbm>>
    %dma_start3A_147 = arith.constant 0 : i32
    %dma_start3A_148 = tpu.memref_slice %arg4[%add3A_144, %dma_start3A_147] : memref<32768x256xf32, #tpu.memory_space<hbm>> -> memref<128x256xf32, #tpu.memory_space<hbm>>
    tpu.enqueue_dma source(%arg7 : memref<128x256xf32, #tpu.memory_space<vmem>>) target(%dma_start3A_148 : memref<128x256xf32, #tpu.memory_space<hbm>>) target_semaphore(%arg13 : memref<!tpu.dma_semaphore, #tpu.memory_space<semaphore_mem>>)
    %dma_wait3A_149 = arith.constant 0 : i32
    %dma_wait3A_150 = tpu.memref_slice %arg4[%add3A_122, %dma_wait3A_149] : memref<32768x256xf32, #tpu.memory_space<hbm>> -> memref<128x256xf32, #tpu.memory_space<hbm>>
    %dma_wait3A_151 = arith.constant 0 : i32
    %dma_wait3A_152 = tpu.memref_slice %arg4[%add3A_122, %dma_wait3A_151] : memref<32768x256xf32, #tpu.memory_space<hbm>> -> memref<128x256xf32, #tpu.memory_space<hbm>>
    tpu.wait_dma2 semaphore(%arg14 : memref<!tpu.dma_semaphore, #tpu.memory_space<semaphore_mem>>) src(%arg8 : memref<128x256xf32, #tpu.memory_space<vmem>>) dst(%dma_wait3A_152 : memref<128x256xf32, #tpu.memory_space<hbm>>)
    %dma_wait3A_153 = arith.constant 0 : i32
    %dma_wait3A_154 = tpu.memref_slice %arg4[%add3A_133, %dma_wait3A_153] : memref<32768x256xf32, #tpu.memory_space<hbm>> -> memref<128x256xf32, #tpu.memory_space<hbm>>
    %dma_wait3A_155 = arith.constant 0 : i32
    %dma_wait3A_156 = tpu.memref_slice %arg4[%add3A_133, %dma_wait3A_155] : memref<32768x256xf32, #tpu.memory_space<hbm>> -> memref<128x256xf32, #tpu.memory_space<hbm>>
    tpu.wait_dma2 semaphore(%arg12 : memref<!tpu.dma_semaphore, #tpu.memory_space<semaphore_mem>>) src(%arg6 : memref<128x256xf32, #tpu.memory_space<vmem>>) dst(%dma_wait3A_156 : memref<128x256xf32, #tpu.memory_space<hbm>>)
    %dma_wait3A_157 = arith.constant 0 : i32
    %dma_wait3A_158 = tpu.memref_slice %arg4[%add3A_144, %dma_wait3A_157] : memref<32768x256xf32, #tpu.memory_space<hbm>> -> memref<128x256xf32, #tpu.memory_space<hbm>>
    %dma_wait3A_159 = arith.constant 0 : i32
    %dma_wait3A_160 = tpu.memref_slice %arg4[%add3A_144, %dma_wait3A_159] : memref<32768x256xf32, #tpu.memory_space<hbm>> -> memref<128x256xf32, #tpu.memory_space<hbm>>
    tpu.wait_dma2 semaphore(%arg13 : memref<!tpu.dma_semaphore, #tpu.memory_space<semaphore_mem>>) src(%arg7 : memref<128x256xf32, #tpu.memory_space<vmem>>) dst(%dma_wait3A_160 : memref<128x256xf32, #tpu.memory_space<hbm>>)
    return
  }
}

#map = affine_map<(d0, d1) -> (0, 0)>
#map1 = affine_map<(d0, d1) -> (0)>
module attributes {stable_mosaic.version = 14 : i64} {
  func.func @gather(%arg0: i32, %arg1: i32, %arg2: memref<43520x256xf32, #tpu.memory_space<hbm>>, %arg3: memref<32768xi32, #tpu.memory_space<hbm>>, %arg4: memref<32768x256xf32, #tpu.memory_space<hbm>>, %arg5: memref<1024xi32, #tpu.memory_space<vmem>>, %arg6: memref<128x256xf32, #tpu.memory_space<vmem>>, %arg7: memref<128x256xf32, #tpu.memory_space<vmem>>, %arg8: memref<128x256xf32, #tpu.memory_space<vmem>>, %arg9: memref<!tpu.dma_semaphore, #tpu.memory_space<semaphore_mem>>, %arg10: memref<!tpu.dma_semaphore, #tpu.memory_space<semaphore_mem>>, %arg11: memref<!tpu.dma_semaphore, #tpu.memory_space<semaphore_mem>>, %arg12: memref<!tpu.dma_semaphore, #tpu.memory_space<semaphore_mem>>, %arg13: memref<!tpu.dma_semaphore, #tpu.memory_space<semaphore_mem>>, %arg14: memref<!tpu.dma_semaphore, #tpu.memory_space<semaphore_mem>>) attributes {dimension_semantics = [#tpu.dimension_semantics<core_parallel>, #tpu.dimension_semantics<subcore_parallel>], iteration_bounds = array<i64: 2, 16>, scalar_prefetch = 0 : i64, scratch_operands = 10 : i64, tpu.core_type = #tpu.core_type<sc_vector_subcore>, window_params = [{transform_indices = #map}, {transform_indices = #map1}, {transform_indices = #map}]} {
    %mul3A = arith.constant 2 : i32
    %mul3A_0 = arith.muli %arg1, %mul3A : i32
    %add3A = arith.addi %mul3A_0, %arg0 : i32
    %mul3A_1 = arith.constant 1024 : i32
    %mul3A_2 = arith.muli %add3A, %mul3A_1 : i32
    "tpu.region"() ({
      %run_scoped3A = tpu.sem_alloc : memref<!tpu.dma_semaphore, #tpu.memory_space<semaphore_mem>>
      %dma_start3A_161 = tpu.memref_slice %arg3[%mul3A_2] : memref<32768xi32, #tpu.memory_space<hbm>> -> memref<1024xi32, #tpu.memory_space<hbm>>
      %dma_start3A_162 = tpu.memref_slice %arg3[%mul3A_2] : memref<32768xi32, #tpu.memory_space<hbm>> -> memref<1024xi32, #tpu.memory_space<hbm>>
      tpu.enqueue_dma source(%dma_start3A_162 : memref<1024xi32, #tpu.memory_space<hbm>>) target(%arg5 : memref<1024xi32, #tpu.memory_space<vmem>>) target_semaphore(%run_scoped3A : memref<!tpu.dma_semaphore, #tpu.memory_space<semaphore_mem>>)
      %dma_wait3A_163 = tpu.memref_slice %arg3[%mul3A_2] : memref<32768xi32, #tpu.memory_space<hbm>> -> memref<1024xi32, #tpu.memory_space<hbm>>
      %dma_wait3A_164 = tpu.memref_slice %arg3[%mul3A_2] : memref<32768xi32, #tpu.memory_space<hbm>> -> memref<1024xi32, #tpu.memory_space<hbm>>
      tpu.wait_dma2 semaphore(%run_scoped3A : memref<!tpu.dma_semaphore, #tpu.memory_space<semaphore_mem>>) src(%dma_wait3A_164 : memref<1024xi32, #tpu.memory_space<hbm>>) dst(%arg5 : memref<1024xi32, #tpu.memory_space<vmem>>)
      tpu.yield
    }) : () -> ()
    %dma_start3A = arith.constant 0 : i32
    %dma_start3A_3 = tpu.memref_slice %arg5[%dma_start3A] : memref<1024xi32, #tpu.memory_space<vmem>> -> memref<128xi32, #tpu.memory_space<vmem>>
    %dma_start3A_4 = arith.constant 0 : i32
    %dma_start3A_5 = arith.constant 0 : i32
    %dma_start3A_6 = tpu.memref_slice %arg2[%dma_start3A_4, %dma_start3A_5] : memref<43520x256xf32, #tpu.memory_space<hbm>> -> memref<43520x256xf32, #tpu.memory_space<hbm>>
    tpu.enqueue_indirect_dma source(%dma_start3A_6 : memref<43520x256xf32, #tpu.memory_space<hbm>>) target(%arg6 : memref<128x256xf32, #tpu.memory_space<vmem>>) offsets(%dma_start3A_3 : memref<128xi32, #tpu.memory_space<vmem>>) semaphore(%arg9 : memref<!tpu.dma_semaphore, #tpu.memory_space<semaphore_mem>>)
    %dma_start3A_7 = arith.constant 128 : i32
    %dma_start3A_8 = tpu.memref_slice %arg5[%dma_start3A_7] : memref<1024xi32, #tpu.memory_space<vmem>> -> memref<128xi32, #tpu.memory_space<vmem>>
    %dma_start3A_9 = arith.constant 0 : i32
    %dma_start3A_10 = arith.constant 0 : i32
    %dma_start3A_11 = tpu.memref_slice %arg2[%dma_start3A_9, %dma_start3A_10] : memref<43520x256xf32, #tpu.memory_space<hbm>> -> memref<43520x256xf32, #tpu.memory_space<hbm>>
    tpu.enqueue_indirect_dma source(%dma_start3A_11 : memref<43520x256xf32, #tpu.memory_space<hbm>>) target(%arg7 : memref<128x256xf32, #tpu.memory_space<vmem>>) offsets(%dma_start3A_8 : memref<128xi32, #tpu.memory_space<vmem>>) semaphore(%arg10 : memref<!tpu.dma_semaphore, #tpu.memory_space<semaphore_mem>>)
    %dma_start3A_12 = arith.constant 256 : i32
    %dma_start3A_13 = tpu.memref_slice %arg5[%dma_start3A_12] : memref<1024xi32, #tpu.memory_space<vmem>> -> memref<128xi32, #tpu.memory_space<vmem>>
    %dma_start3A_14 = arith.constant 0 : i32
    %dma_start3A_15 = arith.constant 0 : i32
    %dma_start3A_16 = tpu.memref_slice %arg2[%dma_start3A_14, %dma_start3A_15] : memref<43520x256xf32, #tpu.memory_space<hbm>> -> memref<43520x256xf32, #tpu.memory_space<hbm>>
    tpu.enqueue_indirect_dma source(%dma_start3A_16 : memref<43520x256xf32, #tpu.memory_space<hbm>>) target(%arg8 : memref<128x256xf32, #tpu.memory_space<vmem>>) offsets(%dma_start3A_13 : memref<128xi32, #tpu.memory_space<vmem>>) semaphore(%arg11 : memref<!tpu.dma_semaphore, #tpu.memory_space<semaphore_mem>>)
    %dma_wait3A = arith.constant 0 : i32
    %dma_wait3A_17 = tpu.memref_slice %arg5[%dma_wait3A] : memref<1024xi32, #tpu.memory_space<vmem>> -> memref<128xi32, #tpu.memory_space<vmem>>
    %dma_wait3A_18 = arith.constant 0 : i32
    %dma_wait3A_19 = arith.constant 0 : i32
    %dma_wait3A_20 = tpu.memref_slice %arg2[%dma_wait3A_18, %dma_wait3A_19] : memref<43520x256xf32, #tpu.memory_space<hbm>> -> memref<43520x256xf32, #tpu.memory_space<hbm>>
    tpu.wait_indirect_dma semaphore(%arg9 : memref<!tpu.dma_semaphore, #tpu.memory_space<semaphore_mem>>) src(%dma_wait3A_20 : memref<43520x256xf32, #tpu.memory_space<hbm>>) dst(%arg6 : memref<128x256xf32, #tpu.memory_space<vmem>>)
    %add3A_21 = arith.constant 0 : i32
    %add3A_22 = arith.addi %mul3A_2, %add3A_21 : i32
    %dma_start3A_23 = arith.constant 0 : i32
    %dma_start3A_24 = tpu.memref_slice %arg4[%add3A_22, %dma_start3A_23] : memref<32768x256xf32, #tpu.memory_space<hbm>> -> memref<128x256xf32, #tpu.memory_space<hbm>>
    %dma_start3A_25 = arith.constant 0 : i32
    %dma_start3A_26 = tpu.memref_slice %arg4[%add3A_22, %dma_start3A_25] : memref<32768x256xf32, #tpu.memory_space<hbm>> -> memref<128x256xf32, #tpu.memory_space<hbm>>
    tpu.enqueue_dma source(%arg6 : memref<128x256xf32, #tpu.memory_space<vmem>>) target(%dma_start3A_26 : memref<128x256xf32, #tpu.memory_space<hbm>>) target_semaphore(%arg12 : memref<!tpu.dma_semaphore, #tpu.memory_space<semaphore_mem>>)
    %dma_wait3A_27 = arith.constant 0 : i32
    %dma_wait3A_28 = tpu.memref_slice %arg4[%add3A_22, %dma_wait3A_27] : memref<32768x256xf32, #tpu.memory_space<hbm>> -> memref<128x256xf32, #tpu.memory_space<hbm>>
    %dma_wait3A_29 = arith.constant 0 : i32
    %dma_wait3A_30 = tpu.memref_slice %arg4[%add3A_22, %dma_wait3A_29] : memref<32768x256xf32, #tpu.memory_space<hbm>> -> memref<128x256xf32, #tpu.memory_space<hbm>>
    tpu.wait_dma2 semaphore(%arg12 : memref<!tpu.dma_semaphore, #tpu.memory_space<semaphore_mem>>) src(%arg6 : memref<128x256xf32, #tpu.memory_space<vmem>>) dst(%dma_wait3A_30 : memref<128x256xf32, #tpu.memory_space<hbm>>)
    %dma_start3A_31 = arith.constant 384 : i32
    %dma_start3A_32 = tpu.memref_slice %arg5[%dma_start3A_31] : memref<1024xi32, #tpu.memory_space<vmem>> -> memref<128xi32, #tpu.memory_space<vmem>>
    %dma_start3A_33 = arith.constant 0 : i32
    %dma_start3A_34 = arith.constant 0 : i32
    %dma_start3A_35 = tpu.memref_slice %arg2[%dma_start3A_33, %dma_start3A_34] : memref<43520x256xf32, #tpu.memory_space<hbm>> -> memref<43520x256xf32, #tpu.memory_space<hbm>>
    tpu.enqueue_indirect_dma source(%dma_start3A_35 : memref<43520x256xf32, #tpu.memory_space<hbm>>) target(%arg6 : memref<128x256xf32, #tpu.memory_space<vmem>>) offsets(%dma_start3A_32 : memref<128xi32, #tpu.memory_space<vmem>>) semaphore(%arg9 : memref<!tpu.dma_semaphore, #tpu.memory_space<semaphore_mem>>)
    %dma_wait3A_36 = arith.constant 128 : i32
    %dma_wait3A_37 = tpu.memref_slice %arg5[%dma_wait3A_36] : memref<1024xi32, #tpu.memory_space<vmem>> -> memref<128xi32, #tpu.memory_space<vmem>>
    %dma_wait3A_38 = arith.constant 0 : i32
    %dma_wait3A_39 = arith.constant 0 : i32
    %dma_wait3A_40 = tpu.memref_slice %arg2[%dma_wait3A_38, %dma_wait3A_39] : memref<43520x256xf32, #tpu.memory_space<hbm>> -> memref<43520x256xf32, #tpu.memory_space<hbm>>
    tpu.wait_indirect_dma semaphore(%arg10 : memref<!tpu.dma_semaphore, #tpu.memory_space<semaphore_mem>>) src(%dma_wait3A_40 : memref<43520x256xf32, #tpu.memory_space<hbm>>) dst(%arg7 : memref<128x256xf32, #tpu.memory_space<vmem>>)
    %add3A_41 = arith.constant 128 : i32
    %add3A_42 = arith.addi %mul3A_2, %add3A_41 : i32
    %dma_start3A_43 = arith.constant 0 : i32
    %dma_start3A_44 = tpu.memref_slice %arg4[%add3A_42, %dma_start3A_43] : memref<32768x256xf32, #tpu.memory_space<hbm>> -> memref<128x256xf32, #tpu.memory_space<hbm>>
    %dma_start3A_45 = arith.constant 0 : i32
    %dma_start3A_46 = tpu.memref_slice %arg4[%add3A_42, %dma_start3A_45] : memref<32768x256xf32, #tpu.memory_space<hbm>> -> memref<128x256xf32, #tpu.memory_space<hbm>>
    tpu.enqueue_dma source(%arg7 : memref<128x256xf32, #tpu.memory_space<vmem>>) target(%dma_start3A_46 : memref<128x256xf32, #tpu.memory_space<hbm>>) target_semaphore(%arg13 : memref<!tpu.dma_semaphore, #tpu.memory_space<semaphore_mem>>)
    %dma_wait3A_47 = arith.constant 0 : i32
    %dma_wait3A_48 = tpu.memref_slice %arg4[%add3A_42, %dma_wait3A_47] : memref<32768x256xf32, #tpu.memory_space<hbm>> -> memref<128x256xf32, #tpu.memory_space<hbm>>
    %dma_wait3A_49 = arith.constant 0 : i32
    %dma_wait3A_50 = tpu.memref_slice %arg4[%add3A_42, %dma_wait3A_49] : memref<32768x256xf32, #tpu.memory_space<hbm>> -> memref<128x256xf32, #tpu.memory_space<hbm>>
    tpu.wait_dma2 semaphore(%arg13 : memref<!tpu.dma_semaphore, #tpu.memory_space<semaphore_mem>>) src(%arg7 : memref<128x256xf32, #tpu.memory_space<vmem>>) dst(%dma_wait3A_50 : memref<128x256xf32, #tpu.memory_space<hbm>>)
    %dma_start3A_51 = arith.constant 512 : i32
    %dma_start3A_52 = tpu.memref_slice %arg5[%dma_start3A_51] : memref<1024xi32, #tpu.memory_space<vmem>> -> memref<128xi32, #tpu.memory_space<vmem>>
    %dma_start3A_53 = arith.constant 0 : i32
    %dma_start3A_54 = arith.constant 0 : i32
    %dma_start3A_55 = tpu.memref_slice %arg2[%dma_start3A_53, %dma_start3A_54] : memref<43520x256xf32, #tpu.memory_space<hbm>> -> memref<43520x256xf32, #tpu.memory_space<hbm>>
    tpu.enqueue_indirect_dma source(%dma_start3A_55 : memref<43520x256xf32, #tpu.memory_space<hbm>>) target(%arg7 : memref<128x256xf32, #tpu.memory_space<vmem>>) offsets(%dma_start3A_52 : memref<128xi32, #tpu.memory_space<vmem>>) semaphore(%arg10 : memref<!tpu.dma_semaphore, #tpu.memory_space<semaphore_mem>>)
    %dma_wait3A_56 = arith.constant 256 : i32
    %dma_wait3A_57 = tpu.memref_slice %arg5[%dma_wait3A_56] : memref<1024xi32, #tpu.memory_space<vmem>> -> memref<128xi32, #tpu.memory_space<vmem>>
    %dma_wait3A_58 = arith.constant 0 : i32
    %dma_wait3A_59 = arith.constant 0 : i32
    %dma_wait3A_60 = tpu.memref_slice %arg2[%dma_wait3A_58, %dma_wait3A_59] : memref<43520x256xf32, #tpu.memory_space<hbm>> -> memref<43520x256xf32, #tpu.memory_space<hbm>>
    tpu.wait_indirect_dma semaphore(%arg11 : memref<!tpu.dma_semaphore, #tpu.memory_space<semaphore_mem>>) src(%dma_wait3A_60 : memref<43520x256xf32, #tpu.memory_space<hbm>>) dst(%arg8 : memref<128x256xf32, #tpu.memory_space<vmem>>)
    %add3A_61 = arith.constant 256 : i32
    %add3A_62 = arith.addi %mul3A_2, %add3A_61 : i32
    %dma_start3A_63 = arith.constant 0 : i32
    %dma_start3A_64 = tpu.memref_slice %arg4[%add3A_62, %dma_start3A_63] : memref<32768x256xf32, #tpu.memory_space<hbm>> -> memref<128x256xf32, #tpu.memory_space<hbm>>
    %dma_start3A_65 = arith.constant 0 : i32
    %dma_start3A_66 = tpu.memref_slice %arg4[%add3A_62, %dma_start3A_65] : memref<32768x256xf32, #tpu.memory_space<hbm>> -> memref<128x256xf32, #tpu.memory_space<hbm>>
    tpu.enqueue_dma source(%arg8 : memref<128x256xf32, #tpu.memory_space<vmem>>) target(%dma_start3A_66 : memref<128x256xf32, #tpu.memory_space<hbm>>) target_semaphore(%arg14 : memref<!tpu.dma_semaphore, #tpu.memory_space<semaphore_mem>>)
    %dma_wait3A_67 = arith.constant 0 : i32
    %dma_wait3A_68 = tpu.memref_slice %arg4[%add3A_62, %dma_wait3A_67] : memref<32768x256xf32, #tpu.memory_space<hbm>> -> memref<128x256xf32, #tpu.memory_space<hbm>>
    %dma_wait3A_69 = arith.constant 0 : i32
    %dma_wait3A_70 = tpu.memref_slice %arg4[%add3A_62, %dma_wait3A_69] : memref<32768x256xf32, #tpu.memory_space<hbm>> -> memref<128x256xf32, #tpu.memory_space<hbm>>
    tpu.wait_dma2 semaphore(%arg14 : memref<!tpu.dma_semaphore, #tpu.memory_space<semaphore_mem>>) src(%arg8 : memref<128x256xf32, #tpu.memory_space<vmem>>) dst(%dma_wait3A_70 : memref<128x256xf32, #tpu.memory_space<hbm>>)
    %dma_start3A_71 = arith.constant 640 : i32
    %dma_start3A_72 = tpu.memref_slice %arg5[%dma_start3A_71] : memref<1024xi32, #tpu.memory_space<vmem>> -> memref<128xi32, #tpu.memory_space<vmem>>
    %dma_start3A_73 = arith.constant 0 : i32
    %dma_start3A_74 = arith.constant 0 : i32
    %dma_start3A_75 = tpu.memref_slice %arg2[%dma_start3A_73, %dma_start3A_74] : memref<43520x256xf32, #tpu.memory_space<hbm>> -> memref<43520x256xf32, #tpu.memory_space<hbm>>
    tpu.enqueue_indirect_dma source(%dma_start3A_75 : memref<43520x256xf32, #tpu.memory_space<hbm>>) target(%arg8 : memref<128x256xf32, #tpu.memory_space<vmem>>) offsets(%dma_start3A_72 : memref<128xi32, #tpu.memory_space<vmem>>) semaphore(%arg11 : memref<!tpu.dma_semaphore, #tpu.memory_space<semaphore_mem>>)
    %dma_wait3A_76 = arith.constant 384 : i32
    %dma_wait3A_77 = tpu.memref_slice %arg5[%dma_wait3A_76] : memref<1024xi32, #tpu.memory_space<vmem>> -> memref<128xi32, #tpu.memory_space<vmem>>
    %dma_wait3A_78 = arith.constant 0 : i32
    %dma_wait3A_79 = arith.constant 0 : i32
    %dma_wait3A_80 = tpu.memref_slice %arg2[%dma_wait3A_78, %dma_wait3A_79] : memref<43520x256xf32, #tpu.memory_space<hbm>> -> memref<43520x256xf32, #tpu.memory_space<hbm>>
    tpu.wait_indirect_dma semaphore(%arg9 : memref<!tpu.dma_semaphore, #tpu.memory_space<semaphore_mem>>) src(%dma_wait3A_80 : memref<43520x256xf32, #tpu.memory_space<hbm>>) dst(%arg6 : memref<128x256xf32, #tpu.memory_space<vmem>>)
    %add3A_81 = arith.constant 384 : i32
    %add3A_82 = arith.addi %mul3A_2, %add3A_81 : i32
    %dma_start3A_83 = arith.constant 0 : i32
    %dma_start3A_84 = tpu.memref_slice %arg4[%add3A_82, %dma_start3A_83] : memref<32768x256xf32, #tpu.memory_space<hbm>> -> memref<128x256xf32, #tpu.memory_space<hbm>>
    %dma_start3A_85 = arith.constant 0 : i32
    %dma_start3A_86 = tpu.memref_slice %arg4[%add3A_82, %dma_start3A_85] : memref<32768x256xf32, #tpu.memory_space<hbm>> -> memref<128x256xf32, #tpu.memory_space<hbm>>
    tpu.enqueue_dma source(%arg6 : memref<128x256xf32, #tpu.memory_space<vmem>>) target(%dma_start3A_86 : memref<128x256xf32, #tpu.memory_space<hbm>>) target_semaphore(%arg12 : memref<!tpu.dma_semaphore, #tpu.memory_space<semaphore_mem>>)
    %dma_wait3A_87 = arith.constant 0 : i32
    %dma_wait3A_88 = tpu.memref_slice %arg4[%add3A_82, %dma_wait3A_87] : memref<32768x256xf32, #tpu.memory_space<hbm>> -> memref<128x256xf32, #tpu.memory_space<hbm>>
    %dma_wait3A_89 = arith.constant 0 : i32
    %dma_wait3A_90 = tpu.memref_slice %arg4[%add3A_82, %dma_wait3A_89] : memref<32768x256xf32, #tpu.memory_space<hbm>> -> memref<128x256xf32, #tpu.memory_space<hbm>>
    tpu.wait_dma2 semaphore(%arg12 : memref<!tpu.dma_semaphore, #tpu.memory_space<semaphore_mem>>) src(%arg6 : memref<128x256xf32, #tpu.memory_space<vmem>>) dst(%dma_wait3A_90 : memref<128x256xf32, #tpu.memory_space<hbm>>)
    %dma_start3A_91 = arith.constant 768 : i32
    %dma_start3A_92 = tpu.memref_slice %arg5[%dma_start3A_91] : memref<1024xi32, #tpu.memory_space<vmem>> -> memref<128xi32, #tpu.memory_space<vmem>>
    %dma_start3A_93 = arith.constant 0 : i32
    %dma_start3A_94 = arith.constant 0 : i32
    %dma_start3A_95 = tpu.memref_slice %arg2[%dma_start3A_93, %dma_start3A_94] : memref<43520x256xf32, #tpu.memory_space<hbm>> -> memref<43520x256xf32, #tpu.memory_space<hbm>>
    tpu.enqueue_indirect_dma source(%dma_start3A_95 : memref<43520x256xf32, #tpu.memory_space<hbm>>) target(%arg6 : memref<128x256xf32, #tpu.memory_space<vmem>>) offsets(%dma_start3A_92 : memref<128xi32, #tpu.memory_space<vmem>>) semaphore(%arg9 : memref<!tpu.dma_semaphore, #tpu.memory_space<semaphore_mem>>)
    %dma_wait3A_96 = arith.constant 512 : i32
    %dma_wait3A_97 = tpu.memref_slice %arg5[%dma_wait3A_96] : memref<1024xi32, #tpu.memory_space<vmem>> -> memref<128xi32, #tpu.memory_space<vmem>>
    %dma_wait3A_98 = arith.constant 0 : i32
    %dma_wait3A_99 = arith.constant 0 : i32
    %dma_wait3A_100 = tpu.memref_slice %arg2[%dma_wait3A_98, %dma_wait3A_99] : memref<43520x256xf32, #tpu.memory_space<hbm>> -> memref<43520x256xf32, #tpu.memory_space<hbm>>
    tpu.wait_indirect_dma semaphore(%arg10 : memref<!tpu.dma_semaphore, #tpu.memory_space<semaphore_mem>>) src(%dma_wait3A_100 : memref<43520x256xf32, #tpu.memory_space<hbm>>) dst(%arg7 : memref<128x256xf32, #tpu.memory_space<vmem>>)
    %add3A_101 = arith.constant 512 : i32
    %add3A_102 = arith.addi %mul3A_2, %add3A_101 : i32
    %dma_start3A_103 = arith.constant 0 : i32
    %dma_start3A_104 = tpu.memref_slice %arg4[%add3A_102, %dma_start3A_103] : memref<32768x256xf32, #tpu.memory_space<hbm>> -> memref<128x256xf32, #tpu.memory_space<hbm>>
    %dma_start3A_105 = arith.constant 0 : i32
    %dma_start3A_106 = tpu.memref_slice %arg4[%add3A_102, %dma_start3A_105] : memref<32768x256xf32, #tpu.memory_space<hbm>> -> memref<128x256xf32, #tpu.memory_space<hbm>>
    tpu.enqueue_dma source(%arg7 : memref<128x256xf32, #tpu.memory_space<vmem>>) target(%dma_start3A_106 : memref<128x256xf32, #tpu.memory_space<hbm>>) target_semaphore(%arg13 : memref<!tpu.dma_semaphore, #tpu.memory_space<semaphore_mem>>)
    %dma_wait3A_107 = arith.constant 0 : i32
    %dma_wait3A_108 = tpu.memref_slice %arg4[%add3A_102, %dma_wait3A_107] : memref<32768x256xf32, #tpu.memory_space<hbm>> -> memref<128x256xf32, #tpu.memory_space<hbm>>
    %dma_wait3A_109 = arith.constant 0 : i32
    %dma_wait3A_110 = tpu.memref_slice %arg4[%add3A_102, %dma_wait3A_109] : memref<32768x256xf32, #tpu.memory_space<hbm>> -> memref<128x256xf32, #tpu.memory_space<hbm>>
    tpu.wait_dma2 semaphore(%arg13 : memref<!tpu.dma_semaphore, #tpu.memory_space<semaphore_mem>>) src(%arg7 : memref<128x256xf32, #tpu.memory_space<vmem>>) dst(%dma_wait3A_110 : memref<128x256xf32, #tpu.memory_space<hbm>>)
    %dma_start3A_111 = arith.constant 896 : i32
    %dma_start3A_112 = tpu.memref_slice %arg5[%dma_start3A_111] : memref<1024xi32, #tpu.memory_space<vmem>> -> memref<128xi32, #tpu.memory_space<vmem>>
    %dma_start3A_113 = arith.constant 0 : i32
    %dma_start3A_114 = arith.constant 0 : i32
    %dma_start3A_115 = tpu.memref_slice %arg2[%dma_start3A_113, %dma_start3A_114] : memref<43520x256xf32, #tpu.memory_space<hbm>> -> memref<43520x256xf32, #tpu.memory_space<hbm>>
    tpu.enqueue_indirect_dma source(%dma_start3A_115 : memref<43520x256xf32, #tpu.memory_space<hbm>>) target(%arg7 : memref<128x256xf32, #tpu.memory_space<vmem>>) offsets(%dma_start3A_112 : memref<128xi32, #tpu.memory_space<vmem>>) semaphore(%arg10 : memref<!tpu.dma_semaphore, #tpu.memory_space<semaphore_mem>>)
    %dma_wait3A_116 = arith.constant 640 : i32
    %dma_wait3A_117 = tpu.memref_slice %arg5[%dma_wait3A_116] : memref<1024xi32, #tpu.memory_space<vmem>> -> memref<128xi32, #tpu.memory_space<vmem>>
    %dma_wait3A_118 = arith.constant 0 : i32
    %dma_wait3A_119 = arith.constant 0 : i32
    %dma_wait3A_120 = tpu.memref_slice %arg2[%dma_wait3A_118, %dma_wait3A_119] : memref<43520x256xf32, #tpu.memory_space<hbm>> -> memref<43520x256xf32, #tpu.memory_space<hbm>>
    tpu.wait_indirect_dma semaphore(%arg11 : memref<!tpu.dma_semaphore, #tpu.memory_space<semaphore_mem>>) src(%dma_wait3A_120 : memref<43520x256xf32, #tpu.memory_space<hbm>>) dst(%arg8 : memref<128x256xf32, #tpu.memory_space<vmem>>)
    %add3A_121 = arith.constant 640 : i32
    %add3A_122 = arith.addi %mul3A_2, %add3A_121 : i32
    %dma_start3A_123 = arith.constant 0 : i32
    %dma_start3A_124 = tpu.memref_slice %arg4[%add3A_122, %dma_start3A_123] : memref<32768x256xf32, #tpu.memory_space<hbm>> -> memref<128x256xf32, #tpu.memory_space<hbm>>
    %dma_start3A_125 = arith.constant 0 : i32
    %dma_start3A_126 = tpu.memref_slice %arg4[%add3A_122, %dma_start3A_125] : memref<32768x256xf32, #tpu.memory_space<hbm>> -> memref<128x256xf32, #tpu.memory_space<hbm>>
    tpu.enqueue_dma source(%arg8 : memref<128x256xf32, #tpu.memory_space<vmem>>) target(%dma_start3A_126 : memref<128x256xf32, #tpu.memory_space<hbm>>) target_semaphore(%arg14 : memref<!tpu.dma_semaphore, #tpu.memory_space<semaphore_mem>>)
    %dma_wait3A_127 = arith.constant 768 : i32
    %dma_wait3A_128 = tpu.memref_slice %arg5[%dma_wait3A_127] : memref<1024xi32, #tpu.memory_space<vmem>> -> memref<128xi32, #tpu.memory_space<vmem>>
    %dma_wait3A_129 = arith.constant 0 : i32
    %dma_wait3A_130 = arith.constant 0 : i32
    %dma_wait3A_131 = tpu.memref_slice %arg2[%dma_wait3A_129, %dma_wait3A_130] : memref<43520x256xf32, #tpu.memory_space<hbm>> -> memref<43520x256xf32, #tpu.memory_space<hbm>>
    tpu.wait_indirect_dma semaphore(%arg9 : memref<!tpu.dma_semaphore, #tpu.memory_space<semaphore_mem>>) src(%dma_wait3A_131 : memref<43520x256xf32, #tpu.memory_space<hbm>>) dst(%arg6 : memref<128x256xf32, #tpu.memory_space<vmem>>)
    %add3A_132 = arith.constant 768 : i32
    %add3A_133 = arith.addi %mul3A_2, %add3A_132 : i32
    %dma_start3A_134 = arith.constant 0 : i32
    %dma_start3A_135 = tpu.memref_slice %arg4[%add3A_133, %dma_start3A_134] : memref<32768x256xf32, #tpu.memory_space<hbm>> -> memref<128x256xf32, #tpu.memory_space<hbm>>
    %dma_start3A_136 = arith.constant 0 : i32
    %dma_start3A_137 = tpu.memref_slice %arg4[%add3A_133, %dma_start3A_136] : memref<32768x256xf32, #tpu.memory_space<hbm>> -> memref<128x256xf32, #tpu.memory_space<hbm>>
    tpu.enqueue_dma source(%arg6 : memref<128x256xf32, #tpu.memory_space<vmem>>) target(%dma_start3A_137 : memref<128x256xf32, #tpu.memory_space<hbm>>) target_semaphore(%arg12 : memref<!tpu.dma_semaphore, #tpu.memory_space<semaphore_mem>>)
    %dma_wait3A_138 = arith.constant 896 : i32
    %dma_wait3A_139 = tpu.memref_slice %arg5[%dma_wait3A_138] : memref<1024xi32, #tpu.memory_space<vmem>> -> memref<128xi32, #tpu.memory_space<vmem>>
    %dma_wait3A_140 = arith.constant 0 : i32
    %dma_wait3A_141 = arith.constant 0 : i32
    %dma_wait3A_142 = tpu.memref_slice %arg2[%dma_wait3A_140, %dma_wait3A_141] : memref<43520x256xf32, #tpu.memory_space<hbm>> -> memref<43520x256xf32, #tpu.memory_space<hbm>>
    tpu.wait_indirect_dma semaphore(%arg10 : memref<!tpu.dma_semaphore, #tpu.memory_space<semaphore_mem>>) src(%dma_wait3A_142 : memref<43520x256xf32, #tpu.memory_space<hbm>>) dst(%arg7 : memref<128x256xf32, #tpu.memory_space<vmem>>)
    %add3A_143 = arith.constant 896 : i32
    %add3A_144 = arith.addi %mul3A_2, %add3A_143 : i32
    %dma_start3A_145 = arith.constant 0 : i32
    %dma_start3A_146 = tpu.memref_slice %arg4[%add3A_144, %dma_start3A_145] : memref<32768x256xf32, #tpu.memory_space<hbm>> -> memref<128x256xf32, #tpu.memory_space<hbm>>
    %dma_start3A_147 = arith.constant 0 : i32
    %dma_start3A_148 = tpu.memref_slice %arg4[%add3A_144, %dma_start3A_147] : memref<32768x256xf32, #tpu.memory_space<hbm>> -> memref<128x256xf32, #tpu.memory_space<hbm>>
    tpu.enqueue_dma source(%arg7 : memref<128x256xf32, #tpu.memory_space<vmem>>) target(%dma_start3A_148 : memref<128x256xf32, #tpu.memory_space<hbm>>) target_semaphore(%arg13 : memref<!tpu.dma_semaphore, #tpu.memory_space<semaphore_mem>>)
    %dma_wait3A_149 = arith.constant 0 : i32
    %dma_wait3A_150 = tpu.memref_slice %arg4[%add3A_122, %dma_wait3A_149] : memref<32768x256xf32, #tpu.memory_space<hbm>> -> memref<128x256xf32, #tpu.memory_space<hbm>>
    %dma_wait3A_151 = arith.constant 0 : i32
    %dma_wait3A_152 = tpu.memref_slice %arg4[%add3A_122, %dma_wait3A_151] : memref<32768x256xf32, #tpu.memory_space<hbm>> -> memref<128x256xf32, #tpu.memory_space<hbm>>
    tpu.wait_dma2 semaphore(%arg14 : memref<!tpu.dma_semaphore, #tpu.memory_space<semaphore_mem>>) src(%arg8 : memref<128x256xf32, #tpu.memory_space<vmem>>) dst(%dma_wait3A_152 : memref<128x256xf32, #tpu.memory_space<hbm>>)
    %dma_wait3A_153 = arith.constant 0 : i32
    %dma_wait3A_154 = tpu.memref_slice %arg4[%add3A_133, %dma_wait3A_153] : memref<32768x256xf32, #tpu.memory_space<hbm>> -> memref<128x256xf32, #tpu.memory_space<hbm>>
    %dma_wait3A_155 = arith.constant 0 : i32
    %dma_wait3A_156 = tpu.memref_slice %arg4[%add3A_133, %dma_wait3A_155] : memref<32768x256xf32, #tpu.memory_space<hbm>> -> memref<128x256xf32, #tpu.memory_space<hbm>>
    tpu.wait_dma2 semaphore(%arg12 : memref<!tpu.dma_semaphore, #tpu.memory_space<semaphore_mem>>) src(%arg6 : memref<128x256xf32, #tpu.memory_space<vmem>>) dst(%dma_wait3A_156 : memref<128x256xf32, #tpu.memory_space<hbm>>)
    %dma_wait3A_157 = arith.constant 0 : i32
    %dma_wait3A_158 = tpu.memref_slice %arg4[%add3A_144, %dma_wait3A_157] : memref<32768x256xf32, #tpu.memory_space<hbm>> -> memref<128x256xf32, #tpu.memory_space<hbm>>
    %dma_wait3A_159 = arith.constant 0 : i32
    %dma_wait3A_160 = tpu.memref_slice %arg4[%add3A_144, %dma_wait3A_159] : memref<32768x256xf32, #tpu.memory_space<hbm>> -> memref<128x256xf32, #tpu.memory_space<hbm>>
    tpu.wait_dma2 semaphore(%arg13 : memref<!tpu.dma_semaphore, #tpu.memory_space<semaphore_mem>>) src(%arg7 : memref<128x256xf32, #tpu.memory_space<vmem>>) dst(%dma_wait3A_160 : memref<128x256xf32, #tpu.memory_space<hbm>>)
    return
  }
}

module attributes {stable_mosaic.version = 14 : i64} {
  func.func @_prep_kernel(%arg0: memref<1024x256xf32, #tpu.memory_space<vmem>>, %arg1: memref<1024x1xf32, #tpu.memory_space<vmem>>, %arg2: memref<1024x1xf32, #tpu.memory_space<vmem>>, %arg3: memref<256x256xf32, #tpu.memory_space<vmem>>, %arg4: memref<1x256xf32, #tpu.memory_space<vmem>>, %arg5: memref<1024x256xf32, #tpu.memory_space<vmem>>, %arg6: memref<1024x128xi32, #tpu.memory_space<vmem>>, %arg7: memref<1024x128xf32, #tpu.memory_space<vmem>>) attributes {dimension_semantics = [], scalar_prefetch = 0 : i64, scratch_operands = 0 : i64, tpu.core_type = #tpu.core_type<tc>} {
    %get3A = arith.constant 0 : index
    %get3A_0 = arith.constant 0 : index
    %get3A_1 = vector.load %arg0[%get3A, %get3A_0] : memref<1024x256xf32, #tpu.memory_space<vmem>>, vector<1024x256xf32>
    %get3A_2 = arith.constant 0 : index
    %get3A_3 = arith.constant 0 : index
    %get3A_4 = vector.load %arg3[%get3A_2, %get3A_3] : memref<256x256xf32, #tpu.memory_space<vmem>>, vector<256x256xf32>
    %dot_general3A = arith.constant dense<0.000000e+00> : vector<1024x256xf32>
    %dot_general3A_5 = tpu.matmul %get3A_1, %get3A_4, %dot_general3A {dimension_numbers = #tpu.dot_dimension_numbers<[1], [0], [0], [1], [0, 0, 1, 1], [], []>, transpose_lhs_hint = false} : vector<1024x256xf32>, vector<256x256xf32>, vector<1024x256xf32> -> vector<1024x256xf32>
    %get3A_6 = arith.constant 0 : index
    %get3A_7 = arith.constant 0 : index
    %get3A_8 = vector.load %arg4[%get3A_6, %get3A_7] : memref<1x256xf32, #tpu.memory_space<vmem>>, vector<1x256xf32>
    %add3A = vector.broadcast %get3A_8 : vector<1x256xf32> to vector<1024x256xf32>
    %add3A_9 = arith.addf %dot_general3A_5, %add3A : vector<1024x256xf32>
    %swap3A = arith.constant 0 : index
    %swap3A_10 = arith.constant 0 : index
    %swap3A_11 = vector.load %arg5[%swap3A, %swap3A_10] : memref<1024x256xf32, #tpu.memory_space<vmem>>, vector<1024x256xf32>
    tpu.vector_store %arg5[%swap3A, %swap3A_10], %add3A_9 {strides = array<i32>} : memref<1024x256xf32, #tpu.memory_space<vmem>>, vector<1024x256xf32>,
    %get3A_12 = arith.constant 0 : index
    %get3A_13 = arith.constant 0 : index
    %get3A_14 = vector.load %arg1[%get3A_12, %get3A_13] : memref<1024x1xf32, #tpu.memory_space<vmem>>, vector<1024x1xf32>
    %get3A_15 = arith.constant 0 : index
    %get3A_16 = arith.constant 0 : index
    %get3A_17 = vector.load %arg2[%get3A_15, %get3A_16] : memref<1024x1xf32, #tpu.memory_space<vmem>>, vector<1024x1xf32>
    %iota3A = tpu.iota {dimensions = array<i32: 1>} : vector<1024x128xi32>
    %jit3A = arith.constant 32 : i32
    %div3A = vector.broadcast %jit3A : i32 to vector<1024x128xi32>
    %div3A_18 = arith.divsi %iota3A, %div3A : vector<1024x128xi32>
    %sign3A = arith.constant 0 : i32
    %sign3A_19 = vector.broadcast %sign3A : i32 to vector<1024x128xi32>
    %sign3A_20 = arith.cmpi sgt, %iota3A, %sign3A_19 : vector<1024x128xi32>
    %sign3A_21 = arith.extui %sign3A_20 : vector<1024x128xi1> to vector<1024x128xi32>
    %sign3A_22 = arith.constant 0 : i32
    %sign3A_23 = vector.broadcast %sign3A_22 : i32 to vector<1024x128xi32>
    %sign3A_24 = arith.cmpi slt, %iota3A, %sign3A_23 : vector<1024x128xi32>
    %sign3A_25 = arith.extui %sign3A_24 : vector<1024x128xi1> to vector<1024x128xi32>
    %sign3A_26 = arith.subi %sign3A_21, %sign3A_25 : vector<1024x128xi32>
    %sign3A_27 = arith.constant 0 : i32
    %sign3A_28 = arith.cmpi sgt, %jit3A, %sign3A_27 : i32
    %sign3A_29 = arith.extui %sign3A_28 : i1 to i32
    %sign3A_30 = arith.constant 0 : i32
    %sign3A_31 = arith.cmpi slt, %jit3A, %sign3A_30 : i32
    %sign3A_32 = arith.extui %sign3A_31 : i1 to i32
    %sign3A_33 = arith.subi %sign3A_29, %sign3A_32 : i32
    %ne3A = vector.broadcast %sign3A_33 : i32 to vector<1024x128xi32>
    %ne3A_34 = arith.cmpi ne, %sign3A_26, %ne3A : vector<1024x128xi32>
    %rem3A = vector.broadcast %jit3A : i32 to vector<1024x128xi32>
    %rem3A_35 = arith.remsi %iota3A, %rem3A : vector<1024x128xi32>
    %ne3A_36 = arith.constant 0 : i32
    %ne3A_37 = vector.broadcast %ne3A_36 : i32 to vector<1024x128xi32>
    %ne3A_38 = arith.cmpi ne, %rem3A_35, %ne3A_37 : vector<1024x128xi32>
    %and3A = arith.andi %ne3A_34, %ne3A_38 : vector<1024x128xi1>
    %sub3A = arith.constant 1 : i32
    %sub3A_39 = vector.broadcast %sub3A : i32 to vector<1024x128xi32>
    %sub3A_40 = arith.subi %div3A_18, %sub3A_39 : vector<1024x128xi32>
    %select_n3A = arith.select %and3A, %sub3A_40, %div3A_18 : vector<1024x128xi1>, vector<1024x128xi32>
    %jit3A_41 = arith.constant 32 : i32
    %eq3A = arith.constant 0 : i32
    %eq3A_42 = arith.cmpi eq, %jit3A_41, %eq3A : i32
    %jit3A_43 = arith.constant 1 : i32
    %select_n3A_44 = arith.select %eq3A_42, %jit3A_43, %jit3A_41 : i32
    %rem3A_45 = vector.broadcast %select_n3A_44 : i32 to vector<1024x128xi32>
    %rem3A_46 = arith.remsi %iota3A, %rem3A_45 : vector<1024x128xi32>
    %ne3A_47 = arith.constant 0 : i32
    %ne3A_48 = vector.broadcast %ne3A_47 : i32 to vector<1024x128xi32>
    %ne3A_49 = arith.cmpi ne, %rem3A_46, %ne3A_48 : vector<1024x128xi32>
    %lt3A = arith.constant 0 : i32
    %lt3A_50 = vector.broadcast %lt3A : i32 to vector<1024x128xi32>
    %lt3A_51 = arith.cmpi slt, %rem3A_46, %lt3A_50 : vector<1024x128xi32>
    %lt3A_52 = arith.constant 0 : i32
    %lt3A_53 = arith.cmpi slt, %select_n3A_44, %lt3A_52 : i32
    %ne3A_54 = vector.broadcast %lt3A_53 : i1 to vector<1024x128xi1>
    %ne3A_55 = vector.broadcast %ne3A_54 : vector<1024x128xi1> to vector<1024x128xi1>
    %ne3A_56 = arith.xori %lt3A_51, %ne3A_55 : vector<1024x128xi1>
    %and3A_57 = arith.andi %ne3A_56, %ne3A_49 : vector<1024x128xi1>
    %add3A_58 = vector.broadcast %select_n3A_44 : i32 to vector<1024x128xi32>
    %add3A_59 = arith.addi %rem3A_46, %add3A_58 : vector<1024x128xi32>
    %select_n3A_60 = arith.select %and3A_57, %add3A_59, %rem3A_46 : vector<1024x128xi1>, vector<1024x128xi32>
    %jit3A_61 = arith.constant 8 : i32
    %eq3A_62 = arith.constant 0 : i32
    %eq3A_63 = arith.cmpi eq, %jit3A_61, %eq3A_62 : i32
    %jit3A_64 = arith.constant 1 : i32
    %select_n3A_65 = arith.select %eq3A_63, %jit3A_64, %jit3A_61 : i32
    %rem3A_66 = vector.broadcast %select_n3A_65 : i32 to vector<1024x128xi32>
    %rem3A_67 = arith.remsi %select_n3A_60, %rem3A_66 : vector<1024x128xi32>
    %ne3A_68 = arith.constant 0 : i32
    %ne3A_69 = vector.broadcast %ne3A_68 : i32 to vector<1024x128xi32>
    %ne3A_70 = arith.cmpi ne, %rem3A_67, %ne3A_69 : vector<1024x128xi32>
    %lt3A_71 = arith.constant 0 : i32
    %lt3A_72 = vector.broadcast %lt3A_71 : i32 to vector<1024x128xi32>
    %lt3A_73 = arith.cmpi slt, %rem3A_67, %lt3A_72 : vector<1024x128xi32>
    %lt3A_74 = arith.constant 0 : i32
    %lt3A_75 = arith.cmpi slt, %select_n3A_65, %lt3A_74 : i32
    %ne3A_76 = vector.broadcast %lt3A_75 : i1 to vector<1024x128xi1>
    %ne3A_77 = vector.broadcast %ne3A_76 : vector<1024x128xi1> to vector<1024x128xi1>
    %ne3A_78 = arith.xori %lt3A_73, %ne3A_77 : vector<1024x128xi1>
    %and3A_79 = arith.andi %ne3A_78, %ne3A_70 : vector<1024x128xi1>
    %add3A_80 = vector.broadcast %select_n3A_65 : i32 to vector<1024x128xi32>
    %add3A_81 = arith.addi %rem3A_67, %add3A_80 : vector<1024x128xi32>
    %select_n3A_82 = arith.select %and3A_79, %add3A_81, %rem3A_67 : vector<1024x128xi1>, vector<1024x128xi32>
    %sub3A_83 = arith.constant 4 : i32
    %sub3A_84 = vector.broadcast %sub3A_83 : i32 to vector<1024x128xi32>
    %sub3A_85 = arith.subi %select_n3A_82, %sub3A_84 : vector<1024x128xi32>
    %jit3A_86 = arith.constant 8 : i32
    %div3A_87 = vector.broadcast %jit3A_86 : i32 to vector<1024x128xi32>
    %div3A_88 = arith.divsi %select_n3A_60, %div3A_87 : vector<1024x128xi32>
    %sign3A_89 = arith.constant 0 : i32
    %sign3A_90 = vector.broadcast %sign3A_89 : i32 to vector<1024x128xi32>
    %sign3A_91 = arith.cmpi sgt, %select_n3A_60, %sign3A_90 : vector<1024x128xi32>
    %sign3A_92 = arith.extui %sign3A_91 : vector<1024x128xi1> to vector<1024x128xi32>
    %sign3A_93 = arith.constant 0 : i32
    %sign3A_94 = vector.broadcast %sign3A_93 : i32 to vector<1024x128xi32>
    %sign3A_95 = arith.cmpi slt, %select_n3A_60, %sign3A_94 : vector<1024x128xi32>
    %sign3A_96 = arith.extui %sign3A_95 : vector<1024x128xi1> to vector<1024x128xi32>
    %sign3A_97 = arith.subi %sign3A_92, %sign3A_96 : vector<1024x128xi32>
    %sign3A_98 = arith.constant 0 : i32
    %sign3A_99 = arith.cmpi sgt, %jit3A_86, %sign3A_98 : i32
    %sign3A_100 = arith.extui %sign3A_99 : i1 to i32
    %sign3A_101 = arith.constant 0 : i32
    %sign3A_102 = arith.cmpi slt, %jit3A_86, %sign3A_101 : i32
    %sign3A_103 = arith.extui %sign3A_102 : i1 to i32
    %sign3A_104 = arith.subi %sign3A_100, %sign3A_103 : i32
    %ne3A_105 = vector.broadcast %sign3A_104 : i32 to vector<1024x128xi32>
    %ne3A_106 = arith.cmpi ne, %sign3A_97, %ne3A_105 : vector<1024x128xi32>
    %rem3A_107 = vector.broadcast %jit3A_86 : i32 to vector<1024x128xi32>
    %rem3A_108 = arith.remsi %select_n3A_60, %rem3A_107 : vector<1024x128xi32>
    %ne3A_109 = arith.constant 0 : i32
    %ne3A_110 = vector.broadcast %ne3A_109 : i32 to vector<1024x128xi32>
    %ne3A_111 = arith.cmpi ne, %rem3A_108, %ne3A_110 : vector<1024x128xi32>
    %and3A_112 = arith.andi %ne3A_106, %ne3A_111 : vector<1024x128xi1>
    %sub3A_113 = arith.constant 1 : i32
    %sub3A_114 = vector.broadcast %sub3A_113 : i32 to vector<1024x128xi32>
    %sub3A_115 = arith.subi %div3A_88, %sub3A_114 : vector<1024x128xi32>
    %select_n3A_116 = arith.select %and3A_112, %sub3A_115, %div3A_88 : vector<1024x128xi1>, vector<1024x128xi32>
    %sub3A_117 = arith.constant 2 : i32
    %sub3A_118 = vector.broadcast %sub3A_117 : i32 to vector<1024x128xi32>
    %sub3A_119 = arith.subi %select_n3A_116, %sub3A_118 : vector<1024x128xi32>
    %shift_right_arithmetic3A = arith.constant 1024 : i32
    %shift_right_arithmetic3A_120 = vector.broadcast %shift_right_arithmetic3A : i32 to vector<1024x128xi32>
    %shift_right_arithmetic3A_121 = arith.shrsi %shift_right_arithmetic3A_120, %select_n3A : vector<1024x128xi32>
    %shift_right_arithmetic3A_122 = arith.constant 32 : i32
    %shift_right_arithmetic3A_123 = vector.broadcast %shift_right_arithmetic3A_122 : i32 to vector<1024x128xi32>
    %shift_right_arithmetic3A_124 = arith.shrsi %shift_right_arithmetic3A_123, %select_n3A : vector<1024x128xi32>
    %eq3A_125 = arith.constant 0 : i32
    %eq3A_126 = vector.broadcast %eq3A_125 : i32 to vector<1024x128xi32>
    %eq3A_127 = arith.cmpi eq, %select_n3A, %eq3A_126 : vector<1024x128xi32>
    %eq3A_128 = arith.constant 1 : i32
    %eq3A_129 = vector.broadcast %eq3A_128 : i32 to vector<1024x128xi32>
    %eq3A_130 = arith.cmpi eq, %select_n3A, %eq3A_129 : vector<1024x128xi32>
    %eq3A_131 = arith.constant 2 : i32
    %eq3A_132 = vector.broadcast %eq3A_131 : i32 to vector<1024x128xi32>
    %eq3A_133 = arith.cmpi eq, %select_n3A, %eq3A_132 : vector<1024x128xi32>
    %jit3A_134 = arith.constant 40960 : i32
    %jit3A_135 = arith.constant 43008 : i32
    %broadcast_in_dim3A = vector.broadcast %jit3A_134 : i32 to vector<1024x128xi32>
    %broadcast_in_dim3A_136 = vector.broadcast %jit3A_135 : i32 to vector<1024x128xi32>
    %select_n3A_137 = arith.select %eq3A_133, %broadcast_in_dim3A, %broadcast_in_dim3A_136 : vector<1024x128xi1>, vector<1024x128xi32>
    %jit3A_138 = arith.constant 32768 : i32
    %broadcast_in_dim3A_139 = vector.broadcast %jit3A_138 : i32 to vector<1024x128xi32>
    %select_n3A_140 = arith.select %eq3A_130, %broadcast_in_dim3A_139, %select_n3A_137 : vector<1024x128xi1>, vector<1024x128xi32>
    %jit3A_141 = arith.constant 0 : i32
    %broadcast_in_dim3A_142 = vector.broadcast %jit3A_141 : i32 to vector<1024x128xi32>
    %select_n3A_143 = arith.select %eq3A_127, %broadcast_in_dim3A_142, %select_n3A_140 : vector<1024x128xi1>, vector<1024x128xi32>
    %convert_element_type3A = arith.sitofp %shift_right_arithmetic3A_121 : vector<1024x128xi32> to vector<1024x128xf32>
    %mul3A = vector.broadcast %get3A_14 : vector<1024x1xf32> to vector<1024x128xf32>
    %mul3A_144 = arith.mulf %mul3A, %convert_element_type3A : vector<1024x128xf32>
    %sub3A_145 = arith.constant 5.000000e-01 : f32
    %sub3A_146 = vector.broadcast %sub3A_145 : f32 to vector<1024x128xf32>
    %sub3A_147 = arith.subf %mul3A_144, %sub3A_146 : vector<1024x128xf32>
    %round3A = math.roundeven %sub3A_147 : vector<1024x128xf32>
    %convert_element_type3A_148 = arith.fptosi %round3A : vector<1024x128xf32> to vector<1024x128xi32>
    %convert_element_type3A_149 = arith.sitofp %shift_right_arithmetic3A_124 : vector<1024x128xi32> to vector<1024x128xf32>
    %mul3A_150 = vector.broadcast %get3A_17 : vector<1024x1xf32> to vector<1024x128xf32>
    %mul3A_151 = arith.mulf %mul3A_150, %convert_element_type3A_149 : vector<1024x128xf32>
    %sub3A_152 = arith.constant 5.000000e-01 : f32
    %sub3A_153 = vector.broadcast %sub3A_152 : f32 to vector<1024x128xf32>
    %sub3A_154 = arith.subf %mul3A_151, %sub3A_153 : vector<1024x128xf32>
    %round3A_155 = math.roundeven %sub3A_154 : vector<1024x128xf32>
    %convert_element_type3A_156 = arith.fptosi %round3A_155 : vector<1024x128xf32> to vector<1024x128xi32>
    %add3A_157 = arith.addi %convert_element_type3A_148, %sub3A_85 : vector<1024x128xi32>
    %add3A_158 = arith.addi %convert_element_type3A_156, %sub3A_119 : vector<1024x128xi32>
    %lt3A_159 = arith.constant 0 : i32
    %lt3A_160 = vector.broadcast %lt3A_159 : i32 to vector<1024x128xi32>
    %lt3A_161 = arith.cmpi slt, %add3A_157, %lt3A_160 : vector<1024x128xi32>
    %ge3A = arith.cmpi sge, %add3A_157, %shift_right_arithmetic3A_121 : vector<1024x128xi32>
    %or3A = arith.ori %lt3A_161, %ge3A : vector<1024x128xi1>
    %lt3A_162 = arith.constant 0 : i32
    %lt3A_163 = vector.broadcast %lt3A_162 : i32 to vector<1024x128xi32>
    %lt3A_164 = arith.cmpi slt, %add3A_158, %lt3A_163 : vector<1024x128xi32>
    %or3A_165 = arith.ori %or3A, %lt3A_164 : vector<1024x128xi1>
    %ge3A_166 = arith.cmpi sge, %add3A_158, %shift_right_arithmetic3A_124 : vector<1024x128xi32>
    %or3A_167 = arith.ori %or3A_165, %ge3A_166 : vector<1024x128xi1>
    %sub3A_168 = arith.constant 1 : i32
    %sub3A_169 = vector.broadcast %sub3A_168 : i32 to vector<1024x128xi32>
    %sub3A_170 = arith.subi %shift_right_arithmetic3A_121, %sub3A_169 : vector<1024x128xi32>
    %jit3A_171 = arith.constant 0 : i32
    %max3A = vector.broadcast %jit3A_171 : i32 to vector<1024x128xi32>
    %max3A_172 = arith.maxsi %max3A, %add3A_157 : vector<1024x128xi32>
    %min3A = arith.minsi %sub3A_170, %max3A_172 : vector<1024x128xi32>
    %sub3A_173 = arith.constant 1 : i32
    %sub3A_174 = vector.broadcast %sub3A_173 : i32 to vector<1024x128xi32>
    %sub3A_175 = arith.subi %shift_right_arithmetic3A_124, %sub3A_174 : vector<1024x128xi32>
    %jit3A_176 = arith.constant 0 : i32
    %max3A_177 = vector.broadcast %jit3A_176 : i32 to vector<1024x128xi32>
    %max3A_178 = arith.maxsi %max3A_177, %add3A_158 : vector<1024x128xi32>
    %min3A_179 = arith.minsi %sub3A_175, %max3A_178 : vector<1024x128xi32>
    %mul3A_180 = arith.muli %min3A_179, %shift_right_arithmetic3A_121 : vector<1024x128xi32>
    %add3A_181 = arith.addi %select_n3A_143, %mul3A_180 : vector<1024x128xi32>
    %add3A_182 = arith.addi %add3A_181, %min3A : vector<1024x128xi32>
    %swap3A_183 = arith.constant 0 : index
    %swap3A_184 = arith.constant 0 : index
    %swap3A_185 = vector.load %arg6[%swap3A_183, %swap3A_184] : memref<1024x128xi32, #tpu.memory_space<vmem>>, vector<1024x128xi32>
    tpu.vector_store %arg6[%swap3A_183, %swap3A_184], %add3A_182 {strides = array<i32>} : memref<1024x128xi32, #tpu.memory_space<vmem>>, vector<1024x128xi32>,
    %jit3A_186 = arith.constant 0.000000e+00 : f32
    %jit3A_187 = arith.constant 1.000000e+00 : f32
    %broadcast_in_dim3A_188 = vector.broadcast %jit3A_186 : f32 to vector<1024x128xf32>
    %broadcast_in_dim3A_189 = vector.broadcast %jit3A_187 : f32 to vector<1024x128xf32>
    %select_n3A_190 = arith.select %or3A_167, %broadcast_in_dim3A_188, %broadcast_in_dim3A_189 : vector<1024x128xi1>, vector<1024x128xf32>
    %swap3A_191 = arith.constant 0 : index
    %swap3A_192 = arith.constant 0 : index
    %swap3A_193 = vector.load %arg7[%swap3A_191, %swap3A_192] : memref<1024x128xf32, #tpu.memory_space<vmem>>, vector<1024x128xf32>
    tpu.vector_store %arg7[%swap3A_191, %swap3A_192], %select_n3A_190 {strides = array<i32>} : memref<1024x128xf32, #tpu.memory_space<vmem>>, vector<1024x128xf32>,
    return
  }
}

module attributes {stable_mosaic.version = 14 : i64} {
  func.func @_attn_kernel(%arg0: i32, %arg1: memref<8192x256xf32, #tpu.memory_space<vmem>>, %arg2: memref<64x256xf32, #tpu.memory_space<vmem>>, %arg3: memref<64x128xf32, #tpu.memory_space<vmem>>, %arg4: memref<256x256xbf16, #tpu.memory_space<vmem>>, %arg5: memref<256x256xbf16, #tpu.memory_space<vmem>>, %arg6: memref<256x256xf32, #tpu.memory_space<vmem>>, %arg7: memref<1x256xf32, #tpu.memory_space<vmem>>, %arg8: memref<1x256xf32, #tpu.memory_space<vmem>>, %arg9: memref<1x256xf32, #tpu.memory_space<vmem>>, %arg10: memref<64x256xf32, #tpu.memory_space<vmem>>) attributes {dimension_semantics = [#tpu.dimension_semantics<arbitrary>], iteration_bounds = array<i64: 4>, scalar_prefetch = 0 : i64, scratch_operands = 0 : i64, tpu.core_type = #tpu.core_type<tc>, window_params = [{transform_indices = @transform_0, window_bounds = array<i64: 8192, 256>}, {transform_indices = @transform_1, window_bounds = array<i64: 64, 256>}, {transform_indices = @transform_2, window_bounds = array<i64: 64, 128>}, {pipeline_mode = #tpu.pipeline_mode<synchronous>, transform_indices = @transform_3, window_bounds = array<i64: 256, 256>}, {pipeline_mode = #tpu.pipeline_mode<synchronous>, transform_indices = @transform_4, window_bounds = array<i64: 256, 256>}, {pipeline_mode = #tpu.pipeline_mode<synchronous>, transform_indices = @transform_5, window_bounds = array<i64: 256, 256>}, {pipeline_mode = #tpu.pipeline_mode<synchronous>, transform_indices = @transform_6, window_bounds = array<i64: 1, 256>}, {pipeline_mode = #tpu.pipeline_mode<synchronous>, transform_indices = @transform_7, window_bounds = array<i64: 1, 256>}, {pipeline_mode = #tpu.pipeline_mode<synchronous>, transform_indices = @transform_8, window_bounds = array<i64: 1, 256>}, {transform_indices = @transform_9, window_bounds = array<i64: 64, 256>}]} {
    %get3A = arith.constant 0 : index
    %get3A_0 = arith.constant 0 : index
    %get3A_1 = vector.load %arg1[%get3A, %get3A_0] : memref<8192x256xf32, #tpu.memory_space<vmem>>, vector<8192x256xf32>
    %convert_element_type3A = arith.truncf %get3A_1 : vector<8192x256xf32> to vector<8192x256xbf16>
    %get3A_2 = arith.constant 0 : index
    %get3A_3 = arith.constant 0 : index
    %get3A_4 = vector.load %arg4[%get3A_2, %get3A_3] : memref<256x256xbf16, #tpu.memory_space<vmem>>, vector<256x256xbf16>
    %dot_general3A = arith.constant dense<0.000000e+00> : vector<8192x256xf32>
    %dot_general3A_5 = tpu.matmul %convert_element_type3A, %get3A_4, %dot_general3A {dimension_numbers = #tpu.dot_dimension_numbers<[1], [0], [0], [1], [0, 0, 1, 1], [], []>, transpose_lhs_hint = false} : vector<8192x256xbf16>, vector<256x256xbf16>, vector<8192x256xf32> -> vector<8192x256xf32>
    %get3A_6 = arith.constant 0 : index
    %get3A_7 = arith.constant 0 : index
    %get3A_8 = vector.load %arg7[%get3A_6, %get3A_7] : memref<1x256xf32, #tpu.memory_space<vmem>>, vector<1x256xf32>
    %add3A = vector.broadcast %get3A_8 : vector<1x256xf32> to vector<8192x256xf32>
    %add3A_9 = arith.addf %dot_general3A_5, %add3A : vector<8192x256xf32>
    %convert_element_type3A_10 = arith.truncf %add3A_9 : vector<8192x256xf32> to vector<8192x256xbf16>
    %get3A_11 = arith.constant 0 : index
    %get3A_12 = arith.constant 0 : index
    %get3A_13 = vector.load %arg5[%get3A_11, %get3A_12] : memref<256x256xbf16, #tpu.memory_space<vmem>>, vector<256x256xbf16>
    %dot_general3A_14 = arith.constant dense<0.000000e+00> : vector<8192x256xf32>
    %dot_general3A_15 = tpu.matmul %convert_element_type3A, %get3A_13, %dot_general3A_14 {dimension_numbers = #tpu.dot_dimension_numbers<[1], [0], [0], [1], [0, 0, 1, 1], [], []>, transpose_lhs_hint = false} : vector<8192x256xbf16>, vector<256x256xbf16>, vector<8192x256xf32> -> vector<8192x256xf32>
    %get3A_16 = arith.constant 0 : index
    %get3A_17 = arith.constant 0 : index
    %get3A_18 = vector.load %arg8[%get3A_16, %get3A_17] : memref<1x256xf32, #tpu.memory_space<vmem>>, vector<1x256xf32>
    %add3A_19 = vector.broadcast %get3A_18 : vector<1x256xf32> to vector<8192x256xf32>
    %add3A_20 = arith.addf %dot_general3A_15, %add3A_19 : vector<8192x256xf32>
    %get3A_21 = arith.constant 0 : index
    %get3A_22 = arith.constant 0 : index
    %get3A_23 = vector.load %arg2[%get3A_21, %get3A_22] : memref<64x256xf32, #tpu.memory_space<vmem>>, vector<64x256xf32>
    %convert_element_type3A_24 = arith.truncf %get3A_23 : vector<64x256xf32> to vector<64x256xbf16>
    %iota3A = tpu.iota {dimensions = array<i32: 0>} : vector<256x8xi32>
    %iota3A_25 = tpu.iota {dimensions = array<i32: 1>} : vector<256x8xi32>
    %jit3A = arith.constant 32 : i32
    %div3A = vector.broadcast %jit3A : i32 to vector<256x8xi32>
    %div3A_26 = arith.divsi %iota3A, %div3A : vector<256x8xi32>
    %sign3A = arith.constant 0 : i32
    %sign3A_27 = vector.broadcast %sign3A : i32 to vector<256x8xi32>
    %sign3A_28 = arith.cmpi sgt, %iota3A, %sign3A_27 : vector<256x8xi32>
    %sign3A_29 = arith.extui %sign3A_28 : vector<256x8xi1> to vector<256x8xi32>
    %sign3A_30 = arith.constant 0 : i32
    %sign3A_31 = vector.broadcast %sign3A_30 : i32 to vector<256x8xi32>
    %sign3A_32 = arith.cmpi slt, %iota3A, %sign3A_31 : vector<256x8xi32>
    %sign3A_33 = arith.extui %sign3A_32 : vector<256x8xi1> to vector<256x8xi32>
    %sign3A_34 = arith.subi %sign3A_29, %sign3A_33 : vector<256x8xi32>
    %sign3A_35 = arith.constant 0 : i32
    %sign3A_36 = arith.cmpi sgt, %jit3A, %sign3A_35 : i32
    %sign3A_37 = arith.extui %sign3A_36 : i1 to i32
    %sign3A_38 = arith.constant 0 : i32
    %sign3A_39 = arith.cmpi slt, %jit3A, %sign3A_38 : i32
    %sign3A_40 = arith.extui %sign3A_39 : i1 to i32
    %sign3A_41 = arith.subi %sign3A_37, %sign3A_40 : i32
    %ne3A = vector.broadcast %sign3A_41 : i32 to vector<256x8xi32>
    %ne3A_42 = arith.cmpi ne, %sign3A_34, %ne3A : vector<256x8xi32>
    %rem3A = vector.broadcast %jit3A : i32 to vector<256x8xi32>
    %rem3A_43 = arith.remsi %iota3A, %rem3A : vector<256x8xi32>
    %ne3A_44 = arith.constant 0 : i32
    %ne3A_45 = vector.broadcast %ne3A_44 : i32 to vector<256x8xi32>
    %ne3A_46 = arith.cmpi ne, %rem3A_43, %ne3A_45 : vector<256x8xi32>
    %and3A = arith.andi %ne3A_42, %ne3A_46 : vector<256x8xi1>
    %sub3A = arith.constant 1 : i32
    %sub3A_47 = vector.broadcast %sub3A : i32 to vector<256x8xi32>
    %sub3A_48 = arith.subi %div3A_26, %sub3A_47 : vector<256x8xi32>
    %select_n3A = arith.select %and3A, %sub3A_48, %div3A_26 : vector<256x8xi1>, vector<256x8xi32>
    %eq3A = arith.cmpi eq, %select_n3A, %iota3A_25 : vector<256x8xi32>
    %convert_element_type3A_49 = arith.extui %eq3A : vector<256x8xi1> to vector<256x8xi32>
    %convert_element_type3A_50 = arith.sitofp %convert_element_type3A_49 : vector<256x8xi32> to vector<256x8xf32>
    %convert_element_type3A_51 = arith.truncf %convert_element_type3A_50 : vector<256x8xf32> to vector<256x8xbf16>
    %iota3A_52 = tpu.iota {dimensions = array<i32: 1>} : vector<8x256xi32>
    %jit3A_53 = arith.constant 32 : i32
    %div3A_54 = vector.broadcast %jit3A_53 : i32 to vector<8x256xi32>
    %div3A_55 = arith.divsi %iota3A_52, %div3A_54 : vector<8x256xi32>
    %sign3A_56 = arith.constant 0 : i32
    %sign3A_57 = vector.broadcast %sign3A_56 : i32 to vector<8x256xi32>
    %sign3A_58 = arith.cmpi sgt, %iota3A_52, %sign3A_57 : vector<8x256xi32>
    %sign3A_59 = arith.extui %sign3A_58 : vector<8x256xi1> to vector<8x256xi32>
    %sign3A_60 = arith.constant 0 : i32
    %sign3A_61 = vector.broadcast %sign3A_60 : i32 to vector<8x256xi32>
    %sign3A_62 = arith.cmpi slt, %iota3A_52, %sign3A_61 : vector<8x256xi32>
    %sign3A_63 = arith.extui %sign3A_62 : vector<8x256xi1> to vector<8x256xi32>
    %sign3A_64 = arith.subi %sign3A_59, %sign3A_63 : vector<8x256xi32>
    %sign3A_65 = arith.constant 0 : i32
    %sign3A_66 = arith.cmpi sgt, %jit3A_53, %sign3A_65 : i32
    %sign3A_67 = arith.extui %sign3A_66 : i1 to i32
    %sign3A_68 = arith.constant 0 : i32
    %sign3A_69 = arith.cmpi slt, %jit3A_53, %sign3A_68 : i32
    %sign3A_70 = arith.extui %sign3A_69 : i1 to i32
    %sign3A_71 = arith.subi %sign3A_67, %sign3A_70 : i32
    %ne3A_72 = vector.broadcast %sign3A_71 : i32 to vector<8x256xi32>
    %ne3A_73 = arith.cmpi ne, %sign3A_64, %ne3A_72 : vector<8x256xi32>
    %rem3A_74 = vector.broadcast %jit3A_53 : i32 to vector<8x256xi32>
    %rem3A_75 = arith.remsi %iota3A_52, %rem3A_74 : vector<8x256xi32>
    %ne3A_76 = arith.constant 0 : i32
    %ne3A_77 = vector.broadcast %ne3A_76 : i32 to vector<8x256xi32>
    %ne3A_78 = arith.cmpi ne, %rem3A_75, %ne3A_77 : vector<8x256xi32>
    %and3A_79 = arith.andi %ne3A_73, %ne3A_78 : vector<8x256xi1>
    %sub3A_80 = arith.constant 1 : i32
    %sub3A_81 = vector.broadcast %sub3A_80 : i32 to vector<8x256xi32>
    %sub3A_82 = arith.subi %div3A_55, %sub3A_81 : vector<8x256xi32>
    %select_n3A_83 = arith.select %and3A_79, %sub3A_82, %div3A_55 : vector<8x256xi1>, vector<8x256xi32>
    %iota3A_84 = tpu.iota {dimensions = array<i32: 0>} : vector<8x256xi32>
    %eq3A_85 = arith.cmpi eq, %select_n3A_83, %iota3A_84 : vector<8x256xi32>
    %convert_element_type3A_86 = arith.extui %eq3A_85 : vector<8x256xi1> to vector<8x256xi32>
    %convert_element_type3A_87 = arith.sitofp %convert_element_type3A_86 : vector<8x256xi32> to vector<8x256xf32>
    %broadcast_in_dim3A = vector.shape_cast %convert_element_type3A_24 : vector<64x256xbf16> to vector<64x1x256xbf16>
    %reshape3A = vector.shape_cast %convert_element_type3A_10 : vector<8192x256xbf16> to vector<64x128x256xbf16>
    %mul3A = vector.broadcast %broadcast_in_dim3A : vector<64x1x256xbf16> to vector<64x128x256xbf16>
    %mul3A_88 = arith.mulf %mul3A, %reshape3A : vector<64x128x256xbf16>
    %reshape3A_89 = vector.shape_cast %mul3A_88 : vector<64x128x256xbf16> to vector<8192x256xbf16>
    %dot_general3A_90 = arith.constant dense<0.000000e+00> : vector<8192x8xf32>
    %dot_general3A_91 = tpu.matmul %reshape3A_89, %convert_element_type3A_51, %dot_general3A_90 {dimension_numbers = #tpu.dot_dimension_numbers<[1], [0], [0], [1], [0, 0, 1, 1], [], []>, transpose_lhs_hint = false} : vector<8192x256xbf16>, vector<256x8xbf16>, vector<8192x8xf32> -> vector<8192x8xf32>
    %mul3A_92 = arith.constant 0.176776692 : f32
    %mul3A_93 = vector.broadcast %mul3A_92 : f32 to vector<8192x8xf32>
    %mul3A_94 = arith.mulf %dot_general3A_91, %mul3A_93 : vector<8192x8xf32>
    %reshape3A_95 = vector.shape_cast %mul3A_94 : vector<8192x8xf32> to vector<64x128x8xf32>
    %get3A_96 = arith.constant 0 : index
    %get3A_97 = arith.constant 0 : index
    %get3A_98 = vector.load %arg3[%get3A_96, %get3A_97] : memref<64x128xf32, #tpu.memory_space<vmem>>, vector<64x128xf32>
    %broadcast_in_dim3A_99 = vector.shape_cast %get3A_98 : vector<64x128xf32> to vector<64x128x1xf32>
    %mul3A_100 = vector.broadcast %broadcast_in_dim3A_99 : vector<64x128x1xf32> to vector<64x128x8xf32>
    %mul3A_101 = arith.mulf %reshape3A_95, %mul3A_100 : vector<64x128x8xf32>
    %reduce_max3A = arith.constant dense<0xFF800000> : vector<64x8xf32>
    %reduce_max3A_102 = vector.multi_reduction <maximumf>, %mul3A_101, %reduce_max3A [1] : vector<64x128x8xf32> to vector<64x8xf32>
    %broadcast_in_dim3A_103 = vector.shape_cast %reduce_max3A_102 : vector<64x8xf32> to vector<64x1x8xf32>
    %sub3A_104 = vector.broadcast %broadcast_in_dim3A_103 : vector<64x1x8xf32> to vector<64x128x8xf32>
    %sub3A_105 = arith.subf %mul3A_101, %sub3A_104 : vector<64x128x8xf32>
    %exp3A = math.exp %sub3A_105 : vector<64x128x8xf32>
    %reduce_sum3A = arith.constant dense<0.000000e+00> : vector<64x8xf32>
    %reduce_sum3A_106 = vector.multi_reduction <add>, %exp3A, %reduce_sum3A [1] : vector<64x128x8xf32> to vector<64x8xf32>
    %broadcast_in_dim3A_107 = vector.shape_cast %reduce_sum3A_106 : vector<64x8xf32> to vector<64x1x8xf32>
    %mul3A_108 = vector.broadcast %broadcast_in_dim3A_99 : vector<64x128x1xf32> to vector<64x128x8xf32>
    %mul3A_109 = arith.mulf %exp3A, %mul3A_108 : vector<64x128x8xf32>
    %reshape3A_110 = vector.shape_cast %mul3A_109 : vector<64x128x8xf32> to vector<8192x8xf32>
    %dot_general3A_111 = arith.constant dense<0.000000e+00> : vector<8192x256xf32>
    %dot_general3A_112 = tpu.matmul %reshape3A_110, %convert_element_type3A_87, %dot_general3A_111 {dimension_numbers = #tpu.dot_dimension_numbers<[1], [0], [0], [1], [0, 0, 1, 1], [], []>, transpose_lhs_hint = false} : vector<8192x8xf32>, vector<8x256xf32>, vector<8192x256xf32> -> vector<8192x256xf32>
    %mul3A_113 = arith.mulf %dot_general3A_112, %add3A_20 : vector<8192x256xf32>
    %reshape3A_114 = vector.shape_cast %mul3A_113 : vector<8192x256xf32> to vector<64x128x256xf32>
    %reduce_sum3A_115 = arith.constant dense<0.000000e+00> : vector<64x256xf32>
    %reduce_sum3A_116 = vector.multi_reduction <add>, %reshape3A_114, %reduce_sum3A_115 [1] : vector<64x128x256xf32> to vector<64x256xf32>
    %reshape3A_117 = vector.shape_cast %broadcast_in_dim3A_107 : vector<64x1x8xf32> to vector<64x8xf32>
    %dot_general3A_118 = arith.constant dense<0.000000e+00> : vector<64x256xf32>
    %dot_general3A_119 = tpu.matmul %reshape3A_117, %convert_element_type3A_87, %dot_general3A_118 {dimension_numbers = #tpu.dot_dimension_numbers<[1], [0], [0], [1], [0, 0, 1, 1], [], []>, transpose_lhs_hint = false} : vector<64x8xf32>, vector<8x256xf32>, vector<64x256xf32> -> vector<64x256xf32>
    %div3A_120 = arith.divf %reduce_sum3A_116, %dot_general3A_119 : vector<64x256xf32>
    %get3A_121 = arith.constant 0 : index
    %get3A_122 = arith.constant 0 : index
    %get3A_123 = vector.load %arg6[%get3A_121, %get3A_122] : memref<256x256xf32, #tpu.memory_space<vmem>>, vector<256x256xf32>
    %dot_general3A_124 = arith.constant dense<0.000000e+00> : vector<64x256xf32>
    %dot_general3A_125 = tpu.matmul %div3A_120, %get3A_123, %dot_general3A_124 {dimension_numbers = #tpu.dot_dimension_numbers<[1], [0], [0], [1], [0, 0, 1, 1], [], []>, transpose_lhs_hint = false} : vector<64x256xf32>, vector<256x256xf32>, vector<64x256xf32> -> vector<64x256xf32>
    %get3A_126 = arith.constant 0 : index
    %get3A_127 = arith.constant 0 : index
    %get3A_128 = vector.load %arg9[%get3A_126, %get3A_127] : memref<1x256xf32, #tpu.memory_space<vmem>>, vector<1x256xf32>
    %add3A_129 = vector.broadcast %get3A_128 : vector<1x256xf32> to vector<64x256xf32>
    %add3A_130 = arith.addf %dot_general3A_125, %add3A_129 : vector<64x256xf32>
    %swap3A = arith.constant 0 : index
    %swap3A_131 = arith.constant 0 : index
    %swap3A_132 = vector.load %arg10[%swap3A, %swap3A_131] : memref<64x256xf32, #tpu.memory_space<vmem>>, vector<64x256xf32>
    tpu.vector_store %arg10[%swap3A, %swap3A_131], %add3A_130 {strides = array<i32>} : memref<64x256xf32, #tpu.memory_space<vmem>>, vector<64x256xf32>,
    return
  }
  func.func @transform_0(%arg0: i32) -> (i32, i32) {
    %c0_i32 = arith.constant 0 : i32
    %c0_i32_0 = arith.constant 0 : i32
    return %arg0, %c0_i32 : i32, i32
  }
  func.func @transform_1(%arg0: i32) -> (i32, i32) {
    %c0_i32 = arith.constant 0 : i32
    %c0_i32_0 = arith.constant 0 : i32
    return %arg0, %c0_i32 : i32, i32
  }
  func.func @transform_2(%arg0: i32) -> (i32, i32) {
    %c0_i32 = arith.constant 0 : i32
    %c0_i32_0 = arith.constant 0 : i32
    return %arg0, %c0_i32 : i32, i32
  }
  func.func @transform_3(%arg0: i32) -> (i32, i32) {
    %c0_i32 = arith.constant 0 : i32
    %c0_i32_0 = arith.constant 0 : i32
    %c0_i32_1 = arith.constant 0 : i32
    return %c0_i32, %c0_i32_0 : i32, i32
  }
  func.func @transform_4(%arg0: i32) -> (i32, i32) {
    %c0_i32 = arith.constant 0 : i32
    %c0_i32_0 = arith.constant 0 : i32
    %c0_i32_1 = arith.constant 0 : i32
    return %c0_i32, %c0_i32_0 : i32, i32
  }
  func.func @transform_5(%arg0: i32) -> (i32, i32) {
    %c0_i32 = arith.constant 0 : i32
    %c0_i32_0 = arith.constant 0 : i32
    %c0_i32_1 = arith.constant 0 : i32
    return %c0_i32, %c0_i32_0 : i32, i32
  }
  func.func @transform_6(%arg0: i32) -> (i32, i32) {
    %c0_i32 = arith.constant 0 : i32
    %c0_i32_0 = arith.constant 0 : i32
    %c0_i32_1 = arith.constant 0 : i32
    return %c0_i32, %c0_i32_0 : i32, i32
  }
  func.func @transform_7(%arg0: i32) -> (i32, i32) {
    %c0_i32 = arith.constant 0 : i32
    %c0_i32_0 = arith.constant 0 : i32
    %c0_i32_1 = arith.constant 0 : i32
    return %c0_i32, %c0_i32_0 : i32, i32
  }
  func.func @transform_8(%arg0: i32) -> (i32, i32) {
    %c0_i32 = arith.constant 0 : i32
    %c0_i32_0 = arith.constant 0 : i32
    %c0_i32_1 = arith.constant 0 : i32
    return %c0_i32, %c0_i32_0 : i32, i32
  }
  func.func @transform_9(%arg0: i32) -> (i32, i32) {
    %c0_i32 = arith.constant 0 : i32
    %c0_i32_0 = arith.constant 0 : i32
    return %arg0, %c0_i32 : i32, i32
  }
}

</mosaic_0001>

<sc_bundles>
// kernel: kernel.11.cloned.1.call-start
scs
__scs_entry_jumppad:
0x0: {  	(pc) =	sbr.rel $0x88, $3  }
0x1: {  	(tag) =	ssettag $0x0;
	lr =	simm.s32 $0x1  }
0x2: {  	[smem:$0x3F95] =	sst lr;
	_ =	strace $0xD0000000  }
0x3: {  	_ = 	snop  }
0x4: {  	_ = 	snop  }
0x5: {  	_ = 	snop  }
0x6: {  	_ = 	snop  }
0x7: {  	_ = 	snop  }
__scs_overlays_trampoline_lowered:
0x8: {  	[smem:$0x3FA4] =	sst s0  }
0x9: {  	[smem:$0x3FA5] =	sst s1  }
0xa: {  	[smem:$0x3FA6] =	sst s2  }
0xb: {  	[smem:$0x3FA7] =	sst s3  }
0xc: {  	[smem:$0x3FA8] =	sst s4  }
0xd: {  	[smem:$0x3FA9] =	sst s5  }
0xe: {  	[smem:$0x3FAA] =	sst s6  }
0xf: {  	[smem:$0x3FAB] =	sst s7  }
0x10: {  	[smem:$0x3FAC] =	sst s8  }
0x11: {  	[smem:$0x3FAD] =	sst s9;
	s0 =	simm.s32 @!p0 $0x0  }
0x12: {  	s1 =	sld [smem:$0x3F93];
	s0 =	simm.s32 @p0 $0x1  }
0x13: {  	[smem:$0x3FAE] =	sst s0;
	s0 =	simm.s32 @!p1 $0x0  }
0x14: {  	s2 =	sld [smem:$0x3F92];
	s0 =	simm.s32 @p1 $0x1  }
0x15: {  	[smem:$0x3FAF] =	sst s0;
	s0 =	simm.s32 @!p2 $0x0  }
0x16: {  	s3 =	sld [smem:$0x3FDB];
	s0 =	simm.s32 @p2 $0x1  }
0x17: {  	s4 =	simm.s32 $0x1BF5;
	[smem:$0x3FB1] =	sst s0  }
0x18: {  	s0 =	sld [smem:$0x3F94];
	_ =	swait.ge [sflag:s4], $0x0  }
0x19: {  	s7 =	sld [smem:$0x3F95]  }
0x1a: {  	s8 =	sadd.s32 $0xFFFFE003, lr  }
0x1b: {  	s9 =	sadd.s32 $0xFFFFFEF7, lr;
	s5 =	simm.s32 $0xFFFFFFFF;
	p2 =	slt.u32 s8, $0xFFFFF086  }
0x1c: {  	p1 =	slt.u32 s9, $0xF7A;
	s5 =	simm.s32 @!p2 $0x0  }
0x1d: {  	s5 =	simm.s32 @p1 $0x1;
	p0 =	seq.s32 s7, s2  }
0x1e: {  	s7 =	smul.u32 @!p0 $0xF7A, s2;
	p2 =	seq.s32 @!p0 s5, $0x0  }
0x1f: {  	s9 =	smul.u32 $0xF7A, s1;
	s8 =	simm.s32 @!p0 $0x1BF5;
	p2 =	por !p2, p0  }
0x20: {  	[sflag:s8] =	ssyncset.s32 @!p0 $0xFFFFF086;
	s6 =	sadd.s32 @!p0 s3, s7;
	s7 =	simm.s32 @!p0 $0x108  }
0x21: {  	s3 =	sadd.s32 s3, s9;
	s6 =	sadd.s32 @!p0 $0x88, s6;
	s7 =	simm.s32 @p2 $0x1082  }
0x22: {  	[simem:s7], [sflag:s8] =	dma.local @!p0 [hbm:s6], $0xF7A  }
0x23: {  	s9 =	sor.u32 $0xD0000000, s2;
	s6 =	simm.s32 $0x108;
	_ =	swait.ge @!p0 [sflag:s8], $0x0  }
0x24: {  	s3 =	sadd.s32 $0x88, s3;
	s6 =	simm.s32 @!p1 $0x1082;
	[sflag:s4] =	ssyncset.s32 $0xFFFFF086  }
0x25: {  	[simem:s6], [sflag:s4] =	dma.local [hbm:s3], $0xF7A  }
0x26: {  	[smem:$0x3F95] =	sst s1;
	(tag) =	ssettag s2;
	_ =	strace s9  }
0x27: {  	s1 =	sld [smem:$0x3FA5]  }
0x28: {  	s2 =	sld [smem:$0x3FA6]  }
0x29: {  	s4 =	sld [smem:$0x3FA8]  }
0x2a: {  	p0 =	seq.s32 s5, $0x0;
	s5 =	sld [smem:$0x3FA9]  }
0x2b: {  	s6 =	sld [smem:$0x3FAA]  }
0x2c: {  	s7 =	sld [smem:$0x3FAB]  }
0x2d: {  	s3 =	simm.s32 $0x108;
	s8 =	sld [smem:$0x3FAC]  }
0x2e: {  	s3 =	simm.s32 @!p0 $0x1082;
	s9 =	sld [smem:$0x3FAD]  }
0x2f: {  	lr =	sadd.s32 s0, s3;
	s0 =	sld [smem:$0x3FA4]  }
0x30: {  	s3 =	sld [smem:$0x3FA7]  }
0x31: {  	[smem:$0x3FB0] =	sst s10  }
0x32: {  	s10 =	sld [smem:$0x3FAE];
	_ =	sdelay $0x3  }
0x33: {  	p0 =	seq.s32 s10, $0x1;
	s10 =	sld [smem:$0x3FB0];
	_ =	sdelay $0x3  }
0x34: {  	[smem:$0x3FB0] =	sst s10  }
0x35: {  	s10 =	sld [smem:$0x3FAF];
	_ =	sdelay $0x3  }
0x36: {  	p1 =	seq.s32 s10, $0x1;
	s10 =	sld [smem:$0x3FB0];
	_ =	sdelay $0x3  }
0x37: {  	[smem:$0x3FB0] =	sst s10  }
0x38: {  	s10 =	sld [smem:$0x3FB1]  }
0x39: {  	_ = 	snop;
	(pc) =	sbr.ind lr, $3  }
0x3a: {  	_ = 	snop  }
0x3b: {  	_ = 	snop  }
0x3c: {  	p2 =	seq.s32 s10, $0x1;
	s10 =	sld [smem:$0x3FB0]  }
0x3d: {  	_ =	shalt  }
0x3e: {  	_ =	shalt  }
0x3f: {  	_ =	shalt  }
0x40: {  	_ =	shalt  }
0x41: {  	_ =	shalt  }
0x42: {  	_ =	shalt  }
0x43: {  	_ =	shalt  }
0x44: {  	_ =	shalt  }
0x45: {  	_ =	shalt  }
0x46: {  	_ =	shalt  }
0x47: {  	_ =	shalt  }
0x48: {  	_ =	shalt  }
0x49: {  	_ =	shalt  }
0x4a: {  	_ =	shalt  }
0x4b: {  	_ =	shalt  }
0x4c: {  	_ =	shalt  }
0x4d: {  	_ =	shalt  }
0x4e: {  	_ =	shalt  }
0x4f: {  	_ =	shalt  }
0x50: {  	_ =	shalt  }
0x51: {  	_ =	shalt  }
0x52: {  	_ =	shalt  }
0x53: {  	_ =	shalt  }
0x54: {  	_ =	shalt  }
0x55: {  	_ =	shalt  }
0x56: {  	_ =	shalt  }
0x57: {  	_ =	shalt  }
0x58: {  	_ =	shalt  }
0x59: {  	_ =	shalt  }
0x5a: {  	_ =	shalt  }
0x5b: {  	_ =	shalt  }
0x5c: {  	_ =	shalt  }
0x5d: {  	_ =	shalt  }
0x5e: {  	_ =	shalt  }
0x5f: {  	_ =	shalt  }
0x60: {  	_ =	shalt  }
0x61: {  	_ =	shalt  }
0x62: {  	_ =	shalt  }
0x63: {  	_ =	shalt  }
0x64: {  	_ =	shalt  }
0x65: {  	_ =	shalt  }
0x66: {  	_ =	shalt  }
0x67: {  	_ =	shalt  }
0x68: {  	_ =	shalt  }
0x69: {  	_ =	shalt  }
0x6a: {  	_ =	shalt  }
0x6b: {  	_ =	shalt  }
0x6c: {  	_ =	shalt  }
0x6d: {  	_ =	shalt  }
0x6e: {  	_ =	shalt  }
0x6f: {  	_ =	shalt  }
0x70: {  	_ =	shalt  }
0x71: {  	_ =	shalt  }
0x72: {  	_ =	shalt  }
0x73: {  	_ =	shalt  }
0x74: {  	_ =	shalt  }
0x75: {  	_ =	shalt  }
0x76: {  	_ =	shalt  }
0x77: {  	_ =	shalt  }
0x78: {  	_ =	shalt  }
0x79: {  	_ =	shalt  }
0x7a: {  	_ =	shalt  }
0x7b: {  	_ =	shalt  }
0x7c: {  	_ =	shalt  }
0x7d: {  	_ =	shalt  }
0x7e: {  	_ =	shalt  }
0x7f: {  	_ =	shalt  }
0x80: {  	_ =	shalt  }
0x81: {  	_ =	shalt  }
0x82: {  	_ =	shalt  }
0x83: {  	_ =	shalt  }
0x84: {  	_ =	shalt  }
0x85: {  	_ =	shalt  }
0x86: {  	_ =	shalt  }
0x87: {  	_ =	shalt  }
.Lfunc_end0:
.L_simem_size_0:
called_computation_lowered:
.L_overlay_start_0:
0x88: {  	s2 =	sld [smem:$0x3FD9]  }
0x89: {  	s3 =	sld [smem:$0x3FFE];
	_ =	sdelay $0x1  }
0x8a: {  	s1 =	srdreg.scid  }
0x8b: {  	s0 =	sand.u32 $0x1, s1  }
0x8c: {  	s17 =	sshll.u32 s0, $0xA;
	s2 =	sadd.s32 s3, s2  }
0x8d: {  	s2 =	sadd.s32 s2, s17  }
0x8e: {  	[smem:$0x3FBC] =	sst s2  }
0x8f: {  	_ = 	snop  }
0x90: {  	s2 =	sld [smem:$0x3FC6];
	(tm) =	ssettm $0x1  }
0x91: {  	s18 =	sld [smem:$0x3FFB];
	_ =	sdelay $0x3  }
0x92: {  	_ =	strace s18  }
0x93: {  	s3 =	sld [smem:$0x3FFC];
	_ =	sdelay $0x3  }
0x94: {  	_ =	strace s3  }
0x95: {  	s3 =	sld [smem:$0x3FFD];
	_ =	sdelay $0x3  }
0x96: {  	_ =	strace s3  }
0x97: {  	_ =	strace $0x8FFFFFFF  }
0x98: {  	s19 =	sld [smem:$0x3FDB];
	_ =	sdelay $0x1  }
0x99: {  	s4 =	simm.s32 $_scs_section_size  }
0x9a: {  	s5 =	simm.s32 $_size__tile_overlayer_lowered;
	s6 =	simm.s32 $_tile_overlayer_lowered  }
0x9b: {  	s22 =	simm.s32 $0x1BFF;
	s21 =	sshll.u32 s6, $0x1;
	s3 =	sadd.s32 s4, s19  }
0x9c: {  	s7 =	simm.s32 $0x0;
	s20 =	sshll.u32 s5, $0x1;
	s5 =	sadd.s32 s21, s3  }
0x9d: {  	[timem:s7], [sflag:s22] =	dma.local [hbm:s5], s20  }
0x9e: {  	_ =	swait.ge [sflag:s22], s20  }
0x9f: {  	s4 =	ssub.s32 $0x0, s20;
	[sflag:s22] =	ssyncset.done $0x0  }
0xa0: {  	[sflag:s22] =	ssyncadd.s32 s4;
	_ =	sdelay $0x1  }
0xa1: {  	s23 =	simm.s32 $0x1B8B  }
0xa2: {  	_ =	swait.ge [sflag:s23], $0x1  }
0xa3: {  	[sflag:s23] =	ssyncset.done $0x0  }
0xa4: {  	s25 =	simm.s32 $0x1B8E;
	s24 =	sld [smem:$0x3FFE];
	[sflag:s23] =	ssyncadd.s32 $0xFFFFFFFF  }
0xa5: {  	s26 =	simm.s32 $execute0_lowered;
	[smem:$0x3FD2] =	sst s25  }
0xa6: {  	s5 =	sshll.u32 s26, $0x1;
	_ =	strace $0x80000046;
	[dreg:$0x1] =	wrdreg $0xFFFFFFFF  }
0xa7: {  	s28 =	simm.s32 $_size_execute0_lowered;
	s3 =	sadd.s32 s3, s5;
	[dreg:$0x0] =	wrdreg $0x0  }
0xa8: {  	s5 =	sshll.u32 s28, $0x1;
	[dreg:$0x2] =	wrdreg s3  }
0xa9: {  	[dreg:$0x3] =	wrdreg s5  }
0xaa: {  	[dreg:$0x4] =	wrdreg $0xC0  }
0xab: {  	_ =	task [dreg:s7], $0x5FFFF  }
0xac: {  	[dreg:$0x1] =	wrdreg $0xFFFFFFFF  }
0xad: {  	[dreg:$0x0] =	wrdreg $0x60  }
0xae: {  	[dreg:$0x2] =	wrdreg s2  }
0xaf: {  	[dreg:$0x3] =	wrdreg s24  }
0xb0: {  	[dreg:$0x4] =	wrdreg $0x9  }
0xb1: {  	_ =	task.clear_ibuf [dreg:s7], $0x5FFFF;
	_ =	strace $0x90000046  }
0xb2: {  	s29 =	simm.s32 $0x9;
	_ =	strace $0x80000048  }
0xb3: {  	_ =	swait.ge [sflag:s29], $0x1  }
0xb4: {  	[sflag:s29] =	ssyncadd.s32 $0xFFFFFFFF  }
0xb5: {  	_ =	strace $0x90000048  }
0xb6: {  	_ =	sfence  }
0xb7: {  	s30 =	sld [smem:$0x0];
	_ =	sdelay $0x2  }
0xb8: {  	s31 =	sshll.u32 s1, $0xD;
	s1 =	sshrl.u32 s1, $0x2  }
0xb9: {  	s3 =	sand.u32 $0x4000, s31;
	s1 =	sadd.s32 s1, s30  }
0xba: {  	s0 =	sor.u32 s3, s0;
	s1 =	sshll.u32 s1, $0x11  }
0xbb: {  	s0 =	sor.u32 s1, s0  }
0xbc: {  	s0 =	sadd.s32 $0x8F2B, s0  }
0xbd: {  	[sflag:s0] =	ssyncadd.remote.s32 $0x1  }
0xbe: {  	_ =	sfence.sel $0xFFFF  }
0xbf: {  	[dreg:$0x0] =	wrdreg $0xFFFFFFFF;
	(pc) =	sbr.abs _section_cstart, $3  }
0xc0: {  	[dreg:$0x1] =	wrdreg $0xFFFFFFFF  }
0xc1: {  	_ =	task.clear_ibuf [dreg:s7], $0x2FFFF;
	_ =	strace $0x9FFFFFFF  }
0xc2: {  	(tm) =	ssettm $0x7FFFFFFF  }
0xc3: {  	_ =	shalt  }
tec
execute0_lowered:
.L_overlay_start_1:
0x0: {  	(tag) =	ssettag $0x1  }
0x1: {  	s0 =	srdreg.scid;
	s2 =	rddreg [dreg:$0x0]  }
0x2: {  	s1 =	stileid.u32;
	s4 =	rddreg [dreg:$0x1];
	s28 =	simm.s32 $0x400  }
0x3: {  	s12 =	simm.s32 $0x1;
	s13 =	simm.s32 $0x4;
	s14 =	simm.s32 $0x2  }
0x4: {  	s15 =	simm.s32 $0x5;
	s16 =	simm.s32 $0x3;
	s17 =	simm.s32 $0x6  }
0x5: {  	s29 =	simm.s32 $0x4C00;
	s30 =	simm.s32 $0x5400;
	s0 =	sand.u32 $0x1, s0  }
0x6: {  	s31 =	simm.s32 $0x5C00;
	s1 =	sshll.u32 s1, $0xB;
	s3 =	sshll.u32 s0, $0xA  }
0x7: {  	s6 =	simm.s32 $0x10C00;
	s9 =	simm.s32 $0x11400;
	s1 =	sor.u32 s3, s1  }
0x8: {  	s10 =	simm.s32 $0x11C00;
	s11 =	simm.s32 $0x12400;
	s5 =	sshrl.u32 s1, $0x3  }
0x9: {  	s3 =	simm.s32 $0x0;
	s1 =	sshll.u32 s1, $0x5;
	s5 =	sadd.s32 s5, s4  }
0xa: {  	[smem:$0x7FF] =	sst s3;
	s1 =	sadd.s32 s1, s4;
	s18 =	sadd.s32 $0x7000, s5  }
0xb: {  	_ =	strace $0x80000047;
	s19 =	sadd.s32 $0xB000, s1;
	[dreg:$0x3] =	wrdreg s18  }
0xc: {  	s7 =	simm.s32 $0x13C00;
	s20 =	sadd.s32 $0xC000, s1;
	[dreg:$0x4] =	wrdreg s19  }
0xd: {  	s8 =	simm.s32 $0x14400;
	s21 =	sadd.s32 $0xD000, s1;
	[dreg:$0x5] =	wrdreg s20  }
0xe: {  	s0 =	ssub.s32 $0x2, s0;
	s22 =	sadd.s32 $0xE000, s1;
	[dreg:$0x6] =	wrdreg s21  }
0xf: {  	s25 =	sshrl.u32 s0, $0x1;
	s23 =	sadd.s32 $0xF000, s1;
	[dreg:$0x7] =	wrdreg s22  }
0x10: {  	s0 =	ssub.s32 s0, s25;
	s24 =	sadd.s32 $0x10000, s1;
	[dreg:$0x8] =	wrdreg s23  }
0x11: {  	s25 =	simm.s32 $0x17400;
	s26 =	sadd.s32 $0x11000, s1;
	[dreg:$0x9] =	wrdreg s24  }
0x12: {  	s4 =	smax.u32 s0, $0x1;
	s1 =	sadd.s32 $0x12000, s1;
	[dreg:$0xa] =	wrdreg s26  }
0x13: {  	v2 =	vlaneseq.u32;
	s5 =	simm.s32 $0x13400;
	[dreg:$0xb] =	wrdreg s1;
	s22 =	simm.s32 $0x8400  }
0x14: {  	vm0 =	vmmov $0xffff;
	v1 =	vshrl.u32 v2, $0x3;
	s19 =	simm.s32 $0x14C00;
	s20 =	simm.s32 $0x15400;
	s21 =	simm.s32 $0x15C00  }
0x15: {  	v0 =	vand.u32 $0x7, v2;
	v2 =	vor.u32 $0x8, v2;
	v1 =	vmul.u32 $0x8, v1;
	s23 =	simm.s32 $0x16400;
	s24 =	simm.s32 $0x16C00;
	s26 =	simm.s32 $0x17C00  }
.LBB2_1:
0x16: {  	s18 =	rddreg [dreg:$0x3];
	s0 =	simm.s32 $0x7  }
0x17: {  	[tilespmem:s3], [sflag:$0x7] =	stream.linear.gather [hbm4b:s18+s3], $0x400, $0x38;
	[tilespmem:$0x18400] =	vst v63  }
0x18: {  	_ =	swait.ge [sflag:s0], $0x400  }
0x19: {  	[sflag:s0] =	ssyncset.done $0x0  }
0x1a: {  	[sflag:s0] =	ssyncadd.s32 $0xFFFFFC00  }
0x1b: {  	v3 =	vld [tilespmem:$0x0];
	_ =	sdelay $0x4  }
0x1c: {  	v4 =	vshll.u32 v3, $0x1  }
0x1d: {  	v3 =	vand.u32 $0x7, v3;
	v4 =	vand.u32 $0xFFFFFFF0, v4  }
0x1e: {  	v3 =	vor.u32 v3, v4  }
0x1f: {  	v4 =	vperm.xlane v3, v0;
	_ =	sdelay $0x1  }
0x20: {  	v3 =	vperm.xlane v3, v2;
	v4 =	vadd.s32 v1, v4;
	_ =	sdelay $0x1  }
0x21: {  	v3 =	vadd.s32 v1, v3;
	_ =	sdelay $0x2  }
0x22: {  	[tilespmem:s28], [sflag:$0x1] =	stream.indirect_vreg.gather [hbm4b:s2+s3], $0x80, v4, vm0, $0xb8;
	[tilespmem:$0x18400] =	vst v63  }
0x23: {  	s0 =	simm.s32 $0xC00  }
0x24: {  	[tilespmem:s0], [sflag:$0x1] =	stream.indirect_vreg.gather [hbm4b:s2+s3], $0x80, v3, vm0, $0xb8;
	[tilespmem:$0x18400] =	vst v63  }
0x25: {  	v3 =	vld [tilespmem:$0x10];
	_ =	sdelay $0x4  }
0x26: {  	v57 =	vshll.u32 v3, $0x1  }
0x27: {  	v3 =	vand.u32 $0x7, v3;
	v4 =	vand.u32 $0xFFFFFFF0, v57  }
0x28: {  	v3 =	vor.u32 v3, v4  }
0x29: {  	v4 =	vperm.xlane v3, v0;
	_ =	sdelay $0x1  }
0x2a: {  	v3 =	vperm.xlane v3, v2;
	v4 =	vadd.s32 v1, v4;
	_ =	sdelay $0x1  }
0x2b: {  	v3 =	vadd.s32 v1, v3;
	_ =	sdelay $0x1  }
0x2c: {  	s1 =	simm.s32 $0x1400  }
0x2d: {  	[tilespmem:s1], [sflag:$0x1] =	stream.indirect_vreg.gather [hbm4b:s2+s3], $0x80, v4, vm0, $0xb8;
	[tilespmem:$0x18400] =	vst v63  }
0x2e: {  	s18 =	simm.s32 $0x1C00  }
0x2f: {  	[tilespmem:s18], [sflag:$0x1] =	stream.indirect_vreg.gather [hbm4b:s2+s3], $0x80, v3, vm0, $0xb8;
	[tilespmem:$0x18400] =	vst v63  }
0x30: {  	v3 =	vld [tilespmem:$0x20];
	_ =	sdelay $0x4  }
0x31: {  	v58 =	vshll.u32 v3, $0x1  }
0x32: {  	v3 =	vand.u32 $0x7, v3;
	v4 =	vand.u32 $0xFFFFFFF0, v58  }
0x33: {  	v3 =	vor.u32 v3, v4  }
0x34: {  	v4 =	vperm.xlane v3, v0;
	_ =	sdelay $0x1  }
0x35: {  	v3 =	vperm.xlane v3, v2;
	v4 =	vadd.s32 v1, v4;
	_ =	sdelay $0x1  }
0x36: {  	v3 =	vadd.s32 v1, v3;
	_ =	sdelay $0x1  }
0x37: {  	s1 =	simm.s32 $0x2400  }
0x38: {  	[tilespmem:s1], [sflag:$0x1] =	stream.indirect_vreg.gather [hbm4b:s2+s3], $0x80, v4, vm0, $0xb8;
	[tilespmem:$0x18400] =	vst v63  }
0x39: {  	s18 =	simm.s32 $0x2C00  }
0x3a: {  	[tilespmem:s18], [sflag:$0x1] =	stream.indirect_vreg.gather [hbm4b:s2+s3], $0x80, v3, vm0, $0xb8;
	[tilespmem:$0x18400] =	vst v63  }
0x3b: {  	v3 =	vld [tilespmem:$0x30];
	_ =	sdelay $0x4  }
0x3c: {  	v59 =	vshll.u32 v3, $0x1  }
0x3d: {  	v3 =	vand.u32 $0x7, v3;
	v4 =	vand.u32 $0xFFFFFFF0, v59  }
0x3e: {  	v3 =	vor.u32 v3, v4  }
0x3f: {  	v4 =	vperm.xlane v3, v0;
	_ =	sdelay $0x1  }
0x40: {  	v3 =	vperm.xlane v3, v2;
	v4 =	vadd.s32 v1, v4;
	_ =	sdelay $0x1  }
0x41: {  	v3 =	vadd.s32 v1, v3;
	_ =	sdelay $0x1  }
0x42: {  	s1 =	simm.s32 $0x3400  }
0x43: {  	[tilespmem:s1], [sflag:$0x1] =	stream.indirect_vreg.gather [hbm4b:s2+s3], $0x80, v4, vm0, $0xb8;
	[tilespmem:$0x18400] =	vst v63  }
0x44: {  	s18 =	simm.s32 $0x3C00  }
0x45: {  	[tilespmem:s18], [sflag:$0x1] =	stream.indirect_vreg.gather [hbm4b:s2+s3], $0x80, v3, vm0, $0xb8;
	[tilespmem:$0x18400] =	vst v63  }
0x46: {  	v3 =	vld [tilespmem:$0x40];
	_ =	sdelay $0x4  }
0x47: {  	v60 =	vshll.u32 v3, $0x1  }
0x48: {  	v3 =	vand.u32 $0x7, v3;
	v4 =	vand.u32 $0xFFFFFFF0, v60  }
0x49: {  	v3 =	vor.u32 v3, v4  }
0x4a: {  	v4 =	vperm.xlane v3, v0;
	_ =	sdelay $0x1  }
0x4b: {  	v3 =	vperm.xlane v3, v2;
	v4 =	vadd.s32 v1, v4;
	_ =	sdelay $0x1  }
0x4c: {  	v3 =	vadd.s32 v1, v3;
	_ =	sdelay $0x1  }
0x4d: {  	s1 =	simm.s32 $0x4400  }
0x4e: {  	[tilespmem:s1], [sflag:$0x1] =	stream.indirect_vreg.gather [hbm4b:s2+s3], $0x80, v4, vm0, $0xb8;
	[tilespmem:$0x18400] =	vst v63  }
0x4f: {  	_ = 	snop  }
0x50: {  	[tilespmem:s29], [sflag:$0x1] =	stream.indirect_vreg.gather [hbm4b:s2+s3], $0x80, v3, vm0, $0xb8;
	[tilespmem:$0x18400] =	vst v63  }
0x51: {  	v3 =	vld [tilespmem:$0x50];
	_ =	sdelay $0x4  }
0x52: {  	v61 =	vshll.u32 v3, $0x1  }
0x53: {  	v3 =	vand.u32 $0x7, v3;
	v4 =	vand.u32 $0xFFFFFFF0, v61  }
0x54: {  	v3 =	vor.u32 v3, v4  }
0x55: {  	v4 =	vperm.xlane v3, v0;
	_ =	sdelay $0x1  }
0x56: {  	v3 =	vperm.xlane v3, v2;
	v4 =	vadd.s32 v1, v4;
	_ =	sdelay $0x1  }
0x57: {  	v3 =	vadd.s32 v1, v3;
	_ =	sdelay $0x2  }
0x58: {  	[tilespmem:s30], [sflag:$0x1] =	stream.indirect_vreg.gather [hbm4b:s2+s3], $0x80, v4, vm0, $0xb8;
	[tilespmem:$0x18400] =	vst v63  }
0x59: {  	_ = 	snop  }
0x5a: {  	[tilespmem:s31], [sflag:$0x1] =	stream.indirect_vreg.gather [hbm4b:s2+s3], $0x80, v3, vm0, $0xb8;
	[tilespmem:$0x18400] =	vst v63  }
0x5b: {  	v3 =	vld [tilespmem:$0x60];
	_ =	sdelay $0x4  }
0x5c: {  	v62 =	vshll.u32 v3, $0x1  }
0x5d: {  	v3 =	vand.u32 $0x7, v3;
	v4 =	vand.u32 $0xFFFFFFF0, v62  }
0x5e: {  	v3 =	vor.u32 v3, v4  }
0x5f: {  	v4 =	vperm.xlane v3, v0;
	_ =	sdelay $0x1  }
0x60: {  	v3 =	vperm.xlane v3, v2;
	v4 =	vadd.s32 v1, v4;
	_ =	sdelay $0x1  }
0x61: {  	v3 =	vadd.s32 v1, v3;
	_ =	sdelay $0x1  }
0x62: {  	s18 =	simm.s32 $0x6400  }
0x63: {  	[tilespmem:s18], [sflag:$0x1] =	stream.indirect_vreg.gather [hbm4b:s2+s3], $0x80, v4, vm0, $0xb8;
	[tilespmem:$0x18400] =	vst v63  }
0x64: {  	s1 =	simm.s32 $0x6C00  }
0x65: {  	[tilespmem:s1], [sflag:$0x1] =	stream.indirect_vreg.gather [hbm4b:s2+s3], $0x80, v3, vm0, $0xb8;
	[tilespmem:$0x18400] =	vst v63  }
0x66: {  	v3 =	vld [tilespmem:$0x70];
	_ =	sdelay $0x4  }
0x67: {  	v63 =	vshll.u32 v3, $0x1  }
0x68: {  	v3 =	vand.u32 $0x7, v3;
	v4 =	vand.u32 $0xFFFFFFF0, v63  }
0x69: {  	v3 =	vor.u32 v3, v4  }
0x6a: {  	v4 =	vperm.xlane v3, v0;
	_ =	sdelay $0x1  }
0x6b: {  	v3 =	vperm.xlane v3, v2;
	v4 =	vadd.s32 v1, v4;
	_ =	sdelay $0x1  }
0x6c: {  	v3 =	vadd.s32 v1, v3;
	_ =	sdelay $0x1  }
0x6d: {  	s18 =	simm.s32 $0x7400  }
0x6e: {  	[tilespmem:s18], [sflag:$0x1] =	stream.indirect_vreg.gather [hbm4b:s2+s3], $0x80, v4, vm0, $0xb8;
	[tilespmem:$0x18400] =	vst v63  }
0x6f: {  	s1 =	simm.s32 $0x7C00  }
0x70: {  	[tilespmem:s1], [sflag:$0x1] =	stream.indirect_vreg.gather [hbm4b:s2+s3], $0x80, v3, vm0, $0xb8;
	[tilespmem:$0x18400] =	vst v63  }
0x71: {  	v3 =	vld [tilespmem:$0x80];
	_ =	sdelay $0x4  }
0x72: {  	v8 =	vshll.u32 v3, $0x1  }
0x73: {  	v3 =	vand.u32 $0x7, v3;
	v4 =	vand.u32 $0xFFFFFFF0, v8  }
0x74: {  	v3 =	vor.u32 v3, v4  }
0x75: {  	v4 =	vperm.xlane v3, v0;
	_ =	sdelay $0x1  }
0x76: {  	v3 =	vperm.xlane v3, v2;
	v4 =	vadd.s32 v1, v4;
	_ =	sdelay $0x1  }
0x77: {  	v3 =	vadd.s32 v1, v3;
	_ =	sdelay $0x2  }
0x78: {  	[tilespmem:s22], [sflag:$0x2] =	stream.indirect_vreg.gather [hbm4b:s2+s3], $0x80, v4, vm0, $0xb8;
	[tilespmem:$0x18400] =	vst v63  }
0x79: {  	s18 =	simm.s32 $0x8C00  }
0x7a: {  	[tilespmem:s18], [sflag:$0x2] =	stream.indirect_vreg.gather [hbm4b:s2+s3], $0x80, v3, vm0, $0xb8;
	[tilespmem:$0x18400] =	vst v63  }
0x7b: {  	v3 =	vld [tilespmem:$0x90];
	_ =	sdelay $0x4  }
0x7c: {  	v9 =	vshll.u32 v3, $0x1  }
0x7d: {  	v3 =	vand.u32 $0x7, v3;
	v4 =	vand.u32 $0xFFFFFFF0, v9  }
0x7e: {  	v3 =	vor.u32 v3, v4  }
0x7f: {  	v4 =	vperm.xlane v3, v0;
	_ =	sdelay $0x1  }
0x80: {  	v3 =	vperm.xlane v3, v2;
	v4 =	vadd.s32 v1, v4;
	_ =	sdelay $0x1  }
0x81: {  	v3 =	vadd.s32 v1, v3;
	_ =	sdelay $0x1  }
0x82: {  	s1 =	simm.s32 $0x9400  }
0x83: {  	[tilespmem:s1], [sflag:$0x2] =	stream.indirect_vreg.gather [hbm4b:s2+s3], $0x80, v4, vm0, $0xb8;
	[tilespmem:$0x18400] =	vst v63  }
0x84: {  	s18 =	simm.s32 $0x9C00  }
0x85: {  	[tilespmem:s18], [sflag:$0x2] =	stream.indirect_vreg.gather [hbm4b:s2+s3], $0x80, v3, vm0, $0xb8;
	[tilespmem:$0x18400] =	vst v63  }
0x86: {  	v3 =	vld [tilespmem:$0xA0];
	_ =	sdelay $0x4  }
0x87: {  	v10 =	vshll.u32 v3, $0x1  }
0x88: {  	v3 =	vand.u32 $0x7, v3;
	v4 =	vand.u32 $0xFFFFFFF0, v10  }
0x89: {  	v3 =	vor.u32 v3, v4  }
0x8a: {  	v4 =	vperm.xlane v3, v0;
	_ =	sdelay $0x1  }
0x8b: {  	v3 =	vperm.xlane v3, v2;
	v4 =	vadd.s32 v1, v4;
	_ =	sdelay $0x1  }
0x8c: {  	v3 =	vadd.s32 v1, v3;
	_ =	sdelay $0x1  }
0x8d: {  	s1 =	simm.s32 $0xA400  }
0x8e: {  	[tilespmem:s1], [sflag:$0x2] =	stream.indirect_vreg.gather [hbm4b:s2+s3], $0x80, v4, vm0, $0xb8;
	[tilespmem:$0x18400] =	vst v63  }
0x8f: {  	s18 =	simm.s32 $0xAC00  }
0x90: {  	[tilespmem:s18], [sflag:$0x2] =	stream.indirect_vreg.gather [hbm4b:s2+s3], $0x80, v3, vm0, $0xb8;
	[tilespmem:$0x18400] =	vst v63  }
0x91: {  	v3 =	vld [tilespmem:$0xB0];
	_ =	sdelay $0x4  }
0x92: {  	v11 =	vshll.u32 v3, $0x1  }
0x93: {  	v3 =	vand.u32 $0x7, v3;
	v4 =	vand.u32 $0xFFFFFFF0, v11  }
0x94: {  	v3 =	vor.u32 v3, v4  }
0x95: {  	v4 =	vperm.xlane v3, v0;
	_ =	sdelay $0x1  }
0x96: {  	v3 =	vperm.xlane v3, v2;
	v4 =	vadd.s32 v1, v4;
	_ =	sdelay $0x1  }
0x97: {  	v3 =	vadd.s32 v1, v3;
	_ =	sdelay $0x1  }
0x98: {  	s1 =	simm.s32 $0xB400  }
0x99: {  	[tilespmem:s1], [sflag:$0x2] =	stream.indirect_vreg.gather [hbm4b:s2+s3], $0x80, v4, vm0, $0xb8;
	[tilespmem:$0x18400] =	vst v63  }
0x9a: {  	s18 =	simm.s32 $0xBC00  }
0x9b: {  	[tilespmem:s18], [sflag:$0x2] =	stream.indirect_vreg.gather [hbm4b:s2+s3], $0x80, v3, vm0, $0xb8;
	[tilespmem:$0x18400] =	vst v63  }
0x9c: {  	v3 =	vld [tilespmem:$0xC0];
	_ =	sdelay $0x4  }
0x9d: {  	v12 =	vshll.u32 v3, $0x1  }
0x9e: {  	v3 =	vand.u32 $0x7, v3;
	v4 =	vand.u32 $0xFFFFFFF0, v12  }
0x9f: {  	v3 =	vor.u32 v3, v4  }
0xa0: {  	v4 =	vperm.xlane v3, v0;
	_ =	sdelay $0x1  }
0xa1: {  	v3 =	vperm.xlane v3, v2;
	v4 =	vadd.s32 v1, v4;
	_ =	sdelay $0x1  }
0xa2: {  	v3 =	vadd.s32 v1, v3;
	_ =	sdelay $0x1  }
0xa3: {  	s1 =	simm.s32 $0xC400  }
0xa4: {  	[tilespmem:s1], [sflag:$0x2] =	stream.indirect_vreg.gather [hbm4b:s2+s3], $0x80, v4, vm0, $0xb8;
	[tilespmem:$0x18400] =	vst v63  }
0xa5: {  	s18 =	simm.s32 $0xCC00  }
0xa6: {  	[tilespmem:s18], [sflag:$0x2] =	stream.indirect_vreg.gather [hbm4b:s2+s3], $0x80, v3, vm0, $0xb8;
	[tilespmem:$0x18400] =	vst v63  }
0xa7: {  	v3 =	vld [tilespmem:$0xD0];
	_ =	sdelay $0x4  }
0xa8: {  	v13 =	vshll.u32 v3, $0x1  }
0xa9: {  	v3 =	vand.u32 $0x7, v3;
	v4 =	vand.u32 $0xFFFFFFF0, v13  }
0xaa: {  	v3 =	vor.u32 v3, v4  }
0xab: {  	v4 =	vperm.xlane v3, v0;
	_ =	sdelay $0x1  }
0xac: {  	v3 =	vperm.xlane v3, v2;
	v4 =	vadd.s32 v1, v4;
	_ =	sdelay $0x1  }
0xad: {  	v3 =	vadd.s32 v1, v3;
	_ =	sdelay $0x1  }
0xae: {  	s1 =	simm.s32 $0xD400  }
0xaf: {  	[tilespmem:s1], [sflag:$0x2] =	stream.indirect_vreg.gather [hbm4b:s2+s3], $0x80, v4, vm0, $0xb8;
	[tilespmem:$0x18400] =	vst v63  }
0xb0: {  	s18 =	simm.s32 $0xDC00  }
0xb1: {  	[tilespmem:s18], [sflag:$0x2] =	stream.indirect_vreg.gather [hbm4b:s2+s3], $0x80, v3, vm0, $0xb8;
	[tilespmem:$0x18400] =	vst v63  }
0xb2: {  	v3 =	vld [tilespmem:$0xE0];
	_ =	sdelay $0x4  }
0xb3: {  	v14 =	vshll.u32 v3, $0x1  }
0xb4: {  	v3 =	vand.u32 $0x7, v3;
	v4 =	vand.u32 $0xFFFFFFF0, v14  }
0xb5: {  	v3 =	vor.u32 v3, v4  }
0xb6: {  	v4 =	vperm.xlane v3, v0;
	_ =	sdelay $0x1  }
0xb7: {  	v3 =	vperm.xlane v3, v2;
	v4 =	vadd.s32 v1, v4;
	_ =	sdelay $0x1  }
0xb8: {  	v3 =	vadd.s32 v1, v3;
	_ =	sdelay $0x1  }
0xb9: {  	s1 =	simm.s32 $0xE400  }
0xba: {  	[tilespmem:s1], [sflag:$0x2] =	stream.indirect_vreg.gather [hbm4b:s2+s3], $0x80, v4, vm0, $0xb8;
	[tilespmem:$0x18400] =	vst v63  }
0xbb: {  	s18 =	simm.s32 $0xEC00  }
0xbc: {  	[tilespmem:s18], [sflag:$0x2] =	stream.indirect_vreg.gather [hbm4b:s2+s3], $0x80, v3, vm0, $0xb8;
	[tilespmem:$0x18400] =	vst v63  }
0xbd: {  	v3 =	vld [tilespmem:$0xF0];
	_ =	sdelay $0x4  }
0xbe: {  	v15 =	vshll.u32 v3, $0x1  }
0xbf: {  	v3 =	vand.u32 $0x7, v3;
	v4 =	vand.u32 $0xFFFFFFF0, v15  }
0xc0: {  	v3 =	vor.u32 v3, v4  }
0xc1: {  	v4 =	vperm.xlane v3, v0;
	_ =	sdelay $0x1  }
0xc2: {  	v3 =	vperm.xlane v3, v2;
	v4 =	vadd.s32 v1, v4;
	_ =	sdelay $0x1  }
0xc3: {  	v3 =	vadd.s32 v1, v3;
	_ =	sdelay $0x1  }
0xc4: {  	s1 =	simm.s32 $0xF400  }
0xc5: {  	[tilespmem:s1], [sflag:$0x2] =	stream.indirect_vreg.gather [hbm4b:s2+s3], $0x80, v4, vm0, $0xb8;
	[tilespmem:$0x18400] =	vst v63  }
0xc6: {  	s18 =	simm.s32 $0xFC00  }
0xc7: {  	[tilespmem:s18], [sflag:$0x2] =	stream.indirect_vreg.gather [hbm4b:s2+s3], $0x80, v3, vm0, $0xb8;
	[tilespmem:$0x18400] =	vst v63  }
0xc8: {  	v3 =	vld [tilespmem:$0x100];
	_ =	sdelay $0x4  }
0xc9: {  	v16 =	vshll.u32 v3, $0x1  }
0xca: {  	v3 =	vand.u32 $0x7, v3;
	v4 =	vand.u32 $0xFFFFFFF0, v16  }
0xcb: {  	v3 =	vor.u32 v3, v4  }
0xcc: {  	v4 =	vperm.xlane v3, v0;
	_ =	sdelay $0x1  }
0xcd: {  	v3 =	vperm.xlane v3, v2;
	v4 =	vadd.s32 v1, v4;
	_ =	sdelay $0x1  }
0xce: {  	v3 =	vadd.s32 v1, v3;
	_ =	sdelay $0x1  }
0xcf: {  	s0 =	simm.s32 $0x10400  }
0xd0: {  	[tilespmem:s0], [sflag:$0x3] =	stream.indirect_vreg.gather [hbm4b:s2+s3], $0x80, v4, vm0, $0xb8;
	[tilespmem:$0x18400] =	vst v63  }
0xd1: {  	_ = 	snop  }
0xd2: {  	[tilespmem:s6], [sflag:$0x3] =	stream.indirect_vreg.gather [hbm4b:s2+s3], $0x80, v3, vm0, $0xb8;
	[tilespmem:$0x18400] =	vst v63  }
0xd3: {  	v3 =	vld [tilespmem:$0x110];
	_ =	sdelay $0x4  }
0xd4: {  	v17 =	vshll.u32 v3, $0x1  }
0xd5: {  	v3 =	vand.u32 $0x7, v3;
	v4 =	vand.u32 $0xFFFFFFF0, v17  }
0xd6: {  	v3 =	vor.u32 v3, v4  }
0xd7: {  	v4 =	vperm.xlane v3, v0;
	_ =	sdelay $0x1  }
0xd8: {  	v3 =	vperm.xlane v3, v2;
	v4 =	vadd.s32 v1, v4;
	_ =	sdelay $0x1  }
0xd9: {  	v3 =	vadd.s32 v1, v3;
	_ =	sdelay $0x2  }
0xda: {  	[tilespmem:s9], [sflag:$0x3] =	stream.indirect_vreg.gather [hbm4b:s2+s3], $0x80, v4, vm0, $0xb8;
	[tilespmem:$0x18400] =	vst v63  }
0xdb: {  	_ = 	snop  }
0xdc: {  	[tilespmem:s10], [sflag:$0x3] =	stream.indirect_vreg.gather [hbm4b:s2+s3], $0x80, v3, vm0, $0xb8;
	[tilespmem:$0x18400] =	vst v63  }
0xdd: {  	v3 =	vld [tilespmem:$0x120];
	_ =	sdelay $0x4  }
0xde: {  	v18 =	vshll.u32 v3, $0x1  }
0xdf: {  	v3 =	vand.u32 $0x7, v3;
	v4 =	vand.u32 $0xFFFFFFF0, v18  }
0xe0: {  	v3 =	vor.u32 v3, v4  }
0xe1: {  	v4 =	vperm.xlane v3, v0;
	_ =	sdelay $0x1  }
0xe2: {  	v3 =	vperm.xlane v3, v2;
	v4 =	vadd.s32 v1, v4;
	_ =	sdelay $0x1  }
0xe3: {  	v3 =	vadd.s32 v1, v3;
	_ =	sdelay $0x2  }
0xe4: {  	[tilespmem:s11], [sflag:$0x3] =	stream.indirect_vreg.gather [hbm4b:s2+s3], $0x80, v4, vm0, $0xb8;
	[tilespmem:$0x18400] =	vst v63  }
0xe5: {  	s1 =	simm.s32 $0x12C00  }
0xe6: {  	[tilespmem:s1], [sflag:$0x3] =	stream.indirect_vreg.gather [hbm4b:s2+s3], $0x80, v3, vm0, $0xb8;
	[tilespmem:$0x18400] =	vst v63  }
0xe7: {  	v3 =	vld [tilespmem:$0x130];
	_ =	sdelay $0x4  }
0xe8: {  	v19 =	vshll.u32 v3, $0x1  }
0xe9: {  	v3 =	vand.u32 $0x7, v3;
	v4 =	vand.u32 $0xFFFFFFF0, v19  }
0xea: {  	v3 =	vor.u32 v3, v4  }
0xeb: {  	v4 =	vperm.xlane v3, v0;
	_ =	sdelay $0x1  }
0xec: {  	v3 =	vperm.xlane v3, v2;
	v4 =	vadd.s32 v1, v4;
	_ =	sdelay $0x1  }
0xed: {  	v3 =	vadd.s32 v1, v3;
	_ =	sdelay $0x2  }
0xee: {  	[tilespmem:s5], [sflag:$0x3] =	stream.indirect_vreg.gather [hbm4b:s2+s3], $0x80, v4, vm0, $0xb8;
	[tilespmem:$0x18400] =	vst v63  }
0xef: {  	_ = 	snop  }
0xf0: {  	[tilespmem:s7], [sflag:$0x3] =	stream.indirect_vreg.gather [hbm4b:s2+s3], $0x80, v3, vm0, $0xb8;
	[tilespmem:$0x18400] =	vst v63  }
0xf1: {  	v3 =	vld [tilespmem:$0x140];
	_ =	sdelay $0x4  }
0xf2: {  	v20 =	vshll.u32 v3, $0x1  }
0xf3: {  	v3 =	vand.u32 $0x7, v3;
	v4 =	vand.u32 $0xFFFFFFF0, v20  }
0xf4: {  	v3 =	vor.u32 v3, v4  }
0xf5: {  	v4 =	vperm.xlane v3, v0;
	_ =	sdelay $0x1  }
0xf6: {  	v3 =	vperm.xlane v3, v2;
	v4 =	vadd.s32 v1, v4;
	_ =	sdelay $0x1  }
0xf7: {  	v3 =	vadd.s32 v1, v3;
	_ =	sdelay $0x2  }
0xf8: {  	[tilespmem:s8], [sflag:$0x3] =	stream.indirect_vreg.gather [hbm4b:s2+s3], $0x80, v4, vm0, $0xb8;
	[tilespmem:$0x18400] =	vst v63  }
0xf9: {  	_ = 	snop  }
0xfa: {  	[tilespmem:s19], [sflag:$0x3] =	stream.indirect_vreg.gather [hbm4b:s2+s3], $0x80, v3, vm0, $0xb8;
	[tilespmem:$0x18400] =	vst v63  }
0xfb: {  	v3 =	vld [tilespmem:$0x150];
	_ =	sdelay $0x4  }
0xfc: {  	v21 =	vshll.u32 v3, $0x1  }
0xfd: {  	v3 =	vand.u32 $0x7, v3;
	v4 =	vand.u32 $0xFFFFFFF0, v21  }
0xfe: {  	v3 =	vor.u32 v3, v4  }
0xff: {  	v4 =	vperm.xlane v3, v0;
	_ =	sdelay $0x1  }
0x100: {  	v3 =	vperm.xlane v3, v2;
	v4 =	vadd.s32 v1, v4;
	_ =	sdelay $0x1  }
0x101: {  	v3 =	vadd.s32 v1, v3;
	_ =	sdelay $0x2  }
0x102: {  	[tilespmem:s20], [sflag:$0x3] =	stream.indirect_vreg.gather [hbm4b:s2+s3], $0x80, v4, vm0, $0xb8;
	[tilespmem:$0x18400] =	vst v63  }
0x103: {  	_ = 	snop  }
0x104: {  	[tilespmem:s21], [sflag:$0x3] =	stream.indirect_vreg.gather [hbm4b:s2+s3], $0x80, v3, vm0, $0xb8;
	[tilespmem:$0x18400] =	vst v63  }
0x105: {  	v3 =	vld [tilespmem:$0x160];
	_ =	sdelay $0x4  }
0x106: {  	v22 =	vshll.u32 v3, $0x1  }
0x107: {  	v3 =	vand.u32 $0x7, v3;
	v4 =	vand.u32 $0xFFFFFFF0, v22  }
0x108: {  	v3 =	vor.u32 v3, v4  }
0x109: {  	v4 =	vperm.xlane v3, v0;
	_ =	sdelay $0x1  }
0x10a: {  	v3 =	vperm.xlane v3, v2;
	v4 =	vadd.s32 v1, v4;
	_ =	sdelay $0x1  }
0x10b: {  	v3 =	vadd.s32 v1, v3;
	_ =	sdelay $0x2  }
0x10c: {  	[tilespmem:s23], [sflag:$0x3] =	stream.indirect_vreg.gather [hbm4b:s2+s3], $0x80, v4, vm0, $0xb8;
	[tilespmem:$0x18400] =	vst v63  }
0x10d: {  	_ = 	snop  }
0x10e: {  	[tilespmem:s24], [sflag:$0x3] =	stream.indirect_vreg.gather [hbm4b:s2+s3], $0x80, v3, vm0, $0xb8;
	[tilespmem:$0x18400] =	vst v63  }
0x10f: {  	v3 =	vld [tilespmem:$0x170];
	_ =	sdelay $0x4  }
0x110: {  	v23 =	vshll.u32 v3, $0x1  }
0x111: {  	v3 =	vand.u32 $0x7, v3;
	v4 =	vand.u32 $0xFFFFFFF0, v23  }
0x112: {  	v3 =	vor.u32 v3, v4  }
0x113: {  	v4 =	vperm.xlane v3, v0;
	_ =	sdelay $0x1  }
0x114: {  	v3 =	vperm.xlane v3, v2;
	v4 =	vadd.s32 v1, v4;
	_ =	sdelay $0x1  }
0x115: {  	v3 =	vadd.s32 v1, v3;
	_ =	sdelay $0x2  }
0x116: {  	[tilespmem:s25], [sflag:$0x3] =	stream.indirect_vreg.gather [hbm4b:s2+s3], $0x80, v4, vm0, $0xb8;
	[tilespmem:$0x18400] =	vst v63  }
0x117: {  	_ = 	snop  }
0x118: {  	[tilespmem:s26], [sflag:$0x3] =	stream.indirect_vreg.gather [hbm4b:s2+s3], $0x80, v3, vm0, $0xb8;
	[tilespmem:$0x18400] =	vst v63  }
0x119: {  	_ =	swait.ge [sflag:s12], $0x8000  }
0x11a: {  	[sflag:s12] =	ssyncset.done $0x0  }
0x11b: {  	s18 =	rddreg [dreg:$0x4];
	[sflag:s12] =	ssyncadd.s32 $0xFFFF8000  }
0x11c: {  	[hbm4b:s18+s3] =	stream.linear.scatter [tilespmem:s28], [sflag:$0x4], $0x8000, $0x38;
	[tilespmem:$0x18400] =	vst v63  }
0x11d: {  	_ =	swait.ge [sflag:s13], $0x8000  }
0x11e: {  	[sflag:s13] =	ssyncset.done $0x0  }
0x11f: {  	[sflag:s13] =	ssyncadd.s32 $0xFFFF8000  }
0x120: {  	v3 =	vld [tilespmem:$0x180];
	_ =	sdelay $0x4  }
0x121: {  	v24 =	vshll.u32 v3, $0x1  }
0x122: {  	v3 =	vand.u32 $0x7, v3;
	v4 =	vand.u32 $0xFFFFFFF0, v24  }
0x123: {  	v3 =	vor.u32 v3, v4  }
0x124: {  	v4 =	vperm.xlane v3, v0;
	_ =	sdelay $0x1  }
0x125: {  	v3 =	vperm.xlane v3, v2;
	v4 =	vadd.s32 v1, v4;
	_ =	sdelay $0x1  }
0x126: {  	v3 =	vadd.s32 v1, v3;
	_ =	sdelay $0x2  }
0x127: {  	[tilespmem:s28], [sflag:$0x1] =	stream.indirect_vreg.gather [hbm4b:s2+s3], $0x80, v4, vm0, $0xb8;
	[tilespmem:$0x18400] =	vst v63  }
0x128: {  	s18 =	simm.s32 $0xC00  }
0x129: {  	[tilespmem:s18], [sflag:$0x1] =	stream.indirect_vreg.gather [hbm4b:s2+s3], $0x80, v3, vm0, $0xb8;
	[tilespmem:$0x18400] =	vst v63  }
0x12a: {  	v3 =	vld [tilespmem:$0x190];
	_ =	sdelay $0x4  }
0x12b: {  	v25 =	vshll.u32 v3, $0x1  }
0x12c: {  	v3 =	vand.u32 $0x7, v3;
	v4 =	vand.u32 $0xFFFFFFF0, v25  }
0x12d: {  	v3 =	vor.u32 v3, v4  }
0x12e: {  	v4 =	vperm.xlane v3, v0;
	_ =	sdelay $0x1  }
0x12f: {  	v3 =	vperm.xlane v3, v2;
	v4 =	vadd.s32 v1, v4;
	_ =	sdelay $0x1  }
0x130: {  	v3 =	vadd.s32 v1, v3;
	_ =	sdelay $0x1  }
0x131: {  	s18 =	simm.s32 $0x1400  }
0x132: {  	[tilespmem:s18], [sflag:$0x1] =	stream.indirect_vreg.gather [hbm4b:s2+s3], $0x80, v4, vm0, $0xb8;
	[tilespmem:$0x18400] =	vst v63  }
0x133: {  	s18 =	simm.s32 $0x1C00  }
0x134: {  	[tilespmem:s18], [sflag:$0x1] =	stream.indirect_vreg.gather [hbm4b:s2+s3], $0x80, v3, vm0, $0xb8;
	[tilespmem:$0x18400] =	vst v63  }
0x135: {  	v3 =	vld [tilespmem:$0x1A0];
	_ =	sdelay $0x4  }
0x136: {  	v26 =	vshll.u32 v3, $0x1  }
0x137: {  	v3 =	vand.u32 $0x7, v3;
	v4 =	vand.u32 $0xFFFFFFF0, v26  }
0x138: {  	v3 =	vor.u32 v3, v4  }
0x139: {  	v4 =	vperm.xlane v3, v0;
	_ =	sdelay $0x1  }
0x13a: {  	v3 =	vperm.xlane v3, v2;
	v4 =	vadd.s32 v1, v4;
	_ =	sdelay $0x1  }
0x13b: {  	v3 =	vadd.s32 v1, v3;
	_ =	sdelay $0x1  }
0x13c: {  	s18 =	simm.s32 $0x2400  }
0x13d: {  	[tilespmem:s18], [sflag:$0x1] =	stream.indirect_vreg.gather [hbm4b:s2+s3], $0x80, v4, vm0, $0xb8;
	[tilespmem:$0x18400] =	vst v63  }
0x13e: {  	s18 =	simm.s32 $0x2C00  }
0x13f: {  	[tilespmem:s18], [sflag:$0x1] =	stream.indirect_vreg.gather [hbm4b:s2+s3], $0x80, v3, vm0, $0xb8;
	[tilespmem:$0x18400] =	vst v63  }
0x140: {  	v3 =	vld [tilespmem:$0x1B0];
	_ =	sdelay $0x4  }
0x141: {  	v27 =	vshll.u32 v3, $0x1  }
0x142: {  	v3 =	vand.u32 $0x7, v3;
	v4 =	vand.u32 $0xFFFFFFF0, v27  }
0x143: {  	v3 =	vor.u32 v3, v4  }
0x144: {  	v4 =	vperm.xlane v3, v0;
	_ =	sdelay $0x1  }
0x145: {  	v3 =	vperm.xlane v3, v2;
	v4 =	vadd.s32 v1, v4;
	_ =	sdelay $0x1  }
0x146: {  	v3 =	vadd.s32 v1, v3;
	_ =	sdelay $0x1  }
0x147: {  	s18 =	simm.s32 $0x3400  }
0x148: {  	[tilespmem:s18], [sflag:$0x1] =	stream.indirect_vreg.gather [hbm4b:s2+s3], $0x80, v4, vm0, $0xb8;
	[tilespmem:$0x18400] =	vst v63  }
0x149: {  	s18 =	simm.s32 $0x3C00  }
0x14a: {  	[tilespmem:s18], [sflag:$0x1] =	stream.indirect_vreg.gather [hbm4b:s2+s3], $0x80, v3, vm0, $0xb8;
	[tilespmem:$0x18400] =	vst v63  }
0x14b: {  	v3 =	vld [tilespmem:$0x1C0];
	_ =	sdelay $0x4  }
0x14c: {  	v28 =	vshll.u32 v3, $0x1  }
0x14d: {  	v3 =	vand.u32 $0x7, v3;
	v4 =	vand.u32 $0xFFFFFFF0, v28  }
0x14e: {  	v3 =	vor.u32 v3, v4  }
0x14f: {  	v4 =	vperm.xlane v3, v0;
	_ =	sdelay $0x1  }
0x150: {  	v3 =	vperm.xlane v3, v2;
	v4 =	vadd.s32 v1, v4;
	_ =	sdelay $0x1  }
0x151: {  	v3 =	vadd.s32 v1, v3;
	_ =	sdelay $0x1  }
0x152: {  	s18 =	simm.s32 $0x4400  }
0x153: {  	[tilespmem:s18], [sflag:$0x1] =	stream.indirect_vreg.gather [hbm4b:s2+s3], $0x80, v4, vm0, $0xb8;
	[tilespmem:$0x18400] =	vst v63  }
0x154: {  	_ = 	snop  }
0x155: {  	[tilespmem:s29], [sflag:$0x1] =	stream.indirect_vreg.gather [hbm4b:s2+s3], $0x80, v3, vm0, $0xb8;
	[tilespmem:$0x18400] =	vst v63  }
0x156: {  	v3 =	vld [tilespmem:$0x1D0];
	_ =	sdelay $0x4  }
0x157: {  	v29 =	vshll.u32 v3, $0x1  }
0x158: {  	v3 =	vand.u32 $0x7, v3;
	v4 =	vand.u32 $0xFFFFFFF0, v29  }
0x159: {  	v3 =	vor.u32 v3, v4  }
0x15a: {  	v4 =	vperm.xlane v3, v0;
	_ =	sdelay $0x1  }
0x15b: {  	v3 =	vperm.xlane v3, v2;
	v4 =	vadd.s32 v1, v4;
	_ =	sdelay $0x1  }
0x15c: {  	v3 =	vadd.s32 v1, v3;
	_ =	sdelay $0x2  }
0x15d: {  	[tilespmem:s30], [sflag:$0x1] =	stream.indirect_vreg.gather [hbm4b:s2+s3], $0x80, v4, vm0, $0xb8;
	[tilespmem:$0x18400] =	vst v63  }
0x15e: {  	_ = 	snop  }
0x15f: {  	[tilespmem:s31], [sflag:$0x1] =	stream.indirect_vreg.gather [hbm4b:s2+s3], $0x80, v3, vm0, $0xb8;
	[tilespmem:$0x18400] =	vst v63  }
0x160: {  	v3 =	vld [tilespmem:$0x1E0];
	_ =	sdelay $0x4  }
0x161: {  	v30 =	vshll.u32 v3, $0x1  }
0x162: {  	v3 =	vand.u32 $0x7, v3;
	v4 =	vand.u32 $0xFFFFFFF0, v30  }
0x163: {  	v3 =	vor.u32 v3, v4  }
0x164: {  	v4 =	vperm.xlane v3, v0;
	_ =	sdelay $0x1  }
0x165: {  	v3 =	vperm.xlane v3, v2;
	v4 =	vadd.s32 v1, v4;
	_ =	sdelay $0x1  }
0x166: {  	v3 =	vadd.s32 v1, v3;
	_ =	sdelay $0x1  }
0x167: {  	s18 =	simm.s32 $0x6400  }
0x168: {  	[tilespmem:s18], [sflag:$0x1] =	stream.indirect_vreg.gather [hbm4b:s2+s3], $0x80, v4, vm0, $0xb8;
	[tilespmem:$0x18400] =	vst v63  }
0x169: {  	s18 =	simm.s32 $0x6C00  }
0x16a: {  	[tilespmem:s18], [sflag:$0x1] =	stream.indirect_vreg.gather [hbm4b:s2+s3], $0x80, v3, vm0, $0xb8;
	[tilespmem:$0x18400] =	vst v63  }
0x16b: {  	v3 =	vld [tilespmem:$0x1F0];
	_ =	sdelay $0x4  }
0x16c: {  	v31 =	vshll.u32 v3, $0x1  }
0x16d: {  	v3 =	vand.u32 $0x7, v3;
	v4 =	vand.u32 $0xFFFFFFF0, v31  }
0x16e: {  	v3 =	vor.u32 v3, v4  }
0x16f: {  	v4 =	vperm.xlane v3, v0;
	_ =	sdelay $0x1  }
0x170: {  	v3 =	vperm.xlane v3, v2;
	v4 =	vadd.s32 v1, v4;
	_ =	sdelay $0x1  }
0x171: {  	v3 =	vadd.s32 v1, v3;
	_ =	sdelay $0x1  }
0x172: {  	s18 =	simm.s32 $0x7400  }
0x173: {  	[tilespmem:s18], [sflag:$0x1] =	stream.indirect_vreg.gather [hbm4b:s2+s3], $0x80, v4, vm0, $0xb8;
	[tilespmem:$0x18400] =	vst v63  }
0x174: {  	s18 =	simm.s32 $0x7C00  }
0x175: {  	[tilespmem:s18], [sflag:$0x1] =	stream.indirect_vreg.gather [hbm4b:s2+s3], $0x80, v3, vm0, $0xb8;
	[tilespmem:$0x18400] =	vst v63  }
0x176: {  	_ =	swait.ge [sflag:s14], $0x8000  }
0x177: {  	[sflag:s14] =	ssyncset.done $0x0  }
0x178: {  	s18 =	rddreg [dreg:$0x5];
	[sflag:s14] =	ssyncadd.s32 $0xFFFF8000  }
0x179: {  	[hbm4b:s18+s3] =	stream.linear.scatter [tilespmem:s22], [sflag:$0x5], $0x8000, $0x38;
	[tilespmem:$0x18400] =	vst v63  }
0x17a: {  	_ =	swait.ge [sflag:s15], $0x8000  }
0x17b: {  	[sflag:s15] =	ssyncset.done $0x0  }
0x17c: {  	[sflag:s15] =	ssyncadd.s32 $0xFFFF8000  }
0x17d: {  	v3 =	vld [tilespmem:$0x200];
	_ =	sdelay $0x4  }
0x17e: {  	v32 =	vshll.u32 v3, $0x1  }
0x17f: {  	v3 =	vand.u32 $0x7, v3;
	v4 =	vand.u32 $0xFFFFFFF0, v32  }
0x180: {  	v3 =	vor.u32 v3, v4  }
0x181: {  	v4 =	vperm.xlane v3, v0;
	_ =	sdelay $0x1  }
0x182: {  	v3 =	vperm.xlane v3, v2;
	v4 =	vadd.s32 v1, v4;
	_ =	sdelay $0x1  }
0x183: {  	v3 =	vadd.s32 v1, v3;
	_ =	sdelay $0x2  }
0x184: {  	[tilespmem:s22], [sflag:$0x2] =	stream.indirect_vreg.gather [hbm4b:s2+s3], $0x80, v4, vm0, $0xb8;
	[tilespmem:$0x18400] =	vst v63  }
0x185: {  	s18 =	simm.s32 $0x8C00  }
0x186: {  	[tilespmem:s18], [sflag:$0x2] =	stream.indirect_vreg.gather [hbm4b:s2+s3], $0x80, v3, vm0, $0xb8;
	[tilespmem:$0x18400] =	vst v63  }
0x187: {  	v3 =	vld [tilespmem:$0x210];
	_ =	sdelay $0x4  }
0x188: {  	v33 =	vshll.u32 v3, $0x1  }
0x189: {  	v3 =	vand.u32 $0x7, v3;
	v4 =	vand.u32 $0xFFFFFFF0, v33  }
0x18a: {  	v3 =	vor.u32 v3, v4  }
0x18b: {  	v4 =	vperm.xlane v3, v0;
	_ =	sdelay $0x1  }
0x18c: {  	v3 =	vperm.xlane v3, v2;
	v4 =	vadd.s32 v1, v4;
	_ =	sdelay $0x1  }
0x18d: {  	v3 =	vadd.s32 v1, v3;
	_ =	sdelay $0x1  }
0x18e: {  	s18 =	simm.s32 $0x9400  }
0x18f: {  	[tilespmem:s18], [sflag:$0x2] =	stream.indirect_vreg.gather [hbm4b:s2+s3], $0x80, v4, vm0, $0xb8;
	[tilespmem:$0x18400] =	vst v63  }
0x190: {  	s18 =	simm.s32 $0x9C00  }
0x191: {  	[tilespmem:s18], [sflag:$0x2] =	stream.indirect_vreg.gather [hbm4b:s2+s3], $0x80, v3, vm0, $0xb8;
	[tilespmem:$0x18400] =	vst v63  }
0x192: {  	v3 =	vld [tilespmem:$0x220];
	_ =	sdelay $0x4  }
0x193: {  	v34 =	vshll.u32 v3, $0x1  }
0x194: {  	v3 =	vand.u32 $0x7, v3;
	v4 =	vand.u32 $0xFFFFFFF0, v34  }
0x195: {  	v3 =	vor.u32 v3, v4  }
0x196: {  	v4 =	vperm.xlane v3, v0;
	_ =	sdelay $0x1  }
0x197: {  	v3 =	vperm.xlane v3, v2;
	v4 =	vadd.s32 v1, v4;
	_ =	sdelay $0x1  }
0x198: {  	v3 =	vadd.s32 v1, v3;
	_ =	sdelay $0x1  }
0x199: {  	s18 =	simm.s32 $0xA400  }
0x19a: {  	[tilespmem:s18], [sflag:$0x2] =	stream.indirect_vreg.gather [hbm4b:s2+s3], $0x80, v4, vm0, $0xb8;
	[tilespmem:$0x18400] =	vst v63  }
0x19b: {  	s18 =	simm.s32 $0xAC00  }
0x19c: {  	[tilespmem:s18], [sflag:$0x2] =	stream.indirect_vreg.gather [hbm4b:s2+s3], $0x80, v3, vm0, $0xb8;
	[tilespmem:$0x18400] =	vst v63  }
0x19d: {  	v3 =	vld [tilespmem:$0x230];
	_ =	sdelay $0x4  }
0x19e: {  	v35 =	vshll.u32 v3, $0x1  }
0x19f: {  	v3 =	vand.u32 $0x7, v3;
	v4 =	vand.u32 $0xFFFFFFF0, v35  }
0x1a0: {  	v3 =	vor.u32 v3, v4  }
0x1a1: {  	v4 =	vperm.xlane v3, v0;
	_ =	sdelay $0x1  }
0x1a2: {  	v3 =	vperm.xlane v3, v2;
	v4 =	vadd.s32 v1, v4;
	_ =	sdelay $0x1  }
0x1a3: {  	v3 =	vadd.s32 v1, v3;
	_ =	sdelay $0x1  }
0x1a4: {  	s18 =	simm.s32 $0xB400  }
0x1a5: {  	[tilespmem:s18], [sflag:$0x2] =	stream.indirect_vreg.gather [hbm4b:s2+s3], $0x80, v4, vm0, $0xb8;
	[tilespmem:$0x18400] =	vst v63  }
0x1a6: {  	s18 =	simm.s32 $0xBC00  }
0x1a7: {  	[tilespmem:s18], [sflag:$0x2] =	stream.indirect_vreg.gather [hbm4b:s2+s3], $0x80, v3, vm0, $0xb8;
	[tilespmem:$0x18400] =	vst v63  }
0x1a8: {  	v3 =	vld [tilespmem:$0x240];
	_ =	sdelay $0x4  }
0x1a9: {  	v36 =	vshll.u32 v3, $0x1  }
0x1aa: {  	v3 =	vand.u32 $0x7, v3;
	v4 =	vand.u32 $0xFFFFFFF0, v36  }
0x1ab: {  	v3 =	vor.u32 v3, v4  }
0x1ac: {  	v4 =	vperm.xlane v3, v0;
	_ =	sdelay $0x1  }
0x1ad: {  	v3 =	vperm.xlane v3, v2;
	v4 =	vadd.s32 v1, v4;
	_ =	sdelay $0x1  }
0x1ae: {  	v3 =	vadd.s32 v1, v3;
	_ =	sdelay $0x1  }
0x1af: {  	s18 =	simm.s32 $0xC400  }
0x1b0: {  	[tilespmem:s18], [sflag:$0x2] =	stream.indirect_vreg.gather [hbm4b:s2+s3], $0x80, v4, vm0, $0xb8;
	[tilespmem:$0x18400] =	vst v63  }
0x1b1: {  	s18 =	simm.s32 $0xCC00  }
0x1b2: {  	[tilespmem:s18], [sflag:$0x2] =	stream.indirect_vreg.gather [hbm4b:s2+s3], $0x80, v3, vm0, $0xb8;
	[tilespmem:$0x18400] =	vst v63  }
0x1b3: {  	v3 =	vld [tilespmem:$0x250];
	_ =	sdelay $0x4  }
0x1b4: {  	v37 =	vshll.u32 v3, $0x1  }
0x1b5: {  	v3 =	vand.u32 $0x7, v3;
	v4 =	vand.u32 $0xFFFFFFF0, v37  }
0x1b6: {  	v3 =	vor.u32 v3, v4  }
0x1b7: {  	v4 =	vperm.xlane v3, v0;
	_ =	sdelay $0x1  }
0x1b8: {  	v3 =	vperm.xlane v3, v2;
	v4 =	vadd.s32 v1, v4;
	_ =	sdelay $0x1  }
0x1b9: {  	v3 =	vadd.s32 v1, v3;
	_ =	sdelay $0x1  }
0x1ba: {  	s18 =	simm.s32 $0xD400  }
0x1bb: {  	[tilespmem:s18], [sflag:$0x2] =	stream.indirect_vreg.gather [hbm4b:s2+s3], $0x80, v4, vm0, $0xb8;
	[tilespmem:$0x18400] =	vst v63  }
0x1bc: {  	s18 =	simm.s32 $0xDC00  }
0x1bd: {  	[tilespmem:s18], [sflag:$0x2] =	stream.indirect_vreg.gather [hbm4b:s2+s3], $0x80, v3, vm0, $0xb8;
	[tilespmem:$0x18400] =	vst v63  }
0x1be: {  	v3 =	vld [tilespmem:$0x260];
	_ =	sdelay $0x4  }
0x1bf: {  	v38 =	vshll.u32 v3, $0x1  }
0x1c0: {  	v3 =	vand.u32 $0x7, v3;
	v4 =	vand.u32 $0xFFFFFFF0, v38  }
0x1c1: {  	v3 =	vor.u32 v3, v4  }
0x1c2: {  	v4 =	vperm.xlane v3, v0;
	_ =	sdelay $0x1  }
0x1c3: {  	v3 =	vperm.xlane v3, v2;
	v4 =	vadd.s32 v1, v4;
	_ =	sdelay $0x1  }
0x1c4: {  	v3 =	vadd.s32 v1, v3;
	_ =	sdelay $0x1  }
0x1c5: {  	s18 =	simm.s32 $0xE400  }
0x1c6: {  	[tilespmem:s18], [sflag:$0x2] =	stream.indirect_vreg.gather [hbm4b:s2+s3], $0x80, v4, vm0, $0xb8;
	[tilespmem:$0x18400] =	vst v63  }
0x1c7: {  	s18 =	simm.s32 $0xEC00  }
0x1c8: {  	[tilespmem:s18], [sflag:$0x2] =	stream.indirect_vreg.gather [hbm4b:s2+s3], $0x80, v3, vm0, $0xb8;
	[tilespmem:$0x18400] =	vst v63  }
0x1c9: {  	v3 =	vld [tilespmem:$0x270];
	_ =	sdelay $0x4  }
0x1ca: {  	v39 =	vshll.u32 v3, $0x1  }
0x1cb: {  	v3 =	vand.u32 $0x7, v3;
	v4 =	vand.u32 $0xFFFFFFF0, v39  }
0x1cc: {  	v3 =	vor.u32 v3, v4  }
0x1cd: {  	v4 =	vperm.xlane v3, v0;
	_ =	sdelay $0x1  }
0x1ce: {  	v3 =	vperm.xlane v3, v2;
	v4 =	vadd.s32 v1, v4;
	_ =	sdelay $0x1  }
0x1cf: {  	v3 =	vadd.s32 v1, v3;
	_ =	sdelay $0x1  }
0x1d0: {  	s18 =	simm.s32 $0xF400  }
0x1d1: {  	[tilespmem:s18], [sflag:$0x2] =	stream.indirect_vreg.gather [hbm4b:s2+s3], $0x80, v4, vm0, $0xb8;
	[tilespmem:$0x18400] =	vst v63  }
0x1d2: {  	s18 =	simm.s32 $0xFC00  }
0x1d3: {  	[tilespmem:s18], [sflag:$0x2] =	stream.indirect_vreg.gather [hbm4b:s2+s3], $0x80, v3, vm0, $0xb8;
	[tilespmem:$0x18400] =	vst v63  }
0x1d4: {  	_ =	swait.ge [sflag:s16], $0x8000  }
0x1d5: {  	[sflag:s16] =	ssyncset.done $0x0  }
0x1d6: {  	s18 =	rddreg [dreg:$0x6];
	[sflag:s16] =	ssyncadd.s32 $0xFFFF8000  }
0x1d7: {  	[hbm4b:s18+s3] =	stream.linear.scatter [tilespmem:s0], [sflag:$0x6], $0x8000, $0x38;
	[tilespmem:$0x18400] =	vst v63  }
0x1d8: {  	_ =	swait.ge [sflag:s17], $0x8000  }
0x1d9: {  	[sflag:s17] =	ssyncset.done $0x0  }
0x1da: {  	[sflag:s17] =	ssyncadd.s32 $0xFFFF8000  }
0x1db: {  	v3 =	vld [tilespmem:$0x280];
	_ =	sdelay $0x4  }
0x1dc: {  	v40 =	vshll.u32 v3, $0x1  }
0x1dd: {  	v3 =	vand.u32 $0x7, v3;
	v4 =	vand.u32 $0xFFFFFFF0, v40  }
0x1de: {  	v3 =	vor.u32 v3, v4  }
0x1df: {  	v4 =	vperm.xlane v3, v0;
	_ =	sdelay $0x1  }
0x1e0: {  	v3 =	vperm.xlane v3, v2;
	v4 =	vadd.s32 v1, v4;
	_ =	sdelay $0x1  }
0x1e1: {  	v3 =	vadd.s32 v1, v3;
	_ =	sdelay $0x2  }
0x1e2: {  	[tilespmem:s0], [sflag:$0x3] =	stream.indirect_vreg.gather [hbm4b:s2+s3], $0x80, v4, vm0, $0xb8;
	[tilespmem:$0x18400] =	vst v63  }
0x1e3: {  	_ = 	snop  }
0x1e4: {  	[tilespmem:s6], [sflag:$0x3] =	stream.indirect_vreg.gather [hbm4b:s2+s3], $0x80, v3, vm0, $0xb8;
	[tilespmem:$0x18400] =	vst v63  }
0x1e5: {  	v3 =	vld [tilespmem:$0x290];
	_ =	sdelay $0x4  }
0x1e6: {  	v41 =	vshll.u32 v3, $0x1  }
0x1e7: {  	v3 =	vand.u32 $0x7, v3;
	v4 =	vand.u32 $0xFFFFFFF0, v41  }
0x1e8: {  	v3 =	vor.u32 v3, v4  }
0x1e9: {  	v4 =	vperm.xlane v3, v0;
	_ =	sdelay $0x1  }
0x1ea: {  	v3 =	vperm.xlane v3, v2;
	v4 =	vadd.s32 v1, v4;
	_ =	sdelay $0x1  }
0x1eb: {  	v3 =	vadd.s32 v1, v3;
	_ =	sdelay $0x2  }
0x1ec: {  	[tilespmem:s9], [sflag:$0x3] =	stream.indirect_vreg.gather [hbm4b:s2+s3], $0x80, v4, vm0, $0xb8;
	[tilespmem:$0x18400] =	vst v63  }
0x1ed: {  	_ = 	snop  }
0x1ee: {  	[tilespmem:s10], [sflag:$0x3] =	stream.indirect_vreg.gather [hbm4b:s2+s3], $0x80, v3, vm0, $0xb8;
	[tilespmem:$0x18400] =	vst v63  }
0x1ef: {  	v3 =	vld [tilespmem:$0x2A0];
	_ =	sdelay $0x4  }
0x1f0: {  	v42 =	vshll.u32 v3, $0x1  }
0x1f1: {  	v3 =	vand.u32 $0x7, v3;
	v4 =	vand.u32 $0xFFFFFFF0, v42  }
0x1f2: {  	v3 =	vor.u32 v3, v4  }
0x1f3: {  	v4 =	vperm.xlane v3, v0;
	_ =	sdelay $0x1  }
0x1f4: {  	v3 =	vperm.xlane v3, v2;
	v4 =	vadd.s32 v1, v4;
	_ =	sdelay $0x1  }
0x1f5: {  	v3 =	vadd.s32 v1, v3;
	_ =	sdelay $0x2  }
0x1f6: {  	[tilespmem:s11], [sflag:$0x3] =	stream.indirect_vreg.gather [hbm4b:s2+s3], $0x80, v4, vm0, $0xb8;
	[tilespmem:$0x18400] =	vst v63  }
0x1f7: {  	_ = 	snop  }
0x1f8: {  	[tilespmem:s1], [sflag:$0x3] =	stream.indirect_vreg.gather [hbm4b:s2+s3], $0x80, v3, vm0, $0xb8;
	[tilespmem:$0x18400] =	vst v63  }
0x1f9: {  	v3 =	vld [tilespmem:$0x2B0];
	_ =	sdelay $0x4  }
0x1fa: {  	v43 =	vshll.u32 v3, $0x1  }
0x1fb: {  	v3 =	vand.u32 $0x7, v3;
	v4 =	vand.u32 $0xFFFFFFF0, v43  }
0x1fc: {  	v3 =	vor.u32 v3, v4  }
0x1fd: {  	v4 =	vperm.xlane v3, v0;
	_ =	sdelay $0x1  }
0x1fe: {  	v3 =	vperm.xlane v3, v2;
	v4 =	vadd.s32 v1, v4;
	_ =	sdelay $0x1  }
0x1ff: {  	v3 =	vadd.s32 v1, v3;
	_ =	sdelay $0x2  }
0x200: {  	[tilespmem:s5], [sflag:$0x3] =	stream.indirect_vreg.gather [hbm4b:s2+s3], $0x80, v4, vm0, $0xb8;
	[tilespmem:$0x18400] =	vst v63  }
0x201: {  	_ = 	snop  }
0x202: {  	[tilespmem:s7], [sflag:$0x3] =	stream.indirect_vreg.gather [hbm4b:s2+s3], $0x80, v3, vm0, $0xb8;
	[tilespmem:$0x18400] =	vst v63  }
0x203: {  	v3 =	vld [tilespmem:$0x2C0];
	_ =	sdelay $0x4  }
0x204: {  	v44 =	vshll.u32 v3, $0x1  }
0x205: {  	v3 =	vand.u32 $0x7, v3;
	v4 =	vand.u32 $0xFFFFFFF0, v44  }
0x206: {  	v3 =	vor.u32 v3, v4  }
0x207: {  	v4 =	vperm.xlane v3, v0;
	_ =	sdelay $0x1  }
0x208: {  	v3 =	vperm.xlane v3, v2;
	v4 =	vadd.s32 v1, v4;
	_ =	sdelay $0x1  }
0x209: {  	v3 =	vadd.s32 v1, v3;
	_ =	sdelay $0x2  }
0x20a: {  	[tilespmem:s8], [sflag:$0x3] =	stream.indirect_vreg.gather [hbm4b:s2+s3], $0x80, v4, vm0, $0xb8;
	[tilespmem:$0x18400] =	vst v63  }
0x20b: {  	_ = 	snop  }
0x20c: {  	[tilespmem:s19], [sflag:$0x3] =	stream.indirect_vreg.gather [hbm4b:s2+s3], $0x80, v3, vm0, $0xb8;
	[tilespmem:$0x18400] =	vst v63  }
0x20d: {  	v3 =	vld [tilespmem:$0x2D0];
	_ =	sdelay $0x4  }
0x20e: {  	v45 =	vshll.u32 v3, $0x1  }
0x20f: {  	v3 =	vand.u32 $0x7, v3;
	v4 =	vand.u32 $0xFFFFFFF0, v45  }
0x210: {  	v3 =	vor.u32 v3, v4  }
0x211: {  	v4 =	vperm.xlane v3, v0;
	_ =	sdelay $0x1  }
0x212: {  	v3 =	vperm.xlane v3, v2;
	v4 =	vadd.s32 v1, v4;
	_ =	sdelay $0x1  }
0x213: {  	v3 =	vadd.s32 v1, v3;
	_ =	sdelay $0x2  }
0x214: {  	[tilespmem:s20], [sflag:$0x3] =	stream.indirect_vreg.gather [hbm4b:s2+s3], $0x80, v4, vm0, $0xb8;
	[tilespmem:$0x18400] =	vst v63  }
0x215: {  	_ = 	snop  }
0x216: {  	[tilespmem:s21], [sflag:$0x3] =	stream.indirect_vreg.gather [hbm4b:s2+s3], $0x80, v3, vm0, $0xb8;
	[tilespmem:$0x18400] =	vst v63  }
0x217: {  	v3 =	vld [tilespmem:$0x2E0];
	_ =	sdelay $0x4  }
0x218: {  	v46 =	vshll.u32 v3, $0x1  }
0x219: {  	v3 =	vand.u32 $0x7, v3;
	v4 =	vand.u32 $0xFFFFFFF0, v46  }
0x21a: {  	v3 =	vor.u32 v3, v4  }
0x21b: {  	v4 =	vperm.xlane v3, v0;
	_ =	sdelay $0x1  }
0x21c: {  	v3 =	vperm.xlane v3, v2;
	v4 =	vadd.s32 v1, v4;
	_ =	sdelay $0x1  }
0x21d: {  	v3 =	vadd.s32 v1, v3;
	_ =	sdelay $0x2  }
0x21e: {  	[tilespmem:s23], [sflag:$0x3] =	stream.indirect_vreg.gather [hbm4b:s2+s3], $0x80, v4, vm0, $0xb8;
	[tilespmem:$0x18400] =	vst v63  }
0x21f: {  	_ = 	snop  }
0x220: {  	[tilespmem:s24], [sflag:$0x3] =	stream.indirect_vreg.gather [hbm4b:s2+s3], $0x80, v3, vm0, $0xb8;
	[tilespmem:$0x18400] =	vst v63  }
0x221: {  	v3 =	vld [tilespmem:$0x2F0];
	_ =	sdelay $0x4  }
0x222: {  	v47 =	vshll.u32 v3, $0x1  }
0x223: {  	v3 =	vand.u32 $0x7, v3;
	v4 =	vand.u32 $0xFFFFFFF0, v47  }
0x224: {  	v3 =	vor.u32 v3, v4  }
0x225: {  	v4 =	vperm.xlane v3, v0;
	_ =	sdelay $0x1  }
0x226: {  	v3 =	vperm.xlane v3, v2;
	v4 =	vadd.s32 v1, v4;
	_ =	sdelay $0x1  }
0x227: {  	v3 =	vadd.s32 v1, v3;
	_ =	sdelay $0x2  }
0x228: {  	[tilespmem:s25], [sflag:$0x3] =	stream.indirect_vreg.gather [hbm4b:s2+s3], $0x80, v4, vm0, $0xb8;
	[tilespmem:$0x18400] =	vst v63  }
0x229: {  	_ = 	snop  }
0x22a: {  	[tilespmem:s26], [sflag:$0x3] =	stream.indirect_vreg.gather [hbm4b:s2+s3], $0x80, v3, vm0, $0xb8;
	[tilespmem:$0x18400] =	vst v63  }
0x22b: {  	_ =	swait.ge [sflag:s12], $0x8000  }
0x22c: {  	[sflag:s12] =	ssyncset.done $0x0  }
0x22d: {  	s1 =	rddreg [dreg:$0x7];
	[sflag:s12] =	ssyncadd.s32 $0xFFFF8000  }
0x22e: {  	[hbm4b:s1+s3] =	stream.linear.scatter [tilespmem:s28], [sflag:$0x4], $0x8000, $0x38;
	[tilespmem:$0x18400] =	vst v63  }
0x22f: {  	_ =	swait.ge [sflag:s13], $0x8000  }
0x230: {  	[sflag:s13] =	ssyncset.done $0x0  }
0x231: {  	[sflag:s13] =	ssyncadd.s32 $0xFFFF8000  }
0x232: {  	v3 =	vld [tilespmem:$0x300];
	_ =	sdelay $0x4  }
0x233: {  	v48 =	vshll.u32 v3, $0x1  }
0x234: {  	v3 =	vand.u32 $0x7, v3;
	v4 =	vand.u32 $0xFFFFFFF0, v48  }
0x235: {  	v3 =	vor.u32 v3, v4  }
0x236: {  	v4 =	vperm.xlane v3, v0;
	_ =	sdelay $0x1  }
0x237: {  	v3 =	vperm.xlane v3, v2;
	v4 =	vadd.s32 v1, v4;
	_ =	sdelay $0x1  }
0x238: {  	v3 =	vadd.s32 v1, v3;
	_ =	sdelay $0x2  }
0x239: {  	[tilespmem:s28], [sflag:$0x1] =	stream.indirect_vreg.gather [hbm4b:s2+s3], $0x80, v4, vm0, $0xb8;
	[tilespmem:$0x18400] =	vst v63  }
0x23a: {  	s18 =	simm.s32 $0xC00  }
0x23b: {  	[tilespmem:s18], [sflag:$0x1] =	stream.indirect_vreg.gather [hbm4b:s2+s3], $0x80, v3, vm0, $0xb8;
	[tilespmem:$0x18400] =	vst v63  }
0x23c: {  	v3 =	vld [tilespmem:$0x310];
	_ =	sdelay $0x4  }
0x23d: {  	v49 =	vshll.u32 v3, $0x1  }
0x23e: {  	v3 =	vand.u32 $0x7, v3;
	v4 =	vand.u32 $0xFFFFFFF0, v49  }
0x23f: {  	v3 =	vor.u32 v3, v4  }
0x240: {  	v4 =	vperm.xlane v3, v0;
	_ =	sdelay $0x1  }
0x241: {  	v3 =	vperm.xlane v3, v2;
	v4 =	vadd.s32 v1, v4;
	_ =	sdelay $0x1  }
0x242: {  	v3 =	vadd.s32 v1, v3;
	_ =	sdelay $0x1  }
0x243: {  	s18 =	simm.s32 $0x1400  }
0x244: {  	[tilespmem:s18], [sflag:$0x1] =	stream.indirect_vreg.gather [hbm4b:s2+s3], $0x80, v4, vm0, $0xb8;
	[tilespmem:$0x18400] =	vst v63  }
0x245: {  	s18 =	simm.s32 $0x1C00  }
0x246: {  	[tilespmem:s18], [sflag:$0x1] =	stream.indirect_vreg.gather [hbm4b:s2+s3], $0x80, v3, vm0, $0xb8;
	[tilespmem:$0x18400] =	vst v63  }
0x247: {  	v3 =	vld [tilespmem:$0x320];
	_ =	sdelay $0x4  }
0x248: {  	v50 =	vshll.u32 v3, $0x1  }
0x249: {  	v3 =	vand.u32 $0x7, v3;
	v4 =	vand.u32 $0xFFFFFFF0, v50  }
0x24a: {  	v3 =	vor.u32 v3, v4  }
0x24b: {  	v4 =	vperm.xlane v3, v0;
	_ =	sdelay $0x1  }
0x24c: {  	v3 =	vperm.xlane v3, v2;
	v4 =	vadd.s32 v1, v4;
	_ =	sdelay $0x1  }
0x24d: {  	v3 =	vadd.s32 v1, v3;
	_ =	sdelay $0x1  }
0x24e: {  	s18 =	simm.s32 $0x2400  }
0x24f: {  	[tilespmem:s18], [sflag:$0x1] =	stream.indirect_vreg.gather [hbm4b:s2+s3], $0x80, v4, vm0, $0xb8;
	[tilespmem:$0x18400] =	vst v63  }
0x250: {  	s18 =	simm.s32 $0x2C00  }
0x251: {  	[tilespmem:s18], [sflag:$0x1] =	stream.indirect_vreg.gather [hbm4b:s2+s3], $0x80, v3, vm0, $0xb8;
	[tilespmem:$0x18400] =	vst v63  }
0x252: {  	v3 =	vld [tilespmem:$0x330];
	_ =	sdelay $0x4  }
0x253: {  	v51 =	vshll.u32 v3, $0x1  }
0x254: {  	v3 =	vand.u32 $0x7, v3;
	v4 =	vand.u32 $0xFFFFFFF0, v51  }
0x255: {  	v3 =	vor.u32 v3, v4  }
0x256: {  	v4 =	vperm.xlane v3, v0;
	_ =	sdelay $0x1  }
0x257: {  	v3 =	vperm.xlane v3, v2;
	v4 =	vadd.s32 v1, v4;
	_ =	sdelay $0x1  }
0x258: {  	v3 =	vadd.s32 v1, v3;
	_ =	sdelay $0x1  }
0x259: {  	s18 =	simm.s32 $0x3400  }
0x25a: {  	[tilespmem:s18], [sflag:$0x1] =	stream.indirect_vreg.gather [hbm4b:s2+s3], $0x80, v4, vm0, $0xb8;
	[tilespmem:$0x18400] =	vst v63  }
0x25b: {  	s18 =	simm.s32 $0x3C00  }
0x25c: {  	[tilespmem:s18], [sflag:$0x1] =	stream.indirect_vreg.gather [hbm4b:s2+s3], $0x80, v3, vm0, $0xb8;
	[tilespmem:$0x18400] =	vst v63  }
0x25d: {  	v3 =	vld [tilespmem:$0x340];
	_ =	sdelay $0x4  }
0x25e: {  	v52 =	vshll.u32 v3, $0x1  }
0x25f: {  	v3 =	vand.u32 $0x7, v3;
	v4 =	vand.u32 $0xFFFFFFF0, v52  }
0x260: {  	v3 =	vor.u32 v3, v4  }
0x261: {  	v4 =	vperm.xlane v3, v0;
	_ =	sdelay $0x1  }
0x262: {  	v3 =	vperm.xlane v3, v2;
	v4 =	vadd.s32 v1, v4;
	_ =	sdelay $0x1  }
0x263: {  	v3 =	vadd.s32 v1, v3;
	_ =	sdelay $0x1  }
0x264: {  	s18 =	simm.s32 $0x4400  }
0x265: {  	[tilespmem:s18], [sflag:$0x1] =	stream.indirect_vreg.gather [hbm4b:s2+s3], $0x80, v4, vm0, $0xb8;
	[tilespmem:$0x18400] =	vst v63  }
0x266: {  	_ = 	snop  }
0x267: {  	[tilespmem:s29], [sflag:$0x1] =	stream.indirect_vreg.gather [hbm4b:s2+s3], $0x80, v3, vm0, $0xb8;
	[tilespmem:$0x18400] =	vst v63  }
0x268: {  	v3 =	vld [tilespmem:$0x350];
	_ =	sdelay $0x4  }
0x269: {  	v53 =	vshll.u32 v3, $0x1  }
0x26a: {  	v3 =	vand.u32 $0x7, v3;
	v4 =	vand.u32 $0xFFFFFFF0, v53  }
0x26b: {  	v3 =	vor.u32 v3, v4  }
0x26c: {  	v4 =	vperm.xlane v3, v0;
	_ =	sdelay $0x1  }
0x26d: {  	v3 =	vperm.xlane v3, v2;
	v4 =	vadd.s32 v1, v4;
	_ =	sdelay $0x1  }
0x26e: {  	v3 =	vadd.s32 v1, v3;
	_ =	sdelay $0x2  }
0x26f: {  	[tilespmem:s30], [sflag:$0x1] =	stream.indirect_vreg.gather [hbm4b:s2+s3], $0x80, v4, vm0, $0xb8;
	[tilespmem:$0x18400] =	vst v63  }
0x270: {  	_ = 	snop  }
0x271: {  	[tilespmem:s31], [sflag:$0x1] =	stream.indirect_vreg.gather [hbm4b:s2+s3], $0x80, v3, vm0, $0xb8;
	[tilespmem:$0x18400] =	vst v63  }
0x272: {  	v3 =	vld [tilespmem:$0x360];
	_ =	sdelay $0x4  }
0x273: {  	v54 =	vshll.u32 v3, $0x1  }
0x274: {  	v3 =	vand.u32 $0x7, v3;
	v4 =	vand.u32 $0xFFFFFFF0, v54  }
0x275: {  	v3 =	vor.u32 v3, v4  }
0x276: {  	v4 =	vperm.xlane v3, v0;
	_ =	sdelay $0x1  }
0x277: {  	v3 =	vperm.xlane v3, v2;
	v4 =	vadd.s32 v1, v4;
	_ =	sdelay $0x1  }
0x278: {  	v3 =	vadd.s32 v1, v3;
	_ =	sdelay $0x1  }
0x279: {  	s18 =	simm.s32 $0x6400  }
0x27a: {  	[tilespmem:s18], [sflag:$0x1] =	stream.indirect_vreg.gather [hbm4b:s2+s3], $0x80, v4, vm0, $0xb8;
	[tilespmem:$0x18400] =	vst v63  }
0x27b: {  	s18 =	simm.s32 $0x6C00  }
0x27c: {  	[tilespmem:s18], [sflag:$0x1] =	stream.indirect_vreg.gather [hbm4b:s2+s3], $0x80, v3, vm0, $0xb8;
	[tilespmem:$0x18400] =	vst v63  }
0x27d: {  	v3 =	vld [tilespmem:$0x370];
	_ =	sdelay $0x4  }
0x27e: {  	v55 =	vshll.u32 v3, $0x1  }
0x27f: {  	v3 =	vand.u32 $0x7, v3;
	v4 =	vand.u32 $0xFFFFFFF0, v55  }
0x280: {  	v3 =	vor.u32 v3, v4  }
0x281: {  	v4 =	vperm.xlane v3, v0;
	_ =	sdelay $0x1  }
0x282: {  	v3 =	vperm.xlane v3, v2;
	v4 =	vadd.s32 v1, v4;
	_ =	sdelay $0x1  }
0x283: {  	v3 =	vadd.s32 v1, v3;
	_ =	sdelay $0x1  }
0x284: {  	s18 =	simm.s32 $0x7400  }
0x285: {  	[tilespmem:s18], [sflag:$0x1] =	stream.indirect_vreg.gather [hbm4b:s2+s3], $0x80, v4, vm0, $0xb8;
	[tilespmem:$0x18400] =	vst v63  }
0x286: {  	s18 =	simm.s32 $0x7C00  }
0x287: {  	[tilespmem:s18], [sflag:$0x1] =	stream.indirect_vreg.gather [hbm4b:s2+s3], $0x80, v3, vm0, $0xb8;
	[tilespmem:$0x18400] =	vst v63  }
0x288: {  	_ =	swait.ge [sflag:s14], $0x8000  }
0x289: {  	[sflag:s14] =	ssyncset.done $0x0  }
0x28a: {  	s1 =	rddreg [dreg:$0x8];
	[sflag:s14] =	ssyncadd.s32 $0xFFFF8000  }
0x28b: {  	[hbm4b:s1+s3] =	stream.linear.scatter [tilespmem:s22], [sflag:$0x5], $0x8000, $0x38;
	[tilespmem:$0x18400] =	vst v63  }
0x28c: {  	_ =	swait.ge [sflag:s15], $0x8000  }
0x28d: {  	[sflag:s15] =	ssyncset.done $0x0  }
0x28e: {  	[sflag:s15] =	ssyncadd.s32 $0xFFFF8000  }
0x28f: {  	v3 =	vld [tilespmem:$0x380];
	_ =	sdelay $0x4  }
0x290: {  	v56 =	vshll.u32 v3, $0x1  }
0x291: {  	v3 =	vand.u32 $0x7, v3;
	v4 =	vand.u32 $0xFFFFFFF0, v56  }
0x292: {  	v3 =	vor.u32 v3, v4  }
0x293: {  	v4 =	vperm.xlane v3, v0;
	_ =	sdelay $0x1  }
0x294: {  	v3 =	vperm.xlane v3, v2;
	v4 =	vadd.s32 v1, v4;
	_ =	sdelay $0x1  }
0x295: {  	v3 =	vadd.s32 v1, v3;
	_ =	sdelay $0x2  }
0x296: {  	[tilespmem:s22], [sflag:$0x2] =	stream.indirect_vreg.gather [hbm4b:s2+s3], $0x80, v4, vm0, $0xb8;
	[tilespmem:$0x18400] =	vst v63  }
0x297: {  	s18 =	simm.s32 $0x8C00  }
0x298: {  	[tilespmem:s18], [sflag:$0x2] =	stream.indirect_vreg.gather [hbm4b:s2+s3], $0x80, v3, vm0, $0xb8;
	[tilespmem:$0x18400] =	vst v63  }
0x299: {  	v3 =	vld [tilespmem:$0x390];
	_ =	sdelay $0x4  }
0x29a: {  	v57 =	vshll.u32 v3, $0x1  }
0x29b: {  	v3 =	vand.u32 $0x7, v3;
	v4 =	vand.u32 $0xFFFFFFF0, v57  }
0x29c: {  	v3 =	vor.u32 v3, v4  }
0x29d: {  	v4 =	vperm.xlane v3, v0;
	_ =	sdelay $0x1  }
0x29e: {  	v3 =	vperm.xlane v3, v2;
	v4 =	vadd.s32 v1, v4;
	_ =	sdelay $0x1  }
0x29f: {  	v3 =	vadd.s32 v1, v3;
	_ =	sdelay $0x1  }
0x2a0: {  	s18 =	simm.s32 $0x9400  }
0x2a1: {  	[tilespmem:s18], [sflag:$0x2] =	stream.indirect_vreg.gather [hbm4b:s2+s3], $0x80, v4, vm0, $0xb8;
	[tilespmem:$0x18400] =	vst v63  }
0x2a2: {  	s18 =	simm.s32 $0x9C00  }
0x2a3: {  	[tilespmem:s18], [sflag:$0x2] =	stream.indirect_vreg.gather [hbm4b:s2+s3], $0x80, v3, vm0, $0xb8;
	[tilespmem:$0x18400] =	vst v63  }
0x2a4: {  	v3 =	vld [tilespmem:$0x3A0];
	_ =	sdelay $0x4  }
0x2a5: {  	v58 =	vshll.u32 v3, $0x1  }
0x2a6: {  	v3 =	vand.u32 $0x7, v3;
	v4 =	vand.u32 $0xFFFFFFF0, v58  }
0x2a7: {  	v3 =	vor.u32 v3, v4  }
0x2a8: {  	v4 =	vperm.xlane v3, v0;
	_ =	sdelay $0x1  }
0x2a9: {  	v3 =	vperm.xlane v3, v2;
	v4 =	vadd.s32 v1, v4;
	_ =	sdelay $0x1  }
0x2aa: {  	v3 =	vadd.s32 v1, v3;
	_ =	sdelay $0x1  }
0x2ab: {  	s18 =	simm.s32 $0xA400  }
0x2ac: {  	[tilespmem:s18], [sflag:$0x2] =	stream.indirect_vreg.gather [hbm4b:s2+s3], $0x80, v4, vm0, $0xb8;
	[tilespmem:$0x18400] =	vst v63  }
0x2ad: {  	s18 =	simm.s32 $0xAC00  }
0x2ae: {  	[tilespmem:s18], [sflag:$0x2] =	stream.indirect_vreg.gather [hbm4b:s2+s3], $0x80, v3, vm0, $0xb8;
	[tilespmem:$0x18400] =	vst v63  }
0x2af: {  	v3 =	vld [tilespmem:$0x3B0];
	_ =	sdelay $0x4  }
0x2b0: {  	v59 =	vshll.u32 v3, $0x1  }
0x2b1: {  	v3 =	vand.u32 $0x7, v3;
	v4 =	vand.u32 $0xFFFFFFF0, v59  }
0x2b2: {  	v3 =	vor.u32 v3, v4  }
0x2b3: {  	v4 =	vperm.xlane v3, v0;
	_ =	sdelay $0x1  }
0x2b4: {  	v3 =	vperm.xlane v3, v2;
	v4 =	vadd.s32 v1, v4;
	_ =	sdelay $0x1  }
0x2b5: {  	v3 =	vadd.s32 v1, v3;
	_ =	sdelay $0x1  }
0x2b6: {  	s18 =	simm.s32 $0xB400  }
0x2b7: {  	[tilespmem:s18], [sflag:$0x2] =	stream.indirect_vreg.gather [hbm4b:s2+s3], $0x80, v4, vm0, $0xb8;
	[tilespmem:$0x18400] =	vst v63  }
0x2b8: {  	s18 =	simm.s32 $0xBC00  }
0x2b9: {  	[tilespmem:s18], [sflag:$0x2] =	stream.indirect_vreg.gather [hbm4b:s2+s3], $0x80, v3, vm0, $0xb8;
	[tilespmem:$0x18400] =	vst v63  }
0x2ba: {  	v3 =	vld [tilespmem:$0x3C0];
	_ =	sdelay $0x4  }
0x2bb: {  	v60 =	vshll.u32 v3, $0x1  }
0x2bc: {  	v3 =	vand.u32 $0x7, v3;
	v4 =	vand.u32 $0xFFFFFFF0, v60  }
0x2bd: {  	v3 =	vor.u32 v3, v4  }
0x2be: {  	v4 =	vperm.xlane v3, v0;
	_ =	sdelay $0x1  }
0x2bf: {  	v3 =	vperm.xlane v3, v2;
	v4 =	vadd.s32 v1, v4;
	_ =	sdelay $0x1  }
0x2c0: {  	v3 =	vadd.s32 v1, v3;
	_ =	sdelay $0x1  }
0x2c1: {  	s18 =	simm.s32 $0xC400  }
0x2c2: {  	[tilespmem:s18], [sflag:$0x2] =	stream.indirect_vreg.gather [hbm4b:s2+s3], $0x80, v4, vm0, $0xb8;
	[tilespmem:$0x18400] =	vst v63  }
0x2c3: {  	s18 =	simm.s32 $0xCC00  }
0x2c4: {  	[tilespmem:s18], [sflag:$0x2] =	stream.indirect_vreg.gather [hbm4b:s2+s3], $0x80, v3, vm0, $0xb8;
	[tilespmem:$0x18400] =	vst v63  }
0x2c5: {  	v3 =	vld [tilespmem:$0x3D0];
	_ =	sdelay $0x4  }
0x2c6: {  	v61 =	vshll.u32 v3, $0x1  }
0x2c7: {  	v3 =	vand.u32 $0x7, v3;
	v4 =	vand.u32 $0xFFFFFFF0, v61  }
0x2c8: {  	v3 =	vor.u32 v3, v4  }
0x2c9: {  	v4 =	vperm.xlane v3, v0;
	_ =	sdelay $0x1  }
0x2ca: {  	v3 =	vperm.xlane v3, v2;
	v4 =	vadd.s32 v1, v4;
	_ =	sdelay $0x1  }
0x2cb: {  	v3 =	vadd.s32 v1, v3;
	_ =	sdelay $0x1  }
0x2cc: {  	s18 =	simm.s32 $0xD400  }
0x2cd: {  	[tilespmem:s18], [sflag:$0x2] =	stream.indirect_vreg.gather [hbm4b:s2+s3], $0x80, v4, vm0, $0xb8;
	[tilespmem:$0x18400] =	vst v63  }
0x2ce: {  	s18 =	simm.s32 $0xDC00  }
0x2cf: {  	[tilespmem:s18], [sflag:$0x2] =	stream.indirect_vreg.gather [hbm4b:s2+s3], $0x80, v3, vm0, $0xb8;
	[tilespmem:$0x18400] =	vst v63  }
0x2d0: {  	v3 =	vld [tilespmem:$0x3E0];
	_ =	sdelay $0x4  }
0x2d1: {  	v62 =	vshll.u32 v3, $0x1  }
0x2d2: {  	v3 =	vand.u32 $0x7, v3;
	v4 =	vand.u32 $0xFFFFFFF0, v62  }
0x2d3: {  	v3 =	vor.u32 v3, v4  }
0x2d4: {  	v4 =	vperm.xlane v3, v0;
	_ =	sdelay $0x1  }
0x2d5: {  	v3 =	vperm.xlane v3, v2;
	v4 =	vadd.s32 v1, v4;
	_ =	sdelay $0x1  }
0x2d6: {  	v3 =	vadd.s32 v1, v3;
	_ =	sdelay $0x1  }
0x2d7: {  	s18 =	simm.s32 $0xE400  }
0x2d8: {  	[tilespmem:s18], [sflag:$0x2] =	stream.indirect_vreg.gather [hbm4b:s2+s3], $0x80, v4, vm0, $0xb8;
	[tilespmem:$0x18400] =	vst v63  }
0x2d9: {  	s18 =	simm.s32 $0xEC00  }
0x2da: {  	[tilespmem:s18], [sflag:$0x2] =	stream.indirect_vreg.gather [hbm4b:s2+s3], $0x80, v3, vm0, $0xb8;
	[tilespmem:$0x18400] =	vst v63  }
0x2db: {  	v3 =	vld [tilespmem:$0x3F0];
	_ =	sdelay $0x4  }
0x2dc: {  	v63 =	vshll.u32 v3, $0x1  }
0x2dd: {  	v3 =	vand.u32 $0x7, v3;
	v4 =	vand.u32 $0xFFFFFFF0, v63  }
0x2de: {  	v3 =	vor.u32 v3, v4  }
0x2df: {  	v4 =	vperm.xlane v3, v0;
	_ =	sdelay $0x1  }
0x2e0: {  	v3 =	vperm.xlane v3, v2;
	v4 =	vadd.s32 v1, v4;
	_ =	sdelay $0x1  }
0x2e1: {  	v3 =	vadd.s32 v1, v3;
	_ =	sdelay $0x1  }
0x2e2: {  	s18 =	simm.s32 $0xF400  }
0x2e3: {  	[tilespmem:s18], [sflag:$0x2] =	stream.indirect_vreg.gather [hbm4b:s2+s3], $0x80, v4, vm0, $0xb8;
	[tilespmem:$0x18400] =	vst v63  }
0x2e4: {  	s18 =	simm.s32 $0xFC00  }
0x2e5: {  	[tilespmem:s18], [sflag:$0x2] =	stream.indirect_vreg.gather [hbm4b:s2+s3], $0x80, v3, vm0, $0xb8;
	[tilespmem:$0x18400] =	vst v63  }
0x2e6: {  	_ =	swait.ge [sflag:s16], $0x8000  }
0x2e7: {  	[sflag:s16] =	ssyncset.done $0x0  }
0x2e8: {  	s1 =	rddreg [dreg:$0x9];
	[sflag:s16] =	ssyncadd.s32 $0xFFFF8000  }
0x2e9: {  	[hbm4b:s1+s3] =	stream.linear.scatter [tilespmem:s0], [sflag:$0x6], $0x8000, $0x38;
	[tilespmem:$0x18400] =	vst v63  }
0x2ea: {  	_ =	swait.ge [sflag:s12], $0x8000  }
0x2eb: {  	[sflag:s12] =	ssyncset.done $0x0  }
0x2ec: {  	s0 =	rddreg [dreg:$0xa];
	[sflag:s12] =	ssyncadd.s32 $0xFFFF8000  }
0x2ed: {  	[hbm4b:s0+s3] =	stream.linear.scatter [tilespmem:s28], [sflag:$0x4], $0x8000, $0x38;
	[tilespmem:$0x18400] =	vst v63  }
0x2ee: {  	_ =	swait.ge [sflag:s14], $0x8000  }
0x2ef: {  	[sflag:s14] =	ssyncset.done $0x0  }
0x2f0: {  	s1 =	rddreg [dreg:$0xb];
	[sflag:s14] =	ssyncadd.s32 $0xFFFF8000  }
0x2f1: {  	[hbm4b:s1+s3] =	stream.linear.scatter [tilespmem:s22], [sflag:$0x5], $0x8000, $0x38;
	[tilespmem:$0x18400] =	vst v63  }
0x2f2: {  	_ =	swait.ge [sflag:s17], $0x8000  }
0x2f3: {  	[sflag:s17] =	ssyncset.done $0x0  }
0x2f4: {  	[sflag:s17] =	ssyncadd.s32 $0xFFFF8000  }
0x2f5: {  	p0 =	sne.s32 s4, $0x1;
	_ =	swait.ge [sflag:s13], $0x8000  }
.Ltmp0:
0x2f6: {  	[sflag:s13] =	ssyncset.done $0x0;
	(pc) =	sbr.rel @p0 .LBB2_1-.Ltmp0, $4  }
0x2f7: {  	[sflag:s13] =	ssyncadd.s32 $0xFFFF8000  }
0x2f8: {  	_ =	swait.ge [sflag:s15], $0x8000  }
0x2f9: {  	[sflag:s15] =	ssyncset.done $0x0  }
0x2fa: {  	s4 =	sadd.s32 $0xFFFFFFFF, s4;
	[sflag:s15] =	ssyncadd.s32 $0xFFFF8000  }
0x2fb: {  	_ =	sfence.sel $0x180000  }
0x2fc: {  	[bflag:$0x0] =	sbarrier.arrive $0xFFFF  }
0x2fd: {  	_ =	strace $0x90000047  }
0x2fe: {  	s0 =	stileid.u32;
	[bflag:$0x2] =	sbarrier.arrive $0xFFFF  }
0x2ff: {  	p0 =	sne.s32 s0, $0x0;
	s0 =	rddreg [dreg:$0x2]  }
0x300: {  	s0 =	sadd.s32 @!p0 $0x100000, s0  }
0x301: {  	[sflag:s0] =	ssyncadd.tile.s32 @!p0 $0x1;
	_ =	shalt  }
.Lfunc_end2:
_tile_overlayer_lowered:
.L_overlay_start_2:
0x302: {  	(tag) =	ssettag $0x2  }
0x303: {  	s0 =	rddreg [dreg:$0x0];
	s2 =	stileid.u32  }
0x304: {  	s1 =	rddreg [dreg:$0x1];
	p0 =	sne.s32 s2, $0x0  }
0x305: {  	s3 =	rddreg [dreg:$0x2];
	[bflag:$0x3] =	sbarrier.arrive $0xFFFF;
	s2 =	simm.s32 @!p0 $0x1C07  }
0x306: {  	[timem:s3], [sflag:s2] =	dma.local @!p0 [hbm:s0], s1  }
0x307: {  	s0 =	simm.s32 @!p0 $0x7  }
0x308: {  	_ =	swait.ge @!p0 [sflag:s0], s1  }
0x309: {  	s1 =	ssub.s32 @!p0 $0x0, s1;
	[sflag:s0] =	ssyncset.done @!p0 $0x0  }
0x30a: {  	[sflag:s0] =	ssyncadd.s32 @!p0 s1  }
0x30b: {  	[bflag:$0x3] =	sbarrier.arrive $0xFFFF  }
0x30c: {  	_ =	shalt  }

// kernel: kernel.14.cloned.1.call-start
scs
__scs_entry_jumppad:
0x0: {  	(pc) =	sbr.rel $0x88, $3  }
0x1: {  	(tag) =	ssettag $0x0;
	lr =	simm.s32 $0x1  }
0x2: {  	[smem:$0x3F95] =	sst lr;
	_ =	strace $0xD0000000  }
0x3: {  	_ = 	snop  }
0x4: {  	_ = 	snop  }
0x5: {  	_ = 	snop  }
0x6: {  	_ = 	snop  }
0x7: {  	_ = 	snop  }
__scs_overlays_trampoline_lowered:
0x8: {  	[smem:$0x3FA4] =	sst s0  }
0x9: {  	[smem:$0x3FA5] =	sst s1  }
0xa: {  	[smem:$0x3FA6] =	sst s2  }
0xb: {  	[smem:$0x3FA7] =	sst s3  }
0xc: {  	[smem:$0x3FA8] =	sst s4  }
0xd: {  	[smem:$0x3FA9] =	sst s5  }
0xe: {  	[smem:$0x3FAA] =	sst s6  }
0xf: {  	[smem:$0x3FAB] =	sst s7  }
0x10: {  	[smem:$0x3FAC] =	sst s8  }
0x11: {  	[smem:$0x3FAD] =	sst s9;
	s0 =	simm.s32 @!p0 $0x0  }
0x12: {  	s1 =	sld [smem:$0x3F93];
	s0 =	simm.s32 @p0 $0x1  }
0x13: {  	[smem:$0x3FAE] =	sst s0;
	s0 =	simm.s32 @!p1 $0x0  }
0x14: {  	s2 =	sld [smem:$0x3F92];
	s0 =	simm.s32 @p1 $0x1  }
0x15: {  	[smem:$0x3FAF] =	sst s0;
	s0 =	simm.s32 @!p2 $0x0  }
0x16: {  	s3 =	sld [smem:$0x3FDB];
	s0 =	simm.s32 @p2 $0x1  }
0x17: {  	s4 =	simm.s32 $0x1BF5;
	[smem:$0x3FB1] =	sst s0  }
0x18: {  	s0 =	sld [smem:$0x3F94];
	_ =	swait.ge [sflag:s4], $0x0  }
0x19: {  	s7 =	sld [smem:$0x3F95]  }
0x1a: {  	s8 =	sadd.s32 $0xFFFFE003, lr  }
0x1b: {  	s9 =	sadd.s32 $0xFFFFFEF7, lr;
	s5 =	simm.s32 $0xFFFFFFFF;
	p2 =	slt.u32 s8, $0xFFFFF086  }
0x1c: {  	p1 =	slt.u32 s9, $0xF7A;
	s5 =	simm.s32 @!p2 $0x0  }
0x1d: {  	s5 =	simm.s32 @p1 $0x1;
	p0 =	seq.s32 s7, s2  }
0x1e: {  	s7 =	smul.u32 @!p0 $0xF7A, s2;
	p2 =	seq.s32 @!p0 s5, $0x0  }
0x1f: {  	s9 =	smul.u32 $0xF7A, s1;
	s8 =	simm.s32 @!p0 $0x1BF5;
	p2 =	por !p2, p0  }
0x20: {  	[sflag:s8] =	ssyncset.s32 @!p0 $0xFFFFF086;
	s6 =	sadd.s32 @!p0 s3, s7;
	s7 =	simm.s32 @!p0 $0x108  }
0x21: {  	s3 =	sadd.s32 s3, s9;
	s6 =	sadd.s32 @!p0 $0x88, s6;
	s7 =	simm.s32 @p2 $0x1082  }
0x22: {  	[simem:s7], [sflag:s8] =	dma.local @!p0 [hbm:s6], $0xF7A  }
0x23: {  	s9 =	sor.u32 $0xD0000000, s2;
	s6 =	simm.s32 $0x108;
	_ =	swait.ge @!p0 [sflag:s8], $0x0  }
0x24: {  	s3 =	sadd.s32 $0x88, s3;
	s6 =	simm.s32 @!p1 $0x1082;
	[sflag:s4] =	ssyncset.s32 $0xFFFFF086  }
0x25: {  	[simem:s6], [sflag:s4] =	dma.local [hbm:s3], $0xF7A  }
0x26: {  	[smem:$0x3F95] =	sst s1;
	(tag) =	ssettag s2;
	_ =	strace s9  }
0x27: {  	s1 =	sld [smem:$0x3FA5]  }
0x28: {  	s2 =	sld [smem:$0x3FA6]  }
0x29: {  	s4 =	sld [smem:$0x3FA8]  }
0x2a: {  	p0 =	seq.s32 s5, $0x0;
	s5 =	sld [smem:$0x3FA9]  }
0x2b: {  	s6 =	sld [smem:$0x3FAA]  }
0x2c: {  	s7 =	sld [smem:$0x3FAB]  }
0x2d: {  	s3 =	simm.s32 $0x108;
	s8 =	sld [smem:$0x3FAC]  }
0x2e: {  	s3 =	simm.s32 @!p0 $0x1082;
	s9 =	sld [smem:$0x3FAD]  }
0x2f: {  	lr =	sadd.s32 s0, s3;
	s0 =	sld [smem:$0x3FA4]  }
0x30: {  	s3 =	sld [smem:$0x3FA7]  }
0x31: {  	[smem:$0x3FB0] =	sst s10  }
0x32: {  	s10 =	sld [smem:$0x3FAE];
	_ =	sdelay $0x3  }
0x33: {  	p0 =	seq.s32 s10, $0x1;
	s10 =	sld [smem:$0x3FB0];
	_ =	sdelay $0x3  }
0x34: {  	[smem:$0x3FB0] =	sst s10  }
0x35: {  	s10 =	sld [smem:$0x3FAF];
	_ =	sdelay $0x3  }
0x36: {  	p1 =	seq.s32 s10, $0x1;
	s10 =	sld [smem:$0x3FB0];
	_ =	sdelay $0x3  }
0x37: {  	[smem:$0x3FB0] =	sst s10  }
0x38: {  	s10 =	sld [smem:$0x3FB1]  }
0x39: {  	_ = 	snop;
	(pc) =	sbr.ind lr, $3  }
0x3a: {  	_ = 	snop  }
0x3b: {  	_ = 	snop  }
0x3c: {  	p2 =	seq.s32 s10, $0x1;
	s10 =	sld [smem:$0x3FB0]  }
0x3d: {  	_ =	shalt  }
0x3e: {  	_ =	shalt  }
0x3f: {  	_ =	shalt  }
0x40: {  	_ =	shalt  }
0x41: {  	_ =	shalt  }
0x42: {  	_ =	shalt  }
0x43: {  	_ =	shalt  }
0x44: {  	_ =	shalt  }
0x45: {  	_ =	shalt  }
0x46: {  	_ =	shalt  }
0x47: {  	_ =	shalt  }
0x48: {  	_ =	shalt  }
0x49: {  	_ =	shalt  }
0x4a: {  	_ =	shalt  }
0x4b: {  	_ =	shalt  }
0x4c: {  	_ =	shalt  }
0x4d: {  	_ =	shalt  }
0x4e: {  	_ =	shalt  }
0x4f: {  	_ =	shalt  }
0x50: {  	_ =	shalt  }
0x51: {  	_ =	shalt  }
0x52: {  	_ =	shalt  }
0x53: {  	_ =	shalt  }
0x54: {  	_ =	shalt  }
0x55: {  	_ =	shalt  }
0x56: {  	_ =	shalt  }
0x57: {  	_ =	shalt  }
0x58: {  	_ =	shalt  }
0x59: {  	_ =	shalt  }
0x5a: {  	_ =	shalt  }
0x5b: {  	_ =	shalt  }
0x5c: {  	_ =	shalt  }
0x5d: {  	_ =	shalt  }
0x5e: {  	_ =	shalt  }
0x5f: {  	_ =	shalt  }
0x60: {  	_ =	shalt  }
0x61: {  	_ =	shalt  }
0x62: {  	_ =	shalt  }
0x63: {  	_ =	shalt  }
0x64: {  	_ =	shalt  }
0x65: {  	_ =	shalt  }
0x66: {  	_ =	shalt  }
0x67: {  	_ =	shalt  }
0x68: {  	_ =	shalt  }
0x69: {  	_ =	shalt  }
0x6a: {  	_ =	shalt  }
0x6b: {  	_ =	shalt  }
0x6c: {  	_ =	shalt  }
0x6d: {  	_ =	shalt  }
0x6e: {  	_ =	shalt  }
0x6f: {  	_ =	shalt  }
0x70: {  	_ =	shalt  }
0x71: {  	_ =	shalt  }
0x72: {  	_ =	shalt  }
0x73: {  	_ =	shalt  }
0x74: {  	_ =	shalt  }
0x75: {  	_ =	shalt  }
0x76: {  	_ =	shalt  }
0x77: {  	_ =	shalt  }
0x78: {  	_ =	shalt  }
0x79: {  	_ =	shalt  }
0x7a: {  	_ =	shalt  }
0x7b: {  	_ =	shalt  }
0x7c: {  	_ =	shalt  }
0x7d: {  	_ =	shalt  }
0x7e: {  	_ =	shalt  }
0x7f: {  	_ =	shalt  }
0x80: {  	_ =	shalt  }
0x81: {  	_ =	shalt  }
0x82: {  	_ =	shalt  }
0x83: {  	_ =	shalt  }
0x84: {  	_ =	shalt  }
0x85: {  	_ =	shalt  }
0x86: {  	_ =	shalt  }
0x87: {  	_ =	shalt  }
.Lfunc_end0:
.L_simem_size_0:
called_computation.1_lowered:
.L_overlay_start_0:
0x88: {  	s2 =	sld [smem:$0x3FD9]  }
0x89: {  	s3 =	sld [smem:$0x3FFE];
	_ =	sdelay $0x1  }
0x8a: {  	s1 =	srdreg.scid  }
0x8b: {  	s0 =	sand.u32 $0x1, s1  }
0x8c: {  	s17 =	sshll.u32 s0, $0xA;
	s2 =	sadd.s32 s3, s2  }
0x8d: {  	s2 =	sadd.s32 s2, s17  }
0x8e: {  	[smem:$0x3FBC] =	sst s2  }
0x8f: {  	_ = 	snop  }
0x90: {  	s18 =	sld [smem:$0x3FC6];
	(tm) =	ssettm $0x1  }
0x91: {  	s19 =	sld [smem:$0x3FFB];
	_ =	sdelay $0x3  }
0x92: {  	_ =	strace s19  }
0x93: {  	s2 =	sld [smem:$0x3FFC];
	_ =	sdelay $0x3  }
0x94: {  	_ =	strace s2  }
0x95: {  	s2 =	sld [smem:$0x3FFD];
	_ =	sdelay $0x3  }
0x96: {  	_ =	strace s2  }
0x97: {  	_ =	strace $0x8FFFFFFF  }
0x98: {  	s20 =	sld [smem:$0x3FDB];
	_ =	sdelay $0x1  }
0x99: {  	s4 =	simm.s32 $_scs_section_size  }
0x9a: {  	s5 =	simm.s32 $_size__tile_overlayer_lowered;
	s6 =	simm.s32 $_tile_overlayer_lowered  }
0x9b: {  	s7 =	simm.s32 $0x1BFF;
	s21 =	sshll.u32 s6, $0x1;
	s4 =	sadd.s32 s4, s20  }
0x9c: {  	s22 =	simm.s32 $0x0;
	s5 =	sshll.u32 s5, $0x1;
	s6 =	sadd.s32 s21, s4  }
0x9d: {  	[timem:s22], [sflag:s7] =	dma.local [hbm:s6], s5  }
0x9e: {  	_ =	swait.ge [sflag:s7], s5  }
0x9f: {  	s5 =	ssub.s32 $0x0, s5;
	[sflag:s7] =	ssyncset.done $0x0  }
0xa0: {  	[sflag:s7] =	ssyncadd.s32 s5;
	_ =	sdelay $0x1  }
0xa1: {  	s23 =	simm.s32 $0x1B8B  }
0xa2: {  	_ =	swait.ge [sflag:s23], $0x1  }
0xa3: {  	[sflag:s23] =	ssyncset.done $0x0  }
0xa4: {  	[sflag:s23] =	ssyncadd.s32 $0xFFFFFFFF  }
0xa5: {  	s5 =	sld [smem:$0x0]  }
0xa6: {  	s6 =	sand.u32 $0xFFFFFFFE, s1  }
0xa7: {  	p0 =	sne.s32 s1, s6  }
0xa8: {  	s6 =	sshll.u32 @p0 s6, $0xE  }
0xa9: {  	s6 =	sadd.s32 @p0 $0x11B8D, s6;
	s7 =	sshll.u32 @p0 s5, $0x11  }
0xaa: {  	s6 =	sor.u32 @p0 s7, s6  }
0xab: {  	[sflag:s6] =	ssyncadd.remote.s32 @p0 $0x1;
	_ =	sdelay $0x1  }
0xac: {  	s6 =	simm.s32 @p0 $0x1B8D  }
0xad: {  	_ =	swait.eq @p0 [sflag:s6], $0x1  }
0xae: {  	[sflag:s6] =	ssyncadd.s32 @p0 $0xFFFFFFFF  }
0xaf: {  	s7 =	sshll.u32 @!p0 s1, $0xE  }
0xb0: {  	s7 =	sor.u32 @!p0 $0x4000, s7;
	s6 =	simm.s32 @!p0 $0x1B8D  }
0xb1: {  	s5 =	sshll.u32 @!p0 s5, $0x11;
	s7 =	sadd.s32 @!p0 $0x11B8D, s7;
	_ =	swait.eq @!p0 [sflag:s6], $0x1  }
0xb2: {  	s5 =	sor.u32 @!p0 s5, s7;
	[sflag:s6] =	ssyncadd.s32 @!p0 $0xFFFFFFFF  }
0xb3: {  	s25 =	simm.s32 $0x1B8E;
	s24 =	sld [smem:$0x3FFE];
	[sflag:s5] =	ssyncadd.remote.s32 @!p0 $0x1  }
0xb4: {  	s26 =	simm.s32 $execute0_lowered;
	[smem:$0x3FD2] =	sst s25  }
0xb5: {  	s6 =	sshll.u32 s26, $0x1;
	_ =	strace $0x8000004F;
	[dreg:$0x1] =	wrdreg $0xFFFFFFFF  }
0xb6: {  	s28 =	simm.s32 $_size_execute0_lowered;
	s4 =	sadd.s32 s4, s6;
	[dreg:$0x0] =	wrdreg $0x0  }
0xb7: {  	s6 =	sshll.u32 s28, $0x1;
	[dreg:$0x2] =	wrdreg s4  }
0xb8: {  	[dreg:$0x3] =	wrdreg s6  }
0xb9: {  	[dreg:$0x4] =	wrdreg $0xC0  }
0xba: {  	_ =	task [dreg:s22], $0x5FFFF  }
0xbb: {  	[dreg:$0x1] =	wrdreg $0xFFFFFFFF  }
0xbc: {  	[dreg:$0x0] =	wrdreg $0x60  }
0xbd: {  	[dreg:$0x2] =	wrdreg s18  }
0xbe: {  	[dreg:$0x3] =	wrdreg s24  }
0xbf: {  	[dreg:$0x4] =	wrdreg $0xA  }
0xc0: {  	_ =	task.clear_ibuf [dreg:s22], $0x5FFFF;
	_ =	strace $0x9000004F  }
0xc1: {  	s29 =	simm.s32 $0xA;
	_ =	strace $0x80000051  }
0xc2: {  	_ =	swait.ge [sflag:s29], $0x1  }
0xc3: {  	[sflag:s29] =	ssyncadd.s32 $0xFFFFFFFF  }
0xc4: {  	_ =	strace $0x90000051  }
0xc5: {  	_ =	sfence  }
0xc6: {  	s30 =	sld [smem:$0x0];
	_ =	sdelay $0x2  }
0xc7: {  	s31 =	sshll.u32 s1, $0xD;
	s1 =	sshrl.u32 s1, $0x2  }
0xc8: {  	s4 =	sand.u32 $0x4000, s31;
	s1 =	sadd.s32 s1, s30  }
0xc9: {  	s0 =	sor.u32 s4, s0;
	s1 =	sshll.u32 s1, $0x11  }
0xca: {  	s0 =	sor.u32 s1, s0  }
0xcb: {  	s0 =	sadd.s32 $0x8F2B, s0  }
0xcc: {  	[sflag:s0] =	ssyncadd.remote.s32 $0x1  }
0xcd: {  	_ =	sfence.sel $0xFFFF  }
0xce: {  	[dreg:$0x0] =	wrdreg $0xFFFFFFFF;
	(pc) =	sbr.abs _section_cstart, $3  }
0xcf: {  	[dreg:$0x1] =	wrdreg $0xFFFFFFFF  }
0xd0: {  	_ =	task.clear_ibuf [dreg:s22], $0x2FFFF;
	_ =	strace $0x9FFFFFFF  }
0xd1: {  	(tm) =	ssettm $0x7FFFFFFF  }
tec
execute0_lowered:
.L_overlay_start_1:
0x0: {  	(tag) =	ssettag $0x1  }
0x1: {  	s0 =	srdreg.scid;
	s2 =	rddreg [dreg:$0x0]  }
0x2: {  	s1 =	stileid.u32;
	s4 =	rddreg [dreg:$0x1];
	s28 =	simm.s32 $0x400  }
0x3: {  	s12 =	simm.s32 $0x1;
	s13 =	simm.s32 $0x4;
	s14 =	simm.s32 $0x2  }
0x4: {  	s15 =	simm.s32 $0x5;
	s16 =	simm.s32 $0x3;
	s17 =	simm.s32 $0x6  }
0x5: {  	s29 =	simm.s32 $0x4C00;
	s30 =	simm.s32 $0x5400;
	s0 =	sand.u32 $0x1, s0  }
0x6: {  	s31 =	simm.s32 $0x5C00;
	s1 =	sshll.u32 s1, $0xB;
	s3 =	sshll.u32 s0, $0xA  }
0x7: {  	s6 =	simm.s32 $0x10C00;
	s9 =	simm.s32 $0x11400;
	s1 =	sor.u32 s3, s1  }
0x8: {  	s10 =	simm.s32 $0x11C00;
	s11 =	simm.s32 $0x12400;
	s5 =	sshrl.u32 s1, $0x3  }
0x9: {  	s3 =	simm.s32 $0x0;
	s1 =	sshll.u32 s1, $0x5;
	s5 =	sadd.s32 s5, s4  }
0xa: {  	[smem:$0x7FF] =	sst s3;
	s1 =	sadd.s32 s1, s4;
	s18 =	sadd.s32 $0xA000, s5  }
0xb: {  	_ =	strace $0x80000050;
	s19 =	sadd.s32 $0x30B000, s1;
	[dreg:$0x3] =	wrdreg s18  }
0xc: {  	s7 =	simm.s32 $0x13C00;
	s20 =	sadd.s32 $0x30C000, s1;
	[dreg:$0x4] =	wrdreg s19  }
0xd: {  	s8 =	simm.s32 $0x14400;
	s21 =	sadd.s32 $0x30D000, s1;
	[dreg:$0x5] =	wrdreg s20  }
0xe: {  	s0 =	ssub.s32 $0x2, s0;
	s22 =	sadd.s32 $0x30E000, s1;
	[dreg:$0x6] =	wrdreg s21  }
0xf: {  	s25 =	sshrl.u32 s0, $0x1;
	s23 =	sadd.s32 $0x30F000, s1;
	[dreg:$0x7] =	wrdreg s22  }
0x10: {  	s0 =	ssub.s32 s0, s25;
	s24 =	sadd.s32 $0x310000, s1;
	[dreg:$0x8] =	wrdreg s23  }
0x11: {  	s25 =	simm.s32 $0x17400;
	s26 =	sadd.s32 $0x311000, s1;
	[dreg:$0x9] =	wrdreg s24  }
0x12: {  	s4 =	smax.u32 s0, $0x1;
	s1 =	sadd.s32 $0x312000, s1;
	[dreg:$0xa] =	wrdreg s26  }
0x13: {  	v2 =	vlaneseq.u32;
	s5 =	simm.s32 $0x13400;
	[dreg:$0xb] =	wrdreg s1;
	s22 =	simm.s32 $0x8400  }
0x14: {  	vm0 =	vmmov $0xffff;
	v1 =	vshrl.u32 v2, $0x3;
	s19 =	simm.s32 $0x14C00;
	s20 =	simm.s32 $0x15400;
	s21 =	simm.s32 $0x15C00  }
0x15: {  	v0 =	vand.u32 $0x7, v2;
	v2 =	vor.u32 $0x8, v2;
	v1 =	vmul.u32 $0x8, v1;
	s23 =	simm.s32 $0x16400;
	s24 =	simm.s32 $0x16C00;
	s26 =	simm.s32 $0x17C00  }
.LBB2_1:
0x16: {  	s18 =	rddreg [dreg:$0x3];
	s0 =	simm.s32 $0x7  }
0x17: {  	[tilespmem:s3], [sflag:$0x7] =	stream.linear.gather [hbm4b:s18+s3], $0x400, $0x38;
	[tilespmem:$0x18400] =	vst v63  }
0x18: {  	_ =	swait.ge [sflag:s0], $0x400  }
0x19: {  	[sflag:s0] =	ssyncset.done $0x0  }
0x1a: {  	[sflag:s0] =	ssyncadd.s32 $0xFFFFFC00  }
0x1b: {  	v3 =	vld [tilespmem:$0x0];
	_ =	sdelay $0x4  }
0x1c: {  	v4 =	vshll.u32 v3, $0x1  }
0x1d: {  	v3 =	vand.u32 $0x7, v3;
	v4 =	vand.u32 $0xFFFFFFF0, v4  }
0x1e: {  	v3 =	vor.u32 v3, v4  }
0x1f: {  	v4 =	vperm.xlane v3, v0;
	_ =	sdelay $0x1  }
0x20: {  	v3 =	vperm.xlane v3, v2;
	v4 =	vadd.s32 v1, v4;
	_ =	sdelay $0x1  }
0x21: {  	v3 =	vadd.s32 v1, v3;
	_ =	sdelay $0x2  }
0x22: {  	[tilespmem:s28], [sflag:$0x1] =	stream.indirect_vreg.gather [hbm4b:s2+s3], $0x80, v4, vm0, $0xb8;
	[tilespmem:$0x18400] =	vst v63  }
0x23: {  	s0 =	simm.s32 $0xC00  }
0x24: {  	[tilespmem:s0], [sflag:$0x1] =	stream.indirect_vreg.gather [hbm4b:s2+s3], $0x80, v3, vm0, $0xb8;
	[tilespmem:$0x18400] =	vst v63  }
0x25: {  	v3 =	vld [tilespmem:$0x10];
	_ =	sdelay $0x4  }
0x26: {  	v57 =	vshll.u32 v3, $0x1  }
0x27: {  	v3 =	vand.u32 $0x7, v3;
	v4 =	vand.u32 $0xFFFFFFF0, v57  }
0x28: {  	v3 =	vor.u32 v3, v4  }
0x29: {  	v4 =	vperm.xlane v3, v0;
	_ =	sdelay $0x1  }
0x2a: {  	v3 =	vperm.xlane v3, v2;
	v4 =	vadd.s32 v1, v4;
	_ =	sdelay $0x1  }
0x2b: {  	v3 =	vadd.s32 v1, v3;
	_ =	sdelay $0x1  }
0x2c: {  	s1 =	simm.s32 $0x1400  }
0x2d: {  	[tilespmem:s1], [sflag:$0x1] =	stream.indirect_vreg.gather [hbm4b:s2+s3], $0x80, v4, vm0, $0xb8;
	[tilespmem:$0x18400] =	vst v63  }
0x2e: {  	s18 =	simm.s32 $0x1C00  }
0x2f: {  	[tilespmem:s18], [sflag:$0x1] =	stream.indirect_vreg.gather [hbm4b:s2+s3], $0x80, v3, vm0, $0xb8;
	[tilespmem:$0x18400] =	vst v63  }
0x30: {  	v3 =	vld [tilespmem:$0x20];
	_ =	sdelay $0x4  }
0x31: {  	v58 =	vshll.u32 v3, $0x1  }
0x32: {  	v3 =	vand.u32 $0x7, v3;
	v4 =	vand.u32 $0xFFFFFFF0, v58  }
0x33: {  	v3 =	vor.u32 v3, v4  }
0x34: {  	v4 =	vperm.xlane v3, v0;
	_ =	sdelay $0x1  }
0x35: {  	v3 =	vperm.xlane v3, v2;
	v4 =	vadd.s32 v1, v4;
	_ =	sdelay $0x1  }
0x36: {  	v3 =	vadd.s32 v1, v3;
	_ =	sdelay $0x1  }
0x37: {  	s1 =	simm.s32 $0x2400  }
0x38: {  	[tilespmem:s1], [sflag:$0x1] =	stream.indirect_vreg.gather [hbm4b:s2+s3], $0x80, v4, vm0, $0xb8;
	[tilespmem:$0x18400] =	vst v63  }
0x39: {  	s18 =	simm.s32 $0x2C00  }
0x3a: {  	[tilespmem:s18], [sflag:$0x1] =	stream.indirect_vreg.gather [hbm4b:s2+s3], $0x80, v3, vm0, $0xb8;
	[tilespmem:$0x18400] =	vst v63  }
0x3b: {  	v3 =	vld [tilespmem:$0x30];
	_ =	sdelay $0x4  }
0x3c: {  	v59 =	vshll.u32 v3, $0x1  }
0x3d: {  	v3 =	vand.u32 $0x7, v3;
	v4 =	vand.u32 $0xFFFFFFF0, v59  }
0x3e: {  	v3 =	vor.u32 v3, v4  }
0x3f: {  	v4 =	vperm.xlane v3, v0;
	_ =	sdelay $0x1  }
0x40: {  	v3 =	vperm.xlane v3, v2;
	v4 =	vadd.s32 v1, v4;
	_ =	sdelay $0x1  }
0x41: {  	v3 =	vadd.s32 v1, v3;
	_ =	sdelay $0x1  }
0x42: {  	s1 =	simm.s32 $0x3400  }
0x43: {  	[tilespmem:s1], [sflag:$0x1] =	stream.indirect_vreg.gather [hbm4b:s2+s3], $0x80, v4, vm0, $0xb8;
	[tilespmem:$0x18400] =	vst v63  }
0x44: {  	s18 =	simm.s32 $0x3C00  }
0x45: {  	[tilespmem:s18], [sflag:$0x1] =	stream.indirect_vreg.gather [hbm4b:s2+s3], $0x80, v3, vm0, $0xb8;
	[tilespmem:$0x18400] =	vst v63  }
0x46: {  	v3 =	vld [tilespmem:$0x40];
	_ =	sdelay $0x4  }
0x47: {  	v60 =	vshll.u32 v3, $0x1  }
0x48: {  	v3 =	vand.u32 $0x7, v3;
	v4 =	vand.u32 $0xFFFFFFF0, v60  }
0x49: {  	v3 =	vor.u32 v3, v4  }
0x4a: {  	v4 =	vperm.xlane v3, v0;
	_ =	sdelay $0x1  }
0x4b: {  	v3 =	vperm.xlane v3, v2;
	v4 =	vadd.s32 v1, v4;
	_ =	sdelay $0x1  }
0x4c: {  	v3 =	vadd.s32 v1, v3;
	_ =	sdelay $0x1  }
0x4d: {  	s1 =	simm.s32 $0x4400  }
0x4e: {  	[tilespmem:s1], [sflag:$0x1] =	stream.indirect_vreg.gather [hbm4b:s2+s3], $0x80, v4, vm0, $0xb8;
	[tilespmem:$0x18400] =	vst v63  }
0x4f: {  	_ = 	snop  }
0x50: {  	[tilespmem:s29], [sflag:$0x1] =	stream.indirect_vreg.gather [hbm4b:s2+s3], $0x80, v3, vm0, $0xb8;
	[tilespmem:$0x18400] =	vst v63  }
0x51: {  	v3 =	vld [tilespmem:$0x50];
	_ =	sdelay $0x4  }
0x52: {  	v61 =	vshll.u32 v3, $0x1  }
0x53: {  	v3 =	vand.u32 $0x7, v3;
	v4 =	vand.u32 $0xFFFFFFF0, v61  }
0x54: {  	v3 =	vor.u32 v3, v4  }
0x55: {  	v4 =	vperm.xlane v3, v0;
	_ =	sdelay $0x1  }
0x56: {  	v3 =	vperm.xlane v3, v2;
	v4 =	vadd.s32 v1, v4;
	_ =	sdelay $0x1  }
0x57: {  	v3 =	vadd.s32 v1, v3;
	_ =	sdelay $0x2  }
0x58: {  	[tilespmem:s30], [sflag:$0x1] =	stream.indirect_vreg.gather [hbm4b:s2+s3], $0x80, v4, vm0, $0xb8;
	[tilespmem:$0x18400] =	vst v63  }
0x59: {  	_ = 	snop  }
0x5a: {  	[tilespmem:s31], [sflag:$0x1] =	stream.indirect_vreg.gather [hbm4b:s2+s3], $0x80, v3, vm0, $0xb8;
	[tilespmem:$0x18400] =	vst v63  }
0x5b: {  	v3 =	vld [tilespmem:$0x60];
	_ =	sdelay $0x4  }
0x5c: {  	v62 =	vshll.u32 v3, $0x1  }
0x5d: {  	v3 =	vand.u32 $0x7, v3;
	v4 =	vand.u32 $0xFFFFFFF0, v62  }
0x5e: {  	v3 =	vor.u32 v3, v4  }
0x5f: {  	v4 =	vperm.xlane v3, v0;
	_ =	sdelay $0x1  }
0x60: {  	v3 =	vperm.xlane v3, v2;
	v4 =	vadd.s32 v1, v4;
	_ =	sdelay $0x1  }
0x61: {  	v3 =	vadd.s32 v1, v3;
	_ =	sdelay $0x1  }
0x62: {  	s18 =	simm.s32 $0x6400  }
0x63: {  	[tilespmem:s18], [sflag:$0x1] =	stream.indirect_vreg.gather [hbm4b:s2+s3], $0x80, v4, vm0, $0xb8;
	[tilespmem:$0x18400] =	vst v63  }
0x64: {  	s1 =	simm.s32 $0x6C00  }
0x65: {  	[tilespmem:s1], [sflag:$0x1] =	stream.indirect_vreg.gather [hbm4b:s2+s3], $0x80, v3, vm0, $0xb8;
	[tilespmem:$0x18400] =	vst v63  }
0x66: {  	v3 =	vld [tilespmem:$0x70];
	_ =	sdelay $0x4  }
0x67: {  	v63 =	vshll.u32 v3, $0x1  }
0x68: {  	v3 =	vand.u32 $0x7, v3;
	v4 =	vand.u32 $0xFFFFFFF0, v63  }
0x69: {  	v3 =	vor.u32 v3, v4  }
0x6a: {  	v4 =	vperm.xlane v3, v0;
	_ =	sdelay $0x1  }
0x6b: {  	v3 =	vperm.xlane v3, v2;
	v4 =	vadd.s32 v1, v4;
	_ =	sdelay $0x1  }
0x6c: {  	v3 =	vadd.s32 v1, v3;
	_ =	sdelay $0x1  }
0x6d: {  	s18 =	simm.s32 $0x7400  }
0x6e: {  	[tilespmem:s18], [sflag:$0x1] =	stream.indirect_vreg.gather [hbm4b:s2+s3], $0x80, v4, vm0, $0xb8;
	[tilespmem:$0x18400] =	vst v63  }
0x6f: {  	s1 =	simm.s32 $0x7C00  }
0x70: {  	[tilespmem:s1], [sflag:$0x1] =	stream.indirect_vreg.gather [hbm4b:s2+s3], $0x80, v3, vm0, $0xb8;
	[tilespmem:$0x18400] =	vst v63  }
0x71: {  	v3 =	vld [tilespmem:$0x80];
	_ =	sdelay $0x4  }
0x72: {  	v8 =	vshll.u32 v3, $0x1  }
0x73: {  	v3 =	vand.u32 $0x7, v3;
	v4 =	vand.u32 $0xFFFFFFF0, v8  }
0x74: {  	v3 =	vor.u32 v3, v4  }
0x75: {  	v4 =	vperm.xlane v3, v0;
	_ =	sdelay $0x1  }
0x76: {  	v3 =	vperm.xlane v3, v2;
	v4 =	vadd.s32 v1, v4;
	_ =	sdelay $0x1  }
0x77: {  	v3 =	vadd.s32 v1, v3;
	_ =	sdelay $0x2  }
0x78: {  	[tilespmem:s22], [sflag:$0x2] =	stream.indirect_vreg.gather [hbm4b:s2+s3], $0x80, v4, vm0, $0xb8;
	[tilespmem:$0x18400] =	vst v63  }
0x79: {  	s18 =	simm.s32 $0x8C00  }
0x7a: {  	[tilespmem:s18], [sflag:$0x2] =	stream.indirect_vreg.gather [hbm4b:s2+s3], $0x80, v3, vm0, $0xb8;
	[tilespmem:$0x18400] =	vst v63  }
0x7b: {  	v3 =	vld [tilespmem:$0x90];
	_ =	sdelay $0x4  }
0x7c: {  	v9 =	vshll.u32 v3, $0x1  }
0x7d: {  	v3 =	vand.u32 $0x7, v3;
	v4 =	vand.u32 $0xFFFFFFF0, v9  }
0x7e: {  	v3 =	vor.u32 v3, v4  }
0x7f: {  	v4 =	vperm.xlane v3, v0;
	_ =	sdelay $0x1  }
0x80: {  	v3 =	vperm.xlane v3, v2;
	v4 =	vadd.s32 v1, v4;
	_ =	sdelay $0x1  }
0x81: {  	v3 =	vadd.s32 v1, v3;
	_ =	sdelay $0x1  }
0x82: {  	s1 =	simm.s32 $0x9400  }
0x83: {  	[tilespmem:s1], [sflag:$0x2] =	stream.indirect_vreg.gather [hbm4b:s2+s3], $0x80, v4, vm0, $0xb8;
	[tilespmem:$0x18400] =	vst v63  }
0x84: {  	s18 =	simm.s32 $0x9C00  }
0x85: {  	[tilespmem:s18], [sflag:$0x2] =	stream.indirect_vreg.gather [hbm4b:s2+s3], $0x80, v3, vm0, $0xb8;
	[tilespmem:$0x18400] =	vst v63  }
0x86: {  	v3 =	vld [tilespmem:$0xA0];
	_ =	sdelay $0x4  }
0x87: {  	v10 =	vshll.u32 v3, $0x1  }
0x88: {  	v3 =	vand.u32 $0x7, v3;
	v4 =	vand.u32 $0xFFFFFFF0, v10  }
0x89: {  	v3 =	vor.u32 v3, v4  }
0x8a: {  	v4 =	vperm.xlane v3, v0;
	_ =	sdelay $0x1  }
0x8b: {  	v3 =	vperm.xlane v3, v2;
	v4 =	vadd.s32 v1, v4;
	_ =	sdelay $0x1  }
0x8c: {  	v3 =	vadd.s32 v1, v3;
	_ =	sdelay $0x1  }
0x8d: {  	s1 =	simm.s32 $0xA400  }
0x8e: {  	[tilespmem:s1], [sflag:$0x2] =	stream.indirect_vreg.gather [hbm4b:s2+s3], $0x80, v4, vm0, $0xb8;
	[tilespmem:$0x18400] =	vst v63  }
0x8f: {  	s18 =	simm.s32 $0xAC00  }
0x90: {  	[tilespmem:s18], [sflag:$0x2] =	stream.indirect_vreg.gather [hbm4b:s2+s3], $0x80, v3, vm0, $0xb8;
	[tilespmem:$0x18400] =	vst v63  }
0x91: {  	v3 =	vld [tilespmem:$0xB0];
	_ =	sdelay $0x4  }
0x92: {  	v11 =	vshll.u32 v3, $0x1  }
0x93: {  	v3 =	vand.u32 $0x7, v3;
	v4 =	vand.u32 $0xFFFFFFF0, v11  }
0x94: {  	v3 =	vor.u32 v3, v4  }
0x95: {  	v4 =	vperm.xlane v3, v0;
	_ =	sdelay $0x1  }
0x96: {  	v3 =	vperm.xlane v3, v2;
	v4 =	vadd.s32 v1, v4;
	_ =	sdelay $0x1  }
0x97: {  	v3 =	vadd.s32 v1, v3;
	_ =	sdelay $0x1  }
0x98: {  	s1 =	simm.s32 $0xB400  }
0x99: {  	[tilespmem:s1], [sflag:$0x2] =	stream.indirect_vreg.gather [hbm4b:s2+s3], $0x80, v4, vm0, $0xb8;
	[tilespmem:$0x18400] =	vst v63  }
0x9a: {  	s18 =	simm.s32 $0xBC00  }
0x9b: {  	[tilespmem:s18], [sflag:$0x2] =	stream.indirect_vreg.gather [hbm4b:s2+s3], $0x80, v3, vm0, $0xb8;
	[tilespmem:$0x18400] =	vst v63  }
0x9c: {  	v3 =	vld [tilespmem:$0xC0];
	_ =	sdelay $0x4  }
0x9d: {  	v12 =	vshll.u32 v3, $0x1  }
0x9e: {  	v3 =	vand.u32 $0x7, v3;
	v4 =	vand.u32 $0xFFFFFFF0, v12  }
0x9f: {  	v3 =	vor.u32 v3, v4  }
0xa0: {  	v4 =	vperm.xlane v3, v0;
	_ =	sdelay $0x1  }
0xa1: {  	v3 =	vperm.xlane v3, v2;
	v4 =	vadd.s32 v1, v4;
	_ =	sdelay $0x1  }
0xa2: {  	v3 =	vadd.s32 v1, v3;
	_ =	sdelay $0x1  }
0xa3: {  	s1 =	simm.s32 $0xC400  }
0xa4: {  	[tilespmem:s1], [sflag:$0x2] =	stream.indirect_vreg.gather [hbm4b:s2+s3], $0x80, v4, vm0, $0xb8;
	[tilespmem:$0x18400] =	vst v63  }
0xa5: {  	s18 =	simm.s32 $0xCC00  }
0xa6: {  	[tilespmem:s18], [sflag:$0x2] =	stream.indirect_vreg.gather [hbm4b:s2+s3], $0x80, v3, vm0, $0xb8;
	[tilespmem:$0x18400] =	vst v63  }
0xa7: {  	v3 =	vld [tilespmem:$0xD0];
	_ =	sdelay $0x4  }
0xa8: {  	v13 =	vshll.u32 v3, $0x1  }
0xa9: {  	v3 =	vand.u32 $0x7, v3;
	v4 =	vand.u32 $0xFFFFFFF0, v13  }
0xaa: {  	v3 =	vor.u32 v3, v4  }
0xab: {  	v4 =	vperm.xlane v3, v0;
	_ =	sdelay $0x1  }
0xac: {  	v3 =	vperm.xlane v3, v2;
	v4 =	vadd.s32 v1, v4;
	_ =	sdelay $0x1  }
0xad: {  	v3 =	vadd.s32 v1, v3;
	_ =	sdelay $0x1  }
0xae: {  	s1 =	simm.s32 $0xD400  }
0xaf: {  	[tilespmem:s1], [sflag:$0x2] =	stream.indirect_vreg.gather [hbm4b:s2+s3], $0x80, v4, vm0, $0xb8;
	[tilespmem:$0x18400] =	vst v63  }
0xb0: {  	s18 =	simm.s32 $0xDC00  }
0xb1: {  	[tilespmem:s18], [sflag:$0x2] =	stream.indirect_vreg.gather [hbm4b:s2+s3], $0x80, v3, vm0, $0xb8;
	[tilespmem:$0x18400] =	vst v63  }
0xb2: {  	v3 =	vld [tilespmem:$0xE0];
	_ =	sdelay $0x4  }
0xb3: {  	v14 =	vshll.u32 v3, $0x1  }
0xb4: {  	v3 =	vand.u32 $0x7, v3;
	v4 =	vand.u32 $0xFFFFFFF0, v14  }
0xb5: {  	v3 =	vor.u32 v3, v4  }
0xb6: {  	v4 =	vperm.xlane v3, v0;
	_ =	sdelay $0x1  }
0xb7: {  	v3 =	vperm.xlane v3, v2;
	v4 =	vadd.s32 v1, v4;
	_ =	sdelay $0x1  }
0xb8: {  	v3 =	vadd.s32 v1, v3;
	_ =	sdelay $0x1  }
0xb9: {  	s1 =	simm.s32 $0xE400  }
0xba: {  	[tilespmem:s1], [sflag:$0x2] =	stream.indirect_vreg.gather [hbm4b:s2+s3], $0x80, v4, vm0, $0xb8;
	[tilespmem:$0x18400] =	vst v63  }
0xbb: {  	s18 =	simm.s32 $0xEC00  }
0xbc: {  	[tilespmem:s18], [sflag:$0x2] =	stream.indirect_vreg.gather [hbm4b:s2+s3], $0x80, v3, vm0, $0xb8;
	[tilespmem:$0x18400] =	vst v63  }
0xbd: {  	v3 =	vld [tilespmem:$0xF0];
	_ =	sdelay $0x4  }
0xbe: {  	v15 =	vshll.u32 v3, $0x1  }
0xbf: {  	v3 =	vand.u32 $0x7, v3;
	v4 =	vand.u32 $0xFFFFFFF0, v15  }
0xc0: {  	v3 =	vor.u32 v3, v4  }
0xc1: {  	v4 =	vperm.xlane v3, v0;
	_ =	sdelay $0x1  }
0xc2: {  	v3 =	vperm.xlane v3, v2;
	v4 =	vadd.s32 v1, v4;
	_ =	sdelay $0x1  }
0xc3: {  	v3 =	vadd.s32 v1, v3;
	_ =	sdelay $0x1  }
0xc4: {  	s1 =	simm.s32 $0xF400  }
0xc5: {  	[tilespmem:s1], [sflag:$0x2] =	stream.indirect_vreg.gather [hbm4b:s2+s3], $0x80, v4, vm0, $0xb8;
	[tilespmem:$0x18400] =	vst v63  }
0xc6: {  	s18 =	simm.s32 $0xFC00  }
0xc7: {  	[tilespmem:s18], [sflag:$0x2] =	stream.indirect_vreg.gather [hbm4b:s2+s3], $0x80, v3, vm0, $0xb8;
	[tilespmem:$0x18400] =	vst v63  }
0xc8: {  	v3 =	vld [tilespmem:$0x100];
	_ =	sdelay $0x4  }
0xc9: {  	v16 =	vshll.u32 v3, $0x1  }
0xca: {  	v3 =	vand.u32 $0x7, v3;
	v4 =	vand.u32 $0xFFFFFFF0, v16  }
0xcb: {  	v3 =	vor.u32 v3, v4  }
0xcc: {  	v4 =	vperm.xlane v3, v0;
	_ =	sdelay $0x1  }
0xcd: {  	v3 =	vperm.xlane v3, v2;
	v4 =	vadd.s32 v1, v4;
	_ =	sdelay $0x1  }
0xce: {  	v3 =	vadd.s32 v1, v3;
	_ =	sdelay $0x1  }
0xcf: {  	s0 =	simm.s32 $0x10400  }
0xd0: {  	[tilespmem:s0], [sflag:$0x3] =	stream.indirect_vreg.gather [hbm4b:s2+s3], $0x80, v4, vm0, $0xb8;
	[tilespmem:$0x18400] =	vst v63  }
0xd1: {  	_ = 	snop  }
0xd2: {  	[tilespmem:s6], [sflag:$0x3] =	stream.indirect_vreg.gather [hbm4b:s2+s3], $0x80, v3, vm0, $0xb8;
	[tilespmem:$0x18400] =	vst v63  }
0xd3: {  	v3 =	vld [tilespmem:$0x110];
	_ =	sdelay $0x4  }
0xd4: {  	v17 =	vshll.u32 v3, $0x1  }
0xd5: {  	v3 =	vand.u32 $0x7, v3;
	v4 =	vand.u32 $0xFFFFFFF0, v17  }
0xd6: {  	v3 =	vor.u32 v3, v4  }
0xd7: {  	v4 =	vperm.xlane v3, v0;
	_ =	sdelay $0x1  }
0xd8: {  	v3 =	vperm.xlane v3, v2;
	v4 =	vadd.s32 v1, v4;
	_ =	sdelay $0x1  }
0xd9: {  	v3 =	vadd.s32 v1, v3;
	_ =	sdelay $0x2  }
0xda: {  	[tilespmem:s9], [sflag:$0x3] =	stream.indirect_vreg.gather [hbm4b:s2+s3], $0x80, v4, vm0, $0xb8;
	[tilespmem:$0x18400] =	vst v63  }
0xdb: {  	_ = 	snop  }
0xdc: {  	[tilespmem:s10], [sflag:$0x3] =	stream.indirect_vreg.gather [hbm4b:s2+s3], $0x80, v3, vm0, $0xb8;
	[tilespmem:$0x18400] =	vst v63  }
0xdd: {  	v3 =	vld [tilespmem:$0x120];
	_ =	sdelay $0x4  }
0xde: {  	v18 =	vshll.u32 v3, $0x1  }
0xdf: {  	v3 =	vand.u32 $0x7, v3;
	v4 =	vand.u32 $0xFFFFFFF0, v18  }
0xe0: {  	v3 =	vor.u32 v3, v4  }
0xe1: {  	v4 =	vperm.xlane v3, v0;
	_ =	sdelay $0x1  }
0xe2: {  	v3 =	vperm.xlane v3, v2;
	v4 =	vadd.s32 v1, v4;
	_ =	sdelay $0x1  }
0xe3: {  	v3 =	vadd.s32 v1, v3;
	_ =	sdelay $0x2  }
0xe4: {  	[tilespmem:s11], [sflag:$0x3] =	stream.indirect_vreg.gather [hbm4b:s2+s3], $0x80, v4, vm0, $0xb8;
	[tilespmem:$0x18400] =	vst v63  }
0xe5: {  	s1 =	simm.s32 $0x12C00  }
0xe6: {  	[tilespmem:s1], [sflag:$0x3] =	stream.indirect_vreg.gather [hbm4b:s2+s3], $0x80, v3, vm0, $0xb8;
	[tilespmem:$0x18400] =	vst v63  }
0xe7: {  	v3 =	vld [tilespmem:$0x130];
	_ =	sdelay $0x4  }
0xe8: {  	v19 =	vshll.u32 v3, $0x1  }
0xe9: {  	v3 =	vand.u32 $0x7, v3;
	v4 =	vand.u32 $0xFFFFFFF0, v19  }
0xea: {  	v3 =	vor.u32 v3, v4  }
0xeb: {  	v4 =	vperm.xlane v3, v0;
	_ =	sdelay $0x1  }
0xec: {  	v3 =	vperm.xlane v3, v2;
	v4 =	vadd.s32 v1, v4;
	_ =	sdelay $0x1  }
0xed: {  	v3 =	vadd.s32 v1, v3;
	_ =	sdelay $0x2  }
0xee: {  	[tilespmem:s5], [sflag:$0x3] =	stream.indirect_vreg.gather [hbm4b:s2+s3], $0x80, v4, vm0, $0xb8;
	[tilespmem:$0x18400] =	vst v63  }
0xef: {  	_ = 	snop  }
0xf0: {  	[tilespmem:s7], [sflag:$0x3] =	stream.indirect_vreg.gather [hbm4b:s2+s3], $0x80, v3, vm0, $0xb8;
	[tilespmem:$0x18400] =	vst v63  }
0xf1: {  	v3 =	vld [tilespmem:$0x140];
	_ =	sdelay $0x4  }
0xf2: {  	v20 =	vshll.u32 v3, $0x1  }
0xf3: {  	v3 =	vand.u32 $0x7, v3;
	v4 =	vand.u32 $0xFFFFFFF0, v20  }
0xf4: {  	v3 =	vor.u32 v3, v4  }
0xf5: {  	v4 =	vperm.xlane v3, v0;
	_ =	sdelay $0x1  }
0xf6: {  	v3 =	vperm.xlane v3, v2;
	v4 =	vadd.s32 v1, v4;
	_ =	sdelay $0x1  }
0xf7: {  	v3 =	vadd.s32 v1, v3;
	_ =	sdelay $0x2  }
0xf8: {  	[tilespmem:s8], [sflag:$0x3] =	stream.indirect_vreg.gather [hbm4b:s2+s3], $0x80, v4, vm0, $0xb8;
	[tilespmem:$0x18400] =	vst v63  }
0xf9: {  	_ = 	snop  }
0xfa: {  	[tilespmem:s19], [sflag:$0x3] =	stream.indirect_vreg.gather [hbm4b:s2+s3], $0x80, v3, vm0, $0xb8;
	[tilespmem:$0x18400] =	vst v63  }
0xfb: {  	v3 =	vld [tilespmem:$0x150];
	_ =	sdelay $0x4  }
0xfc: {  	v21 =	vshll.u32 v3, $0x1  }
0xfd: {  	v3 =	vand.u32 $0x7, v3;
	v4 =	vand.u32 $0xFFFFFFF0, v21  }
0xfe: {  	v3 =	vor.u32 v3, v4  }
0xff: {  	v4 =	vperm.xlane v3, v0;
	_ =	sdelay $0x1  }
0x100: {  	v3 =	vperm.xlane v3, v2;
	v4 =	vadd.s32 v1, v4;
	_ =	sdelay $0x1  }
0x101: {  	v3 =	vadd.s32 v1, v3;
	_ =	sdelay $0x2  }
0x102: {  	[tilespmem:s20], [sflag:$0x3] =	stream.indirect_vreg.gather [hbm4b:s2+s3], $0x80, v4, vm0, $0xb8;
	[tilespmem:$0x18400] =	vst v63  }
0x103: {  	_ = 	snop  }
0x104: {  	[tilespmem:s21], [sflag:$0x3] =	stream.indirect_vreg.gather [hbm4b:s2+s3], $0x80, v3, vm0, $0xb8;
	[tilespmem:$0x18400] =	vst v63  }
0x105: {  	v3 =	vld [tilespmem:$0x160];
	_ =	sdelay $0x4  }
0x106: {  	v22 =	vshll.u32 v3, $0x1  }
0x107: {  	v3 =	vand.u32 $0x7, v3;
	v4 =	vand.u32 $0xFFFFFFF0, v22  }
0x108: {  	v3 =	vor.u32 v3, v4  }
0x109: {  	v4 =	vperm.xlane v3, v0;
	_ =	sdelay $0x1  }
0x10a: {  	v3 =	vperm.xlane v3, v2;
	v4 =	vadd.s32 v1, v4;
	_ =	sdelay $0x1  }
0x10b: {  	v3 =	vadd.s32 v1, v3;
	_ =	sdelay $0x2  }
0x10c: {  	[tilespmem:s23], [sflag:$0x3] =	stream.indirect_vreg.gather [hbm4b:s2+s3], $0x80, v4, vm0, $0xb8;
	[tilespmem:$0x18400] =	vst v63  }
0x10d: {  	_ = 	snop  }
0x10e: {  	[tilespmem:s24], [sflag:$0x3] =	stream.indirect_vreg.gather [hbm4b:s2+s3], $0x80, v3, vm0, $0xb8;
	[tilespmem:$0x18400] =	vst v63  }
0x10f: {  	v3 =	vld [tilespmem:$0x170];
	_ =	sdelay $0x4  }
0x110: {  	v23 =	vshll.u32 v3, $0x1  }
0x111: {  	v3 =	vand.u32 $0x7, v3;
	v4 =	vand.u32 $0xFFFFFFF0, v23  }
0x112: {  	v3 =	vor.u32 v3, v4  }
0x113: {  	v4 =	vperm.xlane v3, v0;
	_ =	sdelay $0x1  }
0x114: {  	v3 =	vperm.xlane v3, v2;
	v4 =	vadd.s32 v1, v4;
	_ =	sdelay $0x1  }
0x115: {  	v3 =	vadd.s32 v1, v3;
	_ =	sdelay $0x2  }
0x116: {  	[tilespmem:s25], [sflag:$0x3] =	stream.indirect_vreg.gather [hbm4b:s2+s3], $0x80, v4, vm0, $0xb8;
	[tilespmem:$0x18400] =	vst v63  }
0x117: {  	_ = 	snop  }
0x118: {  	[tilespmem:s26], [sflag:$0x3] =	stream.indirect_vreg.gather [hbm4b:s2+s3], $0x80, v3, vm0, $0xb8;
	[tilespmem:$0x18400] =	vst v63  }
0x119: {  	_ =	swait.ge [sflag:s12], $0x8000  }
0x11a: {  	[sflag:s12] =	ssyncset.done $0x0  }
0x11b: {  	s18 =	rddreg [dreg:$0x4];
	[sflag:s12] =	ssyncadd.s32 $0xFFFF8000  }
0x11c: {  	[hbm4b:s18+s3] =	stream.linear.scatter [tilespmem:s28], [sflag:$0x4], $0x8000, $0x38;
	[tilespmem:$0x18400] =	vst v63  }
0x11d: {  	_ =	swait.ge [sflag:s13], $0x8000  }
0x11e: {  	[sflag:s13] =	ssyncset.done $0x0  }
0x11f: {  	[sflag:s13] =	ssyncadd.s32 $0xFFFF8000  }
0x120: {  	v3 =	vld [tilespmem:$0x180];
	_ =	sdelay $0x4  }
0x121: {  	v24 =	vshll.u32 v3, $0x1  }
0x122: {  	v3 =	vand.u32 $0x7, v3;
	v4 =	vand.u32 $0xFFFFFFF0, v24  }
0x123: {  	v3 =	vor.u32 v3, v4  }
0x124: {  	v4 =	vperm.xlane v3, v0;
	_ =	sdelay $0x1  }
0x125: {  	v3 =	vperm.xlane v3, v2;
	v4 =	vadd.s32 v1, v4;
	_ =	sdelay $0x1  }
0x126: {  	v3 =	vadd.s32 v1, v3;
	_ =	sdelay $0x2  }
0x127: {  	[tilespmem:s28], [sflag:$0x1] =	stream.indirect_vreg.gather [hbm4b:s2+s3], $0x80, v4, vm0, $0xb8;
	[tilespmem:$0x18400] =	vst v63  }
0x128: {  	s18 =	simm.s32 $0xC00  }
0x129: {  	[tilespmem:s18], [sflag:$0x1] =	stream.indirect_vreg.gather [hbm4b:s2+s3], $0x80, v3, vm0, $0xb8;
	[tilespmem:$0x18400] =	vst v63  }
0x12a: {  	v3 =	vld [tilespmem:$0x190];
	_ =	sdelay $0x4  }
0x12b: {  	v25 =	vshll.u32 v3, $0x1  }
0x12c: {  	v3 =	vand.u32 $0x7, v3;
	v4 =	vand.u32 $0xFFFFFFF0, v25  }
0x12d: {  	v3 =	vor.u32 v3, v4  }
0x12e: {  	v4 =	vperm.xlane v3, v0;
	_ =	sdelay $0x1  }
0x12f: {  	v3 =	vperm.xlane v3, v2;
	v4 =	vadd.s32 v1, v4;
	_ =	sdelay $0x1  }
0x130: {  	v3 =	vadd.s32 v1, v3;
	_ =	sdelay $0x1  }
0x131: {  	s18 =	simm.s32 $0x1400  }
0x132: {  	[tilespmem:s18], [sflag:$0x1] =	stream.indirect_vreg.gather [hbm4b:s2+s3], $0x80, v4, vm0, $0xb8;
	[tilespmem:$0x18400] =	vst v63  }
0x133: {  	s18 =	simm.s32 $0x1C00  }
0x134: {  	[tilespmem:s18], [sflag:$0x1] =	stream.indirect_vreg.gather [hbm4b:s2+s3], $0x80, v3, vm0, $0xb8;
	[tilespmem:$0x18400] =	vst v63  }
0x135: {  	v3 =	vld [tilespmem:$0x1A0];
	_ =	sdelay $0x4  }
0x136: {  	v26 =	vshll.u32 v3, $0x1  }
0x137: {  	v3 =	vand.u32 $0x7, v3;
	v4 =	vand.u32 $0xFFFFFFF0, v26  }
0x138: {  	v3 =	vor.u32 v3, v4  }
0x139: {  	v4 =	vperm.xlane v3, v0;
	_ =	sdelay $0x1  }
0x13a: {  	v3 =	vperm.xlane v3, v2;
	v4 =	vadd.s32 v1, v4;
	_ =	sdelay $0x1  }
0x13b: {  	v3 =	vadd.s32 v1, v3;
	_ =	sdelay $0x1  }
0x13c: {  	s18 =	simm.s32 $0x2400  }
0x13d: {  	[tilespmem:s18], [sflag:$0x1] =	stream.indirect_vreg.gather [hbm4b:s2+s3], $0x80, v4, vm0, $0xb8;
	[tilespmem:$0x18400] =	vst v63  }
0x13e: {  	s18 =	simm.s32 $0x2C00  }
0x13f: {  	[tilespmem:s18], [sflag:$0x1] =	stream.indirect_vreg.gather [hbm4b:s2+s3], $0x80, v3, vm0, $0xb8;
	[tilespmem:$0x18400] =	vst v63  }
0x140: {  	v3 =	vld [tilespmem:$0x1B0];
	_ =	sdelay $0x4  }
0x141: {  	v27 =	vshll.u32 v3, $0x1  }
0x142: {  	v3 =	vand.u32 $0x7, v3;
	v4 =	vand.u32 $0xFFFFFFF0, v27  }
0x143: {  	v3 =	vor.u32 v3, v4  }
0x144: {  	v4 =	vperm.xlane v3, v0;
	_ =	sdelay $0x1  }
0x145: {  	v3 =	vperm.xlane v3, v2;
	v4 =	vadd.s32 v1, v4;
	_ =	sdelay $0x1  }
0x146: {  	v3 =	vadd.s32 v1, v3;
	_ =	sdelay $0x1  }
0x147: {  	s18 =	simm.s32 $0x3400  }
0x148: {  	[tilespmem:s18], [sflag:$0x1] =	stream.indirect_vreg.gather [hbm4b:s2+s3], $0x80, v4, vm0, $0xb8;
	[tilespmem:$0x18400] =	vst v63  }
0x149: {  	s18 =	simm.s32 $0x3C00  }
0x14a: {  	[tilespmem:s18], [sflag:$0x1] =	stream.indirect_vreg.gather [hbm4b:s2+s3], $0x80, v3, vm0, $0xb8;
	[tilespmem:$0x18400] =	vst v63  }
0x14b: {  	v3 =	vld [tilespmem:$0x1C0];
	_ =	sdelay $0x4  }
0x14c: {  	v28 =	vshll.u32 v3, $0x1  }
0x14d: {  	v3 =	vand.u32 $0x7, v3;
	v4 =	vand.u32 $0xFFFFFFF0, v28  }
0x14e: {  	v3 =	vor.u32 v3, v4  }
0x14f: {  	v4 =	vperm.xlane v3, v0;
	_ =	sdelay $0x1  }
0x150: {  	v3 =	vperm.xlane v3, v2;
	v4 =	vadd.s32 v1, v4;
	_ =	sdelay $0x1  }
0x151: {  	v3 =	vadd.s32 v1, v3;
	_ =	sdelay $0x1  }
0x152: {  	s18 =	simm.s32 $0x4400  }
0x153: {  	[tilespmem:s18], [sflag:$0x1] =	stream.indirect_vreg.gather [hbm4b:s2+s3], $0x80, v4, vm0, $0xb8;
	[tilespmem:$0x18400] =	vst v63  }
0x154: {  	_ = 	snop  }
0x155: {  	[tilespmem:s29], [sflag:$0x1] =	stream.indirect_vreg.gather [hbm4b:s2+s3], $0x80, v3, vm0, $0xb8;
	[tilespmem:$0x18400] =	vst v63  }
0x156: {  	v3 =	vld [tilespmem:$0x1D0];
	_ =	sdelay $0x4  }
0x157: {  	v29 =	vshll.u32 v3, $0x1  }
0x158: {  	v3 =	vand.u32 $0x7, v3;
	v4 =	vand.u32 $0xFFFFFFF0, v29  }
0x159: {  	v3 =	vor.u32 v3, v4  }
0x15a: {  	v4 =	vperm.xlane v3, v0;
	_ =	sdelay $0x1  }
0x15b: {  	v3 =	vperm.xlane v3, v2;
	v4 =	vadd.s32 v1, v4;
	_ =	sdelay $0x1  }
0x15c: {  	v3 =	vadd.s32 v1, v3;
	_ =	sdelay $0x2  }
0x15d: {  	[tilespmem:s30], [sflag:$0x1] =	stream.indirect_vreg.gather [hbm4b:s2+s3], $0x80, v4, vm0, $0xb8;
	[tilespmem:$0x18400] =	vst v63  }
0x15e: {  	_ = 	snop  }
0x15f: {  	[tilespmem:s31], [sflag:$0x1] =	stream.indirect_vreg.gather [hbm4b:s2+s3], $0x80, v3, vm0, $0xb8;
	[tilespmem:$0x18400] =	vst v63  }
0x160: {  	v3 =	vld [tilespmem:$0x1E0];
	_ =	sdelay $0x4  }
0x161: {  	v30 =	vshll.u32 v3, $0x1  }
0x162: {  	v3 =	vand.u32 $0x7, v3;
	v4 =	vand.u32 $0xFFFFFFF0, v30  }
0x163: {  	v3 =	vor.u32 v3, v4  }
0x164: {  	v4 =	vperm.xlane v3, v0;
	_ =	sdelay $0x1  }
0x165: {  	v3 =	vperm.xlane v3, v2;
	v4 =	vadd.s32 v1, v4;
	_ =	sdelay $0x1  }
0x166: {  	v3 =	vadd.s32 v1, v3;
	_ =	sdelay $0x1  }
0x167: {  	s18 =	simm.s32 $0x6400  }
0x168: {  	[tilespmem:s18], [sflag:$0x1] =	stream.indirect_vreg.gather [hbm4b:s2+s3], $0x80, v4, vm0, $0xb8;
	[tilespmem:$0x18400] =	vst v63  }
0x169: {  	s18 =	simm.s32 $0x6C00  }
0x16a: {  	[tilespmem:s18], [sflag:$0x1] =	stream.indirect_vreg.gather [hbm4b:s2+s3], $0x80, v3, vm0, $0xb8;
	[tilespmem:$0x18400] =	vst v63  }
0x16b: {  	v3 =	vld [tilespmem:$0x1F0];
	_ =	sdelay $0x4  }
0x16c: {  	v31 =	vshll.u32 v3, $0x1  }
0x16d: {  	v3 =	vand.u32 $0x7, v3;
	v4 =	vand.u32 $0xFFFFFFF0, v31  }
0x16e: {  	v3 =	vor.u32 v3, v4  }
0x16f: {  	v4 =	vperm.xlane v3, v0;
	_ =	sdelay $0x1  }
0x170: {  	v3 =	vperm.xlane v3, v2;
	v4 =	vadd.s32 v1, v4;
	_ =	sdelay $0x1  }
0x171: {  	v3 =	vadd.s32 v1, v3;
	_ =	sdelay $0x1  }
0x172: {  	s18 =	simm.s32 $0x7400  }
0x173: {  	[tilespmem:s18], [sflag:$0x1] =	stream.indirect_vreg.gather [hbm4b:s2+s3], $0x80, v4, vm0, $0xb8;
	[tilespmem:$0x18400] =	vst v63  }
0x174: {  	s18 =	simm.s32 $0x7C00  }
0x175: {  	[tilespmem:s18], [sflag:$0x1] =	stream.indirect_vreg.gather [hbm4b:s2+s3], $0x80, v3, vm0, $0xb8;
	[tilespmem:$0x18400] =	vst v63  }
0x176: {  	_ =	swait.ge [sflag:s14], $0x8000  }
0x177: {  	[sflag:s14] =	ssyncset.done $0x0  }
0x178: {  	s18 =	rddreg [dreg:$0x5];
	[sflag:s14] =	ssyncadd.s32 $0xFFFF8000  }
0x179: {  	[hbm4b:s18+s3] =	stream.linear.scatter [tilespmem:s22], [sflag:$0x5], $0x8000, $0x38;
	[tilespmem:$0x18400] =	vst v63  }
0x17a: {  	_ =	swait.ge [sflag:s15], $0x8000  }
0x17b: {  	[sflag:s15] =	ssyncset.done $0x0  }
0x17c: {  	[sflag:s15] =	ssyncadd.s32 $0xFFFF8000  }
0x17d: {  	v3 =	vld [tilespmem:$0x200];
	_ =	sdelay $0x4  }
0x17e: {  	v32 =	vshll.u32 v3, $0x1  }
0x17f: {  	v3 =	vand.u32 $0x7, v3;
	v4 =	vand.u32 $0xFFFFFFF0, v32  }
0x180: {  	v3 =	vor.u32 v3, v4  }
0x181: {  	v4 =	vperm.xlane v3, v0;
	_ =	sdelay $0x1  }
0x182: {  	v3 =	vperm.xlane v3, v2;
	v4 =	vadd.s32 v1, v4;
	_ =	sdelay $0x1  }
0x183: {  	v3 =	vadd.s32 v1, v3;
	_ =	sdelay $0x2  }
0x184: {  	[tilespmem:s22], [sflag:$0x2] =	stream.indirect_vreg.gather [hbm4b:s2+s3], $0x80, v4, vm0, $0xb8;
	[tilespmem:$0x18400] =	vst v63  }
0x185: {  	s18 =	simm.s32 $0x8C00  }
0x186: {  	[tilespmem:s18], [sflag:$0x2] =	stream.indirect_vreg.gather [hbm4b:s2+s3], $0x80, v3, vm0, $0xb8;
	[tilespmem:$0x18400] =	vst v63  }
0x187: {  	v3 =	vld [tilespmem:$0x210];
	_ =	sdelay $0x4  }
0x188: {  	v33 =	vshll.u32 v3, $0x1  }
0x189: {  	v3 =	vand.u32 $0x7, v3;
	v4 =	vand.u32 $0xFFFFFFF0, v33  }
0x18a: {  	v3 =	vor.u32 v3, v4  }
0x18b: {  	v4 =	vperm.xlane v3, v0;
	_ =	sdelay $0x1  }
0x18c: {  	v3 =	vperm.xlane v3, v2;
	v4 =	vadd.s32 v1, v4;
	_ =	sdelay $0x1  }
0x18d: {  	v3 =	vadd.s32 v1, v3;
	_ =	sdelay $0x1  }
0x18e: {  	s18 =	simm.s32 $0x9400  }
0x18f: {  	[tilespmem:s18], [sflag:$0x2] =	stream.indirect_vreg.gather [hbm4b:s2+s3], $0x80, v4, vm0, $0xb8;
	[tilespmem:$0x18400] =	vst v63  }
0x190: {  	s18 =	simm.s32 $0x9C00  }
0x191: {  	[tilespmem:s18], [sflag:$0x2] =	stream.indirect_vreg.gather [hbm4b:s2+s3], $0x80, v3, vm0, $0xb8;
	[tilespmem:$0x18400] =	vst v63  }
0x192: {  	v3 =	vld [tilespmem:$0x220];
	_ =	sdelay $0x4  }
0x193: {  	v34 =	vshll.u32 v3, $0x1  }
0x194: {  	v3 =	vand.u32 $0x7, v3;
	v4 =	vand.u32 $0xFFFFFFF0, v34  }
0x195: {  	v3 =	vor.u32 v3, v4  }
0x196: {  	v4 =	vperm.xlane v3, v0;
	_ =	sdelay $0x1  }
0x197: {  	v3 =	vperm.xlane v3, v2;
	v4 =	vadd.s32 v1, v4;
	_ =	sdelay $0x1  }
0x198: {  	v3 =	vadd.s32 v1, v3;
	_ =	sdelay $0x1  }
0x199: {  	s18 =	simm.s32 $0xA400  }
0x19a: {  	[tilespmem:s18], [sflag:$0x2] =	stream.indirect_vreg.gather [hbm4b:s2+s3], $0x80, v4, vm0, $0xb8;
	[tilespmem:$0x18400] =	vst v63  }
0x19b: {  	s18 =	simm.s32 $0xAC00  }
0x19c: {  	[tilespmem:s18], [sflag:$0x2] =	stream.indirect_vreg.gather [hbm4b:s2+s3], $0x80, v3, vm0, $0xb8;
	[tilespmem:$0x18400] =	vst v63  }
0x19d: {  	v3 =	vld [tilespmem:$0x230];
	_ =	sdelay $0x4  }
0x19e: {  	v35 =	vshll.u32 v3, $0x1  }
0x19f: {  	v3 =	vand.u32 $0x7, v3;
	v4 =	vand.u32 $0xFFFFFFF0, v35  }
0x1a0: {  	v3 =	vor.u32 v3, v4  }
0x1a1: {  	v4 =	vperm.xlane v3, v0;
	_ =	sdelay $0x1  }
0x1a2: {  	v3 =	vperm.xlane v3, v2;
	v4 =	vadd.s32 v1, v4;
	_ =	sdelay $0x1  }
0x1a3: {  	v3 =	vadd.s32 v1, v3;
	_ =	sdelay $0x1  }
0x1a4: {  	s18 =	simm.s32 $0xB400  }
0x1a5: {  	[tilespmem:s18], [sflag:$0x2] =	stream.indirect_vreg.gather [hbm4b:s2+s3], $0x80, v4, vm0, $0xb8;
	[tilespmem:$0x18400] =	vst v63  }
0x1a6: {  	s18 =	simm.s32 $0xBC00  }
0x1a7: {  	[tilespmem:s18], [sflag:$0x2] =	stream.indirect_vreg.gather [hbm4b:s2+s3], $0x80, v3, vm0, $0xb8;
	[tilespmem:$0x18400] =	vst v63  }
0x1a8: {  	v3 =	vld [tilespmem:$0x240];
	_ =	sdelay $0x4  }
0x1a9: {  	v36 =	vshll.u32 v3, $0x1  }
0x1aa: {  	v3 =	vand.u32 $0x7, v3;
	v4 =	vand.u32 $0xFFFFFFF0, v36  }
0x1ab: {  	v3 =	vor.u32 v3, v4  }
0x1ac: {  	v4 =	vperm.xlane v3, v0;
	_ =	sdelay $0x1  }
0x1ad: {  	v3 =	vperm.xlane v3, v2;
	v4 =	vadd.s32 v1, v4;
	_ =	sdelay $0x1  }
0x1ae: {  	v3 =	vadd.s32 v1, v3;
	_ =	sdelay $0x1  }
0x1af: {  	s18 =	simm.s32 $0xC400  }
0x1b0: {  	[tilespmem:s18], [sflag:$0x2] =	stream.indirect_vreg.gather [hbm4b:s2+s3], $0x80, v4, vm0, $0xb8;
	[tilespmem:$0x18400] =	vst v63  }
0x1b1: {  	s18 =	simm.s32 $0xCC00  }
0x1b2: {  	[tilespmem:s18], [sflag:$0x2] =	stream.indirect_vreg.gather [hbm4b:s2+s3], $0x80, v3, vm0, $0xb8;
	[tilespmem:$0x18400] =	vst v63  }
0x1b3: {  	v3 =	vld [tilespmem:$0x250];
	_ =	sdelay $0x4  }
0x1b4: {  	v37 =	vshll.u32 v3, $0x1  }
0x1b5: {  	v3 =	vand.u32 $0x7, v3;
	v4 =	vand.u32 $0xFFFFFFF0, v37  }
0x1b6: {  	v3 =	vor.u32 v3, v4  }
0x1b7: {  	v4 =	vperm.xlane v3, v0;
	_ =	sdelay $0x1  }
0x1b8: {  	v3 =	vperm.xlane v3, v2;
	v4 =	vadd.s32 v1, v4;
	_ =	sdelay $0x1  }
0x1b9: {  	v3 =	vadd.s32 v1, v3;
	_ =	sdelay $0x1  }
0x1ba: {  	s18 =	simm.s32 $0xD400  }
0x1bb: {  	[tilespmem:s18], [sflag:$0x2] =	stream.indirect_vreg.gather [hbm4b:s2+s3], $0x80, v4, vm0, $0xb8;
	[tilespmem:$0x18400] =	vst v63  }
0x1bc: {  	s18 =	simm.s32 $0xDC00  }
0x1bd: {  	[tilespmem:s18], [sflag:$0x2] =	stream.indirect_vreg.gather [hbm4b:s2+s3], $0x80, v3, vm0, $0xb8;
	[tilespmem:$0x18400] =	vst v63  }
0x1be: {  	v3 =	vld [tilespmem:$0x260];
	_ =	sdelay $0x4  }
0x1bf: {  	v38 =	vshll.u32 v3, $0x1  }
0x1c0: {  	v3 =	vand.u32 $0x7, v3;
	v4 =	vand.u32 $0xFFFFFFF0, v38  }
0x1c1: {  	v3 =	vor.u32 v3, v4  }
0x1c2: {  	v4 =	vperm.xlane v3, v0;
	_ =	sdelay $0x1  }
0x1c3: {  	v3 =	vperm.xlane v3, v2;
	v4 =	vadd.s32 v1, v4;
	_ =	sdelay $0x1  }
0x1c4: {  	v3 =	vadd.s32 v1, v3;
	_ =	sdelay $0x1  }
0x1c5: {  	s18 =	simm.s32 $0xE400  }
0x1c6: {  	[tilespmem:s18], [sflag:$0x2] =	stream.indirect_vreg.gather [hbm4b:s2+s3], $0x80, v4, vm0, $0xb8;
	[tilespmem:$0x18400] =	vst v63  }
0x1c7: {  	s18 =	simm.s32 $0xEC00  }
0x1c8: {  	[tilespmem:s18], [sflag:$0x2] =	stream.indirect_vreg.gather [hbm4b:s2+s3], $0x80, v3, vm0, $0xb8;
	[tilespmem:$0x18400] =	vst v63  }
0x1c9: {  	v3 =	vld [tilespmem:$0x270];
	_ =	sdelay $0x4  }
0x1ca: {  	v39 =	vshll.u32 v3, $0x1  }
0x1cb: {  	v3 =	vand.u32 $0x7, v3;
	v4 =	vand.u32 $0xFFFFFFF0, v39  }
0x1cc: {  	v3 =	vor.u32 v3, v4  }
0x1cd: {  	v4 =	vperm.xlane v3, v0;
	_ =	sdelay $0x1  }
0x1ce: {  	v3 =	vperm.xlane v3, v2;
	v4 =	vadd.s32 v1, v4;
	_ =	sdelay $0x1  }
0x1cf: {  	v3 =	vadd.s32 v1, v3;
	_ =	sdelay $0x1  }
0x1d0: {  	s18 =	simm.s32 $0xF400  }
0x1d1: {  	[tilespmem:s18], [sflag:$0x2] =	stream.indirect_vreg.gather [hbm4b:s2+s3], $0x80, v4, vm0, $0xb8;
	[tilespmem:$0x18400] =	vst v63  }
0x1d2: {  	s18 =	simm.s32 $0xFC00  }
0x1d3: {  	[tilespmem:s18], [sflag:$0x2] =	stream.indirect_vreg.gather [hbm4b:s2+s3], $0x80, v3, vm0, $0xb8;
	[tilespmem:$0x18400] =	vst v63  }
0x1d4: {  	_ =	swait.ge [sflag:s16], $0x8000  }
0x1d5: {  	[sflag:s16] =	ssyncset.done $0x0  }
0x1d6: {  	s18 =	rddreg [dreg:$0x6];
	[sflag:s16] =	ssyncadd.s32 $0xFFFF8000  }
0x1d7: {  	[hbm4b:s18+s3] =	stream.linear.scatter [tilespmem:s0], [sflag:$0x6], $0x8000, $0x38;
	[tilespmem:$0x18400] =	vst v63  }
0x1d8: {  	_ =	swait.ge [sflag:s17], $0x8000  }
0x1d9: {  	[sflag:s17] =	ssyncset.done $0x0  }
0x1da: {  	[sflag:s17] =	ssyncadd.s32 $0xFFFF8000  }
0x1db: {  	v3 =	vld [tilespmem:$0x280];
	_ =	sdelay $0x4  }
0x1dc: {  	v40 =	vshll.u32 v3, $0x1  }
0x1dd: {  	v3 =	vand.u32 $0x7, v3;
	v4 =	vand.u32 $0xFFFFFFF0, v40  }
0x1de: {  	v3 =	vor.u32 v3, v4  }
0x1df: {  	v4 =	vperm.xlane v3, v0;
	_ =	sdelay $0x1  }
0x1e0: {  	v3 =	vperm.xlane v3, v2;
	v4 =	vadd.s32 v1, v4;
	_ =	sdelay $0x1  }
0x1e1: {  	v3 =	vadd.s32 v1, v3;
	_ =	sdelay $0x2  }
0x1e2: {  	[tilespmem:s0], [sflag:$0x3] =	stream.indirect_vreg.gather [hbm4b:s2+s3], $0x80, v4, vm0, $0xb8;
	[tilespmem:$0x18400] =	vst v63  }
0x1e3: {  	_ = 	snop  }
0x1e4: {  	[tilespmem:s6], [sflag:$0x3] =	stream.indirect_vreg.gather [hbm4b:s2+s3], $0x80, v3, vm0, $0xb8;
	[tilespmem:$0x18400] =	vst v63  }
0x1e5: {  	v3 =	vld [tilespmem:$0x290];
	_ =	sdelay $0x4  }
0x1e6: {  	v41 =	vshll.u32 v3, $0x1  }
0x1e7: {  	v3 =	vand.u32 $0x7, v3;
	v4 =	vand.u32 $0xFFFFFFF0, v41  }
0x1e8: {  	v3 =	vor.u32 v3, v4  }
0x1e9: {  	v4 =	vperm.xlane v3, v0;
	_ =	sdelay $0x1  }
0x1ea: {  	v3 =	vperm.xlane v3, v2;
	v4 =	vadd.s32 v1, v4;
	_ =	sdelay $0x1  }
0x1eb: {  	v3 =	vadd.s32 v1, v3;
	_ =	sdelay $0x2  }
0x1ec: {  	[tilespmem:s9], [sflag:$0x3] =	stream.indirect_vreg.gather [hbm4b:s2+s3], $0x80, v4, vm0, $0xb8;
	[tilespmem:$0x18400] =	vst v63  }
0x1ed: {  	_ = 	snop  }
0x1ee: {  	[tilespmem:s10], [sflag:$0x3] =	stream.indirect_vreg.gather [hbm4b:s2+s3], $0x80, v3, vm0, $0xb8;
	[tilespmem:$0x18400] =	vst v63  }
0x1ef: {  	v3 =	vld [tilespmem:$0x2A0];
	_ =	sdelay $0x4  }
0x1f0: {  	v42 =	vshll.u32 v3, $0x1  }
0x1f1: {  	v3 =	vand.u32 $0x7, v3;
	v4 =	vand.u32 $0xFFFFFFF0, v42  }
0x1f2: {  	v3 =	vor.u32 v3, v4  }
0x1f3: {  	v4 =	vperm.xlane v3, v0;
	_ =	sdelay $0x1  }
0x1f4: {  	v3 =	vperm.xlane v3, v2;
	v4 =	vadd.s32 v1, v4;
	_ =	sdelay $0x1  }
0x1f5: {  	v3 =	vadd.s32 v1, v3;
	_ =	sdelay $0x2  }
0x1f6: {  	[tilespmem:s11], [sflag:$0x3] =	stream.indirect_vreg.gather [hbm4b:s2+s3], $0x80, v4, vm0, $0xb8;
	[tilespmem:$0x18400] =	vst v63  }
0x1f7: {  	_ = 	snop  }
0x1f8: {  	[tilespmem:s1], [sflag:$0x3] =	stream.indirect_vreg.gather [hbm4b:s2+s3], $0x80, v3, vm0, $0xb8;
	[tilespmem:$0x18400] =	vst v63  }
0x1f9: {  	v3 =	vld [tilespmem:$0x2B0];
	_ =	sdelay $0x4  }
0x1fa: {  	v43 =	vshll.u32 v3, $0x1  }
0x1fb: {  	v3 =	vand.u32 $0x7, v3;
	v4 =	vand.u32 $0xFFFFFFF0, v43  }
0x1fc: {  	v3 =	vor.u32 v3, v4  }
0x1fd: {  	v4 =	vperm.xlane v3, v0;
	_ =	sdelay $0x1  }
0x1fe: {  	v3 =	vperm.xlane v3, v2;
	v4 =	vadd.s32 v1, v4;
	_ =	sdelay $0x1  }
0x1ff: {  	v3 =	vadd.s32 v1, v3;
	_ =	sdelay $0x2  }
0x200: {  	[tilespmem:s5], [sflag:$0x3] =	stream.indirect_vreg.gather [hbm4b:s2+s3], $0x80, v4, vm0, $0xb8;
	[tilespmem:$0x18400] =	vst v63  }
0x201: {  	_ = 	snop  }
0x202: {  	[tilespmem:s7], [sflag:$0x3] =	stream.indirect_vreg.gather [hbm4b:s2+s3], $0x80, v3, vm0, $0xb8;
	[tilespmem:$0x18400] =	vst v63  }
0x203: {  	v3 =	vld [tilespmem:$0x2C0];
	_ =	sdelay $0x4  }
0x204: {  	v44 =	vshll.u32 v3, $0x1  }
0x205: {  	v3 =	vand.u32 $0x7, v3;
	v4 =	vand.u32 $0xFFFFFFF0, v44  }
0x206: {  	v3 =	vor.u32 v3, v4  }
0x207: {  	v4 =	vperm.xlane v3, v0;
	_ =	sdelay $0x1  }
0x208: {  	v3 =	vperm.xlane v3, v2;
	v4 =	vadd.s32 v1, v4;
	_ =	sdelay $0x1  }
0x209: {  	v3 =	vadd.s32 v1, v3;
	_ =	sdelay $0x2  }
0x20a: {  	[tilespmem:s8], [sflag:$0x3] =	stream.indirect_vreg.gather [hbm4b:s2+s3], $0x80, v4, vm0, $0xb8;
	[tilespmem:$0x18400] =	vst v63  }
0x20b: {  	_ = 	snop  }
0x20c: {  	[tilespmem:s19], [sflag:$0x3] =	stream.indirect_vreg.gather [hbm4b:s2+s3], $0x80, v3, vm0, $0xb8;
	[tilespmem:$0x18400] =	vst v63  }
0x20d: {  	v3 =	vld [tilespmem:$0x2D0];
	_ =	sdelay $0x4  }
0x20e: {  	v45 =	vshll.u32 v3, $0x1  }
0x20f: {  	v3 =	vand.u32 $0x7, v3;
	v4 =	vand.u32 $0xFFFFFFF0, v45  }
0x210: {  	v3 =	vor.u32 v3, v4  }
0x211: {  	v4 =	vperm.xlane v3, v0;
	_ =	sdelay $0x1  }
0x212: {  	v3 =	vperm.xlane v3, v2;
	v4 =	vadd.s32 v1, v4;
	_ =	sdelay $0x1  }
0x213: {  	v3 =	vadd.s32 v1, v3;
	_ =	sdelay $0x2  }
0x214: {  	[tilespmem:s20], [sflag:$0x3] =	stream.indirect_vreg.gather [hbm4b:s2+s3], $0x80, v4, vm0, $0xb8;
	[tilespmem:$0x18400] =	vst v63  }
0x215: {  	_ = 	snop  }
0x216: {  	[tilespmem:s21], [sflag:$0x3] =	stream.indirect_vreg.gather [hbm4b:s2+s3], $0x80, v3, vm0, $0xb8;
	[tilespmem:$0x18400] =	vst v63  }
0x217: {  	v3 =	vld [tilespmem:$0x2E0];
	_ =	sdelay $0x4  }
0x218: {  	v46 =	vshll.u32 v3, $0x1  }
0x219: {  	v3 =	vand.u32 $0x7, v3;
	v4 =	vand.u32 $0xFFFFFFF0, v46  }
0x21a: {  	v3 =	vor.u32 v3, v4  }
0x21b: {  	v4 =	vperm.xlane v3, v0;
	_ =	sdelay $0x1  }
0x21c: {  	v3 =	vperm.xlane v3, v2;
	v4 =	vadd.s32 v1, v4;
	_ =	sdelay $0x1  }
0x21d: {  	v3 =	vadd.s32 v1, v3;
	_ =	sdelay $0x2  }
0x21e: {  	[tilespmem:s23], [sflag:$0x3] =	stream.indirect_vreg.gather [hbm4b:s2+s3], $0x80, v4, vm0, $0xb8;
	[tilespmem:$0x18400] =	vst v63  }
0x21f: {  	_ = 	snop  }
0x220: {  	[tilespmem:s24], [sflag:$0x3] =	stream.indirect_vreg.gather [hbm4b:s2+s3], $0x80, v3, vm0, $0xb8;
	[tilespmem:$0x18400] =	vst v63  }
0x221: {  	v3 =	vld [tilespmem:$0x2F0];
	_ =	sdelay $0x4  }
0x222: {  	v47 =	vshll.u32 v3, $0x1  }
0x223: {  	v3 =	vand.u32 $0x7, v3;
	v4 =	vand.u32 $0xFFFFFFF0, v47  }
0x224: {  	v3 =	vor.u32 v3, v4  }
0x225: {  	v4 =	vperm.xlane v3, v0;
	_ =	sdelay $0x1  }
0x226: {  	v3 =	vperm.xlane v3, v2;
	v4 =	vadd.s32 v1, v4;
	_ =	sdelay $0x1  }
0x227: {  	v3 =	vadd.s32 v1, v3;
	_ =	sdelay $0x2  }
0x228: {  	[tilespmem:s25], [sflag:$0x3] =	stream.indirect_vreg.gather [hbm4b:s2+s3], $0x80, v4, vm0, $0xb8;
	[tilespmem:$0x18400] =	vst v63  }
0x229: {  	_ = 	snop  }
0x22a: {  	[tilespmem:s26], [sflag:$0x3] =	stream.indirect_vreg.gather [hbm4b:s2+s3], $0x80, v3, vm0, $0xb8;
	[tilespmem:$0x18400] =	vst v63  }
0x22b: {  	_ =	swait.ge [sflag:s12], $0x8000  }
0x22c: {  	[sflag:s12] =	ssyncset.done $0x0  }
0x22d: {  	s1 =	rddreg [dreg:$0x7];
	[sflag:s12] =	ssyncadd.s32 $0xFFFF8000  }
0x22e: {  	[hbm4b:s1+s3] =	stream.linear.scatter [tilespmem:s28], [sflag:$0x4], $0x8000, $0x38;
	[tilespmem:$0x18400] =	vst v63  }
0x22f: {  	_ =	swait.ge [sflag:s13], $0x8000  }
0x230: {  	[sflag:s13] =	ssyncset.done $0x0  }
0x231: {  	[sflag:s13] =	ssyncadd.s32 $0xFFFF8000  }
0x232: {  	v3 =	vld [tilespmem:$0x300];
	_ =	sdelay $0x4  }
0x233: {  	v48 =	vshll.u32 v3, $0x1  }
0x234: {  	v3 =	vand.u32 $0x7, v3;
	v4 =	vand.u32 $0xFFFFFFF0, v48  }
0x235: {  	v3 =	vor.u32 v3, v4  }
0x236: {  	v4 =	vperm.xlane v3, v0;
	_ =	sdelay $0x1  }
0x237: {  	v3 =	vperm.xlane v3, v2;
	v4 =	vadd.s32 v1, v4;
	_ =	sdelay $0x1  }
0x238: {  	v3 =	vadd.s32 v1, v3;
	_ =	sdelay $0x2  }
0x239: {  	[tilespmem:s28], [sflag:$0x1] =	stream.indirect_vreg.gather [hbm4b:s2+s3], $0x80, v4, vm0, $0xb8;
	[tilespmem:$0x18400] =	vst v63  }
0x23a: {  	s18 =	simm.s32 $0xC00  }
0x23b: {  	[tilespmem:s18], [sflag:$0x1] =	stream.indirect_vreg.gather [hbm4b:s2+s3], $0x80, v3, vm0, $0xb8;
	[tilespmem:$0x18400] =	vst v63  }
0x23c: {  	v3 =	vld [tilespmem:$0x310];
	_ =	sdelay $0x4  }
0x23d: {  	v49 =	vshll.u32 v3, $0x1  }
0x23e: {  	v3 =	vand.u32 $0x7, v3;
	v4 =	vand.u32 $0xFFFFFFF0, v49  }
0x23f: {  	v3 =	vor.u32 v3, v4  }
0x240: {  	v4 =	vperm.xlane v3, v0;
	_ =	sdelay $0x1  }
0x241: {  	v3 =	vperm.xlane v3, v2;
	v4 =	vadd.s32 v1, v4;
	_ =	sdelay $0x1  }
0x242: {  	v3 =	vadd.s32 v1, v3;
	_ =	sdelay $0x1  }
0x243: {  	s18 =	simm.s32 $0x1400  }
0x244: {  	[tilespmem:s18], [sflag:$0x1] =	stream.indirect_vreg.gather [hbm4b:s2+s3], $0x80, v4, vm0, $0xb8;
	[tilespmem:$0x18400] =	vst v63  }
0x245: {  	s18 =	simm.s32 $0x1C00  }
0x246: {  	[tilespmem:s18], [sflag:$0x1] =	stream.indirect_vreg.gather [hbm4b:s2+s3], $0x80, v3, vm0, $0xb8;
	[tilespmem:$0x18400] =	vst v63  }
0x247: {  	v3 =	vld [tilespmem:$0x320];
	_ =	sdelay $0x4  }
0x248: {  	v50 =	vshll.u32 v3, $0x1  }
0x249: {  	v3 =	vand.u32 $0x7, v3;
	v4 =	vand.u32 $0xFFFFFFF0, v50  }
0x24a: {  	v3 =	vor.u32 v3, v4  }
0x24b: {  	v4 =	vperm.xlane v3, v0;
	_ =	sdelay $0x1  }
0x24c: {  	v3 =	vperm.xlane v3, v2;
	v4 =	vadd.s32 v1, v4;
	_ =	sdelay $0x1  }
0x24d: {  	v3 =	vadd.s32 v1, v3;
	_ =	sdelay $0x1  }
0x24e: {  	s18 =	simm.s32 $0x2400  }
0x24f: {  	[tilespmem:s18], [sflag:$0x1] =	stream.indirect_vreg.gather [hbm4b:s2+s3], $0x80, v4, vm0, $0xb8;
	[tilespmem:$0x18400] =	vst v63  }
0x250: {  	s18 =	simm.s32 $0x2C00  }
0x251: {  	[tilespmem:s18], [sflag:$0x1] =	stream.indirect_vreg.gather [hbm4b:s2+s3], $0x80, v3, vm0, $0xb8;
	[tilespmem:$0x18400] =	vst v63  }
0x252: {  	v3 =	vld [tilespmem:$0x330];
	_ =	sdelay $0x4  }
0x253: {  	v51 =	vshll.u32 v3, $0x1  }
0x254: {  	v3 =	vand.u32 $0x7, v3;
	v4 =	vand.u32 $0xFFFFFFF0, v51  }
0x255: {  	v3 =	vor.u32 v3, v4  }
0x256: {  	v4 =	vperm.xlane v3, v0;
	_ =	sdelay $0x1  }
0x257: {  	v3 =	vperm.xlane v3, v2;
	v4 =	vadd.s32 v1, v4;
	_ =	sdelay $0x1  }
0x258: {  	v3 =	vadd.s32 v1, v3;
	_ =	sdelay $0x1  }
0x259: {  	s18 =	simm.s32 $0x3400  }
0x25a: {  	[tilespmem:s18], [sflag:$0x1] =	stream.indirect_vreg.gather [hbm4b:s2+s3], $0x80, v4, vm0, $0xb8;
	[tilespmem:$0x18400] =	vst v63  }
0x25b: {  	s18 =	simm.s32 $0x3C00  }
0x25c: {  	[tilespmem:s18], [sflag:$0x1] =	stream.indirect_vreg.gather [hbm4b:s2+s3], $0x80, v3, vm0, $0xb8;
	[tilespmem:$0x18400] =	vst v63  }
0x25d: {  	v3 =	vld [tilespmem:$0x340];
	_ =	sdelay $0x4  }
0x25e: {  	v52 =	vshll.u32 v3, $0x1  }
0x25f: {  	v3 =	vand.u32 $0x7, v3;
	v4 =	vand.u32 $0xFFFFFFF0, v52  }
0x260: {  	v3 =	vor.u32 v3, v4  }
0x261: {  	v4 =	vperm.xlane v3, v0;
	_ =	sdelay $0x1  }
0x262: {  	v3 =	vperm.xlane v3, v2;
	v4 =	vadd.s32 v1, v4;
	_ =	sdelay $0x1  }
0x263: {  	v3 =	vadd.s32 v1, v3;
	_ =	sdelay $0x1  }
0x264: {  	s18 =	simm.s32 $0x4400  }
0x265: {  	[tilespmem:s18], [sflag:$0x1] =	stream.indirect_vreg.gather [hbm4b:s2+s3], $0x80, v4, vm0, $0xb8;
	[tilespmem:$0x18400] =	vst v63  }
0x266: {  	_ = 	snop  }
0x267: {  	[tilespmem:s29], [sflag:$0x1] =	stream.indirect_vreg.gather [hbm4b:s2+s3], $0x80, v3, vm0, $0xb8;
	[tilespmem:$0x18400] =	vst v63  }
0x268: {  	v3 =	vld [tilespmem:$0x350];
	_ =	sdelay $0x4  }
0x269: {  	v53 =	vshll.u32 v3, $0x1  }
0x26a: {  	v3 =	vand.u32 $0x7, v3;
	v4 =	vand.u32 $0xFFFFFFF0, v53  }
0x26b: {  	v3 =	vor.u32 v3, v4  }
0x26c: {  	v4 =	vperm.xlane v3, v0;
	_ =	sdelay $0x1  }
0x26d: {  	v3 =	vperm.xlane v3, v2;
	v4 =	vadd.s32 v1, v4;
	_ =	sdelay $0x1  }
0x26e: {  	v3 =	vadd.s32 v1, v3;
	_ =	sdelay $0x2  }
0x26f: {  	[tilespmem:s30], [sflag:$0x1] =	stream.indirect_vreg.gather [hbm4b:s2+s3], $0x80, v4, vm0, $0xb8;
	[tilespmem:$0x18400] =	vst v63  }
0x270: {  	_ = 	snop  }
0x271: {  	[tilespmem:s31], [sflag:$0x1] =	stream.indirect_vreg.gather [hbm4b:s2+s3], $0x80, v3, vm0, $0xb8;
	[tilespmem:$0x18400] =	vst v63  }
0x272: {  	v3 =	vld [tilespmem:$0x360];
	_ =	sdelay $0x4  }
0x273: {  	v54 =	vshll.u32 v3, $0x1  }
0x274: {  	v3 =	vand.u32 $0x7, v3;
	v4 =	vand.u32 $0xFFFFFFF0, v54  }
0x275: {  	v3 =	vor.u32 v3, v4  }
0x276: {  	v4 =	vperm.xlane v3, v0;
	_ =	sdelay $0x1  }
0x277: {  	v3 =	vperm.xlane v3, v2;
	v4 =	vadd.s32 v1, v4;
	_ =	sdelay $0x1  }
0x278: {  	v3 =	vadd.s32 v1, v3;
	_ =	sdelay $0x1  }
0x279: {  	s18 =	simm.s32 $0x6400  }
0x27a: {  	[tilespmem:s18], [sflag:$0x1] =	stream.indirect_vreg.gather [hbm4b:s2+s3], $0x80, v4, vm0, $0xb8;
	[tilespmem:$0x18400] =	vst v63  }
0x27b: {  	s18 =	simm.s32 $0x6C00  }
0x27c: {  	[tilespmem:s18], [sflag:$0x1] =	stream.indirect_vreg.gather [hbm4b:s2+s3], $0x80, v3, vm0, $0xb8;
	[tilespmem:$0x18400] =	vst v63  }
0x27d: {  	v3 =	vld [tilespmem:$0x370];
	_ =	sdelay $0x4  }
0x27e: {  	v55 =	vshll.u32 v3, $0x1  }
0x27f: {  	v3 =	vand.u32 $0x7, v3;
	v4 =	vand.u32 $0xFFFFFFF0, v55  }
0x280: {  	v3 =	vor.u32 v3, v4  }
0x281: {  	v4 =	vperm.xlane v3, v0;
	_ =	sdelay $0x1  }
0x282: {  	v3 =	vperm.xlane v3, v2;
	v4 =	vadd.s32 v1, v4;
	_ =	sdelay $0x1  }
0x283: {  	v3 =	vadd.s32 v1, v3;
	_ =	sdelay $0x1  }
0x284: {  	s18 =	simm.s32 $0x7400  }
0x285: {  	[tilespmem:s18], [sflag:$0x1] =	stream.indirect_vreg.gather [hbm4b:s2+s3], $0x80, v4, vm0, $0xb8;
	[tilespmem:$0x18400] =	vst v63  }
0x286: {  	s18 =	simm.s32 $0x7C00  }
0x287: {  	[tilespmem:s18], [sflag:$0x1] =	stream.indirect_vreg.gather [hbm4b:s2+s3], $0x80, v3, vm0, $0xb8;
	[tilespmem:$0x18400] =	vst v63  }
0x288: {  	_ =	swait.ge [sflag:s14], $0x8000  }
0x289: {  	[sflag:s14] =	ssyncset.done $0x0  }
0x28a: {  	s1 =	rddreg [dreg:$0x8];
	[sflag:s14] =	ssyncadd.s32 $0xFFFF8000  }
0x28b: {  	[hbm4b:s1+s3] =	stream.linear.scatter [tilespmem:s22], [sflag:$0x5], $0x8000, $0x38;
	[tilespmem:$0x18400] =	vst v63  }
0x28c: {  	_ =	swait.ge [sflag:s15], $0x8000  }
0x28d: {  	[sflag:s15] =	ssyncset.done $0x0  }
0x28e: {  	[sflag:s15] =	ssyncadd.s32 $0xFFFF8000  }
0x28f: {  	v3 =	vld [tilespmem:$0x380];
	_ =	sdelay $0x4  }
0x290: {  	v56 =	vshll.u32 v3, $0x1  }
0x291: {  	v3 =	vand.u32 $0x7, v3;
	v4 =	vand.u32 $0xFFFFFFF0, v56  }
0x292: {  	v3 =	vor.u32 v3, v4  }
0x293: {  	v4 =	vperm.xlane v3, v0;
	_ =	sdelay $0x1  }
0x294: {  	v3 =	vperm.xlane v3, v2;
	v4 =	vadd.s32 v1, v4;
	_ =	sdelay $0x1  }
0x295: {  	v3 =	vadd.s32 v1, v3;
	_ =	sdelay $0x2  }
0x296: {  	[tilespmem:s22], [sflag:$0x2] =	stream.indirect_vreg.gather [hbm4b:s2+s3], $0x80, v4, vm0, $0xb8;
	[tilespmem:$0x18400] =	vst v63  }
0x297: {  	s18 =	simm.s32 $0x8C00  }
0x298: {  	[tilespmem:s18], [sflag:$0x2] =	stream.indirect_vreg.gather [hbm4b:s2+s3], $0x80, v3, vm0, $0xb8;
	[tilespmem:$0x18400] =	vst v63  }
0x299: {  	v3 =	vld [tilespmem:$0x390];
	_ =	sdelay $0x4  }
0x29a: {  	v57 =	vshll.u32 v3, $0x1  }
0x29b: {  	v3 =	vand.u32 $0x7, v3;
	v4 =	vand.u32 $0xFFFFFFF0, v57  }
0x29c: {  	v3 =	vor.u32 v3, v4  }
0x29d: {  	v4 =	vperm.xlane v3, v0;
	_ =	sdelay $0x1  }
0x29e: {  	v3 =	vperm.xlane v3, v2;
	v4 =	vadd.s32 v1, v4;
	_ =	sdelay $0x1  }
0x29f: {  	v3 =	vadd.s32 v1, v3;
	_ =	sdelay $0x1  }
0x2a0: {  	s18 =	simm.s32 $0x9400  }
0x2a1: {  	[tilespmem:s18], [sflag:$0x2] =	stream.indirect_vreg.gather [hbm4b:s2+s3], $0x80, v4, vm0, $0xb8;
	[tilespmem:$0x18400] =	vst v63  }
0x2a2: {  	s18 =	simm.s32 $0x9C00  }
0x2a3: {  	[tilespmem:s18], [sflag:$0x2] =	stream.indirect_vreg.gather [hbm4b:s2+s3], $0x80, v3, vm0, $0xb8;
	[tilespmem:$0x18400] =	vst v63  }
0x2a4: {  	v3 =	vld [tilespmem:$0x3A0];
	_ =	sdelay $0x4  }
0x2a5: {  	v58 =	vshll.u32 v3, $0x1  }
0x2a6: {  	v3 =	vand.u32 $0x7, v3;
	v4 =	vand.u32 $0xFFFFFFF0, v58  }
0x2a7: {  	v3 =	vor.u32 v3, v4  }
0x2a8: {  	v4 =	vperm.xlane v3, v0;
	_ =	sdelay $0x1  }
0x2a9: {  	v3 =	vperm.xlane v3, v2;
	v4 =	vadd.s32 v1, v4;
	_ =	sdelay $0x1  }
0x2aa: {  	v3 =	vadd.s32 v1, v3;
	_ =	sdelay $0x1  }
0x2ab: {  	s18 =	simm.s32 $0xA400  }
0x2ac: {  	[tilespmem:s18], [sflag:$0x2] =	stream.indirect_vreg.gather [hbm4b:s2+s3], $0x80, v4, vm0, $0xb8;
	[tilespmem:$0x18400] =	vst v63  }
0x2ad: {  	s18 =	simm.s32 $0xAC00  }
0x2ae: {  	[tilespmem:s18], [sflag:$0x2] =	stream.indirect_vreg.gather [hbm4b:s2+s3], $0x80, v3, vm0, $0xb8;
	[tilespmem:$0x18400] =	vst v63  }
0x2af: {  	v3 =	vld [tilespmem:$0x3B0];
	_ =	sdelay $0x4  }
0x2b0: {  	v59 =	vshll.u32 v3, $0x1  }
0x2b1: {  	v3 =	vand.u32 $0x7, v3;
	v4 =	vand.u32 $0xFFFFFFF0, v59  }
0x2b2: {  	v3 =	vor.u32 v3, v4  }
0x2b3: {  	v4 =	vperm.xlane v3, v0;
	_ =	sdelay $0x1  }
0x2b4: {  	v3 =	vperm.xlane v3, v2;
	v4 =	vadd.s32 v1, v4;
	_ =	sdelay $0x1  }
0x2b5: {  	v3 =	vadd.s32 v1, v3;
	_ =	sdelay $0x1  }
0x2b6: {  	s18 =	simm.s32 $0xB400  }
0x2b7: {  	[tilespmem:s18], [sflag:$0x2] =	stream.indirect_vreg.gather [hbm4b:s2+s3], $0x80, v4, vm0, $0xb8;
	[tilespmem:$0x18400] =	vst v63  }
0x2b8: {  	s18 =	simm.s32 $0xBC00  }
0x2b9: {  	[tilespmem:s18], [sflag:$0x2] =	stream.indirect_vreg.gather [hbm4b:s2+s3], $0x80, v3, vm0, $0xb8;
	[tilespmem:$0x18400] =	vst v63  }
0x2ba: {  	v3 =	vld [tilespmem:$0x3C0];
	_ =	sdelay $0x4  }
0x2bb: {  	v60 =	vshll.u32 v3, $0x1  }
0x2bc: {  	v3 =	vand.u32 $0x7, v3;
	v4 =	vand.u32 $0xFFFFFFF0, v60  }
0x2bd: {  	v3 =	vor.u32 v3, v4  }
0x2be: {  	v4 =	vperm.xlane v3, v0;
	_ =	sdelay $0x1  }
0x2bf: {  	v3 =	vperm.xlane v3, v2;
	v4 =	vadd.s32 v1, v4;
	_ =	sdelay $0x1  }
0x2c0: {  	v3 =	vadd.s32 v1, v3;
	_ =	sdelay $0x1  }
0x2c1: {  	s18 =	simm.s32 $0xC400  }
0x2c2: {  	[tilespmem:s18], [sflag:$0x2] =	stream.indirect_vreg.gather [hbm4b:s2+s3], $0x80, v4, vm0, $0xb8;
	[tilespmem:$0x18400] =	vst v63  }
0x2c3: {  	s18 =	simm.s32 $0xCC00  }
0x2c4: {  	[tilespmem:s18], [sflag:$0x2] =	stream.indirect_vreg.gather [hbm4b:s2+s3], $0x80, v3, vm0, $0xb8;
	[tilespmem:$0x18400] =	vst v63  }
0x2c5: {  	v3 =	vld [tilespmem:$0x3D0];
	_ =	sdelay $0x4  }
0x2c6: {  	v61 =	vshll.u32 v3, $0x1  }
0x2c7: {  	v3 =	vand.u32 $0x7, v3;
	v4 =	vand.u32 $0xFFFFFFF0, v61  }
0x2c8: {  	v3 =	vor.u32 v3, v4  }
0x2c9: {  	v4 =	vperm.xlane v3, v0;
	_ =	sdelay $0x1  }
0x2ca: {  	v3 =	vperm.xlane v3, v2;
	v4 =	vadd.s32 v1, v4;
	_ =	sdelay $0x1  }
0x2cb: {  	v3 =	vadd.s32 v1, v3;
	_ =	sdelay $0x1  }
0x2cc: {  	s18 =	simm.s32 $0xD400  }
0x2cd: {  	[tilespmem:s18], [sflag:$0x2] =	stream.indirect_vreg.gather [hbm4b:s2+s3], $0x80, v4, vm0, $0xb8;
	[tilespmem:$0x18400] =	vst v63  }
0x2ce: {  	s18 =	simm.s32 $0xDC00  }
0x2cf: {  	[tilespmem:s18], [sflag:$0x2] =	stream.indirect_vreg.gather [hbm4b:s2+s3], $0x80, v3, vm0, $0xb8;
	[tilespmem:$0x18400] =	vst v63  }
0x2d0: {  	v3 =	vld [tilespmem:$0x3E0];
	_ =	sdelay $0x4  }
0x2d1: {  	v62 =	vshll.u32 v3, $0x1  }
0x2d2: {  	v3 =	vand.u32 $0x7, v3;
	v4 =	vand.u32 $0xFFFFFFF0, v62  }
0x2d3: {  	v3 =	vor.u32 v3, v4  }
0x2d4: {  	v4 =	vperm.xlane v3, v0;
	_ =	sdelay $0x1  }
0x2d5: {  	v3 =	vperm.xlane v3, v2;
	v4 =	vadd.s32 v1, v4;
	_ =	sdelay $0x1  }
0x2d6: {  	v3 =	vadd.s32 v1, v3;
	_ =	sdelay $0x1  }
0x2d7: {  	s18 =	simm.s32 $0xE400  }
0x2d8: {  	[tilespmem:s18], [sflag:$0x2] =	stream.indirect_vreg.gather [hbm4b:s2+s3], $0x80, v4, vm0, $0xb8;
	[tilespmem:$0x18400] =	vst v63  }
0x2d9: {  	s18 =	simm.s32 $0xEC00  }
0x2da: {  	[tilespmem:s18], [sflag:$0x2] =	stream.indirect_vreg.gather [hbm4b:s2+s3], $0x80, v3, vm0, $0xb8;
	[tilespmem:$0x18400] =	vst v63  }
0x2db: {  	v3 =	vld [tilespmem:$0x3F0];
	_ =	sdelay $0x4  }
0x2dc: {  	v63 =	vshll.u32 v3, $0x1  }
0x2dd: {  	v3 =	vand.u32 $0x7, v3;
	v4 =	vand.u32 $0xFFFFFFF0, v63  }
0x2de: {  	v3 =	vor.u32 v3, v4  }
0x2df: {  	v4 =	vperm.xlane v3, v0;
	_ =	sdelay $0x1  }
0x2e0: {  	v3 =	vperm.xlane v3, v2;
	v4 =	vadd.s32 v1, v4;
	_ =	sdelay $0x1  }
0x2e1: {  	v3 =	vadd.s32 v1, v3;
	_ =	sdelay $0x1  }
0x2e2: {  	s18 =	simm.s32 $0xF400  }
0x2e3: {  	[tilespmem:s18], [sflag:$0x2] =	stream.indirect_vreg.gather [hbm4b:s2+s3], $0x80, v4, vm0, $0xb8;
	[tilespmem:$0x18400] =	vst v63  }
0x2e4: {  	s18 =	simm.s32 $0xFC00  }
0x2e5: {  	[tilespmem:s18], [sflag:$0x2] =	stream.indirect_vreg.gather [hbm4b:s2+s3], $0x80, v3, vm0, $0xb8;
	[tilespmem:$0x18400] =	vst v63  }
0x2e6: {  	_ =	swait.ge [sflag:s16], $0x8000  }
0x2e7: {  	[sflag:s16] =	ssyncset.done $0x0  }
0x2e8: {  	s1 =	rddreg [dreg:$0x9];
	[sflag:s16] =	ssyncadd.s32 $0xFFFF8000  }
0x2e9: {  	[hbm4b:s1+s3] =	stream.linear.scatter [tilespmem:s0], [sflag:$0x6], $0x8000, $0x38;
	[tilespmem:$0x18400] =	vst v63  }
0x2ea: {  	_ =	swait.ge [sflag:s12], $0x8000  }
0x2eb: {  	[sflag:s12] =	ssyncset.done $0x0  }
0x2ec: {  	s0 =	rddreg [dreg:$0xa];
	[sflag:s12] =	ssyncadd.s32 $0xFFFF8000  }
0x2ed: {  	[hbm4b:s0+s3] =	stream.linear.scatter [tilespmem:s28], [sflag:$0x4], $0x8000, $0x38;
	[tilespmem:$0x18400] =	vst v63  }
0x2ee: {  	_ =	swait.ge [sflag:s14], $0x8000  }
0x2ef: {  	[sflag:s14] =	ssyncset.done $0x0  }
0x2f0: {  	s1 =	rddreg [dreg:$0xb];
	[sflag:s14] =	ssyncadd.s32 $0xFFFF8000  }
0x2f1: {  	[hbm4b:s1+s3] =	stream.linear.scatter [tilespmem:s22], [sflag:$0x5], $0x8000, $0x38;
	[tilespmem:$0x18400] =	vst v63  }
0x2f2: {  	_ =	swait.ge [sflag:s17], $0x8000  }
0x2f3: {  	[sflag:s17] =	ssyncset.done $0x0  }
0x2f4: {  	[sflag:s17] =	ssyncadd.s32 $0xFFFF8000  }
0x2f5: {  	p0 =	sne.s32 s4, $0x1;
	_ =	swait.ge [sflag:s13], $0x8000  }
.Ltmp0:
0x2f6: {  	[sflag:s13] =	ssyncset.done $0x0;
	(pc) =	sbr.rel @p0 .LBB2_1-.Ltmp0, $4  }
0x2f7: {  	[sflag:s13] =	ssyncadd.s32 $0xFFFF8000  }
0x2f8: {  	_ =	swait.ge [sflag:s15], $0x8000  }
0x2f9: {  	[sflag:s15] =	ssyncset.done $0x0  }
0x2fa: {  	s4 =	sadd.s32 $0xFFFFFFFF, s4;
	[sflag:s15] =	ssyncadd.s32 $0xFFFF8000  }
0x2fb: {  	_ =	sfence.sel $0x180000  }
0x2fc: {  	[bflag:$0x0] =	sbarrier.arrive $0xFFFF  }
0x2fd: {  	_ =	strace $0x90000050  }
0x2fe: {  	s0 =	stileid.u32;
	[bflag:$0x2] =	sbarrier.arrive $0xFFFF  }
0x2ff: {  	p0 =	sne.s32 s0, $0x0;
	s0 =	rddreg [dreg:$0x2]  }
0x300: {  	s0 =	sadd.s32 @!p0 $0x100000, s0  }
0x301: {  	[sflag:s0] =	ssyncadd.tile.s32 @!p0 $0x1;
	_ =	shalt  }
.Lfunc_end2:
_tile_overlayer_lowered:
.L_overlay_start_2:
0x302: {  	(tag) =	ssettag $0x2  }
0x303: {  	s0 =	rddreg [dreg:$0x0];
	s2 =	stileid.u32  }
0x304: {  	s1 =	rddreg [dreg:$0x1];
	p0 =	sne.s32 s2, $0x0  }
0x305: {  	s3 =	rddreg [dreg:$0x2];
	[bflag:$0x3] =	sbarrier.arrive $0xFFFF;
	s2 =	simm.s32 @!p0 $0x1C07  }
0x306: {  	[timem:s3], [sflag:s2] =	dma.local @!p0 [hbm:s0], s1  }
0x307: {  	s0 =	simm.s32 @!p0 $0x7  }
0x308: {  	_ =	swait.ge @!p0 [sflag:s0], s1  }
0x309: {  	s1 =	ssub.s32 @!p0 $0x0, s1;
	[sflag:s0] =	ssyncset.done @!p0 $0x0  }
0x30a: {  	[sflag:s0] =	ssyncadd.s32 @!p0 s1  }
0x30b: {  	[bflag:$0x3] =	sbarrier.arrive $0xFFFF  }
0x30c: {  	_ =	shalt  }

// kernel: kernel.17.cloned.1.call-start
scs
__scs_entry_jumppad:
0x0: {  	(pc) =	sbr.rel $0x88, $3  }
0x1: {  	(tag) =	ssettag $0x0;
	lr =	simm.s32 $0x1  }
0x2: {  	[smem:$0x3F95] =	sst lr;
	_ =	strace $0xD0000000  }
0x3: {  	_ = 	snop  }
0x4: {  	_ = 	snop  }
0x5: {  	_ = 	snop  }
0x6: {  	_ = 	snop  }
0x7: {  	_ = 	snop  }
__scs_overlays_trampoline_lowered:
0x8: {  	[smem:$0x3FA4] =	sst s0  }
0x9: {  	[smem:$0x3FA5] =	sst s1  }
0xa: {  	[smem:$0x3FA6] =	sst s2  }
0xb: {  	[smem:$0x3FA7] =	sst s3  }
0xc: {  	[smem:$0x3FA8] =	sst s4  }
0xd: {  	[smem:$0x3FA9] =	sst s5  }
0xe: {  	[smem:$0x3FAA] =	sst s6  }
0xf: {  	[smem:$0x3FAB] =	sst s7  }
0x10: {  	[smem:$0x3FAC] =	sst s8  }
0x11: {  	[smem:$0x3FAD] =	sst s9;
	s0 =	simm.s32 @!p0 $0x0  }
0x12: {  	s1 =	sld [smem:$0x3F93];
	s0 =	simm.s32 @p0 $0x1  }
0x13: {  	[smem:$0x3FAE] =	sst s0;
	s0 =	simm.s32 @!p1 $0x0  }
0x14: {  	s2 =	sld [smem:$0x3F92];
	s0 =	simm.s32 @p1 $0x1  }
0x15: {  	[smem:$0x3FAF] =	sst s0;
	s0 =	simm.s32 @!p2 $0x0  }
0x16: {  	s3 =	sld [smem:$0x3FDB];
	s0 =	simm.s32 @p2 $0x1  }
0x17: {  	s4 =	simm.s32 $0x1BF5;
	[smem:$0x3FB1] =	sst s0  }
0x18: {  	s0 =	sld [smem:$0x3F94];
	_ =	swait.ge [sflag:s4], $0x0  }
0x19: {  	s7 =	sld [smem:$0x3F95]  }
0x1a: {  	s8 =	sadd.s32 $0xFFFFE003, lr  }
0x1b: {  	s9 =	sadd.s32 $0xFFFFFEF7, lr;
	s5 =	simm.s32 $0xFFFFFFFF;
	p2 =	slt.u32 s8, $0xFFFFF086  }
0x1c: {  	p1 =	slt.u32 s9, $0xF7A;
	s5 =	simm.s32 @!p2 $0x0  }
0x1d: {  	s5 =	simm.s32 @p1 $0x1;
	p0 =	seq.s32 s7, s2  }
0x1e: {  	s7 =	smul.u32 @!p0 $0xF7A, s2;
	p2 =	seq.s32 @!p0 s5, $0x0  }
0x1f: {  	s9 =	smul.u32 $0xF7A, s1;
	s8 =	simm.s32 @!p0 $0x1BF5;
	p2 =	por !p2, p0  }
0x20: {  	[sflag:s8] =	ssyncset.s32 @!p0 $0xFFFFF086;
	s6 =	sadd.s32 @!p0 s3, s7;
	s7 =	simm.s32 @!p0 $0x108  }
0x21: {  	s3 =	sadd.s32 s3, s9;
	s6 =	sadd.s32 @!p0 $0x88, s6;
	s7 =	simm.s32 @p2 $0x1082  }
0x22: {  	[simem:s7], [sflag:s8] =	dma.local @!p0 [hbm:s6], $0xF7A  }
0x23: {  	s9 =	sor.u32 $0xD0000000, s2;
	s6 =	simm.s32 $0x108;
	_ =	swait.ge @!p0 [sflag:s8], $0x0  }
0x24: {  	s3 =	sadd.s32 $0x88, s3;
	s6 =	simm.s32 @!p1 $0x1082;
	[sflag:s4] =	ssyncset.s32 $0xFFFFF086  }
0x25: {  	[simem:s6], [sflag:s4] =	dma.local [hbm:s3], $0xF7A  }
0x26: {  	[smem:$0x3F95] =	sst s1;
	(tag) =	ssettag s2;
	_ =	strace s9  }
0x27: {  	s1 =	sld [smem:$0x3FA5]  }
0x28: {  	s2 =	sld [smem:$0x3FA6]  }
0x29: {  	s4 =	sld [smem:$0x3FA8]  }
0x2a: {  	p0 =	seq.s32 s5, $0x0;
	s5 =	sld [smem:$0x3FA9]  }
0x2b: {  	s6 =	sld [smem:$0x3FAA]  }
0x2c: {  	s7 =	sld [smem:$0x3FAB]  }
0x2d: {  	s3 =	simm.s32 $0x108;
	s8 =	sld [smem:$0x3FAC]  }
0x2e: {  	s3 =	simm.s32 @!p0 $0x1082;
	s9 =	sld [smem:$0x3FAD]  }
0x2f: {  	lr =	sadd.s32 s0, s3;
	s0 =	sld [smem:$0x3FA4]  }
0x30: {  	s3 =	sld [smem:$0x3FA7]  }
0x31: {  	[smem:$0x3FB0] =	sst s10  }
0x32: {  	s10 =	sld [smem:$0x3FAE];
	_ =	sdelay $0x3  }
0x33: {  	p0 =	seq.s32 s10, $0x1;
	s10 =	sld [smem:$0x3FB0];
	_ =	sdelay $0x3  }
0x34: {  	[smem:$0x3FB0] =	sst s10  }
0x35: {  	s10 =	sld [smem:$0x3FAF];
	_ =	sdelay $0x3  }
0x36: {  	p1 =	seq.s32 s10, $0x1;
	s10 =	sld [smem:$0x3FB0];
	_ =	sdelay $0x3  }
0x37: {  	[smem:$0x3FB0] =	sst s10  }
0x38: {  	s10 =	sld [smem:$0x3FB1]  }
0x39: {  	_ = 	snop;
	(pc) =	sbr.ind lr, $3  }
0x3a: {  	_ = 	snop  }
0x3b: {  	_ = 	snop  }
0x3c: {  	p2 =	seq.s32 s10, $0x1;
	s10 =	sld [smem:$0x3FB0]  }
0x3d: {  	_ =	shalt  }
0x3e: {  	_ =	shalt  }
0x3f: {  	_ =	shalt  }
0x40: {  	_ =	shalt  }
0x41: {  	_ =	shalt  }
0x42: {  	_ =	shalt  }
0x43: {  	_ =	shalt  }
0x44: {  	_ =	shalt  }
0x45: {  	_ =	shalt  }
0x46: {  	_ =	shalt  }
0x47: {  	_ =	shalt  }
0x48: {  	_ =	shalt  }
0x49: {  	_ =	shalt  }
0x4a: {  	_ =	shalt  }
0x4b: {  	_ =	shalt  }
0x4c: {  	_ =	shalt  }
0x4d: {  	_ =	shalt  }
0x4e: {  	_ =	shalt  }
0x4f: {  	_ =	shalt  }
0x50: {  	_ =	shalt  }
0x51: {  	_ =	shalt  }
0x52: {  	_ =	shalt  }
0x53: {  	_ =	shalt  }
0x54: {  	_ =	shalt  }
0x55: {  	_ =	shalt  }
0x56: {  	_ =	shalt  }
0x57: {  	_ =	shalt  }
0x58: {  	_ =	shalt  }
0x59: {  	_ =	shalt  }
0x5a: {  	_ =	shalt  }
0x5b: {  	_ =	shalt  }
0x5c: {  	_ =	shalt  }
0x5d: {  	_ =	shalt  }
0x5e: {  	_ =	shalt  }
0x5f: {  	_ =	shalt  }
0x60: {  	_ =	shalt  }
0x61: {  	_ =	shalt  }
0x62: {  	_ =	shalt  }
0x63: {  	_ =	shalt  }
0x64: {  	_ =	shalt  }
0x65: {  	_ =	shalt  }
0x66: {  	_ =	shalt  }
0x67: {  	_ =	shalt  }
0x68: {  	_ =	shalt  }
0x69: {  	_ =	shalt  }
0x6a: {  	_ =	shalt  }
0x6b: {  	_ =	shalt  }
0x6c: {  	_ =	shalt  }
0x6d: {  	_ =	shalt  }
0x6e: {  	_ =	shalt  }
0x6f: {  	_ =	shalt  }
0x70: {  	_ =	shalt  }
0x71: {  	_ =	shalt  }
0x72: {  	_ =	shalt  }
0x73: {  	_ =	shalt  }
0x74: {  	_ =	shalt  }
0x75: {  	_ =	shalt  }
0x76: {  	_ =	shalt  }
0x77: {  	_ =	shalt  }
0x78: {  	_ =	shalt  }
0x79: {  	_ =	shalt  }
0x7a: {  	_ =	shalt  }
0x7b: {  	_ =	shalt  }
0x7c: {  	_ =	shalt  }
0x7d: {  	_ =	shalt  }
0x7e: {  	_ =	shalt  }
0x7f: {  	_ =	shalt  }
0x80: {  	_ =	shalt  }
0x81: {  	_ =	shalt  }
0x82: {  	_ =	shalt  }
0x83: {  	_ =	shalt  }
0x84: {  	_ =	shalt  }
0x85: {  	_ =	shalt  }
0x86: {  	_ =	shalt  }
0x87: {  	_ =	shalt  }
.Lfunc_end0:
.L_simem_size_0:
called_computation.2_lowered:
.L_overlay_start_0:
0x88: {  	s2 =	sld [smem:$0x3FD9]  }
0x89: {  	s3 =	sld [smem:$0x3FFE];
	_ =	sdelay $0x1  }
0x8a: {  	s1 =	srdreg.scid  }
0x8b: {  	s0 =	sand.u32 $0x1, s1  }
0x8c: {  	s17 =	sshll.u32 s0, $0xA;
	s2 =	sadd.s32 s3, s2  }
0x8d: {  	s2 =	sadd.s32 s2, s17  }
0x8e: {  	[smem:$0x3FBC] =	sst s2  }
0x8f: {  	_ = 	snop  }
0x90: {  	s18 =	sld [smem:$0x3FC6];
	(tm) =	ssettm $0x1  }
0x91: {  	s19 =	sld [smem:$0x3FFB];
	_ =	sdelay $0x3  }
0x92: {  	_ =	strace s19  }
0x93: {  	s2 =	sld [smem:$0x3FFC];
	_ =	sdelay $0x3  }
0x94: {  	_ =	strace s2  }
0x95: {  	s2 =	sld [smem:$0x3FFD];
	_ =	sdelay $0x3  }
0x96: {  	_ =	strace s2  }
0x97: {  	_ =	strace $0x8FFFFFFF  }
0x98: {  	s20 =	sld [smem:$0x3FDB];
	_ =	sdelay $0x1  }
0x99: {  	s4 =	simm.s32 $_scs_section_size  }
0x9a: {  	s5 =	simm.s32 $_size__tile_overlayer_lowered;
	s6 =	simm.s32 $_tile_overlayer_lowered  }
0x9b: {  	s7 =	simm.s32 $0x1BFF;
	s21 =	sshll.u32 s6, $0x1;
	s4 =	sadd.s32 s4, s20  }
0x9c: {  	s22 =	simm.s32 $0x0;
	s5 =	sshll.u32 s5, $0x1;
	s6 =	sadd.s32 s21, s4  }
0x9d: {  	[timem:s22], [sflag:s7] =	dma.local [hbm:s6], s5  }
0x9e: {  	_ =	swait.ge [sflag:s7], s5  }
0x9f: {  	s5 =	ssub.s32 $0x0, s5;
	[sflag:s7] =	ssyncset.done $0x0  }
0xa0: {  	[sflag:s7] =	ssyncadd.s32 s5;
	_ =	sdelay $0x1  }
0xa1: {  	s23 =	simm.s32 $0x1B8B  }
0xa2: {  	_ =	swait.ge [sflag:s23], $0x1  }
0xa3: {  	[sflag:s23] =	ssyncset.done $0x0  }
0xa4: {  	[sflag:s23] =	ssyncadd.s32 $0xFFFFFFFF  }
0xa5: {  	s5 =	sld [smem:$0x0]  }
0xa6: {  	s6 =	sand.u32 $0xFFFFFFFE, s1  }
0xa7: {  	p0 =	sne.s32 s1, s6  }
0xa8: {  	s6 =	sshll.u32 @p0 s6, $0xE  }
0xa9: {  	s6 =	sadd.s32 @p0 $0x11B8D, s6;
	s7 =	sshll.u32 @p0 s5, $0x11  }
0xaa: {  	s6 =	sor.u32 @p0 s7, s6  }
0xab: {  	[sflag:s6] =	ssyncadd.remote.s32 @p0 $0x1;
	_ =	sdelay $0x1  }
0xac: {  	s6 =	simm.s32 @p0 $0x1B8D  }
0xad: {  	_ =	swait.eq @p0 [sflag:s6], $0x1  }
0xae: {  	[sflag:s6] =	ssyncadd.s32 @p0 $0xFFFFFFFF  }
0xaf: {  	s7 =	sshll.u32 @!p0 s1, $0xE  }
0xb0: {  	s7 =	sor.u32 @!p0 $0x4000, s7;
	s6 =	simm.s32 @!p0 $0x1B8D  }
0xb1: {  	s5 =	sshll.u32 @!p0 s5, $0x11;
	s7 =	sadd.s32 @!p0 $0x11B8D, s7;
	_ =	swait.eq @!p0 [sflag:s6], $0x1  }
0xb2: {  	s5 =	sor.u32 @!p0 s5, s7;
	[sflag:s6] =	ssyncadd.s32 @!p0 $0xFFFFFFFF  }
0xb3: {  	s25 =	simm.s32 $0x1B8E;
	s24 =	sld [smem:$0x3FFE];
	[sflag:s5] =	ssyncadd.remote.s32 @!p0 $0x1  }
0xb4: {  	s26 =	simm.s32 $execute0_lowered;
	[smem:$0x3FD2] =	sst s25  }
0xb5: {  	s6 =	sshll.u32 s26, $0x1;
	_ =	strace $0x8000004C;
	[dreg:$0x1] =	wrdreg $0xFFFFFFFF  }
0xb6: {  	s28 =	simm.s32 $_size_execute0_lowered;
	s4 =	sadd.s32 s4, s6;
	[dreg:$0x0] =	wrdreg $0x0  }
0xb7: {  	s6 =	sshll.u32 s28, $0x1;
	[dreg:$0x2] =	wrdreg s4  }
0xb8: {  	[dreg:$0x3] =	wrdreg s6  }
0xb9: {  	[dreg:$0x4] =	wrdreg $0xC0  }
0xba: {  	_ =	task [dreg:s22], $0x5FFFF  }
0xbb: {  	[dreg:$0x1] =	wrdreg $0xFFFFFFFF  }
0xbc: {  	[dreg:$0x0] =	wrdreg $0x60  }
0xbd: {  	[dreg:$0x2] =	wrdreg s18  }
0xbe: {  	[dreg:$0x3] =	wrdreg s24  }
0xbf: {  	[dreg:$0x4] =	wrdreg $0xB  }
0xc0: {  	_ =	task.clear_ibuf [dreg:s22], $0x5FFFF;
	_ =	strace $0x9000004C  }
0xc1: {  	s29 =	simm.s32 $0xB;
	_ =	strace $0x8000004E  }
0xc2: {  	_ =	swait.ge [sflag:s29], $0x1  }
0xc3: {  	[sflag:s29] =	ssyncadd.s32 $0xFFFFFFFF  }
0xc4: {  	_ =	strace $0x9000004E  }
0xc5: {  	_ =	sfence  }
0xc6: {  	s30 =	sld [smem:$0x0];
	_ =	sdelay $0x2  }
0xc7: {  	s31 =	sshll.u32 s1, $0xD;
	s1 =	sshrl.u32 s1, $0x2  }
0xc8: {  	s4 =	sand.u32 $0x4000, s31;
	s1 =	sadd.s32 s1, s30  }
0xc9: {  	s0 =	sor.u32 s4, s0;
	s1 =	sshll.u32 s1, $0x11  }
0xca: {  	s0 =	sor.u32 s1, s0  }
0xcb: {  	s0 =	sadd.s32 $0x8F2B, s0  }
0xcc: {  	[sflag:s0] =	ssyncadd.remote.s32 $0x1  }
0xcd: {  	_ =	sfence.sel $0xFFFF  }
0xce: {  	[dreg:$0x0] =	wrdreg $0xFFFFFFFF;
	(pc) =	sbr.abs _section_cstart, $3  }
0xcf: {  	[dreg:$0x1] =	wrdreg $0xFFFFFFFF  }
0xd0: {  	_ =	task.clear_ibuf [dreg:s22], $0x2FFFF;
	_ =	strace $0x9FFFFFFF  }
0xd1: {  	(tm) =	ssettm $0x7FFFFFFF  }
tec
execute0_lowered:
.L_overlay_start_1:
0x0: {  	(tag) =	ssettag $0x1  }
0x1: {  	s0 =	srdreg.scid;
	s2 =	rddreg [dreg:$0x0]  }
0x2: {  	s1 =	stileid.u32;
	s4 =	rddreg [dreg:$0x1];
	s28 =	simm.s32 $0x400  }
0x3: {  	s12 =	simm.s32 $0x1;
	s13 =	simm.s32 $0x4;
	s14 =	simm.s32 $0x2  }
0x4: {  	s15 =	simm.s32 $0x5;
	s16 =	simm.s32 $0x3;
	s17 =	simm.s32 $0x6  }
0x5: {  	s29 =	simm.s32 $0x4C00;
	s30 =	simm.s32 $0x5400;
	s0 =	sand.u32 $0x1, s0  }
0x6: {  	s31 =	simm.s32 $0x5C00;
	s1 =	sshll.u32 s1, $0xB;
	s3 =	sshll.u32 s0, $0xA  }
0x7: {  	s6 =	simm.s32 $0x10C00;
	s9 =	simm.s32 $0x11400;
	s1 =	sor.u32 s3, s1  }
0x8: {  	s10 =	simm.s32 $0x11C00;
	s11 =	simm.s32 $0x12400;
	s5 =	sshrl.u32 s1, $0x3  }
0x9: {  	s3 =	simm.s32 $0x0;
	s1 =	sshll.u32 s1, $0x5;
	s5 =	sadd.s32 s5, s4  }
0xa: {  	[smem:$0x7FF] =	sst s3;
	s1 =	sadd.s32 s1, s4;
	s18 =	sadd.s32 $0x9000, s5  }
0xb: {  	_ =	strace $0x8000004D;
	s19 =	sadd.s32 $0x20B000, s1;
	[dreg:$0x3] =	wrdreg s18  }
0xc: {  	s7 =	simm.s32 $0x13C00;
	s20 =	sadd.s32 $0x20C000, s1;
	[dreg:$0x4] =	wrdreg s19  }
0xd: {  	s8 =	simm.s32 $0x14400;
	s21 =	sadd.s32 $0x20D000, s1;
	[dreg:$0x5] =	wrdreg s20  }
0xe: {  	s0 =	ssub.s32 $0x2, s0;
	s22 =	sadd.s32 $0x20E000, s1;
	[dreg:$0x6] =	wrdreg s21  }
0xf: {  	s25 =	sshrl.u32 s0, $0x1;
	s23 =	sadd.s32 $0x20F000, s1;
	[dreg:$0x7] =	wrdreg s22  }
0x10: {  	s0 =	ssub.s32 s0, s25;
	s24 =	sadd.s32 $0x210000, s1;
	[dreg:$0x8] =	wrdreg s23  }
0x11: {  	s25 =	simm.s32 $0x17400;
	s26 =	sadd.s32 $0x211000, s1;
	[dreg:$0x9] =	wrdreg s24  }
0x12: {  	s4 =	smax.u32 s0, $0x1;
	s1 =	sadd.s32 $0x212000, s1;
	[dreg:$0xa] =	wrdreg s26  }
0x13: {  	v2 =	vlaneseq.u32;
	s5 =	simm.s32 $0x13400;
	[dreg:$0xb] =	wrdreg s1;
	s22 =	simm.s32 $0x8400  }
0x14: {  	vm0 =	vmmov $0xffff;
	v1 =	vshrl.u32 v2, $0x3;
	s19 =	simm.s32 $0x14C00;
	s20 =	simm.s32 $0x15400;
	s21 =	simm.s32 $0x15C00  }
0x15: {  	v0 =	vand.u32 $0x7, v2;
	v2 =	vor.u32 $0x8, v2;
	v1 =	vmul.u32 $0x8, v1;
	s23 =	simm.s32 $0x16400;
	s24 =	simm.s32 $0x16C00;
	s26 =	simm.s32 $0x17C00  }
.LBB2_1:
0x16: {  	s18 =	rddreg [dreg:$0x3];
	s0 =	simm.s32 $0x7  }
0x17: {  	[tilespmem:s3], [sflag:$0x7] =	stream.linear.gather [hbm4b:s18+s3], $0x400, $0x38;
	[tilespmem:$0x18400] =	vst v63  }
0x18: {  	_ =	swait.ge [sflag:s0], $0x400  }
0x19: {  	[sflag:s0] =	ssyncset.done $0x0  }
0x1a: {  	[sflag:s0] =	ssyncadd.s32 $0xFFFFFC00  }
0x1b: {  	v3 =	vld [tilespmem:$0x0];
	_ =	sdelay $0x4  }
0x1c: {  	v4 =	vshll.u32 v3, $0x1  }
0x1d: {  	v3 =	vand.u32 $0x7, v3;
	v4 =	vand.u32 $0xFFFFFFF0, v4  }
0x1e: {  	v3 =	vor.u32 v3, v4  }
0x1f: {  	v4 =	vperm.xlane v3, v0;
	_ =	sdelay $0x1  }
0x20: {  	v3 =	vperm.xlane v3, v2;
	v4 =	vadd.s32 v1, v4;
	_ =	sdelay $0x1  }
0x21: {  	v3 =	vadd.s32 v1, v3;
	_ =	sdelay $0x2  }
0x22: {  	[tilespmem:s28], [sflag:$0x1] =	stream.indirect_vreg.gather [hbm4b:s2+s3], $0x80, v4, vm0, $0xb8;
	[tilespmem:$0x18400] =	vst v63  }
0x23: {  	s0 =	simm.s32 $0xC00  }
0x24: {  	[tilespmem:s0], [sflag:$0x1] =	stream.indirect_vreg.gather [hbm4b:s2+s3], $0x80, v3, vm0, $0xb8;
	[tilespmem:$0x18400] =	vst v63  }
0x25: {  	v3 =	vld [tilespmem:$0x10];
	_ =	sdelay $0x4  }
0x26: {  	v57 =	vshll.u32 v3, $0x1  }
0x27: {  	v3 =	vand.u32 $0x7, v3;
	v4 =	vand.u32 $0xFFFFFFF0, v57  }
0x28: {  	v3 =	vor.u32 v3, v4  }
0x29: {  	v4 =	vperm.xlane v3, v0;
	_ =	sdelay $0x1  }
0x2a: {  	v3 =	vperm.xlane v3, v2;
	v4 =	vadd.s32 v1, v4;
	_ =	sdelay $0x1  }
0x2b: {  	v3 =	vadd.s32 v1, v3;
	_ =	sdelay $0x1  }
0x2c: {  	s1 =	simm.s32 $0x1400  }
0x2d: {  	[tilespmem:s1], [sflag:$0x1] =	stream.indirect_vreg.gather [hbm4b:s2+s3], $0x80, v4, vm0, $0xb8;
	[tilespmem:$0x18400] =	vst v63  }
0x2e: {  	s18 =	simm.s32 $0x1C00  }
0x2f: {  	[tilespmem:s18], [sflag:$0x1] =	stream.indirect_vreg.gather [hbm4b:s2+s3], $0x80, v3, vm0, $0xb8;
	[tilespmem:$0x18400] =	vst v63  }
0x30: {  	v3 =	vld [tilespmem:$0x20];
	_ =	sdelay $0x4  }
0x31: {  	v58 =	vshll.u32 v3, $0x1  }
0x32: {  	v3 =	vand.u32 $0x7, v3;
	v4 =	vand.u32 $0xFFFFFFF0, v58  }
0x33: {  	v3 =	vor.u32 v3, v4  }
0x34: {  	v4 =	vperm.xlane v3, v0;
	_ =	sdelay $0x1  }
0x35: {  	v3 =	vperm.xlane v3, v2;
	v4 =	vadd.s32 v1, v4;
	_ =	sdelay $0x1  }
0x36: {  	v3 =	vadd.s32 v1, v3;
	_ =	sdelay $0x1  }
0x37: {  	s1 =	simm.s32 $0x2400  }
0x38: {  	[tilespmem:s1], [sflag:$0x1] =	stream.indirect_vreg.gather [hbm4b:s2+s3], $0x80, v4, vm0, $0xb8;
	[tilespmem:$0x18400] =	vst v63  }
0x39: {  	s18 =	simm.s32 $0x2C00  }
0x3a: {  	[tilespmem:s18], [sflag:$0x1] =	stream.indirect_vreg.gather [hbm4b:s2+s3], $0x80, v3, vm0, $0xb8;
	[tilespmem:$0x18400] =	vst v63  }
0x3b: {  	v3 =	vld [tilespmem:$0x30];
	_ =	sdelay $0x4  }
0x3c: {  	v59 =	vshll.u32 v3, $0x1  }
0x3d: {  	v3 =	vand.u32 $0x7, v3;
	v4 =	vand.u32 $0xFFFFFFF0, v59  }
0x3e: {  	v3 =	vor.u32 v3, v4  }
0x3f: {  	v4 =	vperm.xlane v3, v0;
	_ =	sdelay $0x1  }
0x40: {  	v3 =	vperm.xlane v3, v2;
	v4 =	vadd.s32 v1, v4;
	_ =	sdelay $0x1  }
0x41: {  	v3 =	vadd.s32 v1, v3;
	_ =	sdelay $0x1  }
0x42: {  	s1 =	simm.s32 $0x3400  }
0x43: {  	[tilespmem:s1], [sflag:$0x1] =	stream.indirect_vreg.gather [hbm4b:s2+s3], $0x80, v4, vm0, $0xb8;
	[tilespmem:$0x18400] =	vst v63  }
0x44: {  	s18 =	simm.s32 $0x3C00  }
0x45: {  	[tilespmem:s18], [sflag:$0x1] =	stream.indirect_vreg.gather [hbm4b:s2+s3], $0x80, v3, vm0, $0xb8;
	[tilespmem:$0x18400] =	vst v63  }
0x46: {  	v3 =	vld [tilespmem:$0x40];
	_ =	sdelay $0x4  }
0x47: {  	v60 =	vshll.u32 v3, $0x1  }
0x48: {  	v3 =	vand.u32 $0x7, v3;
	v4 =	vand.u32 $0xFFFFFFF0, v60  }
0x49: {  	v3 =	vor.u32 v3, v4  }
0x4a: {  	v4 =	vperm.xlane v3, v0;
	_ =	sdelay $0x1  }
0x4b: {  	v3 =	vperm.xlane v3, v2;
	v4 =	vadd.s32 v1, v4;
	_ =	sdelay $0x1  }
0x4c: {  	v3 =	vadd.s32 v1, v3;
	_ =	sdelay $0x1  }
0x4d: {  	s1 =	simm.s32 $0x4400  }
0x4e: {  	[tilespmem:s1], [sflag:$0x1] =	stream.indirect_vreg.gather [hbm4b:s2+s3], $0x80, v4, vm0, $0xb8;
	[tilespmem:$0x18400] =	vst v63  }
0x4f: {  	_ = 	snop  }
0x50: {  	[tilespmem:s29], [sflag:$0x1] =	stream.indirect_vreg.gather [hbm4b:s2+s3], $0x80, v3, vm0, $0xb8;
	[tilespmem:$0x18400] =	vst v63  }
0x51: {  	v3 =	vld [tilespmem:$0x50];
	_ =	sdelay $0x4  }
0x52: {  	v61 =	vshll.u32 v3, $0x1  }
0x53: {  	v3 =	vand.u32 $0x7, v3;
	v4 =	vand.u32 $0xFFFFFFF0, v61  }
0x54: {  	v3 =	vor.u32 v3, v4  }
0x55: {  	v4 =	vperm.xlane v3, v0;
	_ =	sdelay $0x1  }
0x56: {  	v3 =	vperm.xlane v3, v2;
	v4 =	vadd.s32 v1, v4;
	_ =	sdelay $0x1  }
0x57: {  	v3 =	vadd.s32 v1, v3;
	_ =	sdelay $0x2  }
0x58: {  	[tilespmem:s30], [sflag:$0x1] =	stream.indirect_vreg.gather [hbm4b:s2+s3], $0x80, v4, vm0, $0xb8;
	[tilespmem:$0x18400] =	vst v63  }
0x59: {  	_ = 	snop  }
0x5a: {  	[tilespmem:s31], [sflag:$0x1] =	stream.indirect_vreg.gather [hbm4b:s2+s3], $0x80, v3, vm0, $0xb8;
	[tilespmem:$0x18400] =	vst v63  }
0x5b: {  	v3 =	vld [tilespmem:$0x60];
	_ =	sdelay $0x4  }
0x5c: {  	v62 =	vshll.u32 v3, $0x1  }
0x5d: {  	v3 =	vand.u32 $0x7, v3;
	v4 =	vand.u32 $0xFFFFFFF0, v62  }
0x5e: {  	v3 =	vor.u32 v3, v4  }
0x5f: {  	v4 =	vperm.xlane v3, v0;
	_ =	sdelay $0x1  }
0x60: {  	v3 =	vperm.xlane v3, v2;
	v4 =	vadd.s32 v1, v4;
	_ =	sdelay $0x1  }
0x61: {  	v3 =	vadd.s32 v1, v3;
	_ =	sdelay $0x1  }
0x62: {  	s18 =	simm.s32 $0x6400  }
0x63: {  	[tilespmem:s18], [sflag:$0x1] =	stream.indirect_vreg.gather [hbm4b:s2+s3], $0x80, v4, vm0, $0xb8;
	[tilespmem:$0x18400] =	vst v63  }
0x64: {  	s1 =	simm.s32 $0x6C00  }
0x65: {  	[tilespmem:s1], [sflag:$0x1] =	stream.indirect_vreg.gather [hbm4b:s2+s3], $0x80, v3, vm0, $0xb8;
	[tilespmem:$0x18400] =	vst v63  }
0x66: {  	v3 =	vld [tilespmem:$0x70];
	_ =	sdelay $0x4  }
0x67: {  	v63 =	vshll.u32 v3, $0x1  }
0x68: {  	v3 =	vand.u32 $0x7, v3;
	v4 =	vand.u32 $0xFFFFFFF0, v63  }
0x69: {  	v3 =	vor.u32 v3, v4  }
0x6a: {  	v4 =	vperm.xlane v3, v0;
	_ =	sdelay $0x1  }
0x6b: {  	v3 =	vperm.xlane v3, v2;
	v4 =	vadd.s32 v1, v4;
	_ =	sdelay $0x1  }
0x6c: {  	v3 =	vadd.s32 v1, v3;
	_ =	sdelay $0x1  }
0x6d: {  	s18 =	simm.s32 $0x7400  }
0x6e: {  	[tilespmem:s18], [sflag:$0x1] =	stream.indirect_vreg.gather [hbm4b:s2+s3], $0x80, v4, vm0, $0xb8;
	[tilespmem:$0x18400] =	vst v63  }
0x6f: {  	s1 =	simm.s32 $0x7C00  }
0x70: {  	[tilespmem:s1], [sflag:$0x1] =	stream.indirect_vreg.gather [hbm4b:s2+s3], $0x80, v3, vm0, $0xb8;
	[tilespmem:$0x18400] =	vst v63  }
0x71: {  	v3 =	vld [tilespmem:$0x80];
	_ =	sdelay $0x4  }
0x72: {  	v8 =	vshll.u32 v3, $0x1  }
0x73: {  	v3 =	vand.u32 $0x7, v3;
	v4 =	vand.u32 $0xFFFFFFF0, v8  }
0x74: {  	v3 =	vor.u32 v3, v4  }
0x75: {  	v4 =	vperm.xlane v3, v0;
	_ =	sdelay $0x1  }
0x76: {  	v3 =	vperm.xlane v3, v2;
	v4 =	vadd.s32 v1, v4;
	_ =	sdelay $0x1  }
0x77: {  	v3 =	vadd.s32 v1, v3;
	_ =	sdelay $0x2  }
0x78: {  	[tilespmem:s22], [sflag:$0x2] =	stream.indirect_vreg.gather [hbm4b:s2+s3], $0x80, v4, vm0, $0xb8;
	[tilespmem:$0x18400] =	vst v63  }
0x79: {  	s18 =	simm.s32 $0x8C00  }
0x7a: {  	[tilespmem:s18], [sflag:$0x2] =	stream.indirect_vreg.gather [hbm4b:s2+s3], $0x80, v3, vm0, $0xb8;
	[tilespmem:$0x18400] =	vst v63  }
0x7b: {  	v3 =	vld [tilespmem:$0x90];
	_ =	sdelay $0x4  }
0x7c: {  	v9 =	vshll.u32 v3, $0x1  }
0x7d: {  	v3 =	vand.u32 $0x7, v3;
	v4 =	vand.u32 $0xFFFFFFF0, v9  }
0x7e: {  	v3 =	vor.u32 v3, v4  }
0x7f: {  	v4 =	vperm.xlane v3, v0;
	_ =	sdelay $0x1  }
0x80: {  	v3 =	vperm.xlane v3, v2;
	v4 =	vadd.s32 v1, v4;
	_ =	sdelay $0x1  }
0x81: {  	v3 =	vadd.s32 v1, v3;
	_ =	sdelay $0x1  }
0x82: {  	s1 =	simm.s32 $0x9400  }
0x83: {  	[tilespmem:s1], [sflag:$0x2] =	stream.indirect_vreg.gather [hbm4b:s2+s3], $0x80, v4, vm0, $0xb8;
	[tilespmem:$0x18400] =	vst v63  }
0x84: {  	s18 =	simm.s32 $0x9C00  }
0x85: {  	[tilespmem:s18], [sflag:$0x2] =	stream.indirect_vreg.gather [hbm4b:s2+s3], $0x80, v3, vm0, $0xb8;
	[tilespmem:$0x18400] =	vst v63  }
0x86: {  	v3 =	vld [tilespmem:$0xA0];
	_ =	sdelay $0x4  }
0x87: {  	v10 =	vshll.u32 v3, $0x1  }
0x88: {  	v3 =	vand.u32 $0x7, v3;
	v4 =	vand.u32 $0xFFFFFFF0, v10  }
0x89: {  	v3 =	vor.u32 v3, v4  }
0x8a: {  	v4 =	vperm.xlane v3, v0;
	_ =	sdelay $0x1  }
0x8b: {  	v3 =	vperm.xlane v3, v2;
	v4 =	vadd.s32 v1, v4;
	_ =	sdelay $0x1  }
0x8c: {  	v3 =	vadd.s32 v1, v3;
	_ =	sdelay $0x1  }
0x8d: {  	s1 =	simm.s32 $0xA400  }
0x8e: {  	[tilespmem:s1], [sflag:$0x2] =	stream.indirect_vreg.gather [hbm4b:s2+s3], $0x80, v4, vm0, $0xb8;
	[tilespmem:$0x18400] =	vst v63  }
0x8f: {  	s18 =	simm.s32 $0xAC00  }
0x90: {  	[tilespmem:s18], [sflag:$0x2] =	stream.indirect_vreg.gather [hbm4b:s2+s3], $0x80, v3, vm0, $0xb8;
	[tilespmem:$0x18400] =	vst v63  }
0x91: {  	v3 =	vld [tilespmem:$0xB0];
	_ =	sdelay $0x4  }
0x92: {  	v11 =	vshll.u32 v3, $0x1  }
0x93: {  	v3 =	vand.u32 $0x7, v3;
	v4 =	vand.u32 $0xFFFFFFF0, v11  }
0x94: {  	v3 =	vor.u32 v3, v4  }
0x95: {  	v4 =	vperm.xlane v3, v0;
	_ =	sdelay $0x1  }
0x96: {  	v3 =	vperm.xlane v3, v2;
	v4 =	vadd.s32 v1, v4;
	_ =	sdelay $0x1  }
0x97: {  	v3 =	vadd.s32 v1, v3;
	_ =	sdelay $0x1  }
0x98: {  	s1 =	simm.s32 $0xB400  }
0x99: {  	[tilespmem:s1], [sflag:$0x2] =	stream.indirect_vreg.gather [hbm4b:s2+s3], $0x80, v4, vm0, $0xb8;
	[tilespmem:$0x18400] =	vst v63  }
0x9a: {  	s18 =	simm.s32 $0xBC00  }
0x9b: {  	[tilespmem:s18], [sflag:$0x2] =	stream.indirect_vreg.gather [hbm4b:s2+s3], $0x80, v3, vm0, $0xb8;
	[tilespmem:$0x18400] =	vst v63  }
0x9c: {  	v3 =	vld [tilespmem:$0xC0];
	_ =	sdelay $0x4  }
0x9d: {  	v12 =	vshll.u32 v3, $0x1  }
0x9e: {  	v3 =	vand.u32 $0x7, v3;
	v4 =	vand.u32 $0xFFFFFFF0, v12  }
0x9f: {  	v3 =	vor.u32 v3, v4  }
0xa0: {  	v4 =	vperm.xlane v3, v0;
	_ =	sdelay $0x1  }
0xa1: {  	v3 =	vperm.xlane v3, v2;
	v4 =	vadd.s32 v1, v4;
	_ =	sdelay $0x1  }
0xa2: {  	v3 =	vadd.s32 v1, v3;
	_ =	sdelay $0x1  }
0xa3: {  	s1 =	simm.s32 $0xC400  }
0xa4: {  	[tilespmem:s1], [sflag:$0x2] =	stream.indirect_vreg.gather [hbm4b:s2+s3], $0x80, v4, vm0, $0xb8;
	[tilespmem:$0x18400] =	vst v63  }
0xa5: {  	s18 =	simm.s32 $0xCC00  }
0xa6: {  	[tilespmem:s18], [sflag:$0x2] =	stream.indirect_vreg.gather [hbm4b:s2+s3], $0x80, v3, vm0, $0xb8;
	[tilespmem:$0x18400] =	vst v63  }
0xa7: {  	v3 =	vld [tilespmem:$0xD0];
	_ =	sdelay $0x4  }
0xa8: {  	v13 =	vshll.u32 v3, $0x1  }
0xa9: {  	v3 =	vand.u32 $0x7, v3;
	v4 =	vand.u32 $0xFFFFFFF0, v13  }
0xaa: {  	v3 =	vor.u32 v3, v4  }
0xab: {  	v4 =	vperm.xlane v3, v0;
	_ =	sdelay $0x1  }
0xac: {  	v3 =	vperm.xlane v3, v2;
	v4 =	vadd.s32 v1, v4;
	_ =	sdelay $0x1  }
0xad: {  	v3 =	vadd.s32 v1, v3;
	_ =	sdelay $0x1  }
0xae: {  	s1 =	simm.s32 $0xD400  }
0xaf: {  	[tilespmem:s1], [sflag:$0x2] =	stream.indirect_vreg.gather [hbm4b:s2+s3], $0x80, v4, vm0, $0xb8;
	[tilespmem:$0x18400] =	vst v63  }
0xb0: {  	s18 =	simm.s32 $0xDC00  }
0xb1: {  	[tilespmem:s18], [sflag:$0x2] =	stream.indirect_vreg.gather [hbm4b:s2+s3], $0x80, v3, vm0, $0xb8;
	[tilespmem:$0x18400] =	vst v63  }
0xb2: {  	v3 =	vld [tilespmem:$0xE0];
	_ =	sdelay $0x4  }
0xb3: {  	v14 =	vshll.u32 v3, $0x1  }
0xb4: {  	v3 =	vand.u32 $0x7, v3;
	v4 =	vand.u32 $0xFFFFFFF0, v14  }
0xb5: {  	v3 =	vor.u32 v3, v4  }
0xb6: {  	v4 =	vperm.xlane v3, v0;
	_ =	sdelay $0x1  }
0xb7: {  	v3 =	vperm.xlane v3, v2;
	v4 =	vadd.s32 v1, v4;
	_ =	sdelay $0x1  }
0xb8: {  	v3 =	vadd.s32 v1, v3;
	_ =	sdelay $0x1  }
0xb9: {  	s1 =	simm.s32 $0xE400  }
0xba: {  	[tilespmem:s1], [sflag:$0x2] =	stream.indirect_vreg.gather [hbm4b:s2+s3], $0x80, v4, vm0, $0xb8;
	[tilespmem:$0x18400] =	vst v63  }
0xbb: {  	s18 =	simm.s32 $0xEC00  }
0xbc: {  	[tilespmem:s18], [sflag:$0x2] =	stream.indirect_vreg.gather [hbm4b:s2+s3], $0x80, v3, vm0, $0xb8;
	[tilespmem:$0x18400] =	vst v63  }
0xbd: {  	v3 =	vld [tilespmem:$0xF0];
	_ =	sdelay $0x4  }
0xbe: {  	v15 =	vshll.u32 v3, $0x1  }
0xbf: {  	v3 =	vand.u32 $0x7, v3;
	v4 =	vand.u32 $0xFFFFFFF0, v15  }
0xc0: {  	v3 =	vor.u32 v3, v4  }
0xc1: {  	v4 =	vperm.xlane v3, v0;
	_ =	sdelay $0x1  }
0xc2: {  	v3 =	vperm.xlane v3, v2;
	v4 =	vadd.s32 v1, v4;
	_ =	sdelay $0x1  }
0xc3: {  	v3 =	vadd.s32 v1, v3;
	_ =	sdelay $0x1  }
0xc4: {  	s1 =	simm.s32 $0xF400  }
0xc5: {  	[tilespmem:s1], [sflag:$0x2] =	stream.indirect_vreg.gather [hbm4b:s2+s3], $0x80, v4, vm0, $0xb8;
	[tilespmem:$0x18400] =	vst v63  }
0xc6: {  	s18 =	simm.s32 $0xFC00  }
0xc7: {  	[tilespmem:s18], [sflag:$0x2] =	stream.indirect_vreg.gather [hbm4b:s2+s3], $0x80, v3, vm0, $0xb8;
	[tilespmem:$0x18400] =	vst v63  }
0xc8: {  	v3 =	vld [tilespmem:$0x100];
	_ =	sdelay $0x4  }
0xc9: {  	v16 =	vshll.u32 v3, $0x1  }
0xca: {  	v3 =	vand.u32 $0x7, v3;
	v4 =	vand.u32 $0xFFFFFFF0, v16  }
0xcb: {  	v3 =	vor.u32 v3, v4  }
0xcc: {  	v4 =	vperm.xlane v3, v0;
	_ =	sdelay $0x1  }
0xcd: {  	v3 =	vperm.xlane v3, v2;
	v4 =	vadd.s32 v1, v4;
	_ =	sdelay $0x1  }
0xce: {  	v3 =	vadd.s32 v1, v3;
	_ =	sdelay $0x1  }
0xcf: {  	s0 =	simm.s32 $0x10400  }
0xd0: {  	[tilespmem:s0], [sflag:$0x3] =	stream.indirect_vreg.gather [hbm4b:s2+s3], $0x80, v4, vm0, $0xb8;
	[tilespmem:$0x18400] =	vst v63  }
0xd1: {  	_ = 	snop  }
0xd2: {  	[tilespmem:s6], [sflag:$0x3] =	stream.indirect_vreg.gather [hbm4b:s2+s3], $0x80, v3, vm0, $0xb8;
	[tilespmem:$0x18400] =	vst v63  }
0xd3: {  	v3 =	vld [tilespmem:$0x110];
	_ =	sdelay $0x4  }
0xd4: {  	v17 =	vshll.u32 v3, $0x1  }
0xd5: {  	v3 =	vand.u32 $0x7, v3;
	v4 =	vand.u32 $0xFFFFFFF0, v17  }
0xd6: {  	v3 =	vor.u32 v3, v4  }
0xd7: {  	v4 =	vperm.xlane v3, v0;
	_ =	sdelay $0x1  }
0xd8: {  	v3 =	vperm.xlane v3, v2;
	v4 =	vadd.s32 v1, v4;
	_ =	sdelay $0x1  }
0xd9: {  	v3 =	vadd.s32 v1, v3;
	_ =	sdelay $0x2  }
0xda: {  	[tilespmem:s9], [sflag:$0x3] =	stream.indirect_vreg.gather [hbm4b:s2+s3], $0x80, v4, vm0, $0xb8;
	[tilespmem:$0x18400] =	vst v63  }
0xdb: {  	_ = 	snop  }
0xdc: {  	[tilespmem:s10], [sflag:$0x3] =	stream.indirect_vreg.gather [hbm4b:s2+s3], $0x80, v3, vm0, $0xb8;
	[tilespmem:$0x18400] =	vst v63  }
0xdd: {  	v3 =	vld [tilespmem:$0x120];
	_ =	sdelay $0x4  }
0xde: {  	v18 =	vshll.u32 v3, $0x1  }
0xdf: {  	v3 =	vand.u32 $0x7, v3;
	v4 =	vand.u32 $0xFFFFFFF0, v18  }
0xe0: {  	v3 =	vor.u32 v3, v4  }
0xe1: {  	v4 =	vperm.xlane v3, v0;
	_ =	sdelay $0x1  }
0xe2: {  	v3 =	vperm.xlane v3, v2;
	v4 =	vadd.s32 v1, v4;
	_ =	sdelay $0x1  }
0xe3: {  	v3 =	vadd.s32 v1, v3;
	_ =	sdelay $0x2  }
0xe4: {  	[tilespmem:s11], [sflag:$0x3] =	stream.indirect_vreg.gather [hbm4b:s2+s3], $0x80, v4, vm0, $0xb8;
	[tilespmem:$0x18400] =	vst v63  }
0xe5: {  	s1 =	simm.s32 $0x12C00  }
0xe6: {  	[tilespmem:s1], [sflag:$0x3] =	stream.indirect_vreg.gather [hbm4b:s2+s3], $0x80, v3, vm0, $0xb8;
	[tilespmem:$0x18400] =	vst v63  }
0xe7: {  	v3 =	vld [tilespmem:$0x130];
	_ =	sdelay $0x4  }
0xe8: {  	v19 =	vshll.u32 v3, $0x1  }
0xe9: {  	v3 =	vand.u32 $0x7, v3;
	v4 =	vand.u32 $0xFFFFFFF0, v19  }
0xea: {  	v3 =	vor.u32 v3, v4  }
0xeb: {  	v4 =	vperm.xlane v3, v0;
	_ =	sdelay $0x1  }
0xec: {  	v3 =	vperm.xlane v3, v2;
	v4 =	vadd.s32 v1, v4;
	_ =	sdelay $0x1  }
0xed: {  	v3 =	vadd.s32 v1, v3;
	_ =	sdelay $0x2  }
0xee: {  	[tilespmem:s5], [sflag:$0x3] =	stream.indirect_vreg.gather [hbm4b:s2+s3], $0x80, v4, vm0, $0xb8;
	[tilespmem:$0x18400] =	vst v63  }
0xef: {  	_ = 	snop  }
0xf0: {  	[tilespmem:s7], [sflag:$0x3] =	stream.indirect_vreg.gather [hbm4b:s2+s3], $0x80, v3, vm0, $0xb8;
	[tilespmem:$0x18400] =	vst v63  }
0xf1: {  	v3 =	vld [tilespmem:$0x140];
	_ =	sdelay $0x4  }
0xf2: {  	v20 =	vshll.u32 v3, $0x1  }
0xf3: {  	v3 =	vand.u32 $0x7, v3;
	v4 =	vand.u32 $0xFFFFFFF0, v20  }
0xf4: {  	v3 =	vor.u32 v3, v4  }
0xf5: {  	v4 =	vperm.xlane v3, v0;
	_ =	sdelay $0x1  }
0xf6: {  	v3 =	vperm.xlane v3, v2;
	v4 =	vadd.s32 v1, v4;
	_ =	sdelay $0x1  }
0xf7: {  	v3 =	vadd.s32 v1, v3;
	_ =	sdelay $0x2  }
0xf8: {  	[tilespmem:s8], [sflag:$0x3] =	stream.indirect_vreg.gather [hbm4b:s2+s3], $0x80, v4, vm0, $0xb8;
	[tilespmem:$0x18400] =	vst v63  }
0xf9: {  	_ = 	snop  }
0xfa: {  	[tilespmem:s19], [sflag:$0x3] =	stream.indirect_vreg.gather [hbm4b:s2+s3], $0x80, v3, vm0, $0xb8;
	[tilespmem:$0x18400] =	vst v63  }
0xfb: {  	v3 =	vld [tilespmem:$0x150];
	_ =	sdelay $0x4  }
0xfc: {  	v21 =	vshll.u32 v3, $0x1  }
0xfd: {  	v3 =	vand.u32 $0x7, v3;
	v4 =	vand.u32 $0xFFFFFFF0, v21  }
0xfe: {  	v3 =	vor.u32 v3, v4  }
0xff: {  	v4 =	vperm.xlane v3, v0;
	_ =	sdelay $0x1  }
0x100: {  	v3 =	vperm.xlane v3, v2;
	v4 =	vadd.s32 v1, v4;
	_ =	sdelay $0x1  }
0x101: {  	v3 =	vadd.s32 v1, v3;
	_ =	sdelay $0x2  }
0x102: {  	[tilespmem:s20], [sflag:$0x3] =	stream.indirect_vreg.gather [hbm4b:s2+s3], $0x80, v4, vm0, $0xb8;
	[tilespmem:$0x18400] =	vst v63  }
0x103: {  	_ = 	snop  }
0x104: {  	[tilespmem:s21], [sflag:$0x3] =	stream.indirect_vreg.gather [hbm4b:s2+s3], $0x80, v3, vm0, $0xb8;
	[tilespmem:$0x18400] =	vst v63  }
0x105: {  	v3 =	vld [tilespmem:$0x160];
	_ =	sdelay $0x4  }
0x106: {  	v22 =	vshll.u32 v3, $0x1  }
0x107: {  	v3 =	vand.u32 $0x7, v3;
	v4 =	vand.u32 $0xFFFFFFF0, v22  }
0x108: {  	v3 =	vor.u32 v3, v4  }
0x109: {  	v4 =	vperm.xlane v3, v0;
	_ =	sdelay $0x1  }
0x10a: {  	v3 =	vperm.xlane v3, v2;
	v4 =	vadd.s32 v1, v4;
	_ =	sdelay $0x1  }
0x10b: {  	v3 =	vadd.s32 v1, v3;
	_ =	sdelay $0x2  }
0x10c: {  	[tilespmem:s23], [sflag:$0x3] =	stream.indirect_vreg.gather [hbm4b:s2+s3], $0x80, v4, vm0, $0xb8;
	[tilespmem:$0x18400] =	vst v63  }
0x10d: {  	_ = 	snop  }
0x10e: {  	[tilespmem:s24], [sflag:$0x3] =	stream.indirect_vreg.gather [hbm4b:s2+s3], $0x80, v3, vm0, $0xb8;
	[tilespmem:$0x18400] =	vst v63  }
0x10f: {  	v3 =	vld [tilespmem:$0x170];
	_ =	sdelay $0x4  }
0x110: {  	v23 =	vshll.u32 v3, $0x1  }
0x111: {  	v3 =	vand.u32 $0x7, v3;
	v4 =	vand.u32 $0xFFFFFFF0, v23  }
0x112: {  	v3 =	vor.u32 v3, v4  }
0x113: {  	v4 =	vperm.xlane v3, v0;
	_ =	sdelay $0x1  }
0x114: {  	v3 =	vperm.xlane v3, v2;
	v4 =	vadd.s32 v1, v4;
	_ =	sdelay $0x1  }
0x115: {  	v3 =	vadd.s32 v1, v3;
	_ =	sdelay $0x2  }
0x116: {  	[tilespmem:s25], [sflag:$0x3] =	stream.indirect_vreg.gather [hbm4b:s2+s3], $0x80, v4, vm0, $0xb8;
	[tilespmem:$0x18400] =	vst v63  }
0x117: {  	_ = 	snop  }
0x118: {  	[tilespmem:s26], [sflag:$0x3] =	stream.indirect_vreg.gather [hbm4b:s2+s3], $0x80, v3, vm0, $0xb8;
	[tilespmem:$0x18400] =	vst v63  }
0x119: {  	_ =	swait.ge [sflag:s12], $0x8000  }
0x11a: {  	[sflag:s12] =	ssyncset.done $0x0  }
0x11b: {  	s18 =	rddreg [dreg:$0x4];
	[sflag:s12] =	ssyncadd.s32 $0xFFFF8000  }
0x11c: {  	[hbm4b:s18+s3] =	stream.linear.scatter [tilespmem:s28], [sflag:$0x4], $0x8000, $0x38;
	[tilespmem:$0x18400] =	vst v63  }
0x11d: {  	_ =	swait.ge [sflag:s13], $0x8000  }
0x11e: {  	[sflag:s13] =	ssyncset.done $0x0  }
0x11f: {  	[sflag:s13] =	ssyncadd.s32 $0xFFFF8000  }
0x120: {  	v3 =	vld [tilespmem:$0x180];
	_ =	sdelay $0x4  }
0x121: {  	v24 =	vshll.u32 v3, $0x1  }
0x122: {  	v3 =	vand.u32 $0x7, v3;
	v4 =	vand.u32 $0xFFFFFFF0, v24  }
0x123: {  	v3 =	vor.u32 v3, v4  }
0x124: {  	v4 =	vperm.xlane v3, v0;
	_ =	sdelay $0x1  }
0x125: {  	v3 =	vperm.xlane v3, v2;
	v4 =	vadd.s32 v1, v4;
	_ =	sdelay $0x1  }
0x126: {  	v3 =	vadd.s32 v1, v3;
	_ =	sdelay $0x2  }
0x127: {  	[tilespmem:s28], [sflag:$0x1] =	stream.indirect_vreg.gather [hbm4b:s2+s3], $0x80, v4, vm0, $0xb8;
	[tilespmem:$0x18400] =	vst v63  }
0x128: {  	s18 =	simm.s32 $0xC00  }
0x129: {  	[tilespmem:s18], [sflag:$0x1] =	stream.indirect_vreg.gather [hbm4b:s2+s3], $0x80, v3, vm0, $0xb8;
	[tilespmem:$0x18400] =	vst v63  }
0x12a: {  	v3 =	vld [tilespmem:$0x190];
	_ =	sdelay $0x4  }
0x12b: {  	v25 =	vshll.u32 v3, $0x1  }
0x12c: {  	v3 =	vand.u32 $0x7, v3;
	v4 =	vand.u32 $0xFFFFFFF0, v25  }
0x12d: {  	v3 =	vor.u32 v3, v4  }
0x12e: {  	v4 =	vperm.xlane v3, v0;
	_ =	sdelay $0x1  }
0x12f: {  	v3 =	vperm.xlane v3, v2;
	v4 =	vadd.s32 v1, v4;
	_ =	sdelay $0x1  }
0x130: {  	v3 =	vadd.s32 v1, v3;
	_ =	sdelay $0x1  }
0x131: {  	s18 =	simm.s32 $0x1400  }
0x132: {  	[tilespmem:s18], [sflag:$0x1] =	stream.indirect_vreg.gather [hbm4b:s2+s3], $0x80, v4, vm0, $0xb8;
	[tilespmem:$0x18400] =	vst v63  }
0x133: {  	s18 =	simm.s32 $0x1C00  }
0x134: {  	[tilespmem:s18], [sflag:$0x1] =	stream.indirect_vreg.gather [hbm4b:s2+s3], $0x80, v3, vm0, $0xb8;
	[tilespmem:$0x18400] =	vst v63  }
0x135: {  	v3 =	vld [tilespmem:$0x1A0];
	_ =	sdelay $0x4  }
0x136: {  	v26 =	vshll.u32 v3, $0x1  }
0x137: {  	v3 =	vand.u32 $0x7, v3;
	v4 =	vand.u32 $0xFFFFFFF0, v26  }
0x138: {  	v3 =	vor.u32 v3, v4  }
0x139: {  	v4 =	vperm.xlane v3, v0;
	_ =	sdelay $0x1  }
0x13a: {  	v3 =	vperm.xlane v3, v2;
	v4 =	vadd.s32 v1, v4;
	_ =	sdelay $0x1  }
0x13b: {  	v3 =	vadd.s32 v1, v3;
	_ =	sdelay $0x1  }
0x13c: {  	s18 =	simm.s32 $0x2400  }
0x13d: {  	[tilespmem:s18], [sflag:$0x1] =	stream.indirect_vreg.gather [hbm4b:s2+s3], $0x80, v4, vm0, $0xb8;
	[tilespmem:$0x18400] =	vst v63  }
0x13e: {  	s18 =	simm.s32 $0x2C00  }
0x13f: {  	[tilespmem:s18], [sflag:$0x1] =	stream.indirect_vreg.gather [hbm4b:s2+s3], $0x80, v3, vm0, $0xb8;
	[tilespmem:$0x18400] =	vst v63  }
0x140: {  	v3 =	vld [tilespmem:$0x1B0];
	_ =	sdelay $0x4  }
0x141: {  	v27 =	vshll.u32 v3, $0x1  }
0x142: {  	v3 =	vand.u32 $0x7, v3;
	v4 =	vand.u32 $0xFFFFFFF0, v27  }
0x143: {  	v3 =	vor.u32 v3, v4  }
0x144: {  	v4 =	vperm.xlane v3, v0;
	_ =	sdelay $0x1  }
0x145: {  	v3 =	vperm.xlane v3, v2;
	v4 =	vadd.s32 v1, v4;
	_ =	sdelay $0x1  }
0x146: {  	v3 =	vadd.s32 v1, v3;
	_ =	sdelay $0x1  }
0x147: {  	s18 =	simm.s32 $0x3400  }
0x148: {  	[tilespmem:s18], [sflag:$0x1] =	stream.indirect_vreg.gather [hbm4b:s2+s3], $0x80, v4, vm0, $0xb8;
	[tilespmem:$0x18400] =	vst v63  }
0x149: {  	s18 =	simm.s32 $0x3C00  }
0x14a: {  	[tilespmem:s18], [sflag:$0x1] =	stream.indirect_vreg.gather [hbm4b:s2+s3], $0x80, v3, vm0, $0xb8;
	[tilespmem:$0x18400] =	vst v63  }
0x14b: {  	v3 =	vld [tilespmem:$0x1C0];
	_ =	sdelay $0x4  }
0x14c: {  	v28 =	vshll.u32 v3, $0x1  }
0x14d: {  	v3 =	vand.u32 $0x7, v3;
	v4 =	vand.u32 $0xFFFFFFF0, v28  }
0x14e: {  	v3 =	vor.u32 v3, v4  }
0x14f: {  	v4 =	vperm.xlane v3, v0;
	_ =	sdelay $0x1  }
0x150: {  	v3 =	vperm.xlane v3, v2;
	v4 =	vadd.s32 v1, v4;
	_ =	sdelay $0x1  }
0x151: {  	v3 =	vadd.s32 v1, v3;
	_ =	sdelay $0x1  }
0x152: {  	s18 =	simm.s32 $0x4400  }
0x153: {  	[tilespmem:s18], [sflag:$0x1] =	stream.indirect_vreg.gather [hbm4b:s2+s3], $0x80, v4, vm0, $0xb8;
	[tilespmem:$0x18400] =	vst v63  }
0x154: {  	_ = 	snop  }
0x155: {  	[tilespmem:s29], [sflag:$0x1] =	stream.indirect_vreg.gather [hbm4b:s2+s3], $0x80, v3, vm0, $0xb8;
	[tilespmem:$0x18400] =	vst v63  }
0x156: {  	v3 =	vld [tilespmem:$0x1D0];
	_ =	sdelay $0x4  }
0x157: {  	v29 =	vshll.u32 v3, $0x1  }
0x158: {  	v3 =	vand.u32 $0x7, v3;
	v4 =	vand.u32 $0xFFFFFFF0, v29  }
0x159: {  	v3 =	vor.u32 v3, v4  }
0x15a: {  	v4 =	vperm.xlane v3, v0;
	_ =	sdelay $0x1  }
0x15b: {  	v3 =	vperm.xlane v3, v2;
	v4 =	vadd.s32 v1, v4;
	_ =	sdelay $0x1  }
0x15c: {  	v3 =	vadd.s32 v1, v3;
	_ =	sdelay $0x2  }
0x15d: {  	[tilespmem:s30], [sflag:$0x1] =	stream.indirect_vreg.gather [hbm4b:s2+s3], $0x80, v4, vm0, $0xb8;
	[tilespmem:$0x18400] =	vst v63  }
0x15e: {  	_ = 	snop  }
0x15f: {  	[tilespmem:s31], [sflag:$0x1] =	stream.indirect_vreg.gather [hbm4b:s2+s3], $0x80, v3, vm0, $0xb8;
	[tilespmem:$0x18400] =	vst v63  }
0x160: {  	v3 =	vld [tilespmem:$0x1E0];
	_ =	sdelay $0x4  }
0x161: {  	v30 =	vshll.u32 v3, $0x1  }
0x162: {  	v3 =	vand.u32 $0x7, v3;
	v4 =	vand.u32 $0xFFFFFFF0, v30  }
0x163: {  	v3 =	vor.u32 v3, v4  }
0x164: {  	v4 =	vperm.xlane v3, v0;
	_ =	sdelay $0x1  }
0x165: {  	v3 =	vperm.xlane v3, v2;
	v4 =	vadd.s32 v1, v4;
	_ =	sdelay $0x1  }
0x166: {  	v3 =	vadd.s32 v1, v3;
	_ =	sdelay $0x1  }
0x167: {  	s18 =	simm.s32 $0x6400  }
0x168: {  	[tilespmem:s18], [sflag:$0x1] =	stream.indirect_vreg.gather [hbm4b:s2+s3], $0x80, v4, vm0, $0xb8;
	[tilespmem:$0x18400] =	vst v63  }
0x169: {  	s18 =	simm.s32 $0x6C00  }
0x16a: {  	[tilespmem:s18], [sflag:$0x1] =	stream.indirect_vreg.gather [hbm4b:s2+s3], $0x80, v3, vm0, $0xb8;
	[tilespmem:$0x18400] =	vst v63  }
0x16b: {  	v3 =	vld [tilespmem:$0x1F0];
	_ =	sdelay $0x4  }
0x16c: {  	v31 =	vshll.u32 v3, $0x1  }
0x16d: {  	v3 =	vand.u32 $0x7, v3;
	v4 =	vand.u32 $0xFFFFFFF0, v31  }
0x16e: {  	v3 =	vor.u32 v3, v4  }
0x16f: {  	v4 =	vperm.xlane v3, v0;
	_ =	sdelay $0x1  }
0x170: {  	v3 =	vperm.xlane v3, v2;
	v4 =	vadd.s32 v1, v4;
	_ =	sdelay $0x1  }
0x171: {  	v3 =	vadd.s32 v1, v3;
	_ =	sdelay $0x1  }
0x172: {  	s18 =	simm.s32 $0x7400  }
0x173: {  	[tilespmem:s18], [sflag:$0x1] =	stream.indirect_vreg.gather [hbm4b:s2+s3], $0x80, v4, vm0, $0xb8;
	[tilespmem:$0x18400] =	vst v63  }
0x174: {  	s18 =	simm.s32 $0x7C00  }
0x175: {  	[tilespmem:s18], [sflag:$0x1] =	stream.indirect_vreg.gather [hbm4b:s2+s3], $0x80, v3, vm0, $0xb8;
	[tilespmem:$0x18400] =	vst v63  }
0x176: {  	_ =	swait.ge [sflag:s14], $0x8000  }
0x177: {  	[sflag:s14] =	ssyncset.done $0x0  }
0x178: {  	s18 =	rddreg [dreg:$0x5];
	[sflag:s14] =	ssyncadd.s32 $0xFFFF8000  }
0x179: {  	[hbm4b:s18+s3] =	stream.linear.scatter [tilespmem:s22], [sflag:$0x5], $0x8000, $0x38;
	[tilespmem:$0x18400] =	vst v63  }
0x17a: {  	_ =	swait.ge [sflag:s15], $0x8000  }
0x17b: {  	[sflag:s15] =	ssyncset.done $0x0  }
0x17c: {  	[sflag:s15] =	ssyncadd.s32 $0xFFFF8000  }
0x17d: {  	v3 =	vld [tilespmem:$0x200];
	_ =	sdelay $0x4  }
0x17e: {  	v32 =	vshll.u32 v3, $0x1  }
0x17f: {  	v3 =	vand.u32 $0x7, v3;
	v4 =	vand.u32 $0xFFFFFFF0, v32  }
0x180: {  	v3 =	vor.u32 v3, v4  }
0x181: {  	v4 =	vperm.xlane v3, v0;
	_ =	sdelay $0x1  }
0x182: {  	v3 =	vperm.xlane v3, v2;
	v4 =	vadd.s32 v1, v4;
	_ =	sdelay $0x1  }
0x183: {  	v3 =	vadd.s32 v1, v3;
	_ =	sdelay $0x2  }
0x184: {  	[tilespmem:s22], [sflag:$0x2] =	stream.indirect_vreg.gather [hbm4b:s2+s3], $0x80, v4, vm0, $0xb8;
	[tilespmem:$0x18400] =	vst v63  }
0x185: {  	s18 =	simm.s32 $0x8C00  }
0x186: {  	[tilespmem:s18], [sflag:$0x2] =	stream.indirect_vreg.gather [hbm4b:s2+s3], $0x80, v3, vm0, $0xb8;
	[tilespmem:$0x18400] =	vst v63  }
0x187: {  	v3 =	vld [tilespmem:$0x210];
	_ =	sdelay $0x4  }
0x188: {  	v33 =	vshll.u32 v3, $0x1  }
0x189: {  	v3 =	vand.u32 $0x7, v3;
	v4 =	vand.u32 $0xFFFFFFF0, v33  }
0x18a: {  	v3 =	vor.u32 v3, v4  }
0x18b: {  	v4 =	vperm.xlane v3, v0;
	_ =	sdelay $0x1  }
0x18c: {  	v3 =	vperm.xlane v3, v2;
	v4 =	vadd.s32 v1, v4;
	_ =	sdelay $0x1  }
0x18d: {  	v3 =	vadd.s32 v1, v3;
	_ =	sdelay $0x1  }
0x18e: {  	s18 =	simm.s32 $0x9400  }
0x18f: {  	[tilespmem:s18], [sflag:$0x2] =	stream.indirect_vreg.gather [hbm4b:s2+s3], $0x80, v4, vm0, $0xb8;
	[tilespmem:$0x18400] =	vst v63  }
0x190: {  	s18 =	simm.s32 $0x9C00  }
0x191: {  	[tilespmem:s18], [sflag:$0x2] =	stream.indirect_vreg.gather [hbm4b:s2+s3], $0x80, v3, vm0, $0xb8;
	[tilespmem:$0x18400] =	vst v63  }
0x192: {  	v3 =	vld [tilespmem:$0x220];
	_ =	sdelay $0x4  }
0x193: {  	v34 =	vshll.u32 v3, $0x1  }
0x194: {  	v3 =	vand.u32 $0x7, v3;
	v4 =	vand.u32 $0xFFFFFFF0, v34  }
0x195: {  	v3 =	vor.u32 v3, v4  }
0x196: {  	v4 =	vperm.xlane v3, v0;
	_ =	sdelay $0x1  }
0x197: {  	v3 =	vperm.xlane v3, v2;
	v4 =	vadd.s32 v1, v4;
	_ =	sdelay $0x1  }
0x198: {  	v3 =	vadd.s32 v1, v3;
	_ =	sdelay $0x1  }
0x199: {  	s18 =	simm.s32 $0xA400  }
0x19a: {  	[tilespmem:s18], [sflag:$0x2] =	stream.indirect_vreg.gather [hbm4b:s2+s3], $0x80, v4, vm0, $0xb8;
	[tilespmem:$0x18400] =	vst v63  }
0x19b: {  	s18 =	simm.s32 $0xAC00  }
0x19c: {  	[tilespmem:s18], [sflag:$0x2] =	stream.indirect_vreg.gather [hbm4b:s2+s3], $0x80, v3, vm0, $0xb8;
	[tilespmem:$0x18400] =	vst v63  }
0x19d: {  	v3 =	vld [tilespmem:$0x230];
	_ =	sdelay $0x4  }
0x19e: {  	v35 =	vshll.u32 v3, $0x1  }
0x19f: {  	v3 =	vand.u32 $0x7, v3;
	v4 =	vand.u32 $0xFFFFFFF0, v35  }
0x1a0: {  	v3 =	vor.u32 v3, v4  }
0x1a1: {  	v4 =	vperm.xlane v3, v0;
	_ =	sdelay $0x1  }
0x1a2: {  	v3 =	vperm.xlane v3, v2;
	v4 =	vadd.s32 v1, v4;
	_ =	sdelay $0x1  }
0x1a3: {  	v3 =	vadd.s32 v1, v3;
	_ =	sdelay $0x1  }
0x1a4: {  	s18 =	simm.s32 $0xB400  }
0x1a5: {  	[tilespmem:s18], [sflag:$0x2] =	stream.indirect_vreg.gather [hbm4b:s2+s3], $0x80, v4, vm0, $0xb8;
	[tilespmem:$0x18400] =	vst v63  }
0x1a6: {  	s18 =	simm.s32 $0xBC00  }
0x1a7: {  	[tilespmem:s18], [sflag:$0x2] =	stream.indirect_vreg.gather [hbm4b:s2+s3], $0x80, v3, vm0, $0xb8;
	[tilespmem:$0x18400] =	vst v63  }
0x1a8: {  	v3 =	vld [tilespmem:$0x240];
	_ =	sdelay $0x4  }
0x1a9: {  	v36 =	vshll.u32 v3, $0x1  }
0x1aa: {  	v3 =	vand.u32 $0x7, v3;
	v4 =	vand.u32 $0xFFFFFFF0, v36  }
0x1ab: {  	v3 =	vor.u32 v3, v4  }
0x1ac: {  	v4 =	vperm.xlane v3, v0;
	_ =	sdelay $0x1  }
0x1ad: {  	v3 =	vperm.xlane v3, v2;
	v4 =	vadd.s32 v1, v4;
	_ =	sdelay $0x1  }
0x1ae: {  	v3 =	vadd.s32 v1, v3;
	_ =	sdelay $0x1  }
0x1af: {  	s18 =	simm.s32 $0xC400  }
0x1b0: {  	[tilespmem:s18], [sflag:$0x2] =	stream.indirect_vreg.gather [hbm4b:s2+s3], $0x80, v4, vm0, $0xb8;
	[tilespmem:$0x18400] =	vst v63  }
0x1b1: {  	s18 =	simm.s32 $0xCC00  }
0x1b2: {  	[tilespmem:s18], [sflag:$0x2] =	stream.indirect_vreg.gather [hbm4b:s2+s3], $0x80, v3, vm0, $0xb8;
	[tilespmem:$0x18400] =	vst v63  }
0x1b3: {  	v3 =	vld [tilespmem:$0x250];
	_ =	sdelay $0x4  }
0x1b4: {  	v37 =	vshll.u32 v3, $0x1  }
0x1b5: {  	v3 =	vand.u32 $0x7, v3;
	v4 =	vand.u32 $0xFFFFFFF0, v37  }
0x1b6: {  	v3 =	vor.u32 v3, v4  }
0x1b7: {  	v4 =	vperm.xlane v3, v0;
	_ =	sdelay $0x1  }
0x1b8: {  	v3 =	vperm.xlane v3, v2;
	v4 =	vadd.s32 v1, v4;
	_ =	sdelay $0x1  }
0x1b9: {  	v3 =	vadd.s32 v1, v3;
	_ =	sdelay $0x1  }
0x1ba: {  	s18 =	simm.s32 $0xD400  }
0x1bb: {  	[tilespmem:s18], [sflag:$0x2] =	stream.indirect_vreg.gather [hbm4b:s2+s3], $0x80, v4, vm0, $0xb8;
	[tilespmem:$0x18400] =	vst v63  }
0x1bc: {  	s18 =	simm.s32 $0xDC00  }
0x1bd: {  	[tilespmem:s18], [sflag:$0x2] =	stream.indirect_vreg.gather [hbm4b:s2+s3], $0x80, v3, vm0, $0xb8;
	[tilespmem:$0x18400] =	vst v63  }
0x1be: {  	v3 =	vld [tilespmem:$0x260];
	_ =	sdelay $0x4  }
0x1bf: {  	v38 =	vshll.u32 v3, $0x1  }
0x1c0: {  	v3 =	vand.u32 $0x7, v3;
	v4 =	vand.u32 $0xFFFFFFF0, v38  }
0x1c1: {  	v3 =	vor.u32 v3, v4  }
0x1c2: {  	v4 =	vperm.xlane v3, v0;
	_ =	sdelay $0x1  }
0x1c3: {  	v3 =	vperm.xlane v3, v2;
	v4 =	vadd.s32 v1, v4;
	_ =	sdelay $0x1  }
0x1c4: {  	v3 =	vadd.s32 v1, v3;
	_ =	sdelay $0x1  }
0x1c5: {  	s18 =	simm.s32 $0xE400  }
0x1c6: {  	[tilespmem:s18], [sflag:$0x2] =	stream.indirect_vreg.gather [hbm4b:s2+s3], $0x80, v4, vm0, $0xb8;
	[tilespmem:$0x18400] =	vst v63  }
0x1c7: {  	s18 =	simm.s32 $0xEC00  }
0x1c8: {  	[tilespmem:s18], [sflag:$0x2] =	stream.indirect_vreg.gather [hbm4b:s2+s3], $0x80, v3, vm0, $0xb8;
	[tilespmem:$0x18400] =	vst v63  }
0x1c9: {  	v3 =	vld [tilespmem:$0x270];
	_ =	sdelay $0x4  }
0x1ca: {  	v39 =	vshll.u32 v3, $0x1  }
0x1cb: {  	v3 =	vand.u32 $0x7, v3;
	v4 =	vand.u32 $0xFFFFFFF0, v39  }
0x1cc: {  	v3 =	vor.u32 v3, v4  }
0x1cd: {  	v4 =	vperm.xlane v3, v0;
	_ =	sdelay $0x1  }
0x1ce: {  	v3 =	vperm.xlane v3, v2;
	v4 =	vadd.s32 v1, v4;
	_ =	sdelay $0x1  }
0x1cf: {  	v3 =	vadd.s32 v1, v3;
	_ =	sdelay $0x1  }
0x1d0: {  	s18 =	simm.s32 $0xF400  }
0x1d1: {  	[tilespmem:s18], [sflag:$0x2] =	stream.indirect_vreg.gather [hbm4b:s2+s3], $0x80, v4, vm0, $0xb8;
	[tilespmem:$0x18400] =	vst v63  }
0x1d2: {  	s18 =	simm.s32 $0xFC00  }
0x1d3: {  	[tilespmem:s18], [sflag:$0x2] =	stream.indirect_vreg.gather [hbm4b:s2+s3], $0x80, v3, vm0, $0xb8;
	[tilespmem:$0x18400] =	vst v63  }
0x1d4: {  	_ =	swait.ge [sflag:s16], $0x8000  }
0x1d5: {  	[sflag:s16] =	ssyncset.done $0x0  }
0x1d6: {  	s18 =	rddreg [dreg:$0x6];
	[sflag:s16] =	ssyncadd.s32 $0xFFFF8000  }
0x1d7: {  	[hbm4b:s18+s3] =	stream.linear.scatter [tilespmem:s0], [sflag:$0x6], $0x8000, $0x38;
	[tilespmem:$0x18400] =	vst v63  }
0x1d8: {  	_ =	swait.ge [sflag:s17], $0x8000  }
0x1d9: {  	[sflag:s17] =	ssyncset.done $0x0  }
0x1da: {  	[sflag:s17] =	ssyncadd.s32 $0xFFFF8000  }
0x1db: {  	v3 =	vld [tilespmem:$0x280];
	_ =	sdelay $0x4  }
0x1dc: {  	v40 =	vshll.u32 v3, $0x1  }
0x1dd: {  	v3 =	vand.u32 $0x7, v3;
	v4 =	vand.u32 $0xFFFFFFF0, v40  }
0x1de: {  	v3 =	vor.u32 v3, v4  }
0x1df: {  	v4 =	vperm.xlane v3, v0;
	_ =	sdelay $0x1  }
0x1e0: {  	v3 =	vperm.xlane v3, v2;
	v4 =	vadd.s32 v1, v4;
	_ =	sdelay $0x1  }
0x1e1: {  	v3 =	vadd.s32 v1, v3;
	_ =	sdelay $0x2  }
0x1e2: {  	[tilespmem:s0], [sflag:$0x3] =	stream.indirect_vreg.gather [hbm4b:s2+s3], $0x80, v4, vm0, $0xb8;
	[tilespmem:$0x18400] =	vst v63  }
0x1e3: {  	_ = 	snop  }
0x1e4: {  	[tilespmem:s6], [sflag:$0x3] =	stream.indirect_vreg.gather [hbm4b:s2+s3], $0x80, v3, vm0, $0xb8;
	[tilespmem:$0x18400] =	vst v63  }
0x1e5: {  	v3 =	vld [tilespmem:$0x290];
	_ =	sdelay $0x4  }
0x1e6: {  	v41 =	vshll.u32 v3, $0x1  }
0x1e7: {  	v3 =	vand.u32 $0x7, v3;
	v4 =	vand.u32 $0xFFFFFFF0, v41  }
0x1e8: {  	v3 =	vor.u32 v3, v4  }
0x1e9: {  	v4 =	vperm.xlane v3, v0;
	_ =	sdelay $0x1  }
0x1ea: {  	v3 =	vperm.xlane v3, v2;
	v4 =	vadd.s32 v1, v4;
	_ =	sdelay $0x1  }
0x1eb: {  	v3 =	vadd.s32 v1, v3;
	_ =	sdelay $0x2  }
0x1ec: {  	[tilespmem:s9], [sflag:$0x3] =	stream.indirect_vreg.gather [hbm4b:s2+s3], $0x80, v4, vm0, $0xb8;
	[tilespmem:$0x18400] =	vst v63  }
0x1ed: {  	_ = 	snop  }
0x1ee: {  	[tilespmem:s10], [sflag:$0x3] =	stream.indirect_vreg.gather [hbm4b:s2+s3], $0x80, v3, vm0, $0xb8;
	[tilespmem:$0x18400] =	vst v63  }
0x1ef: {  	v3 =	vld [tilespmem:$0x2A0];
	_ =	sdelay $0x4  }
0x1f0: {  	v42 =	vshll.u32 v3, $0x1  }
0x1f1: {  	v3 =	vand.u32 $0x7, v3;
	v4 =	vand.u32 $0xFFFFFFF0, v42  }
0x1f2: {  	v3 =	vor.u32 v3, v4  }
0x1f3: {  	v4 =	vperm.xlane v3, v0;
	_ =	sdelay $0x1  }
0x1f4: {  	v3 =	vperm.xlane v3, v2;
	v4 =	vadd.s32 v1, v4;
	_ =	sdelay $0x1  }
0x1f5: {  	v3 =	vadd.s32 v1, v3;
	_ =	sdelay $0x2  }
0x1f6: {  	[tilespmem:s11], [sflag:$0x3] =	stream.indirect_vreg.gather [hbm4b:s2+s3], $0x80, v4, vm0, $0xb8;
	[tilespmem:$0x18400] =	vst v63  }
0x1f7: {  	_ = 	snop  }
0x1f8: {  	[tilespmem:s1], [sflag:$0x3] =	stream.indirect_vreg.gather [hbm4b:s2+s3], $0x80, v3, vm0, $0xb8;
	[tilespmem:$0x18400] =	vst v63  }
0x1f9: {  	v3 =	vld [tilespmem:$0x2B0];
	_ =	sdelay $0x4  }
0x1fa: {  	v43 =	vshll.u32 v3, $0x1  }
0x1fb: {  	v3 =	vand.u32 $0x7, v3;
	v4 =	vand.u32 $0xFFFFFFF0, v43  }
0x1fc: {  	v3 =	vor.u32 v3, v4  }
0x1fd: {  	v4 =	vperm.xlane v3, v0;
	_ =	sdelay $0x1  }
0x1fe: {  	v3 =	vperm.xlane v3, v2;
	v4 =	vadd.s32 v1, v4;
	_ =	sdelay $0x1  }
0x1ff: {  	v3 =	vadd.s32 v1, v3;
	_ =	sdelay $0x2  }
0x200: {  	[tilespmem:s5], [sflag:$0x3] =	stream.indirect_vreg.gather [hbm4b:s2+s3], $0x80, v4, vm0, $0xb8;
	[tilespmem:$0x18400] =	vst v63  }
0x201: {  	_ = 	snop  }
0x202: {  	[tilespmem:s7], [sflag:$0x3] =	stream.indirect_vreg.gather [hbm4b:s2+s3], $0x80, v3, vm0, $0xb8;
	[tilespmem:$0x18400] =	vst v63  }
0x203: {  	v3 =	vld [tilespmem:$0x2C0];
	_ =	sdelay $0x4  }
0x204: {  	v44 =	vshll.u32 v3, $0x1  }
0x205: {  	v3 =	vand.u32 $0x7, v3;
	v4 =	vand.u32 $0xFFFFFFF0, v44  }
0x206: {  	v3 =	vor.u32 v3, v4  }
0x207: {  	v4 =	vperm.xlane v3, v0;
	_ =	sdelay $0x1  }
0x208: {  	v3 =	vperm.xlane v3, v2;
	v4 =	vadd.s32 v1, v4;
	_ =	sdelay $0x1  }
0x209: {  	v3 =	vadd.s32 v1, v3;
	_ =	sdelay $0x2  }
0x20a: {  	[tilespmem:s8], [sflag:$0x3] =	stream.indirect_vreg.gather [hbm4b:s2+s3], $0x80, v4, vm0, $0xb8;
	[tilespmem:$0x18400] =	vst v63  }
0x20b: {  	_ = 	snop  }
0x20c: {  	[tilespmem:s19], [sflag:$0x3] =	stream.indirect_vreg.gather [hbm4b:s2+s3], $0x80, v3, vm0, $0xb8;
	[tilespmem:$0x18400] =	vst v63  }
0x20d: {  	v3 =	vld [tilespmem:$0x2D0];
	_ =	sdelay $0x4  }
0x20e: {  	v45 =	vshll.u32 v3, $0x1  }
0x20f: {  	v3 =	vand.u32 $0x7, v3;
	v4 =	vand.u32 $0xFFFFFFF0, v45  }
0x210: {  	v3 =	vor.u32 v3, v4  }
0x211: {  	v4 =	vperm.xlane v3, v0;
	_ =	sdelay $0x1  }
0x212: {  	v3 =	vperm.xlane v3, v2;
	v4 =	vadd.s32 v1, v4;
	_ =	sdelay $0x1  }
0x213: {  	v3 =	vadd.s32 v1, v3;
	_ =	sdelay $0x2  }
0x214: {  	[tilespmem:s20], [sflag:$0x3] =	stream.indirect_vreg.gather [hbm4b:s2+s3], $0x80, v4, vm0, $0xb8;
	[tilespmem:$0x18400] =	vst v63  }
0x215: {  	_ = 	snop  }
0x216: {  	[tilespmem:s21], [sflag:$0x3] =	stream.indirect_vreg.gather [hbm4b:s2+s3], $0x80, v3, vm0, $0xb8;
	[tilespmem:$0x18400] =	vst v63  }
0x217: {  	v3 =	vld [tilespmem:$0x2E0];
	_ =	sdelay $0x4  }
0x218: {  	v46 =	vshll.u32 v3, $0x1  }
0x219: {  	v3 =	vand.u32 $0x7, v3;
	v4 =	vand.u32 $0xFFFFFFF0, v46  }
0x21a: {  	v3 =	vor.u32 v3, v4  }
0x21b: {  	v4 =	vperm.xlane v3, v0;
	_ =	sdelay $0x1  }
0x21c: {  	v3 =	vperm.xlane v3, v2;
	v4 =	vadd.s32 v1, v4;
	_ =	sdelay $0x1  }
0x21d: {  	v3 =	vadd.s32 v1, v3;
	_ =	sdelay $0x2  }
0x21e: {  	[tilespmem:s23], [sflag:$0x3] =	stream.indirect_vreg.gather [hbm4b:s2+s3], $0x80, v4, vm0, $0xb8;
	[tilespmem:$0x18400] =	vst v63  }
0x21f: {  	_ = 	snop  }
0x220: {  	[tilespmem:s24], [sflag:$0x3] =	stream.indirect_vreg.gather [hbm4b:s2+s3], $0x80, v3, vm0, $0xb8;
	[tilespmem:$0x18400] =	vst v63  }
0x221: {  	v3 =	vld [tilespmem:$0x2F0];
	_ =	sdelay $0x4  }
0x222: {  	v47 =	vshll.u32 v3, $0x1  }
0x223: {  	v3 =	vand.u32 $0x7, v3;
	v4 =	vand.u32 $0xFFFFFFF0, v47  }
0x224: {  	v3 =	vor.u32 v3, v4  }
0x225: {  	v4 =	vperm.xlane v3, v0;
	_ =	sdelay $0x1  }
0x226: {  	v3 =	vperm.xlane v3, v2;
	v4 =	vadd.s32 v1, v4;
	_ =	sdelay $0x1  }
0x227: {  	v3 =	vadd.s32 v1, v3;
	_ =	sdelay $0x2  }
0x228: {  	[tilespmem:s25], [sflag:$0x3] =	stream.indirect_vreg.gather [hbm4b:s2+s3], $0x80, v4, vm0, $0xb8;
	[tilespmem:$0x18400] =	vst v63  }
0x229: {  	_ = 	snop  }
0x22a: {  	[tilespmem:s26], [sflag:$0x3] =	stream.indirect_vreg.gather [hbm4b:s2+s3], $0x80, v3, vm0, $0xb8;
	[tilespmem:$0x18400] =	vst v63  }
0x22b: {  	_ =	swait.ge [sflag:s12], $0x8000  }
0x22c: {  	[sflag:s12] =	ssyncset.done $0x0  }
0x22d: {  	s1 =	rddreg [dreg:$0x7];
	[sflag:s12] =	ssyncadd.s32 $0xFFFF8000  }
0x22e: {  	[hbm4b:s1+s3] =	stream.linear.scatter [tilespmem:s28], [sflag:$0x4], $0x8000, $0x38;
	[tilespmem:$0x18400] =	vst v63  }
0x22f: {  	_ =	swait.ge [sflag:s13], $0x8000  }
0x230: {  	[sflag:s13] =	ssyncset.done $0x0  }
0x231: {  	[sflag:s13] =	ssyncadd.s32 $0xFFFF8000  }
0x232: {  	v3 =	vld [tilespmem:$0x300];
	_ =	sdelay $0x4  }
0x233: {  	v48 =	vshll.u32 v3, $0x1  }
0x234: {  	v3 =	vand.u32 $0x7, v3;
	v4 =	vand.u32 $0xFFFFFFF0, v48  }
0x235: {  	v3 =	vor.u32 v3, v4  }
0x236: {  	v4 =	vperm.xlane v3, v0;
	_ =	sdelay $0x1  }
0x237: {  	v3 =	vperm.xlane v3, v2;
	v4 =	vadd.s32 v1, v4;
	_ =	sdelay $0x1  }
0x238: {  	v3 =	vadd.s32 v1, v3;
	_ =	sdelay $0x2  }
0x239: {  	[tilespmem:s28], [sflag:$0x1] =	stream.indirect_vreg.gather [hbm4b:s2+s3], $0x80, v4, vm0, $0xb8;
	[tilespmem:$0x18400] =	vst v63  }
0x23a: {  	s18 =	simm.s32 $0xC00  }
0x23b: {  	[tilespmem:s18], [sflag:$0x1] =	stream.indirect_vreg.gather [hbm4b:s2+s3], $0x80, v3, vm0, $0xb8;
	[tilespmem:$0x18400] =	vst v63  }
0x23c: {  	v3 =	vld [tilespmem:$0x310];
	_ =	sdelay $0x4  }
0x23d: {  	v49 =	vshll.u32 v3, $0x1  }
0x23e: {  	v3 =	vand.u32 $0x7, v3;
	v4 =	vand.u32 $0xFFFFFFF0, v49  }
0x23f: {  	v3 =	vor.u32 v3, v4  }
0x240: {  	v4 =	vperm.xlane v3, v0;
	_ =	sdelay $0x1  }
0x241: {  	v3 =	vperm.xlane v3, v2;
	v4 =	vadd.s32 v1, v4;
	_ =	sdelay $0x1  }
0x242: {  	v3 =	vadd.s32 v1, v3;
	_ =	sdelay $0x1  }
0x243: {  	s18 =	simm.s32 $0x1400  }
0x244: {  	[tilespmem:s18], [sflag:$0x1] =	stream.indirect_vreg.gather [hbm4b:s2+s3], $0x80, v4, vm0, $0xb8;
	[tilespmem:$0x18400] =	vst v63  }
0x245: {  	s18 =	simm.s32 $0x1C00  }
0x246: {  	[tilespmem:s18], [sflag:$0x1] =	stream.indirect_vreg.gather [hbm4b:s2+s3], $0x80, v3, vm0, $0xb8;
	[tilespmem:$0x18400] =	vst v63  }
0x247: {  	v3 =	vld [tilespmem:$0x320];
	_ =	sdelay $0x4  }
0x248: {  	v50 =	vshll.u32 v3, $0x1  }
0x249: {  	v3 =	vand.u32 $0x7, v3;
	v4 =	vand.u32 $0xFFFFFFF0, v50  }
0x24a: {  	v3 =	vor.u32 v3, v4  }
0x24b: {  	v4 =	vperm.xlane v3, v0;
	_ =	sdelay $0x1  }
0x24c: {  	v3 =	vperm.xlane v3, v2;
	v4 =	vadd.s32 v1, v4;
	_ =	sdelay $0x1  }
0x24d: {  	v3 =	vadd.s32 v1, v3;
	_ =	sdelay $0x1  }
0x24e: {  	s18 =	simm.s32 $0x2400  }
0x24f: {  	[tilespmem:s18], [sflag:$0x1] =	stream.indirect_vreg.gather [hbm4b:s2+s3], $0x80, v4, vm0, $0xb8;
	[tilespmem:$0x18400] =	vst v63  }
0x250: {  	s18 =	simm.s32 $0x2C00  }
0x251: {  	[tilespmem:s18], [sflag:$0x1] =	stream.indirect_vreg.gather [hbm4b:s2+s3], $0x80, v3, vm0, $0xb8;
	[tilespmem:$0x18400] =	vst v63  }
0x252: {  	v3 =	vld [tilespmem:$0x330];
	_ =	sdelay $0x4  }
0x253: {  	v51 =	vshll.u32 v3, $0x1  }
0x254: {  	v3 =	vand.u32 $0x7, v3;
	v4 =	vand.u32 $0xFFFFFFF0, v51  }
0x255: {  	v3 =	vor.u32 v3, v4  }
0x256: {  	v4 =	vperm.xlane v3, v0;
	_ =	sdelay $0x1  }
0x257: {  	v3 =	vperm.xlane v3, v2;
	v4 =	vadd.s32 v1, v4;
	_ =	sdelay $0x1  }
0x258: {  	v3 =	vadd.s32 v1, v3;
	_ =	sdelay $0x1  }
0x259: {  	s18 =	simm.s32 $0x3400  }
0x25a: {  	[tilespmem:s18], [sflag:$0x1] =	stream.indirect_vreg.gather [hbm4b:s2+s3], $0x80, v4, vm0, $0xb8;
	[tilespmem:$0x18400] =	vst v63  }
0x25b: {  	s18 =	simm.s32 $0x3C00  }
0x25c: {  	[tilespmem:s18], [sflag:$0x1] =	stream.indirect_vreg.gather [hbm4b:s2+s3], $0x80, v3, vm0, $0xb8;
	[tilespmem:$0x18400] =	vst v63  }
0x25d: {  	v3 =	vld [tilespmem:$0x340];
	_ =	sdelay $0x4  }
0x25e: {  	v52 =	vshll.u32 v3, $0x1  }
0x25f: {  	v3 =	vand.u32 $0x7, v3;
	v4 =	vand.u32 $0xFFFFFFF0, v52  }
0x260: {  	v3 =	vor.u32 v3, v4  }
0x261: {  	v4 =	vperm.xlane v3, v0;
	_ =	sdelay $0x1  }
0x262: {  	v3 =	vperm.xlane v3, v2;
	v4 =	vadd.s32 v1, v4;
	_ =	sdelay $0x1  }
0x263: {  	v3 =	vadd.s32 v1, v3;
	_ =	sdelay $0x1  }
0x264: {  	s18 =	simm.s32 $0x4400  }
0x265: {  	[tilespmem:s18], [sflag:$0x1] =	stream.indirect_vreg.gather [hbm4b:s2+s3], $0x80, v4, vm0, $0xb8;
	[tilespmem:$0x18400] =	vst v63  }
0x266: {  	_ = 	snop  }
0x267: {  	[tilespmem:s29], [sflag:$0x1] =	stream.indirect_vreg.gather [hbm4b:s2+s3], $0x80, v3, vm0, $0xb8;
	[tilespmem:$0x18400] =	vst v63  }
0x268: {  	v3 =	vld [tilespmem:$0x350];
	_ =	sdelay $0x4  }
0x269: {  	v53 =	vshll.u32 v3, $0x1  }
0x26a: {  	v3 =	vand.u32 $0x7, v3;
	v4 =	vand.u32 $0xFFFFFFF0, v53  }
0x26b: {  	v3 =	vor.u32 v3, v4  }
0x26c: {  	v4 =	vperm.xlane v3, v0;
	_ =	sdelay $0x1  }
0x26d: {  	v3 =	vperm.xlane v3, v2;
	v4 =	vadd.s32 v1, v4;
	_ =	sdelay $0x1  }
0x26e: {  	v3 =	vadd.s32 v1, v3;
	_ =	sdelay $0x2  }
0x26f: {  	[tilespmem:s30], [sflag:$0x1] =	stream.indirect_vreg.gather [hbm4b:s2+s3], $0x80, v4, vm0, $0xb8;
	[tilespmem:$0x18400] =	vst v63  }
0x270: {  	_ = 	snop  }
0x271: {  	[tilespmem:s31], [sflag:$0x1] =	stream.indirect_vreg.gather [hbm4b:s2+s3], $0x80, v3, vm0, $0xb8;
	[tilespmem:$0x18400] =	vst v63  }
0x272: {  	v3 =	vld [tilespmem:$0x360];
	_ =	sdelay $0x4  }
0x273: {  	v54 =	vshll.u32 v3, $0x1  }
0x274: {  	v3 =	vand.u32 $0x7, v3;
	v4 =	vand.u32 $0xFFFFFFF0, v54  }
0x275: {  	v3 =	vor.u32 v3, v4  }
0x276: {  	v4 =	vperm.xlane v3, v0;
	_ =	sdelay $0x1  }
0x277: {  	v3 =	vperm.xlane v3, v2;
	v4 =	vadd.s32 v1, v4;
	_ =	sdelay $0x1  }
0x278: {  	v3 =	vadd.s32 v1, v3;
	_ =	sdelay $0x1  }
0x279: {  	s18 =	simm.s32 $0x6400  }
0x27a: {  	[tilespmem:s18], [sflag:$0x1] =	stream.indirect_vreg.gather [hbm4b:s2+s3], $0x80, v4, vm0, $0xb8;
	[tilespmem:$0x18400] =	vst v63  }
0x27b: {  	s18 =	simm.s32 $0x6C00  }
0x27c: {  	[tilespmem:s18], [sflag:$0x1] =	stream.indirect_vreg.gather [hbm4b:s2+s3], $0x80, v3, vm0, $0xb8;
	[tilespmem:$0x18400] =	vst v63  }
0x27d: {  	v3 =	vld [tilespmem:$0x370];
	_ =	sdelay $0x4  }
0x27e: {  	v55 =	vshll.u32 v3, $0x1  }
0x27f: {  	v3 =	vand.u32 $0x7, v3;
	v4 =	vand.u32 $0xFFFFFFF0, v55  }
0x280: {  	v3 =	vor.u32 v3, v4  }
0x281: {  	v4 =	vperm.xlane v3, v0;
	_ =	sdelay $0x1  }
0x282: {  	v3 =	vperm.xlane v3, v2;
	v4 =	vadd.s32 v1, v4;
	_ =	sdelay $0x1  }
0x283: {  	v3 =	vadd.s32 v1, v3;
	_ =	sdelay $0x1  }
0x284: {  	s18 =	simm.s32 $0x7400  }
0x285: {  	[tilespmem:s18], [sflag:$0x1] =	stream.indirect_vreg.gather [hbm4b:s2+s3], $0x80, v4, vm0, $0xb8;
	[tilespmem:$0x18400] =	vst v63  }
0x286: {  	s18 =	simm.s32 $0x7C00  }
0x287: {  	[tilespmem:s18], [sflag:$0x1] =	stream.indirect_vreg.gather [hbm4b:s2+s3], $0x80, v3, vm0, $0xb8;
	[tilespmem:$0x18400] =	vst v63  }
0x288: {  	_ =	swait.ge [sflag:s14], $0x8000  }
0x289: {  	[sflag:s14] =	ssyncset.done $0x0  }
0x28a: {  	s1 =	rddreg [dreg:$0x8];
	[sflag:s14] =	ssyncadd.s32 $0xFFFF8000  }
0x28b: {  	[hbm4b:s1+s3] =	stream.linear.scatter [tilespmem:s22], [sflag:$0x5], $0x8000, $0x38;
	[tilespmem:$0x18400] =	vst v63  }
0x28c: {  	_ =	swait.ge [sflag:s15], $0x8000  }
0x28d: {  	[sflag:s15] =	ssyncset.done $0x0  }
0x28e: {  	[sflag:s15] =	ssyncadd.s32 $0xFFFF8000  }
0x28f: {  	v3 =	vld [tilespmem:$0x380];
	_ =	sdelay $0x4  }
0x290: {  	v56 =	vshll.u32 v3, $0x1  }
0x291: {  	v3 =	vand.u32 $0x7, v3;
	v4 =	vand.u32 $0xFFFFFFF0, v56  }
0x292: {  	v3 =	vor.u32 v3, v4  }
0x293: {  	v4 =	vperm.xlane v3, v0;
	_ =	sdelay $0x1  }
0x294: {  	v3 =	vperm.xlane v3, v2;
	v4 =	vadd.s32 v1, v4;
	_ =	sdelay $0x1  }
0x295: {  	v3 =	vadd.s32 v1, v3;
	_ =	sdelay $0x2  }
0x296: {  	[tilespmem:s22], [sflag:$0x2] =	stream.indirect_vreg.gather [hbm4b:s2+s3], $0x80, v4, vm0, $0xb8;
	[tilespmem:$0x18400] =	vst v63  }
0x297: {  	s18 =	simm.s32 $0x8C00  }
0x298: {  	[tilespmem:s18], [sflag:$0x2] =	stream.indirect_vreg.gather [hbm4b:s2+s3], $0x80, v3, vm0, $0xb8;
	[tilespmem:$0x18400] =	vst v63  }
0x299: {  	v3 =	vld [tilespmem:$0x390];
	_ =	sdelay $0x4  }
0x29a: {  	v57 =	vshll.u32 v3, $0x1  }
0x29b: {  	v3 =	vand.u32 $0x7, v3;
	v4 =	vand.u32 $0xFFFFFFF0, v57  }
0x29c: {  	v3 =	vor.u32 v3, v4  }
0x29d: {  	v4 =	vperm.xlane v3, v0;
	_ =	sdelay $0x1  }
0x29e: {  	v3 =	vperm.xlane v3, v2;
	v4 =	vadd.s32 v1, v4;
	_ =	sdelay $0x1  }
0x29f: {  	v3 =	vadd.s32 v1, v3;
	_ =	sdelay $0x1  }
0x2a0: {  	s18 =	simm.s32 $0x9400  }
0x2a1: {  	[tilespmem:s18], [sflag:$0x2] =	stream.indirect_vreg.gather [hbm4b:s2+s3], $0x80, v4, vm0, $0xb8;
	[tilespmem:$0x18400] =	vst v63  }
0x2a2: {  	s18 =	simm.s32 $0x9C00  }
0x2a3: {  	[tilespmem:s18], [sflag:$0x2] =	stream.indirect_vreg.gather [hbm4b:s2+s3], $0x80, v3, vm0, $0xb8;
	[tilespmem:$0x18400] =	vst v63  }
0x2a4: {  	v3 =	vld [tilespmem:$0x3A0];
	_ =	sdelay $0x4  }
0x2a5: {  	v58 =	vshll.u32 v3, $0x1  }
0x2a6: {  	v3 =	vand.u32 $0x7, v3;
	v4 =	vand.u32 $0xFFFFFFF0, v58  }
0x2a7: {  	v3 =	vor.u32 v3, v4  }
0x2a8: {  	v4 =	vperm.xlane v3, v0;
	_ =	sdelay $0x1  }
0x2a9: {  	v3 =	vperm.xlane v3, v2;
	v4 =	vadd.s32 v1, v4;
	_ =	sdelay $0x1  }
0x2aa: {  	v3 =	vadd.s32 v1, v3;
	_ =	sdelay $0x1  }
0x2ab: {  	s18 =	simm.s32 $0xA400  }
0x2ac: {  	[tilespmem:s18], [sflag:$0x2] =	stream.indirect_vreg.gather [hbm4b:s2+s3], $0x80, v4, vm0, $0xb8;
	[tilespmem:$0x18400] =	vst v63  }
0x2ad: {  	s18 =	simm.s32 $0xAC00  }
0x2ae: {  	[tilespmem:s18], [sflag:$0x2] =	stream.indirect_vreg.gather [hbm4b:s2+s3], $0x80, v3, vm0, $0xb8;
	[tilespmem:$0x18400] =	vst v63  }
0x2af: {  	v3 =	vld [tilespmem:$0x3B0];
	_ =	sdelay $0x4  }
0x2b0: {  	v59 =	vshll.u32 v3, $0x1  }
0x2b1: {  	v3 =	vand.u32 $0x7, v3;
	v4 =	vand.u32 $0xFFFFFFF0, v59  }
0x2b2: {  	v3 =	vor.u32 v3, v4  }
0x2b3: {  	v4 =	vperm.xlane v3, v0;
	_ =	sdelay $0x1  }
0x2b4: {  	v3 =	vperm.xlane v3, v2;
	v4 =	vadd.s32 v1, v4;
	_ =	sdelay $0x1  }
0x2b5: {  	v3 =	vadd.s32 v1, v3;
	_ =	sdelay $0x1  }
0x2b6: {  	s18 =	simm.s32 $0xB400  }
0x2b7: {  	[tilespmem:s18], [sflag:$0x2] =	stream.indirect_vreg.gather [hbm4b:s2+s3], $0x80, v4, vm0, $0xb8;
	[tilespmem:$0x18400] =	vst v63  }
0x2b8: {  	s18 =	simm.s32 $0xBC00  }
0x2b9: {  	[tilespmem:s18], [sflag:$0x2] =	stream.indirect_vreg.gather [hbm4b:s2+s3], $0x80, v3, vm0, $0xb8;
	[tilespmem:$0x18400] =	vst v63  }
0x2ba: {  	v3 =	vld [tilespmem:$0x3C0];
	_ =	sdelay $0x4  }
0x2bb: {  	v60 =	vshll.u32 v3, $0x1  }
0x2bc: {  	v3 =	vand.u32 $0x7, v3;
	v4 =	vand.u32 $0xFFFFFFF0, v60  }
0x2bd: {  	v3 =	vor.u32 v3, v4  }
0x2be: {  	v4 =	vperm.xlane v3, v0;
	_ =	sdelay $0x1  }
0x2bf: {  	v3 =	vperm.xlane v3, v2;
	v4 =	vadd.s32 v1, v4;
	_ =	sdelay $0x1  }
0x2c0: {  	v3 =	vadd.s32 v1, v3;
	_ =	sdelay $0x1  }
0x2c1: {  	s18 =	simm.s32 $0xC400  }
0x2c2: {  	[tilespmem:s18], [sflag:$0x2] =	stream.indirect_vreg.gather [hbm4b:s2+s3], $0x80, v4, vm0, $0xb8;
	[tilespmem:$0x18400] =	vst v63  }
0x2c3: {  	s18 =	simm.s32 $0xCC00  }
0x2c4: {  	[tilespmem:s18], [sflag:$0x2] =	stream.indirect_vreg.gather [hbm4b:s2+s3], $0x80, v3, vm0, $0xb8;
	[tilespmem:$0x18400] =	vst v63  }
0x2c5: {  	v3 =	vld [tilespmem:$0x3D0];
	_ =	sdelay $0x4  }
0x2c6: {  	v61 =	vshll.u32 v3, $0x1  }
0x2c7: {  	v3 =	vand.u32 $0x7, v3;
	v4 =	vand.u32 $0xFFFFFFF0, v61  }
0x2c8: {  	v3 =	vor.u32 v3, v4  }
0x2c9: {  	v4 =	vperm.xlane v3, v0;
	_ =	sdelay $0x1  }
0x2ca: {  	v3 =	vperm.xlane v3, v2;
	v4 =	vadd.s32 v1, v4;
	_ =	sdelay $0x1  }
0x2cb: {  	v3 =	vadd.s32 v1, v3;
	_ =	sdelay $0x1  }
0x2cc: {  	s18 =	simm.s32 $0xD400  }
0x2cd: {  	[tilespmem:s18], [sflag:$0x2] =	stream.indirect_vreg.gather [hbm4b:s2+s3], $0x80, v4, vm0, $0xb8;
	[tilespmem:$0x18400] =	vst v63  }
0x2ce: {  	s18 =	simm.s32 $0xDC00  }
0x2cf: {  	[tilespmem:s18], [sflag:$0x2] =	stream.indirect_vreg.gather [hbm4b:s2+s3], $0x80, v3, vm0, $0xb8;
	[tilespmem:$0x18400] =	vst v63  }
0x2d0: {  	v3 =	vld [tilespmem:$0x3E0];
	_ =	sdelay $0x4  }
0x2d1: {  	v62 =	vshll.u32 v3, $0x1  }
0x2d2: {  	v3 =	vand.u32 $0x7, v3;
	v4 =	vand.u32 $0xFFFFFFF0, v62  }
0x2d3: {  	v3 =	vor.u32 v3, v4  }
0x2d4: {  	v4 =	vperm.xlane v3, v0;
	_ =	sdelay $0x1  }
0x2d5: {  	v3 =	vperm.xlane v3, v2;
	v4 =	vadd.s32 v1, v4;
	_ =	sdelay $0x1  }
0x2d6: {  	v3 =	vadd.s32 v1, v3;
	_ =	sdelay $0x1  }
0x2d7: {  	s18 =	simm.s32 $0xE400  }
0x2d8: {  	[tilespmem:s18], [sflag:$0x2] =	stream.indirect_vreg.gather [hbm4b:s2+s3], $0x80, v4, vm0, $0xb8;
	[tilespmem:$0x18400] =	vst v63  }
0x2d9: {  	s18 =	simm.s32 $0xEC00  }
0x2da: {  	[tilespmem:s18], [sflag:$0x2] =	stream.indirect_vreg.gather [hbm4b:s2+s3], $0x80, v3, vm0, $0xb8;
	[tilespmem:$0x18400] =	vst v63  }
0x2db: {  	v3 =	vld [tilespmem:$0x3F0];
	_ =	sdelay $0x4  }
0x2dc: {  	v63 =	vshll.u32 v3, $0x1  }
0x2dd: {  	v3 =	vand.u32 $0x7, v3;
	v4 =	vand.u32 $0xFFFFFFF0, v63  }
0x2de: {  	v3 =	vor.u32 v3, v4  }
0x2df: {  	v4 =	vperm.xlane v3, v0;
	_ =	sdelay $0x1  }
0x2e0: {  	v3 =	vperm.xlane v3, v2;
	v4 =	vadd.s32 v1, v4;
	_ =	sdelay $0x1  }
0x2e1: {  	v3 =	vadd.s32 v1, v3;
	_ =	sdelay $0x1  }
0x2e2: {  	s18 =	simm.s32 $0xF400  }
0x2e3: {  	[tilespmem:s18], [sflag:$0x2] =	stream.indirect_vreg.gather [hbm4b:s2+s3], $0x80, v4, vm0, $0xb8;
	[tilespmem:$0x18400] =	vst v63  }
0x2e4: {  	s18 =	simm.s32 $0xFC00  }
0x2e5: {  	[tilespmem:s18], [sflag:$0x2] =	stream.indirect_vreg.gather [hbm4b:s2+s3], $0x80, v3, vm0, $0xb8;
	[tilespmem:$0x18400] =	vst v63  }
0x2e6: {  	_ =	swait.ge [sflag:s16], $0x8000  }
0x2e7: {  	[sflag:s16] =	ssyncset.done $0x0  }
0x2e8: {  	s1 =	rddreg [dreg:$0x9];
	[sflag:s16] =	ssyncadd.s32 $0xFFFF8000  }
0x2e9: {  	[hbm4b:s1+s3] =	stream.linear.scatter [tilespmem:s0], [sflag:$0x6], $0x8000, $0x38;
	[tilespmem:$0x18400] =	vst v63  }
0x2ea: {  	_ =	swait.ge [sflag:s12], $0x8000  }
0x2eb: {  	[sflag:s12] =	ssyncset.done $0x0  }
0x2ec: {  	s0 =	rddreg [dreg:$0xa];
	[sflag:s12] =	ssyncadd.s32 $0xFFFF8000  }
0x2ed: {  	[hbm4b:s0+s3] =	stream.linear.scatter [tilespmem:s28], [sflag:$0x4], $0x8000, $0x38;
	[tilespmem:$0x18400] =	vst v63  }
0x2ee: {  	_ =	swait.ge [sflag:s14], $0x8000  }
0x2ef: {  	[sflag:s14] =	ssyncset.done $0x0  }
0x2f0: {  	s1 =	rddreg [dreg:$0xb];
	[sflag:s14] =	ssyncadd.s32 $0xFFFF8000  }
0x2f1: {  	[hbm4b:s1+s3] =	stream.linear.scatter [tilespmem:s22], [sflag:$0x5], $0x8000, $0x38;
	[tilespmem:$0x18400] =	vst v63  }
0x2f2: {  	_ =	swait.ge [sflag:s17], $0x8000  }
0x2f3: {  	[sflag:s17] =	ssyncset.done $0x0  }
0x2f4: {  	[sflag:s17] =	ssyncadd.s32 $0xFFFF8000  }
0x2f5: {  	p0 =	sne.s32 s4, $0x1;
	_ =	swait.ge [sflag:s13], $0x8000  }
.Ltmp0:
0x2f6: {  	[sflag:s13] =	ssyncset.done $0x0;
	(pc) =	sbr.rel @p0 .LBB2_1-.Ltmp0, $4  }
0x2f7: {  	[sflag:s13] =	ssyncadd.s32 $0xFFFF8000  }
0x2f8: {  	_ =	swait.ge [sflag:s15], $0x8000  }
0x2f9: {  	[sflag:s15] =	ssyncset.done $0x0  }
0x2fa: {  	s4 =	sadd.s32 $0xFFFFFFFF, s4;
	[sflag:s15] =	ssyncadd.s32 $0xFFFF8000  }
0x2fb: {  	_ =	sfence.sel $0x180000  }
0x2fc: {  	[bflag:$0x0] =	sbarrier.arrive $0xFFFF  }
0x2fd: {  	_ =	strace $0x9000004D  }
0x2fe: {  	s0 =	stileid.u32;
	[bflag:$0x2] =	sbarrier.arrive $0xFFFF  }
0x2ff: {  	p0 =	sne.s32 s0, $0x0;
	s0 =	rddreg [dreg:$0x2]  }
0x300: {  	s0 =	sadd.s32 @!p0 $0x100000, s0  }
0x301: {  	[sflag:s0] =	ssyncadd.tile.s32 @!p0 $0x1;
	_ =	shalt  }
.Lfunc_end2:
_tile_overlayer_lowered:
.L_overlay_start_2:
0x302: {  	(tag) =	ssettag $0x2  }
0x303: {  	s0 =	rddreg [dreg:$0x0];
	s2 =	stileid.u32  }
0x304: {  	s1 =	rddreg [dreg:$0x1];
	p0 =	sne.s32 s2, $0x0  }
0x305: {  	s3 =	rddreg [dreg:$0x2];
	[bflag:$0x3] =	sbarrier.arrive $0xFFFF;
	s2 =	simm.s32 @!p0 $0x1C07  }
0x306: {  	[timem:s3], [sflag:s2] =	dma.local @!p0 [hbm:s0], s1  }
0x307: {  	s0 =	simm.s32 @!p0 $0x7  }
0x308: {  	_ =	swait.ge @!p0 [sflag:s0], s1  }
0x309: {  	s1 =	ssub.s32 @!p0 $0x0, s1;
	[sflag:s0] =	ssyncset.done @!p0 $0x0  }
0x30a: {  	[sflag:s0] =	ssyncadd.s32 @!p0 s1  }
0x30b: {  	[bflag:$0x3] =	sbarrier.arrive $0xFFFF  }
0x30c: {  	_ =	shalt  }

// kernel: kernel.20.cloned.1.call-start
scs
__scs_entry_jumppad:
0x0: {  	(pc) =	sbr.rel $0x88, $3  }
0x1: {  	(tag) =	ssettag $0x0;
	lr =	simm.s32 $0x1  }
0x2: {  	[smem:$0x3F95] =	sst lr;
	_ =	strace $0xD0000000  }
0x3: {  	_ = 	snop  }
0x4: {  	_ = 	snop  }
0x5: {  	_ = 	snop  }
0x6: {  	_ = 	snop  }
0x7: {  	_ = 	snop  }
__scs_overlays_trampoline_lowered:
0x8: {  	[smem:$0x3FA4] =	sst s0  }
0x9: {  	[smem:$0x3FA5] =	sst s1  }
0xa: {  	[smem:$0x3FA6] =	sst s2  }
0xb: {  	[smem:$0x3FA7] =	sst s3  }
0xc: {  	[smem:$0x3FA8] =	sst s4  }
0xd: {  	[smem:$0x3FA9] =	sst s5  }
0xe: {  	[smem:$0x3FAA] =	sst s6  }
0xf: {  	[smem:$0x3FAB] =	sst s7  }
0x10: {  	[smem:$0x3FAC] =	sst s8  }
0x11: {  	[smem:$0x3FAD] =	sst s9;
	s0 =	simm.s32 @!p0 $0x0  }
0x12: {  	s1 =	sld [smem:$0x3F93];
	s0 =	simm.s32 @p0 $0x1  }
0x13: {  	[smem:$0x3FAE] =	sst s0;
	s0 =	simm.s32 @!p1 $0x0  }
0x14: {  	s2 =	sld [smem:$0x3F92];
	s0 =	simm.s32 @p1 $0x1  }
0x15: {  	[smem:$0x3FAF] =	sst s0;
	s0 =	simm.s32 @!p2 $0x0  }
0x16: {  	s3 =	sld [smem:$0x3FDB];
	s0 =	simm.s32 @p2 $0x1  }
0x17: {  	s4 =	simm.s32 $0x1BF5;
	[smem:$0x3FB1] =	sst s0  }
0x18: {  	s0 =	sld [smem:$0x3F94];
	_ =	swait.ge [sflag:s4], $0x0  }
0x19: {  	s7 =	sld [smem:$0x3F95]  }
0x1a: {  	s8 =	sadd.s32 $0xFFFFE003, lr  }
0x1b: {  	s9 =	sadd.s32 $0xFFFFFEF7, lr;
	s5 =	simm.s32 $0xFFFFFFFF;
	p2 =	slt.u32 s8, $0xFFFFF086  }
0x1c: {  	p1 =	slt.u32 s9, $0xF7A;
	s5 =	simm.s32 @!p2 $0x0  }
0x1d: {  	s5 =	simm.s32 @p1 $0x1;
	p0 =	seq.s32 s7, s2  }
0x1e: {  	s7 =	smul.u32 @!p0 $0xF7A, s2;
	p2 =	seq.s32 @!p0 s5, $0x0  }
0x1f: {  	s9 =	smul.u32 $0xF7A, s1;
	s8 =	simm.s32 @!p0 $0x1BF5;
	p2 =	por !p2, p0  }
0x20: {  	[sflag:s8] =	ssyncset.s32 @!p0 $0xFFFFF086;
	s6 =	sadd.s32 @!p0 s3, s7;
	s7 =	simm.s32 @!p0 $0x108  }
0x21: {  	s3 =	sadd.s32 s3, s9;
	s6 =	sadd.s32 @!p0 $0x88, s6;
	s7 =	simm.s32 @p2 $0x1082  }
0x22: {  	[simem:s7], [sflag:s8] =	dma.local @!p0 [hbm:s6], $0xF7A  }
0x23: {  	s9 =	sor.u32 $0xD0000000, s2;
	s6 =	simm.s32 $0x108;
	_ =	swait.ge @!p0 [sflag:s8], $0x0  }
0x24: {  	s3 =	sadd.s32 $0x88, s3;
	s6 =	simm.s32 @!p1 $0x1082;
	[sflag:s4] =	ssyncset.s32 $0xFFFFF086  }
0x25: {  	[simem:s6], [sflag:s4] =	dma.local [hbm:s3], $0xF7A  }
0x26: {  	[smem:$0x3F95] =	sst s1;
	(tag) =	ssettag s2;
	_ =	strace s9  }
0x27: {  	s1 =	sld [smem:$0x3FA5]  }
0x28: {  	s2 =	sld [smem:$0x3FA6]  }
0x29: {  	s4 =	sld [smem:$0x3FA8]  }
0x2a: {  	p0 =	seq.s32 s5, $0x0;
	s5 =	sld [smem:$0x3FA9]  }
0x2b: {  	s6 =	sld [smem:$0x3FAA]  }
0x2c: {  	s7 =	sld [smem:$0x3FAB]  }
0x2d: {  	s3 =	simm.s32 $0x108;
	s8 =	sld [smem:$0x3FAC]  }
0x2e: {  	s3 =	simm.s32 @!p0 $0x1082;
	s9 =	sld [smem:$0x3FAD]  }
0x2f: {  	lr =	sadd.s32 s0, s3;
	s0 =	sld [smem:$0x3FA4]  }
0x30: {  	s3 =	sld [smem:$0x3FA7]  }
0x31: {  	[smem:$0x3FB0] =	sst s10  }
0x32: {  	s10 =	sld [smem:$0x3FAE];
	_ =	sdelay $0x3  }
0x33: {  	p0 =	seq.s32 s10, $0x1;
	s10 =	sld [smem:$0x3FB0];
	_ =	sdelay $0x3  }
0x34: {  	[smem:$0x3FB0] =	sst s10  }
0x35: {  	s10 =	sld [smem:$0x3FAF];
	_ =	sdelay $0x3  }
0x36: {  	p1 =	seq.s32 s10, $0x1;
	s10 =	sld [smem:$0x3FB0];
	_ =	sdelay $0x3  }
0x37: {  	[smem:$0x3FB0] =	sst s10  }
0x38: {  	s10 =	sld [smem:$0x3FB1]  }
0x39: {  	_ = 	snop;
	(pc) =	sbr.ind lr, $3  }
0x3a: {  	_ = 	snop  }
0x3b: {  	_ = 	snop  }
0x3c: {  	p2 =	seq.s32 s10, $0x1;
	s10 =	sld [smem:$0x3FB0]  }
0x3d: {  	_ =	shalt  }
0x3e: {  	_ =	shalt  }
0x3f: {  	_ =	shalt  }
0x40: {  	_ =	shalt  }
0x41: {  	_ =	shalt  }
0x42: {  	_ =	shalt  }
0x43: {  	_ =	shalt  }
0x44: {  	_ =	shalt  }
0x45: {  	_ =	shalt  }
0x46: {  	_ =	shalt  }
0x47: {  	_ =	shalt  }
0x48: {  	_ =	shalt  }
0x49: {  	_ =	shalt  }
0x4a: {  	_ =	shalt  }
0x4b: {  	_ =	shalt  }
0x4c: {  	_ =	shalt  }
0x4d: {  	_ =	shalt  }
0x4e: {  	_ =	shalt  }
0x4f: {  	_ =	shalt  }
0x50: {  	_ =	shalt  }
0x51: {  	_ =	shalt  }
0x52: {  	_ =	shalt  }
0x53: {  	_ =	shalt  }
0x54: {  	_ =	shalt  }
0x55: {  	_ =	shalt  }
0x56: {  	_ =	shalt  }
0x57: {  	_ =	shalt  }
0x58: {  	_ =	shalt  }
0x59: {  	_ =	shalt  }
0x5a: {  	_ =	shalt  }
0x5b: {  	_ =	shalt  }
0x5c: {  	_ =	shalt  }
0x5d: {  	_ =	shalt  }
0x5e: {  	_ =	shalt  }
0x5f: {  	_ =	shalt  }
0x60: {  	_ =	shalt  }
0x61: {  	_ =	shalt  }
0x62: {  	_ =	shalt  }
0x63: {  	_ =	shalt  }
0x64: {  	_ =	shalt  }
0x65: {  	_ =	shalt  }
0x66: {  	_ =	shalt  }
0x67: {  	_ =	shalt  }
0x68: {  	_ =	shalt  }
0x69: {  	_ =	shalt  }
0x6a: {  	_ =	shalt  }
0x6b: {  	_ =	shalt  }
0x6c: {  	_ =	shalt  }
0x6d: {  	_ =	shalt  }
0x6e: {  	_ =	shalt  }
0x6f: {  	_ =	shalt  }
0x70: {  	_ =	shalt  }
0x71: {  	_ =	shalt  }
0x72: {  	_ =	shalt  }
0x73: {  	_ =	shalt  }
0x74: {  	_ =	shalt  }
0x75: {  	_ =	shalt  }
0x76: {  	_ =	shalt  }
0x77: {  	_ =	shalt  }
0x78: {  	_ =	shalt  }
0x79: {  	_ =	shalt  }
0x7a: {  	_ =	shalt  }
0x7b: {  	_ =	shalt  }
0x7c: {  	_ =	shalt  }
0x7d: {  	_ =	shalt  }
0x7e: {  	_ =	shalt  }
0x7f: {  	_ =	shalt  }
0x80: {  	_ =	shalt  }
0x81: {  	_ =	shalt  }
0x82: {  	_ =	shalt  }
0x83: {  	_ =	shalt  }
0x84: {  	_ =	shalt  }
0x85: {  	_ =	shalt  }
0x86: {  	_ =	shalt  }
0x87: {  	_ =	shalt  }
.Lfunc_end0:
.L_simem_size_0:
called_computation.3_lowered:
.L_overlay_start_0:
0x88: {  	s2 =	sld [smem:$0x3FD9]  }
0x89: {  	s3 =	sld [smem:$0x3FFE];
	_ =	sdelay $0x1  }
0x8a: {  	s1 =	srdreg.scid  }
0x8b: {  	s0 =	sand.u32 $0x1, s1  }
0x8c: {  	s17 =	sshll.u32 s0, $0xA;
	s2 =	sadd.s32 s3, s2  }
0x8d: {  	s2 =	sadd.s32 s2, s17  }
0x8e: {  	[smem:$0x3FBC] =	sst s2  }
0x8f: {  	_ = 	snop  }
0x90: {  	s18 =	sld [smem:$0x3FC6];
	(tm) =	ssettm $0x1  }
0x91: {  	s19 =	sld [smem:$0x3FFB];
	_ =	sdelay $0x3  }
0x92: {  	_ =	strace s19  }
0x93: {  	s2 =	sld [smem:$0x3FFC];
	_ =	sdelay $0x3  }
0x94: {  	_ =	strace s2  }
0x95: {  	s2 =	sld [smem:$0x3FFD];
	_ =	sdelay $0x3  }
0x96: {  	_ =	strace s2  }
0x97: {  	_ =	strace $0x8FFFFFFF  }
0x98: {  	s20 =	sld [smem:$0x3FDB];
	_ =	sdelay $0x1  }
0x99: {  	s4 =	simm.s32 $_scs_section_size  }
0x9a: {  	s5 =	simm.s32 $_size__tile_overlayer_lowered;
	s6 =	simm.s32 $_tile_overlayer_lowered  }
0x9b: {  	s7 =	simm.s32 $0x1BFF;
	s21 =	sshll.u32 s6, $0x1;
	s4 =	sadd.s32 s4, s20  }
0x9c: {  	s22 =	simm.s32 $0x0;
	s5 =	sshll.u32 s5, $0x1;
	s6 =	sadd.s32 s21, s4  }
0x9d: {  	[timem:s22], [sflag:s7] =	dma.local [hbm:s6], s5  }
0x9e: {  	_ =	swait.ge [sflag:s7], s5  }
0x9f: {  	s5 =	ssub.s32 $0x0, s5;
	[sflag:s7] =	ssyncset.done $0x0  }
0xa0: {  	[sflag:s7] =	ssyncadd.s32 s5;
	_ =	sdelay $0x1  }
0xa1: {  	s23 =	simm.s32 $0x1B8B  }
0xa2: {  	_ =	swait.ge [sflag:s23], $0x1  }
0xa3: {  	[sflag:s23] =	ssyncset.done $0x0  }
0xa4: {  	[sflag:s23] =	ssyncadd.s32 $0xFFFFFFFF  }
0xa5: {  	s5 =	sld [smem:$0x0]  }
0xa6: {  	s6 =	sand.u32 $0xFFFFFFFE, s1  }
0xa7: {  	p0 =	sne.s32 s1, s6  }
0xa8: {  	s6 =	sshll.u32 @p0 s6, $0xE  }
0xa9: {  	s6 =	sadd.s32 @p0 $0x11B8D, s6;
	s7 =	sshll.u32 @p0 s5, $0x11  }
0xaa: {  	s6 =	sor.u32 @p0 s7, s6  }
0xab: {  	[sflag:s6] =	ssyncadd.remote.s32 @p0 $0x1;
	_ =	sdelay $0x1  }
0xac: {  	s6 =	simm.s32 @p0 $0x1B8D  }
0xad: {  	_ =	swait.eq @p0 [sflag:s6], $0x1  }
0xae: {  	[sflag:s6] =	ssyncadd.s32 @p0 $0xFFFFFFFF  }
0xaf: {  	s7 =	sshll.u32 @!p0 s1, $0xE  }
0xb0: {  	s7 =	sor.u32 @!p0 $0x4000, s7;
	s6 =	simm.s32 @!p0 $0x1B8D  }
0xb1: {  	s5 =	sshll.u32 @!p0 s5, $0x11;
	s7 =	sadd.s32 @!p0 $0x11B8D, s7;
	_ =	swait.eq @!p0 [sflag:s6], $0x1  }
0xb2: {  	s5 =	sor.u32 @!p0 s5, s7;
	[sflag:s6] =	ssyncadd.s32 @!p0 $0xFFFFFFFF  }
0xb3: {  	s25 =	simm.s32 $0x1B8E;
	s24 =	sld [smem:$0x3FFE];
	[sflag:s5] =	ssyncadd.remote.s32 @!p0 $0x1  }
0xb4: {  	s26 =	simm.s32 $execute0_lowered;
	[smem:$0x3FD2] =	sst s25  }
0xb5: {  	s6 =	sshll.u32 s26, $0x1;
	_ =	strace $0x80000049;
	[dreg:$0x1] =	wrdreg $0xFFFFFFFF  }
0xb6: {  	s28 =	simm.s32 $_size_execute0_lowered;
	s4 =	sadd.s32 s4, s6;
	[dreg:$0x0] =	wrdreg $0x0  }
0xb7: {  	s6 =	sshll.u32 s28, $0x1;
	[dreg:$0x2] =	wrdreg s4  }
0xb8: {  	[dreg:$0x3] =	wrdreg s6  }
0xb9: {  	[dreg:$0x4] =	wrdreg $0xC0  }
0xba: {  	_ =	task [dreg:s22], $0x5FFFF  }
0xbb: {  	[dreg:$0x1] =	wrdreg $0xFFFFFFFF  }
0xbc: {  	[dreg:$0x0] =	wrdreg $0x60  }
0xbd: {  	[dreg:$0x2] =	wrdreg s18  }
0xbe: {  	[dreg:$0x3] =	wrdreg s24  }
0xbf: {  	[dreg:$0x4] =	wrdreg $0xC  }
0xc0: {  	_ =	task.clear_ibuf [dreg:s22], $0x5FFFF;
	_ =	strace $0x90000049  }
0xc1: {  	s29 =	simm.s32 $0xC;
	_ =	strace $0x8000004B  }
0xc2: {  	_ =	swait.ge [sflag:s29], $0x1  }
0xc3: {  	[sflag:s29] =	ssyncadd.s32 $0xFFFFFFFF  }
0xc4: {  	_ =	strace $0x9000004B  }
0xc5: {  	_ =	sfence  }
0xc6: {  	s30 =	sld [smem:$0x0];
	_ =	sdelay $0x2  }
0xc7: {  	s31 =	sshll.u32 s1, $0xD;
	s1 =	sshrl.u32 s1, $0x2  }
0xc8: {  	s4 =	sand.u32 $0x4000, s31;
	s1 =	sadd.s32 s1, s30  }
0xc9: {  	s0 =	sor.u32 s4, s0;
	s1 =	sshll.u32 s1, $0x11  }
0xca: {  	s0 =	sor.u32 s1, s0  }
0xcb: {  	s0 =	sadd.s32 $0x8F2B, s0  }
0xcc: {  	[sflag:s0] =	ssyncadd.remote.s32 $0x1  }
0xcd: {  	_ =	sfence.sel $0xFFFF  }
0xce: {  	[dreg:$0x0] =	wrdreg $0xFFFFFFFF;
	(pc) =	sbr.abs _section_cstart, $3  }
0xcf: {  	[dreg:$0x1] =	wrdreg $0xFFFFFFFF  }
0xd0: {  	_ =	task.clear_ibuf [dreg:s22], $0x2FFFF;
	_ =	strace $0x9FFFFFFF  }
0xd1: {  	(tm) =	ssettm $0x7FFFFFFF  }
tec
execute0_lowered:
.L_overlay_start_1:
0x0: {  	(tag) =	ssettag $0x1  }
0x1: {  	s0 =	srdreg.scid;
	s2 =	rddreg [dreg:$0x0]  }
0x2: {  	s1 =	stileid.u32;
	s4 =	rddreg [dreg:$0x1];
	s28 =	simm.s32 $0x400  }
0x3: {  	s12 =	simm.s32 $0x1;
	s13 =	simm.s32 $0x4;
	s14 =	simm.s32 $0x2  }
0x4: {  	s15 =	simm.s32 $0x5;
	s16 =	simm.s32 $0x3;
	s17 =	simm.s32 $0x6  }
0x5: {  	s29 =	simm.s32 $0x4C00;
	s30 =	simm.s32 $0x5400;
	s0 =	sand.u32 $0x1, s0  }
0x6: {  	s31 =	simm.s32 $0x5C00;
	s1 =	sshll.u32 s1, $0xB;
	s3 =	sshll.u32 s0, $0xA  }
0x7: {  	s6 =	simm.s32 $0x10C00;
	s9 =	simm.s32 $0x11400;
	s1 =	sor.u32 s3, s1  }
0x8: {  	s10 =	simm.s32 $0x11C00;
	s11 =	simm.s32 $0x12400;
	s5 =	sshrl.u32 s1, $0x3  }
0x9: {  	s3 =	simm.s32 $0x0;
	s1 =	sshll.u32 s1, $0x5;
	s5 =	sadd.s32 s5, s4  }
0xa: {  	[smem:$0x7FF] =	sst s3;
	s1 =	sadd.s32 s1, s4;
	s18 =	sadd.s32 $0x8000, s5  }
0xb: {  	_ =	strace $0x8000004A;
	s19 =	sadd.s32 $0x10B000, s1;
	[dreg:$0x3] =	wrdreg s18  }
0xc: {  	s7 =	simm.s32 $0x13C00;
	s20 =	sadd.s32 $0x10C000, s1;
	[dreg:$0x4] =	wrdreg s19  }
0xd: {  	s8 =	simm.s32 $0x14400;
	s21 =	sadd.s32 $0x10D000, s1;
	[dreg:$0x5] =	wrdreg s20  }
0xe: {  	s0 =	ssub.s32 $0x2, s0;
	s22 =	sadd.s32 $0x10E000, s1;
	[dreg:$0x6] =	wrdreg s21  }
0xf: {  	s25 =	sshrl.u32 s0, $0x1;
	s23 =	sadd.s32 $0x10F000, s1;
	[dreg:$0x7] =	wrdreg s22  }
0x10: {  	s0 =	ssub.s32 s0, s25;
	s24 =	sadd.s32 $0x110000, s1;
	[dreg:$0x8] =	wrdreg s23  }
0x11: {  	s25 =	simm.s32 $0x17400;
	s26 =	sadd.s32 $0x111000, s1;
	[dreg:$0x9] =	wrdreg s24  }
0x12: {  	s4 =	smax.u32 s0, $0x1;
	s1 =	sadd.s32 $0x112000, s1;
	[dreg:$0xa] =	wrdreg s26  }
0x13: {  	v2 =	vlaneseq.u32;
	s5 =	simm.s32 $0x13400;
	[dreg:$0xb] =	wrdreg s1;
	s22 =	simm.s32 $0x8400  }
0x14: {  	vm0 =	vmmov $0xffff;
	v1 =	vshrl.u32 v2, $0x3;
	s19 =	simm.s32 $0x14C00;
	s20 =	simm.s32 $0x15400;
	s21 =	simm.s32 $0x15C00  }
0x15: {  	v0 =	vand.u32 $0x7, v2;
	v2 =	vor.u32 $0x8, v2;
	v1 =	vmul.u32 $0x8, v1;
	s23 =	simm.s32 $0x16400;
	s24 =	simm.s32 $0x16C00;
	s26 =	simm.s32 $0x17C00  }
.LBB2_1:
0x16: {  	s18 =	rddreg [dreg:$0x3];
	s0 =	simm.s32 $0x7  }
0x17: {  	[tilespmem:s3], [sflag:$0x7] =	stream.linear.gather [hbm4b:s18+s3], $0x400, $0x38;
	[tilespmem:$0x18400] =	vst v63  }
0x18: {  	_ =	swait.ge [sflag:s0], $0x400  }
0x19: {  	[sflag:s0] =	ssyncset.done $0x0  }
0x1a: {  	[sflag:s0] =	ssyncadd.s32 $0xFFFFFC00  }
0x1b: {  	v3 =	vld [tilespmem:$0x0];
	_ =	sdelay $0x4  }
0x1c: {  	v4 =	vshll.u32 v3, $0x1  }
0x1d: {  	v3 =	vand.u32 $0x7, v3;
	v4 =	vand.u32 $0xFFFFFFF0, v4  }
0x1e: {  	v3 =	vor.u32 v3, v4  }
0x1f: {  	v4 =	vperm.xlane v3, v0;
	_ =	sdelay $0x1  }
0x20: {  	v3 =	vperm.xlane v3, v2;
	v4 =	vadd.s32 v1, v4;
	_ =	sdelay $0x1  }
0x21: {  	v3 =	vadd.s32 v1, v3;
	_ =	sdelay $0x2  }
0x22: {  	[tilespmem:s28], [sflag:$0x1] =	stream.indirect_vreg.gather [hbm4b:s2+s3], $0x80, v4, vm0, $0xb8;
	[tilespmem:$0x18400] =	vst v63  }
0x23: {  	s0 =	simm.s32 $0xC00  }
0x24: {  	[tilespmem:s0], [sflag:$0x1] =	stream.indirect_vreg.gather [hbm4b:s2+s3], $0x80, v3, vm0, $0xb8;
	[tilespmem:$0x18400] =	vst v63  }
0x25: {  	v3 =	vld [tilespmem:$0x10];
	_ =	sdelay $0x4  }
0x26: {  	v57 =	vshll.u32 v3, $0x1  }
0x27: {  	v3 =	vand.u32 $0x7, v3;
	v4 =	vand.u32 $0xFFFFFFF0, v57  }
0x28: {  	v3 =	vor.u32 v3, v4  }
0x29: {  	v4 =	vperm.xlane v3, v0;
	_ =	sdelay $0x1  }
0x2a: {  	v3 =	vperm.xlane v3, v2;
	v4 =	vadd.s32 v1, v4;
	_ =	sdelay $0x1  }
0x2b: {  	v3 =	vadd.s32 v1, v3;
	_ =	sdelay $0x1  }
0x2c: {  	s1 =	simm.s32 $0x1400  }
0x2d: {  	[tilespmem:s1], [sflag:$0x1] =	stream.indirect_vreg.gather [hbm4b:s2+s3], $0x80, v4, vm0, $0xb8;
	[tilespmem:$0x18400] =	vst v63  }
0x2e: {  	s18 =	simm.s32 $0x1C00  }
0x2f: {  	[tilespmem:s18], [sflag:$0x1] =	stream.indirect_vreg.gather [hbm4b:s2+s3], $0x80, v3, vm0, $0xb8;
	[tilespmem:$0x18400] =	vst v63  }
0x30: {  	v3 =	vld [tilespmem:$0x20];
	_ =	sdelay $0x4  }
0x31: {  	v58 =	vshll.u32 v3, $0x1  }
0x32: {  	v3 =	vand.u32 $0x7, v3;
	v4 =	vand.u32 $0xFFFFFFF0, v58  }
0x33: {  	v3 =	vor.u32 v3, v4  }
0x34: {  	v4 =	vperm.xlane v3, v0;
	_ =	sdelay $0x1  }
0x35: {  	v3 =	vperm.xlane v3, v2;
	v4 =	vadd.s32 v1, v4;
	_ =	sdelay $0x1  }
0x36: {  	v3 =	vadd.s32 v1, v3;
	_ =	sdelay $0x1  }
0x37: {  	s1 =	simm.s32 $0x2400  }
0x38: {  	[tilespmem:s1], [sflag:$0x1] =	stream.indirect_vreg.gather [hbm4b:s2+s3], $0x80, v4, vm0, $0xb8;
	[tilespmem:$0x18400] =	vst v63  }
0x39: {  	s18 =	simm.s32 $0x2C00  }
0x3a: {  	[tilespmem:s18], [sflag:$0x1] =	stream.indirect_vreg.gather [hbm4b:s2+s3], $0x80, v3, vm0, $0xb8;
	[tilespmem:$0x18400] =	vst v63  }
0x3b: {  	v3 =	vld [tilespmem:$0x30];
	_ =	sdelay $0x4  }
0x3c: {  	v59 =	vshll.u32 v3, $0x1  }
0x3d: {  	v3 =	vand.u32 $0x7, v3;
	v4 =	vand.u32 $0xFFFFFFF0, v59  }
0x3e: {  	v3 =	vor.u32 v3, v4  }
0x3f: {  	v4 =	vperm.xlane v3, v0;
	_ =	sdelay $0x1  }
0x40: {  	v3 =	vperm.xlane v3, v2;
	v4 =	vadd.s32 v1, v4;
	_ =	sdelay $0x1  }
0x41: {  	v3 =	vadd.s32 v1, v3;
	_ =	sdelay $0x1  }
0x42: {  	s1 =	simm.s32 $0x3400  }
0x43: {  	[tilespmem:s1], [sflag:$0x1] =	stream.indirect_vreg.gather [hbm4b:s2+s3], $0x80, v4, vm0, $0xb8;
	[tilespmem:$0x18400] =	vst v63  }
0x44: {  	s18 =	simm.s32 $0x3C00  }
0x45: {  	[tilespmem:s18], [sflag:$0x1] =	stream.indirect_vreg.gather [hbm4b:s2+s3], $0x80, v3, vm0, $0xb8;
	[tilespmem:$0x18400] =	vst v63  }
0x46: {  	v3 =	vld [tilespmem:$0x40];
	_ =	sdelay $0x4  }
0x47: {  	v60 =	vshll.u32 v3, $0x1  }
0x48: {  	v3 =	vand.u32 $0x7, v3;
	v4 =	vand.u32 $0xFFFFFFF0, v60  }
0x49: {  	v3 =	vor.u32 v3, v4  }
0x4a: {  	v4 =	vperm.xlane v3, v0;
	_ =	sdelay $0x1  }
0x4b: {  	v3 =	vperm.xlane v3, v2;
	v4 =	vadd.s32 v1, v4;
	_ =	sdelay $0x1  }
0x4c: {  	v3 =	vadd.s32 v1, v3;
	_ =	sdelay $0x1  }
0x4d: {  	s1 =	simm.s32 $0x4400  }
0x4e: {  	[tilespmem:s1], [sflag:$0x1] =	stream.indirect_vreg.gather [hbm4b:s2+s3], $0x80, v4, vm0, $0xb8;
	[tilespmem:$0x18400] =	vst v63  }
0x4f: {  	_ = 	snop  }
0x50: {  	[tilespmem:s29], [sflag:$0x1] =	stream.indirect_vreg.gather [hbm4b:s2+s3], $0x80, v3, vm0, $0xb8;
	[tilespmem:$0x18400] =	vst v63  }
0x51: {  	v3 =	vld [tilespmem:$0x50];
	_ =	sdelay $0x4  }
0x52: {  	v61 =	vshll.u32 v3, $0x1  }
0x53: {  	v3 =	vand.u32 $0x7, v3;
	v4 =	vand.u32 $0xFFFFFFF0, v61  }
0x54: {  	v3 =	vor.u32 v3, v4  }
0x55: {  	v4 =	vperm.xlane v3, v0;
	_ =	sdelay $0x1  }
0x56: {  	v3 =	vperm.xlane v3, v2;
	v4 =	vadd.s32 v1, v4;
	_ =	sdelay $0x1  }
0x57: {  	v3 =	vadd.s32 v1, v3;
	_ =	sdelay $0x2  }
0x58: {  	[tilespmem:s30], [sflag:$0x1] =	stream.indirect_vreg.gather [hbm4b:s2+s3], $0x80, v4, vm0, $0xb8;
	[tilespmem:$0x18400] =	vst v63  }
0x59: {  	_ = 	snop  }
0x5a: {  	[tilespmem:s31], [sflag:$0x1] =	stream.indirect_vreg.gather [hbm4b:s2+s3], $0x80, v3, vm0, $0xb8;
	[tilespmem:$0x18400] =	vst v63  }
0x5b: {  	v3 =	vld [tilespmem:$0x60];
	_ =	sdelay $0x4  }
0x5c: {  	v62 =	vshll.u32 v3, $0x1  }
0x5d: {  	v3 =	vand.u32 $0x7, v3;
	v4 =	vand.u32 $0xFFFFFFF0, v62  }
0x5e: {  	v3 =	vor.u32 v3, v4  }
0x5f: {  	v4 =	vperm.xlane v3, v0;
	_ =	sdelay $0x1  }
0x60: {  	v3 =	vperm.xlane v3, v2;
	v4 =	vadd.s32 v1, v4;
	_ =	sdelay $0x1  }
0x61: {  	v3 =	vadd.s32 v1, v3;
	_ =	sdelay $0x1  }
0x62: {  	s18 =	simm.s32 $0x6400  }
0x63: {  	[tilespmem:s18], [sflag:$0x1] =	stream.indirect_vreg.gather [hbm4b:s2+s3], $0x80, v4, vm0, $0xb8;
	[tilespmem:$0x18400] =	vst v63  }
0x64: {  	s1 =	simm.s32 $0x6C00  }
0x65: {  	[tilespmem:s1], [sflag:$0x1] =	stream.indirect_vreg.gather [hbm4b:s2+s3], $0x80, v3, vm0, $0xb8;
	[tilespmem:$0x18400] =	vst v63  }
0x66: {  	v3 =	vld [tilespmem:$0x70];
	_ =	sdelay $0x4  }
0x67: {  	v63 =	vshll.u32 v3, $0x1  }
0x68: {  	v3 =	vand.u32 $0x7, v3;
	v4 =	vand.u32 $0xFFFFFFF0, v63  }
0x69: {  	v3 =	vor.u32 v3, v4  }
0x6a: {  	v4 =	vperm.xlane v3, v0;
	_ =	sdelay $0x1  }
0x6b: {  	v3 =	vperm.xlane v3, v2;
	v4 =	vadd.s32 v1, v4;
	_ =	sdelay $0x1  }
0x6c: {  	v3 =	vadd.s32 v1, v3;
	_ =	sdelay $0x1  }
0x6d: {  	s18 =	simm.s32 $0x7400  }
0x6e: {  	[tilespmem:s18], [sflag:$0x1] =	stream.indirect_vreg.gather [hbm4b:s2+s3], $0x80, v4, vm0, $0xb8;
	[tilespmem:$0x18400] =	vst v63  }
0x6f: {  	s1 =	simm.s32 $0x7C00  }
0x70: {  	[tilespmem:s1], [sflag:$0x1] =	stream.indirect_vreg.gather [hbm4b:s2+s3], $0x80, v3, vm0, $0xb8;
	[tilespmem:$0x18400] =	vst v63  }
0x71: {  	v3 =	vld [tilespmem:$0x80];
	_ =	sdelay $0x4  }
0x72: {  	v8 =	vshll.u32 v3, $0x1  }
0x73: {  	v3 =	vand.u32 $0x7, v3;
	v4 =	vand.u32 $0xFFFFFFF0, v8  }
0x74: {  	v3 =	vor.u32 v3, v4  }
0x75: {  	v4 =	vperm.xlane v3, v0;
	_ =	sdelay $0x1  }
0x76: {  	v3 =	vperm.xlane v3, v2;
	v4 =	vadd.s32 v1, v4;
	_ =	sdelay $0x1  }
0x77: {  	v3 =	vadd.s32 v1, v3;
	_ =	sdelay $0x2  }
0x78: {  	[tilespmem:s22], [sflag:$0x2] =	stream.indirect_vreg.gather [hbm4b:s2+s3], $0x80, v4, vm0, $0xb8;
	[tilespmem:$0x18400] =	vst v63  }
0x79: {  	s18 =	simm.s32 $0x8C00  }
0x7a: {  	[tilespmem:s18], [sflag:$0x2] =	stream.indirect_vreg.gather [hbm4b:s2+s3], $0x80, v3, vm0, $0xb8;
	[tilespmem:$0x18400] =	vst v63  }
0x7b: {  	v3 =	vld [tilespmem:$0x90];
	_ =	sdelay $0x4  }
0x7c: {  	v9 =	vshll.u32 v3, $0x1  }
0x7d: {  	v3 =	vand.u32 $0x7, v3;
	v4 =	vand.u32 $0xFFFFFFF0, v9  }
0x7e: {  	v3 =	vor.u32 v3, v4  }
0x7f: {  	v4 =	vperm.xlane v3, v0;
	_ =	sdelay $0x1  }
0x80: {  	v3 =	vperm.xlane v3, v2;
	v4 =	vadd.s32 v1, v4;
	_ =	sdelay $0x1  }
0x81: {  	v3 =	vadd.s32 v1, v3;
	_ =	sdelay $0x1  }
0x82: {  	s1 =	simm.s32 $0x9400  }
0x83: {  	[tilespmem:s1], [sflag:$0x2] =	stream.indirect_vreg.gather [hbm4b:s2+s3], $0x80, v4, vm0, $0xb8;
	[tilespmem:$0x18400] =	vst v63  }
0x84: {  	s18 =	simm.s32 $0x9C00  }
0x85: {  	[tilespmem:s18], [sflag:$0x2] =	stream.indirect_vreg.gather [hbm4b:s2+s3], $0x80, v3, vm0, $0xb8;
	[tilespmem:$0x18400] =	vst v63  }
0x86: {  	v3 =	vld [tilespmem:$0xA0];
	_ =	sdelay $0x4  }
0x87: {  	v10 =	vshll.u32 v3, $0x1  }
0x88: {  	v3 =	vand.u32 $0x7, v3;
	v4 =	vand.u32 $0xFFFFFFF0, v10  }
0x89: {  	v3 =	vor.u32 v3, v4  }
0x8a: {  	v4 =	vperm.xlane v3, v0;
	_ =	sdelay $0x1  }
0x8b: {  	v3 =	vperm.xlane v3, v2;
	v4 =	vadd.s32 v1, v4;
	_ =	sdelay $0x1  }
0x8c: {  	v3 =	vadd.s32 v1, v3;
	_ =	sdelay $0x1  }
0x8d: {  	s1 =	simm.s32 $0xA400  }
0x8e: {  	[tilespmem:s1], [sflag:$0x2] =	stream.indirect_vreg.gather [hbm4b:s2+s3], $0x80, v4, vm0, $0xb8;
	[tilespmem:$0x18400] =	vst v63  }
0x8f: {  	s18 =	simm.s32 $0xAC00  }
0x90: {  	[tilespmem:s18], [sflag:$0x2] =	stream.indirect_vreg.gather [hbm4b:s2+s3], $0x80, v3, vm0, $0xb8;
	[tilespmem:$0x18400] =	vst v63  }
0x91: {  	v3 =	vld [tilespmem:$0xB0];
	_ =	sdelay $0x4  }
0x92: {  	v11 =	vshll.u32 v3, $0x1  }
0x93: {  	v3 =	vand.u32 $0x7, v3;
	v4 =	vand.u32 $0xFFFFFFF0, v11  }
0x94: {  	v3 =	vor.u32 v3, v4  }
0x95: {  	v4 =	vperm.xlane v3, v0;
	_ =	sdelay $0x1  }
0x96: {  	v3 =	vperm.xlane v3, v2;
	v4 =	vadd.s32 v1, v4;
	_ =	sdelay $0x1  }
0x97: {  	v3 =	vadd.s32 v1, v3;
	_ =	sdelay $0x1  }
0x98: {  	s1 =	simm.s32 $0xB400  }
0x99: {  	[tilespmem:s1], [sflag:$0x2] =	stream.indirect_vreg.gather [hbm4b:s2+s3], $0x80, v4, vm0, $0xb8;
	[tilespmem:$0x18400] =	vst v63  }
0x9a: {  	s18 =	simm.s32 $0xBC00  }
0x9b: {  	[tilespmem:s18], [sflag:$0x2] =	stream.indirect_vreg.gather [hbm4b:s2+s3], $0x80, v3, vm0, $0xb8;
	[tilespmem:$0x18400] =	vst v63  }
0x9c: {  	v3 =	vld [tilespmem:$0xC0];
	_ =	sdelay $0x4  }
0x9d: {  	v12 =	vshll.u32 v3, $0x1  }
0x9e: {  	v3 =	vand.u32 $0x7, v3;
	v4 =	vand.u32 $0xFFFFFFF0, v12  }
0x9f: {  	v3 =	vor.u32 v3, v4  }
0xa0: {  	v4 =	vperm.xlane v3, v0;
	_ =	sdelay $0x1  }
0xa1: {  	v3 =	vperm.xlane v3, v2;
	v4 =	vadd.s32 v1, v4;
	_ =	sdelay $0x1  }
0xa2: {  	v3 =	vadd.s32 v1, v3;
	_ =	sdelay $0x1  }
0xa3: {  	s1 =	simm.s32 $0xC400  }
0xa4: {  	[tilespmem:s1], [sflag:$0x2] =	stream.indirect_vreg.gather [hbm4b:s2+s3], $0x80, v4, vm0, $0xb8;
	[tilespmem:$0x18400] =	vst v63  }
0xa5: {  	s18 =	simm.s32 $0xCC00  }
0xa6: {  	[tilespmem:s18], [sflag:$0x2] =	stream.indirect_vreg.gather [hbm4b:s2+s3], $0x80, v3, vm0, $0xb8;
	[tilespmem:$0x18400] =	vst v63  }
0xa7: {  	v3 =	vld [tilespmem:$0xD0];
	_ =	sdelay $0x4  }
0xa8: {  	v13 =	vshll.u32 v3, $0x1  }
0xa9: {  	v3 =	vand.u32 $0x7, v3;
	v4 =	vand.u32 $0xFFFFFFF0, v13  }
0xaa: {  	v3 =	vor.u32 v3, v4  }
0xab: {  	v4 =	vperm.xlane v3, v0;
	_ =	sdelay $0x1  }
0xac: {  	v3 =	vperm.xlane v3, v2;
	v4 =	vadd.s32 v1, v4;
	_ =	sdelay $0x1  }
0xad: {  	v3 =	vadd.s32 v1, v3;
	_ =	sdelay $0x1  }
0xae: {  	s1 =	simm.s32 $0xD400  }
0xaf: {  	[tilespmem:s1], [sflag:$0x2] =	stream.indirect_vreg.gather [hbm4b:s2+s3], $0x80, v4, vm0, $0xb8;
	[tilespmem:$0x18400] =	vst v63  }
0xb0: {  	s18 =	simm.s32 $0xDC00  }
0xb1: {  	[tilespmem:s18], [sflag:$0x2] =	stream.indirect_vreg.gather [hbm4b:s2+s3], $0x80, v3, vm0, $0xb8;
	[tilespmem:$0x18400] =	vst v63  }
0xb2: {  	v3 =	vld [tilespmem:$0xE0];
	_ =	sdelay $0x4  }
0xb3: {  	v14 =	vshll.u32 v3, $0x1  }
0xb4: {  	v3 =	vand.u32 $0x7, v3;
	v4 =	vand.u32 $0xFFFFFFF0, v14  }
0xb5: {  	v3 =	vor.u32 v3, v4  }
0xb6: {  	v4 =	vperm.xlane v3, v0;
	_ =	sdelay $0x1  }
0xb7: {  	v3 =	vperm.xlane v3, v2;
	v4 =	vadd.s32 v1, v4;
	_ =	sdelay $0x1  }
0xb8: {  	v3 =	vadd.s32 v1, v3;
	_ =	sdelay $0x1  }
0xb9: {  	s1 =	simm.s32 $0xE400  }
0xba: {  	[tilespmem:s1], [sflag:$0x2] =	stream.indirect_vreg.gather [hbm4b:s2+s3], $0x80, v4, vm0, $0xb8;
	[tilespmem:$0x18400] =	vst v63  }
0xbb: {  	s18 =	simm.s32 $0xEC00  }
0xbc: {  	[tilespmem:s18], [sflag:$0x2] =	stream.indirect_vreg.gather [hbm4b:s2+s3], $0x80, v3, vm0, $0xb8;
	[tilespmem:$0x18400] =	vst v63  }
0xbd: {  	v3 =	vld [tilespmem:$0xF0];
	_ =	sdelay $0x4  }
0xbe: {  	v15 =	vshll.u32 v3, $0x1  }
0xbf: {  	v3 =	vand.u32 $0x7, v3;
	v4 =	vand.u32 $0xFFFFFFF0, v15  }
0xc0: {  	v3 =	vor.u32 v3, v4  }
0xc1: {  	v4 =	vperm.xlane v3, v0;
	_ =	sdelay $0x1  }
0xc2: {  	v3 =	vperm.xlane v3, v2;
	v4 =	vadd.s32 v1, v4;
	_ =	sdelay $0x1  }
0xc3: {  	v3 =	vadd.s32 v1, v3;
	_ =	sdelay $0x1  }
0xc4: {  	s1 =	simm.s32 $0xF400  }
0xc5: {  	[tilespmem:s1], [sflag:$0x2] =	stream.indirect_vreg.gather [hbm4b:s2+s3], $0x80, v4, vm0, $0xb8;
	[tilespmem:$0x18400] =	vst v63  }
0xc6: {  	s18 =	simm.s32 $0xFC00  }
0xc7: {  	[tilespmem:s18], [sflag:$0x2] =	stream.indirect_vreg.gather [hbm4b:s2+s3], $0x80, v3, vm0, $0xb8;
	[tilespmem:$0x18400] =	vst v63  }
0xc8: {  	v3 =	vld [tilespmem:$0x100];
	_ =	sdelay $0x4  }
0xc9: {  	v16 =	vshll.u32 v3, $0x1  }
0xca: {  	v3 =	vand.u32 $0x7, v3;
	v4 =	vand.u32 $0xFFFFFFF0, v16  }
0xcb: {  	v3 =	vor.u32 v3, v4  }
0xcc: {  	v4 =	vperm.xlane v3, v0;
	_ =	sdelay $0x1  }
0xcd: {  	v3 =	vperm.xlane v3, v2;
	v4 =	vadd.s32 v1, v4;
	_ =	sdelay $0x1  }
0xce: {  	v3 =	vadd.s32 v1, v3;
	_ =	sdelay $0x1  }
0xcf: {  	s0 =	simm.s32 $0x10400  }
0xd0: {  	[tilespmem:s0], [sflag:$0x3] =	stream.indirect_vreg.gather [hbm4b:s2+s3], $0x80, v4, vm0, $0xb8;
	[tilespmem:$0x18400] =	vst v63  }
0xd1: {  	_ = 	snop  }
0xd2: {  	[tilespmem:s6], [sflag:$0x3] =	stream.indirect_vreg.gather [hbm4b:s2+s3], $0x80, v3, vm0, $0xb8;
	[tilespmem:$0x18400] =	vst v63  }
0xd3: {  	v3 =	vld [tilespmem:$0x110];
	_ =	sdelay $0x4  }
0xd4: {  	v17 =	vshll.u32 v3, $0x1  }
0xd5: {  	v3 =	vand.u32 $0x7, v3;
	v4 =	vand.u32 $0xFFFFFFF0, v17  }
0xd6: {  	v3 =	vor.u32 v3, v4  }
0xd7: {  	v4 =	vperm.xlane v3, v0;
	_ =	sdelay $0x1  }
0xd8: {  	v3 =	vperm.xlane v3, v2;
	v4 =	vadd.s32 v1, v4;
	_ =	sdelay $0x1  }
0xd9: {  	v3 =	vadd.s32 v1, v3;
	_ =	sdelay $0x2  }
0xda: {  	[tilespmem:s9], [sflag:$0x3] =	stream.indirect_vreg.gather [hbm4b:s2+s3], $0x80, v4, vm0, $0xb8;
	[tilespmem:$0x18400] =	vst v63  }
0xdb: {  	_ = 	snop  }
0xdc: {  	[tilespmem:s10], [sflag:$0x3] =	stream.indirect_vreg.gather [hbm4b:s2+s3], $0x80, v3, vm0, $0xb8;
	[tilespmem:$0x18400] =	vst v63  }
0xdd: {  	v3 =	vld [tilespmem:$0x120];
	_ =	sdelay $0x4  }
0xde: {  	v18 =	vshll.u32 v3, $0x1  }
0xdf: {  	v3 =	vand.u32 $0x7, v3;
	v4 =	vand.u32 $0xFFFFFFF0, v18  }
0xe0: {  	v3 =	vor.u32 v3, v4  }
0xe1: {  	v4 =	vperm.xlane v3, v0;
	_ =	sdelay $0x1  }
0xe2: {  	v3 =	vperm.xlane v3, v2;
	v4 =	vadd.s32 v1, v4;
	_ =	sdelay $0x1  }
0xe3: {  	v3 =	vadd.s32 v1, v3;
	_ =	sdelay $0x2  }
0xe4: {  	[tilespmem:s11], [sflag:$0x3] =	stream.indirect_vreg.gather [hbm4b:s2+s3], $0x80, v4, vm0, $0xb8;
	[tilespmem:$0x18400] =	vst v63  }
0xe5: {  	s1 =	simm.s32 $0x12C00  }
0xe6: {  	[tilespmem:s1], [sflag:$0x3] =	stream.indirect_vreg.gather [hbm4b:s2+s3], $0x80, v3, vm0, $0xb8;
	[tilespmem:$0x18400] =	vst v63  }
0xe7: {  	v3 =	vld [tilespmem:$0x130];
	_ =	sdelay $0x4  }
0xe8: {  	v19 =	vshll.u32 v3, $0x1  }
0xe9: {  	v3 =	vand.u32 $0x7, v3;
	v4 =	vand.u32 $0xFFFFFFF0, v19  }
0xea: {  	v3 =	vor.u32 v3, v4  }
0xeb: {  	v4 =	vperm.xlane v3, v0;
	_ =	sdelay $0x1  }
0xec: {  	v3 =	vperm.xlane v3, v2;
	v4 =	vadd.s32 v1, v4;
	_ =	sdelay $0x1  }
0xed: {  	v3 =	vadd.s32 v1, v3;
	_ =	sdelay $0x2  }
0xee: {  	[tilespmem:s5], [sflag:$0x3] =	stream.indirect_vreg.gather [hbm4b:s2+s3], $0x80, v4, vm0, $0xb8;
	[tilespmem:$0x18400] =	vst v63  }
0xef: {  	_ = 	snop  }
0xf0: {  	[tilespmem:s7], [sflag:$0x3] =	stream.indirect_vreg.gather [hbm4b:s2+s3], $0x80, v3, vm0, $0xb8;
	[tilespmem:$0x18400] =	vst v63  }
0xf1: {  	v3 =	vld [tilespmem:$0x140];
	_ =	sdelay $0x4  }
0xf2: {  	v20 =	vshll.u32 v3, $0x1  }
0xf3: {  	v3 =	vand.u32 $0x7, v3;
	v4 =	vand.u32 $0xFFFFFFF0, v20  }
0xf4: {  	v3 =	vor.u32 v3, v4  }
0xf5: {  	v4 =	vperm.xlane v3, v0;
	_ =	sdelay $0x1  }
0xf6: {  	v3 =	vperm.xlane v3, v2;
	v4 =	vadd.s32 v1, v4;
	_ =	sdelay $0x1  }
0xf7: {  	v3 =	vadd.s32 v1, v3;
	_ =	sdelay $0x2  }
0xf8: {  	[tilespmem:s8], [sflag:$0x3] =	stream.indirect_vreg.gather [hbm4b:s2+s3], $0x80, v4, vm0, $0xb8;
	[tilespmem:$0x18400] =	vst v63  }
0xf9: {  	_ = 	snop  }
0xfa: {  	[tilespmem:s19], [sflag:$0x3] =	stream.indirect_vreg.gather [hbm4b:s2+s3], $0x80, v3, vm0, $0xb8;
	[tilespmem:$0x18400] =	vst v63  }
0xfb: {  	v3 =	vld [tilespmem:$0x150];
	_ =	sdelay $0x4  }
0xfc: {  	v21 =	vshll.u32 v3, $0x1  }
0xfd: {  	v3 =	vand.u32 $0x7, v3;
	v4 =	vand.u32 $0xFFFFFFF0, v21  }
0xfe: {  	v3 =	vor.u32 v3, v4  }
0xff: {  	v4 =	vperm.xlane v3, v0;
	_ =	sdelay $0x1  }
0x100: {  	v3 =	vperm.xlane v3, v2;
	v4 =	vadd.s32 v1, v4;
	_ =	sdelay $0x1  }
0x101: {  	v3 =	vadd.s32 v1, v3;
	_ =	sdelay $0x2  }
0x102: {  	[tilespmem:s20], [sflag:$0x3] =	stream.indirect_vreg.gather [hbm4b:s2+s3], $0x80, v4, vm0, $0xb8;
	[tilespmem:$0x18400] =	vst v63  }
0x103: {  	_ = 	snop  }
0x104: {  	[tilespmem:s21], [sflag:$0x3] =	stream.indirect_vreg.gather [hbm4b:s2+s3], $0x80, v3, vm0, $0xb8;
	[tilespmem:$0x18400] =	vst v63  }
0x105: {  	v3 =	vld [tilespmem:$0x160];
	_ =	sdelay $0x4  }
0x106: {  	v22 =	vshll.u32 v3, $0x1  }
0x107: {  	v3 =	vand.u32 $0x7, v3;
	v4 =	vand.u32 $0xFFFFFFF0, v22  }
0x108: {  	v3 =	vor.u32 v3, v4  }
0x109: {  	v4 =	vperm.xlane v3, v0;
	_ =	sdelay $0x1  }
0x10a: {  	v3 =	vperm.xlane v3, v2;
	v4 =	vadd.s32 v1, v4;
	_ =	sdelay $0x1  }
0x10b: {  	v3 =	vadd.s32 v1, v3;
	_ =	sdelay $0x2  }
0x10c: {  	[tilespmem:s23], [sflag:$0x3] =	stream.indirect_vreg.gather [hbm4b:s2+s3], $0x80, v4, vm0, $0xb8;
	[tilespmem:$0x18400] =	vst v63  }
0x10d: {  	_ = 	snop  }
0x10e: {  	[tilespmem:s24], [sflag:$0x3] =	stream.indirect_vreg.gather [hbm4b:s2+s3], $0x80, v3, vm0, $0xb8;
	[tilespmem:$0x18400] =	vst v63  }
0x10f: {  	v3 =	vld [tilespmem:$0x170];
	_ =	sdelay $0x4  }
0x110: {  	v23 =	vshll.u32 v3, $0x1  }
0x111: {  	v3 =	vand.u32 $0x7, v3;
	v4 =	vand.u32 $0xFFFFFFF0, v23  }
0x112: {  	v3 =	vor.u32 v3, v4  }
0x113: {  	v4 =	vperm.xlane v3, v0;
	_ =	sdelay $0x1  }
0x114: {  	v3 =	vperm.xlane v3, v2;
	v4 =	vadd.s32 v1, v4;
	_ =	sdelay $0x1  }
0x115: {  	v3 =	vadd.s32 v1, v3;
	_ =	sdelay $0x2  }
0x116: {  	[tilespmem:s25], [sflag:$0x3] =	stream.indirect_vreg.gather [hbm4b:s2+s3], $0x80, v4, vm0, $0xb8;
	[tilespmem:$0x18400] =	vst v63  }
0x117: {  	_ = 	snop  }
0x118: {  	[tilespmem:s26], [sflag:$0x3] =	stream.indirect_vreg.gather [hbm4b:s2+s3], $0x80, v3, vm0, $0xb8;
	[tilespmem:$0x18400] =	vst v63  }
0x119: {  	_ =	swait.ge [sflag:s12], $0x8000  }
0x11a: {  	[sflag:s12] =	ssyncset.done $0x0  }
0x11b: {  	s18 =	rddreg [dreg:$0x4];
	[sflag:s12] =	ssyncadd.s32 $0xFFFF8000  }
0x11c: {  	[hbm4b:s18+s3] =	stream.linear.scatter [tilespmem:s28], [sflag:$0x4], $0x8000, $0x38;
	[tilespmem:$0x18400] =	vst v63  }
0x11d: {  	_ =	swait.ge [sflag:s13], $0x8000  }
0x11e: {  	[sflag:s13] =	ssyncset.done $0x0  }
0x11f: {  	[sflag:s13] =	ssyncadd.s32 $0xFFFF8000  }
0x120: {  	v3 =	vld [tilespmem:$0x180];
	_ =	sdelay $0x4  }
0x121: {  	v24 =	vshll.u32 v3, $0x1  }
0x122: {  	v3 =	vand.u32 $0x7, v3;
	v4 =	vand.u32 $0xFFFFFFF0, v24  }
0x123: {  	v3 =	vor.u32 v3, v4  }
0x124: {  	v4 =	vperm.xlane v3, v0;
	_ =	sdelay $0x1  }
0x125: {  	v3 =	vperm.xlane v3, v2;
	v4 =	vadd.s32 v1, v4;
	_ =	sdelay $0x1  }
0x126: {  	v3 =	vadd.s32 v1, v3;
	_ =	sdelay $0x2  }
0x127: {  	[tilespmem:s28], [sflag:$0x1] =	stream.indirect_vreg.gather [hbm4b:s2+s3], $0x80, v4, vm0, $0xb8;
	[tilespmem:$0x18400] =	vst v63  }
0x128: {  	s18 =	simm.s32 $0xC00  }
0x129: {  	[tilespmem:s18], [sflag:$0x1] =	stream.indirect_vreg.gather [hbm4b:s2+s3], $0x80, v3, vm0, $0xb8;
	[tilespmem:$0x18400] =	vst v63  }
0x12a: {  	v3 =	vld [tilespmem:$0x190];
	_ =	sdelay $0x4  }
0x12b: {  	v25 =	vshll.u32 v3, $0x1  }
0x12c: {  	v3 =	vand.u32 $0x7, v3;
	v4 =	vand.u32 $0xFFFFFFF0, v25  }
0x12d: {  	v3 =	vor.u32 v3, v4  }
0x12e: {  	v4 =	vperm.xlane v3, v0;
	_ =	sdelay $0x1  }
0x12f: {  	v3 =	vperm.xlane v3, v2;
	v4 =	vadd.s32 v1, v4;
	_ =	sdelay $0x1  }
0x130: {  	v3 =	vadd.s32 v1, v3;
	_ =	sdelay $0x1  }
0x131: {  	s18 =	simm.s32 $0x1400  }
0x132: {  	[tilespmem:s18], [sflag:$0x1] =	stream.indirect_vreg.gather [hbm4b:s2+s3], $0x80, v4, vm0, $0xb8;
	[tilespmem:$0x18400] =	vst v63  }
0x133: {  	s18 =	simm.s32 $0x1C00  }
0x134: {  	[tilespmem:s18], [sflag:$0x1] =	stream.indirect_vreg.gather [hbm4b:s2+s3], $0x80, v3, vm0, $0xb8;
	[tilespmem:$0x18400] =	vst v63  }
0x135: {  	v3 =	vld [tilespmem:$0x1A0];
	_ =	sdelay $0x4  }
0x136: {  	v26 =	vshll.u32 v3, $0x1  }
0x137: {  	v3 =	vand.u32 $0x7, v3;
	v4 =	vand.u32 $0xFFFFFFF0, v26  }
0x138: {  	v3 =	vor.u32 v3, v4  }
0x139: {  	v4 =	vperm.xlane v3, v0;
	_ =	sdelay $0x1  }
0x13a: {  	v3 =	vperm.xlane v3, v2;
	v4 =	vadd.s32 v1, v4;
	_ =	sdelay $0x1  }
0x13b: {  	v3 =	vadd.s32 v1, v3;
	_ =	sdelay $0x1  }
0x13c: {  	s18 =	simm.s32 $0x2400  }
0x13d: {  	[tilespmem:s18], [sflag:$0x1] =	stream.indirect_vreg.gather [hbm4b:s2+s3], $0x80, v4, vm0, $0xb8;
	[tilespmem:$0x18400] =	vst v63  }
0x13e: {  	s18 =	simm.s32 $0x2C00  }
0x13f: {  	[tilespmem:s18], [sflag:$0x1] =	stream.indirect_vreg.gather [hbm4b:s2+s3], $0x80, v3, vm0, $0xb8;
	[tilespmem:$0x18400] =	vst v63  }
0x140: {  	v3 =	vld [tilespmem:$0x1B0];
	_ =	sdelay $0x4  }
0x141: {  	v27 =	vshll.u32 v3, $0x1  }
0x142: {  	v3 =	vand.u32 $0x7, v3;
	v4 =	vand.u32 $0xFFFFFFF0, v27  }
0x143: {  	v3 =	vor.u32 v3, v4  }
0x144: {  	v4 =	vperm.xlane v3, v0;
	_ =	sdelay $0x1  }
0x145: {  	v3 =	vperm.xlane v3, v2;
	v4 =	vadd.s32 v1, v4;
	_ =	sdelay $0x1  }
0x146: {  	v3 =	vadd.s32 v1, v3;
	_ =	sdelay $0x1  }
0x147: {  	s18 =	simm.s32 $0x3400  }
0x148: {  	[tilespmem:s18], [sflag:$0x1] =	stream.indirect_vreg.gather [hbm4b:s2+s3], $0x80, v4, vm0, $0xb8;
	[tilespmem:$0x18400] =	vst v63  }
0x149: {  	s18 =	simm.s32 $0x3C00  }
0x14a: {  	[tilespmem:s18], [sflag:$0x1] =	stream.indirect_vreg.gather [hbm4b:s2+s3], $0x80, v3, vm0, $0xb8;
	[tilespmem:$0x18400] =	vst v63  }
0x14b: {  	v3 =	vld [tilespmem:$0x1C0];
	_ =	sdelay $0x4  }
0x14c: {  	v28 =	vshll.u32 v3, $0x1  }
0x14d: {  	v3 =	vand.u32 $0x7, v3;
	v4 =	vand.u32 $0xFFFFFFF0, v28  }
0x14e: {  	v3 =	vor.u32 v3, v4  }
0x14f: {  	v4 =	vperm.xlane v3, v0;
	_ =	sdelay $0x1  }
0x150: {  	v3 =	vperm.xlane v3, v2;
	v4 =	vadd.s32 v1, v4;
	_ =	sdelay $0x1  }
0x151: {  	v3 =	vadd.s32 v1, v3;
	_ =	sdelay $0x1  }
0x152: {  	s18 =	simm.s32 $0x4400  }
0x153: {  	[tilespmem:s18], [sflag:$0x1] =	stream.indirect_vreg.gather [hbm4b:s2+s3], $0x80, v4, vm0, $0xb8;
	[tilespmem:$0x18400] =	vst v63  }
0x154: {  	_ = 	snop  }
0x155: {  	[tilespmem:s29], [sflag:$0x1] =	stream.indirect_vreg.gather [hbm4b:s2+s3], $0x80, v3, vm0, $0xb8;
	[tilespmem:$0x18400] =	vst v63  }
0x156: {  	v3 =	vld [tilespmem:$0x1D0];
	_ =	sdelay $0x4  }
0x157: {  	v29 =	vshll.u32 v3, $0x1  }
0x158: {  	v3 =	vand.u32 $0x7, v3;
	v4 =	vand.u32 $0xFFFFFFF0, v29  }
0x159: {  	v3 =	vor.u32 v3, v4  }
0x15a: {  	v4 =	vperm.xlane v3, v0;
	_ =	sdelay $0x1  }
0x15b: {  	v3 =	vperm.xlane v3, v2;
	v4 =	vadd.s32 v1, v4;
	_ =	sdelay $0x1  }
0x15c: {  	v3 =	vadd.s32 v1, v3;
	_ =	sdelay $0x2  }
0x15d: {  	[tilespmem:s30], [sflag:$0x1] =	stream.indirect_vreg.gather [hbm4b:s2+s3], $0x80, v4, vm0, $0xb8;
	[tilespmem:$0x18400] =	vst v63  }
0x15e: {  	_ = 	snop  }
0x15f: {  	[tilespmem:s31], [sflag:$0x1] =	stream.indirect_vreg.gather [hbm4b:s2+s3], $0x80, v3, vm0, $0xb8;
	[tilespmem:$0x18400] =	vst v63  }
0x160: {  	v3 =	vld [tilespmem:$0x1E0];
	_ =	sdelay $0x4  }
0x161: {  	v30 =	vshll.u32 v3, $0x1  }
0x162: {  	v3 =	vand.u32 $0x7, v3;
	v4 =	vand.u32 $0xFFFFFFF0, v30  }
0x163: {  	v3 =	vor.u32 v3, v4  }
0x164: {  	v4 =	vperm.xlane v3, v0;
	_ =	sdelay $0x1  }
0x165: {  	v3 =	vperm.xlane v3, v2;
	v4 =	vadd.s32 v1, v4;
	_ =	sdelay $0x1  }
0x166: {  	v3 =	vadd.s32 v1, v3;
	_ =	sdelay $0x1  }
0x167: {  	s18 =	simm.s32 $0x6400  }
0x168: {  	[tilespmem:s18], [sflag:$0x1] =	stream.indirect_vreg.gather [hbm4b:s2+s3], $0x80, v4, vm0, $0xb8;
	[tilespmem:$0x18400] =	vst v63  }
0x169: {  	s18 =	simm.s32 $0x6C00  }
0x16a: {  	[tilespmem:s18], [sflag:$0x1] =	stream.indirect_vreg.gather [hbm4b:s2+s3], $0x80, v3, vm0, $0xb8;
	[tilespmem:$0x18400] =	vst v63  }
0x16b: {  	v3 =	vld [tilespmem:$0x1F0];
	_ =	sdelay $0x4  }
0x16c: {  	v31 =	vshll.u32 v3, $0x1  }
0x16d: {  	v3 =	vand.u32 $0x7, v3;
	v4 =	vand.u32 $0xFFFFFFF0, v31  }
0x16e: {  	v3 =	vor.u32 v3, v4  }
0x16f: {  	v4 =	vperm.xlane v3, v0;
	_ =	sdelay $0x1  }
0x170: {  	v3 =	vperm.xlane v3, v2;
	v4 =	vadd.s32 v1, v4;
	_ =	sdelay $0x1  }
0x171: {  	v3 =	vadd.s32 v1, v3;
	_ =	sdelay $0x1  }
0x172: {  	s18 =	simm.s32 $0x7400  }
0x173: {  	[tilespmem:s18], [sflag:$0x1] =	stream.indirect_vreg.gather [hbm4b:s2+s3], $0x80, v4, vm0, $0xb8;
	[tilespmem:$0x18400] =	vst v63  }
0x174: {  	s18 =	simm.s32 $0x7C00  }
0x175: {  	[tilespmem:s18], [sflag:$0x1] =	stream.indirect_vreg.gather [hbm4b:s2+s3], $0x80, v3, vm0, $0xb8;
	[tilespmem:$0x18400] =	vst v63  }
0x176: {  	_ =	swait.ge [sflag:s14], $0x8000  }
0x177: {  	[sflag:s14] =	ssyncset.done $0x0  }
0x178: {  	s18 =	rddreg [dreg:$0x5];
	[sflag:s14] =	ssyncadd.s32 $0xFFFF8000  }
0x179: {  	[hbm4b:s18+s3] =	stream.linear.scatter [tilespmem:s22], [sflag:$0x5], $0x8000, $0x38;
	[tilespmem:$0x18400] =	vst v63  }
0x17a: {  	_ =	swait.ge [sflag:s15], $0x8000  }
0x17b: {  	[sflag:s15] =	ssyncset.done $0x0  }
0x17c: {  	[sflag:s15] =	ssyncadd.s32 $0xFFFF8000  }
0x17d: {  	v3 =	vld [tilespmem:$0x200];
	_ =	sdelay $0x4  }
0x17e: {  	v32 =	vshll.u32 v3, $0x1  }
0x17f: {  	v3 =	vand.u32 $0x7, v3;
	v4 =	vand.u32 $0xFFFFFFF0, v32  }
0x180: {  	v3 =	vor.u32 v3, v4  }
0x181: {  	v4 =	vperm.xlane v3, v0;
	_ =	sdelay $0x1  }
0x182: {  	v3 =	vperm.xlane v3, v2;
	v4 =	vadd.s32 v1, v4;
	_ =	sdelay $0x1  }
0x183: {  	v3 =	vadd.s32 v1, v3;
	_ =	sdelay $0x2  }
0x184: {  	[tilespmem:s22], [sflag:$0x2] =	stream.indirect_vreg.gather [hbm4b:s2+s3], $0x80, v4, vm0, $0xb8;
	[tilespmem:$0x18400] =	vst v63  }
0x185: {  	s18 =	simm.s32 $0x8C00  }
0x186: {  	[tilespmem:s18], [sflag:$0x2] =	stream.indirect_vreg.gather [hbm4b:s2+s3], $0x80, v3, vm0, $0xb8;
	[tilespmem:$0x18400] =	vst v63  }
0x187: {  	v3 =	vld [tilespmem:$0x210];
	_ =	sdelay $0x4  }
0x188: {  	v33 =	vshll.u32 v3, $0x1  }
0x189: {  	v3 =	vand.u32 $0x7, v3;
	v4 =	vand.u32 $0xFFFFFFF0, v33  }
0x18a: {  	v3 =	vor.u32 v3, v4  }
0x18b: {  	v4 =	vperm.xlane v3, v0;
	_ =	sdelay $0x1  }
0x18c: {  	v3 =	vperm.xlane v3, v2;
	v4 =	vadd.s32 v1, v4;
	_ =	sdelay $0x1  }
0x18d: {  	v3 =	vadd.s32 v1, v3;
	_ =	sdelay $0x1  }
0x18e: {  	s18 =	simm.s32 $0x9400  }
0x18f: {  	[tilespmem:s18], [sflag:$0x2] =	stream.indirect_vreg.gather [hbm4b:s2+s3], $0x80, v4, vm0, $0xb8;
	[tilespmem:$0x18400] =	vst v63  }
0x190: {  	s18 =	simm.s32 $0x9C00  }
0x191: {  	[tilespmem:s18], [sflag:$0x2] =	stream.indirect_vreg.gather [hbm4b:s2+s3], $0x80, v3, vm0, $0xb8;
	[tilespmem:$0x18400] =	vst v63  }
0x192: {  	v3 =	vld [tilespmem:$0x220];
	_ =	sdelay $0x4  }
0x193: {  	v34 =	vshll.u32 v3, $0x1  }
0x194: {  	v3 =	vand.u32 $0x7, v3;
	v4 =	vand.u32 $0xFFFFFFF0, v34  }
0x195: {  	v3 =	vor.u32 v3, v4  }
0x196: {  	v4 =	vperm.xlane v3, v0;
	_ =	sdelay $0x1  }
0x197: {  	v3 =	vperm.xlane v3, v2;
	v4 =	vadd.s32 v1, v4;
	_ =	sdelay $0x1  }
0x198: {  	v3 =	vadd.s32 v1, v3;
	_ =	sdelay $0x1  }
0x199: {  	s18 =	simm.s32 $0xA400  }
0x19a: {  	[tilespmem:s18], [sflag:$0x2] =	stream.indirect_vreg.gather [hbm4b:s2+s3], $0x80, v4, vm0, $0xb8;
	[tilespmem:$0x18400] =	vst v63  }
0x19b: {  	s18 =	simm.s32 $0xAC00  }
0x19c: {  	[tilespmem:s18], [sflag:$0x2] =	stream.indirect_vreg.gather [hbm4b:s2+s3], $0x80, v3, vm0, $0xb8;
	[tilespmem:$0x18400] =	vst v63  }
0x19d: {  	v3 =	vld [tilespmem:$0x230];
	_ =	sdelay $0x4  }
0x19e: {  	v35 =	vshll.u32 v3, $0x1  }
0x19f: {  	v3 =	vand.u32 $0x7, v3;
	v4 =	vand.u32 $0xFFFFFFF0, v35  }
0x1a0: {  	v3 =	vor.u32 v3, v4  }
0x1a1: {  	v4 =	vperm.xlane v3, v0;
	_ =	sdelay $0x1  }
0x1a2: {  	v3 =	vperm.xlane v3, v2;
	v4 =	vadd.s32 v1, v4;
	_ =	sdelay $0x1  }
0x1a3: {  	v3 =	vadd.s32 v1, v3;
	_ =	sdelay $0x1  }
0x1a4: {  	s18 =	simm.s32 $0xB400  }
0x1a5: {  	[tilespmem:s18], [sflag:$0x2] =	stream.indirect_vreg.gather [hbm4b:s2+s3], $0x80, v4, vm0, $0xb8;
	[tilespmem:$0x18400] =	vst v63  }
0x1a6: {  	s18 =	simm.s32 $0xBC00  }
0x1a7: {  	[tilespmem:s18], [sflag:$0x2] =	stream.indirect_vreg.gather [hbm4b:s2+s3], $0x80, v3, vm0, $0xb8;
	[tilespmem:$0x18400] =	vst v63  }
0x1a8: {  	v3 =	vld [tilespmem:$0x240];
	_ =	sdelay $0x4  }
0x1a9: {  	v36 =	vshll.u32 v3, $0x1  }
0x1aa: {  	v3 =	vand.u32 $0x7, v3;
	v4 =	vand.u32 $0xFFFFFFF0, v36  }
0x1ab: {  	v3 =	vor.u32 v3, v4  }
0x1ac: {  	v4 =	vperm.xlane v3, v0;
	_ =	sdelay $0x1  }
0x1ad: {  	v3 =	vperm.xlane v3, v2;
	v4 =	vadd.s32 v1, v4;
	_ =	sdelay $0x1  }
0x1ae: {  	v3 =	vadd.s32 v1, v3;
	_ =	sdelay $0x1  }
0x1af: {  	s18 =	simm.s32 $0xC400  }
0x1b0: {  	[tilespmem:s18], [sflag:$0x2] =	stream.indirect_vreg.gather [hbm4b:s2+s3], $0x80, v4, vm0, $0xb8;
	[tilespmem:$0x18400] =	vst v63  }
0x1b1: {  	s18 =	simm.s32 $0xCC00  }
0x1b2: {  	[tilespmem:s18], [sflag:$0x2] =	stream.indirect_vreg.gather [hbm4b:s2+s3], $0x80, v3, vm0, $0xb8;
	[tilespmem:$0x18400] =	vst v63  }
0x1b3: {  	v3 =	vld [tilespmem:$0x250];
	_ =	sdelay $0x4  }
0x1b4: {  	v37 =	vshll.u32 v3, $0x1  }
0x1b5: {  	v3 =	vand.u32 $0x7, v3;
	v4 =	vand.u32 $0xFFFFFFF0, v37  }
0x1b6: {  	v3 =	vor.u32 v3, v4  }
0x1b7: {  	v4 =	vperm.xlane v3, v0;
	_ =	sdelay $0x1  }
0x1b8: {  	v3 =	vperm.xlane v3, v2;
	v4 =	vadd.s32 v1, v4;
	_ =	sdelay $0x1  }
0x1b9: {  	v3 =	vadd.s32 v1, v3;
	_ =	sdelay $0x1  }
0x1ba: {  	s18 =	simm.s32 $0xD400  }
0x1bb: {  	[tilespmem:s18], [sflag:$0x2] =	stream.indirect_vreg.gather [hbm4b:s2+s3], $0x80, v4, vm0, $0xb8;
	[tilespmem:$0x18400] =	vst v63  }
0x1bc: {  	s18 =	simm.s32 $0xDC00  }
0x1bd: {  	[tilespmem:s18], [sflag:$0x2] =	stream.indirect_vreg.gather [hbm4b:s2+s3], $0x80, v3, vm0, $0xb8;
	[tilespmem:$0x18400] =	vst v63  }
0x1be: {  	v3 =	vld [tilespmem:$0x260];
	_ =	sdelay $0x4  }
0x1bf: {  	v38 =	vshll.u32 v3, $0x1  }
0x1c0: {  	v3 =	vand.u32 $0x7, v3;
	v4 =	vand.u32 $0xFFFFFFF0, v38  }
0x1c1: {  	v3 =	vor.u32 v3, v4  }
0x1c2: {  	v4 =	vperm.xlane v3, v0;
	_ =	sdelay $0x1  }
0x1c3: {  	v3 =	vperm.xlane v3, v2;
	v4 =	vadd.s32 v1, v4;
	_ =	sdelay $0x1  }
0x1c4: {  	v3 =	vadd.s32 v1, v3;
	_ =	sdelay $0x1  }
0x1c5: {  	s18 =	simm.s32 $0xE400  }
0x1c6: {  	[tilespmem:s18], [sflag:$0x2] =	stream.indirect_vreg.gather [hbm4b:s2+s3], $0x80, v4, vm0, $0xb8;
	[tilespmem:$0x18400] =	vst v63  }
0x1c7: {  	s18 =	simm.s32 $0xEC00  }
0x1c8: {  	[tilespmem:s18], [sflag:$0x2] =	stream.indirect_vreg.gather [hbm4b:s2+s3], $0x80, v3, vm0, $0xb8;
	[tilespmem:$0x18400] =	vst v63  }
0x1c9: {  	v3 =	vld [tilespmem:$0x270];
	_ =	sdelay $0x4  }
0x1ca: {  	v39 =	vshll.u32 v3, $0x1  }
0x1cb: {  	v3 =	vand.u32 $0x7, v3;
	v4 =	vand.u32 $0xFFFFFFF0, v39  }
0x1cc: {  	v3 =	vor.u32 v3, v4  }
0x1cd: {  	v4 =	vperm.xlane v3, v0;
	_ =	sdelay $0x1  }
0x1ce: {  	v3 =	vperm.xlane v3, v2;
	v4 =	vadd.s32 v1, v4;
	_ =	sdelay $0x1  }
0x1cf: {  	v3 =	vadd.s32 v1, v3;
	_ =	sdelay $0x1  }
0x1d0: {  	s18 =	simm.s32 $0xF400  }
0x1d1: {  	[tilespmem:s18], [sflag:$0x2] =	stream.indirect_vreg.gather [hbm4b:s2+s3], $0x80, v4, vm0, $0xb8;
	[tilespmem:$0x18400] =	vst v63  }
0x1d2: {  	s18 =	simm.s32 $0xFC00  }
0x1d3: {  	[tilespmem:s18], [sflag:$0x2] =	stream.indirect_vreg.gather [hbm4b:s2+s3], $0x80, v3, vm0, $0xb8;
	[tilespmem:$0x18400] =	vst v63  }
0x1d4: {  	_ =	swait.ge [sflag:s16], $0x8000  }
0x1d5: {  	[sflag:s16] =	ssyncset.done $0x0  }
0x1d6: {  	s18 =	rddreg [dreg:$0x6];
	[sflag:s16] =	ssyncadd.s32 $0xFFFF8000  }
0x1d7: {  	[hbm4b:s18+s3] =	stream.linear.scatter [tilespmem:s0], [sflag:$0x6], $0x8000, $0x38;
	[tilespmem:$0x18400] =	vst v63  }
0x1d8: {  	_ =	swait.ge [sflag:s17], $0x8000  }
0x1d9: {  	[sflag:s17] =	ssyncset.done $0x0  }
0x1da: {  	[sflag:s17] =	ssyncadd.s32 $0xFFFF8000  }
0x1db: {  	v3 =	vld [tilespmem:$0x280];
	_ =	sdelay $0x4  }
0x1dc: {  	v40 =	vshll.u32 v3, $0x1  }
0x1dd: {  	v3 =	vand.u32 $0x7, v3;
	v4 =	vand.u32 $0xFFFFFFF0, v40  }
0x1de: {  	v3 =	vor.u32 v3, v4  }
0x1df: {  	v4 =	vperm.xlane v3, v0;
	_ =	sdelay $0x1  }
0x1e0: {  	v3 =	vperm.xlane v3, v2;
	v4 =	vadd.s32 v1, v4;
	_ =	sdelay $0x1  }
0x1e1: {  	v3 =	vadd.s32 v1, v3;
	_ =	sdelay $0x2  }
0x1e2: {  	[tilespmem:s0], [sflag:$0x3] =	stream.indirect_vreg.gather [hbm4b:s2+s3], $0x80, v4, vm0, $0xb8;
	[tilespmem:$0x18400] =	vst v63  }
0x1e3: {  	_ = 	snop  }
0x1e4: {  	[tilespmem:s6], [sflag:$0x3] =	stream.indirect_vreg.gather [hbm4b:s2+s3], $0x80, v3, vm0, $0xb8;
	[tilespmem:$0x18400] =	vst v63  }
0x1e5: {  	v3 =	vld [tilespmem:$0x290];
	_ =	sdelay $0x4  }
0x1e6: {  	v41 =	vshll.u32 v3, $0x1  }
0x1e7: {  	v3 =	vand.u32 $0x7, v3;
	v4 =	vand.u32 $0xFFFFFFF0, v41  }
0x1e8: {  	v3 =	vor.u32 v3, v4  }
0x1e9: {  	v4 =	vperm.xlane v3, v0;
	_ =	sdelay $0x1  }
0x1ea: {  	v3 =	vperm.xlane v3, v2;
	v4 =	vadd.s32 v1, v4;
	_ =	sdelay $0x1  }
0x1eb: {  	v3 =	vadd.s32 v1, v3;
	_ =	sdelay $0x2  }
0x1ec: {  	[tilespmem:s9], [sflag:$0x3] =	stream.indirect_vreg.gather [hbm4b:s2+s3], $0x80, v4, vm0, $0xb8;
	[tilespmem:$0x18400] =	vst v63  }
0x1ed: {  	_ = 	snop  }
0x1ee: {  	[tilespmem:s10], [sflag:$0x3] =	stream.indirect_vreg.gather [hbm4b:s2+s3], $0x80, v3, vm0, $0xb8;
	[tilespmem:$0x18400] =	vst v63  }
0x1ef: {  	v3 =	vld [tilespmem:$0x2A0];
	_ =	sdelay $0x4  }
0x1f0: {  	v42 =	vshll.u32 v3, $0x1  }
0x1f1: {  	v3 =	vand.u32 $0x7, v3;
	v4 =	vand.u32 $0xFFFFFFF0, v42  }
0x1f2: {  	v3 =	vor.u32 v3, v4  }
0x1f3: {  	v4 =	vperm.xlane v3, v0;
	_ =	sdelay $0x1  }
0x1f4: {  	v3 =	vperm.xlane v3, v2;
	v4 =	vadd.s32 v1, v4;
	_ =	sdelay $0x1  }
0x1f5: {  	v3 =	vadd.s32 v1, v3;
	_ =	sdelay $0x2  }
0x1f6: {  	[tilespmem:s11], [sflag:$0x3] =	stream.indirect_vreg.gather [hbm4b:s2+s3], $0x80, v4, vm0, $0xb8;
	[tilespmem:$0x18400] =	vst v63  }
0x1f7: {  	_ = 	snop  }
0x1f8: {  	[tilespmem:s1], [sflag:$0x3] =	stream.indirect_vreg.gather [hbm4b:s2+s3], $0x80, v3, vm0, $0xb8;
	[tilespmem:$0x18400] =	vst v63  }
0x1f9: {  	v3 =	vld [tilespmem:$0x2B0];
	_ =	sdelay $0x4  }
0x1fa: {  	v43 =	vshll.u32 v3, $0x1  }
0x1fb: {  	v3 =	vand.u32 $0x7, v3;
	v4 =	vand.u32 $0xFFFFFFF0, v43  }
0x1fc: {  	v3 =	vor.u32 v3, v4  }
0x1fd: {  	v4 =	vperm.xlane v3, v0;
	_ =	sdelay $0x1  }
0x1fe: {  	v3 =	vperm.xlane v3, v2;
	v4 =	vadd.s32 v1, v4;
	_ =	sdelay $0x1  }
0x1ff: {  	v3 =	vadd.s32 v1, v3;
	_ =	sdelay $0x2  }
0x200: {  	[tilespmem:s5], [sflag:$0x3] =	stream.indirect_vreg.gather [hbm4b:s2+s3], $0x80, v4, vm0, $0xb8;
	[tilespmem:$0x18400] =	vst v63  }
0x201: {  	_ = 	snop  }
0x202: {  	[tilespmem:s7], [sflag:$0x3] =	stream.indirect_vreg.gather [hbm4b:s2+s3], $0x80, v3, vm0, $0xb8;
	[tilespmem:$0x18400] =	vst v63  }
0x203: {  	v3 =	vld [tilespmem:$0x2C0];
	_ =	sdelay $0x4  }
0x204: {  	v44 =	vshll.u32 v3, $0x1  }
0x205: {  	v3 =	vand.u32 $0x7, v3;
	v4 =	vand.u32 $0xFFFFFFF0, v44  }
0x206: {  	v3 =	vor.u32 v3, v4  }
0x207: {  	v4 =	vperm.xlane v3, v0;
	_ =	sdelay $0x1  }
0x208: {  	v3 =	vperm.xlane v3, v2;
	v4 =	vadd.s32 v1, v4;
	_ =	sdelay $0x1  }
0x209: {  	v3 =	vadd.s32 v1, v3;
	_ =	sdelay $0x2  }
0x20a: {  	[tilespmem:s8], [sflag:$0x3] =	stream.indirect_vreg.gather [hbm4b:s2+s3], $0x80, v4, vm0, $0xb8;
	[tilespmem:$0x18400] =	vst v63  }
0x20b: {  	_ = 	snop  }
0x20c: {  	[tilespmem:s19], [sflag:$0x3] =	stream.indirect_vreg.gather [hbm4b:s2+s3], $0x80, v3, vm0, $0xb8;
	[tilespmem:$0x18400] =	vst v63  }
0x20d: {  	v3 =	vld [tilespmem:$0x2D0];
	_ =	sdelay $0x4  }
0x20e: {  	v45 =	vshll.u32 v3, $0x1  }
0x20f: {  	v3 =	vand.u32 $0x7, v3;
	v4 =	vand.u32 $0xFFFFFFF0, v45  }
0x210: {  	v3 =	vor.u32 v3, v4  }
0x211: {  	v4 =	vperm.xlane v3, v0;
	_ =	sdelay $0x1  }
0x212: {  	v3 =	vperm.xlane v3, v2;
	v4 =	vadd.s32 v1, v4;
	_ =	sdelay $0x1  }
0x213: {  	v3 =	vadd.s32 v1, v3;
	_ =	sdelay $0x2  }
0x214: {  	[tilespmem:s20], [sflag:$0x3] =	stream.indirect_vreg.gather [hbm4b:s2+s3], $0x80, v4, vm0, $0xb8;
	[tilespmem:$0x18400] =	vst v63  }
0x215: {  	_ = 	snop  }
0x216: {  	[tilespmem:s21], [sflag:$0x3] =	stream.indirect_vreg.gather [hbm4b:s2+s3], $0x80, v3, vm0, $0xb8;
	[tilespmem:$0x18400] =	vst v63  }
0x217: {  	v3 =	vld [tilespmem:$0x2E0];
	_ =	sdelay $0x4  }
0x218: {  	v46 =	vshll.u32 v3, $0x1  }
0x219: {  	v3 =	vand.u32 $0x7, v3;
	v4 =	vand.u32 $0xFFFFFFF0, v46  }
0x21a: {  	v3 =	vor.u32 v3, v4  }
0x21b: {  	v4 =	vperm.xlane v3, v0;
	_ =	sdelay $0x1  }
0x21c: {  	v3 =	vperm.xlane v3, v2;
	v4 =	vadd.s32 v1, v4;
	_ =	sdelay $0x1  }
0x21d: {  	v3 =	vadd.s32 v1, v3;
	_ =	sdelay $0x2  }
0x21e: {  	[tilespmem:s23], [sflag:$0x3] =	stream.indirect_vreg.gather [hbm4b:s2+s3], $0x80, v4, vm0, $0xb8;
	[tilespmem:$0x18400] =	vst v63  }
0x21f: {  	_ = 	snop  }
0x220: {  	[tilespmem:s24], [sflag:$0x3] =	stream.indirect_vreg.gather [hbm4b:s2+s3], $0x80, v3, vm0, $0xb8;
	[tilespmem:$0x18400] =	vst v63  }
0x221: {  	v3 =	vld [tilespmem:$0x2F0];
	_ =	sdelay $0x4  }
0x222: {  	v47 =	vshll.u32 v3, $0x1  }
0x223: {  	v3 =	vand.u32 $0x7, v3;
	v4 =	vand.u32 $0xFFFFFFF0, v47  }
0x224: {  	v3 =	vor.u32 v3, v4  }
0x225: {  	v4 =	vperm.xlane v3, v0;
	_ =	sdelay $0x1  }
0x226: {  	v3 =	vperm.xlane v3, v2;
	v4 =	vadd.s32 v1, v4;
	_ =	sdelay $0x1  }
0x227: {  	v3 =	vadd.s32 v1, v3;
	_ =	sdelay $0x2  }
0x228: {  	[tilespmem:s25], [sflag:$0x3] =	stream.indirect_vreg.gather [hbm4b:s2+s3], $0x80, v4, vm0, $0xb8;
	[tilespmem:$0x18400] =	vst v63  }
0x229: {  	_ = 	snop  }
0x22a: {  	[tilespmem:s26], [sflag:$0x3] =	stream.indirect_vreg.gather [hbm4b:s2+s3], $0x80, v3, vm0, $0xb8;
	[tilespmem:$0x18400] =	vst v63  }
0x22b: {  	_ =	swait.ge [sflag:s12], $0x8000  }
0x22c: {  	[sflag:s12] =	ssyncset.done $0x0  }
0x22d: {  	s1 =	rddreg [dreg:$0x7];
	[sflag:s12] =	ssyncadd.s32 $0xFFFF8000  }
0x22e: {  	[hbm4b:s1+s3] =	stream.linear.scatter [tilespmem:s28], [sflag:$0x4], $0x8000, $0x38;
	[tilespmem:$0x18400] =	vst v63  }
0x22f: {  	_ =	swait.ge [sflag:s13], $0x8000  }
0x230: {  	[sflag:s13] =	ssyncset.done $0x0  }
0x231: {  	[sflag:s13] =	ssyncadd.s32 $0xFFFF8000  }
0x232: {  	v3 =	vld [tilespmem:$0x300];
	_ =	sdelay $0x4  }
0x233: {  	v48 =	vshll.u32 v3, $0x1  }
0x234: {  	v3 =	vand.u32 $0x7, v3;
	v4 =	vand.u32 $0xFFFFFFF0, v48  }
0x235: {  	v3 =	vor.u32 v3, v4  }
0x236: {  	v4 =	vperm.xlane v3, v0;
	_ =	sdelay $0x1  }
0x237: {  	v3 =	vperm.xlane v3, v2;
	v4 =	vadd.s32 v1, v4;
	_ =	sdelay $0x1  }
0x238: {  	v3 =	vadd.s32 v1, v3;
	_ =	sdelay $0x2  }
0x239: {  	[tilespmem:s28], [sflag:$0x1] =	stream.indirect_vreg.gather [hbm4b:s2+s3], $0x80, v4, vm0, $0xb8;
	[tilespmem:$0x18400] =	vst v63  }
0x23a: {  	s18 =	simm.s32 $0xC00  }
0x23b: {  	[tilespmem:s18], [sflag:$0x1] =	stream.indirect_vreg.gather [hbm4b:s2+s3], $0x80, v3, vm0, $0xb8;
	[tilespmem:$0x18400] =	vst v63  }
0x23c: {  	v3 =	vld [tilespmem:$0x310];
	_ =	sdelay $0x4  }
0x23d: {  	v49 =	vshll.u32 v3, $0x1  }
0x23e: {  	v3 =	vand.u32 $0x7, v3;
	v4 =	vand.u32 $0xFFFFFFF0, v49  }
0x23f: {  	v3 =	vor.u32 v3, v4  }
0x240: {  	v4 =	vperm.xlane v3, v0;
	_ =	sdelay $0x1  }
0x241: {  	v3 =	vperm.xlane v3, v2;
	v4 =	vadd.s32 v1, v4;
	_ =	sdelay $0x1  }
0x242: {  	v3 =	vadd.s32 v1, v3;
	_ =	sdelay $0x1  }
0x243: {  	s18 =	simm.s32 $0x1400  }
0x244: {  	[tilespmem:s18], [sflag:$0x1] =	stream.indirect_vreg.gather [hbm4b:s2+s3], $0x80, v4, vm0, $0xb8;
	[tilespmem:$0x18400] =	vst v63  }
0x245: {  	s18 =	simm.s32 $0x1C00  }
0x246: {  	[tilespmem:s18], [sflag:$0x1] =	stream.indirect_vreg.gather [hbm4b:s2+s3], $0x80, v3, vm0, $0xb8;
	[tilespmem:$0x18400] =	vst v63  }
0x247: {  	v3 =	vld [tilespmem:$0x320];
	_ =	sdelay $0x4  }
0x248: {  	v50 =	vshll.u32 v3, $0x1  }
0x249: {  	v3 =	vand.u32 $0x7, v3;
	v4 =	vand.u32 $0xFFFFFFF0, v50  }
0x24a: {  	v3 =	vor.u32 v3, v4  }
0x24b: {  	v4 =	vperm.xlane v3, v0;
	_ =	sdelay $0x1  }
0x24c: {  	v3 =	vperm.xlane v3, v2;
	v4 =	vadd.s32 v1, v4;
	_ =	sdelay $0x1  }
0x24d: {  	v3 =	vadd.s32 v1, v3;
	_ =	sdelay $0x1  }
0x24e: {  	s18 =	simm.s32 $0x2400  }
0x24f: {  	[tilespmem:s18], [sflag:$0x1] =	stream.indirect_vreg.gather [hbm4b:s2+s3], $0x80, v4, vm0, $0xb8;
	[tilespmem:$0x18400] =	vst v63  }
0x250: {  	s18 =	simm.s32 $0x2C00  }
0x251: {  	[tilespmem:s18], [sflag:$0x1] =	stream.indirect_vreg.gather [hbm4b:s2+s3], $0x80, v3, vm0, $0xb8;
	[tilespmem:$0x18400] =	vst v63  }
0x252: {  	v3 =	vld [tilespmem:$0x330];
	_ =	sdelay $0x4  }
0x253: {  	v51 =	vshll.u32 v3, $0x1  }
0x254: {  	v3 =	vand.u32 $0x7, v3;
	v4 =	vand.u32 $0xFFFFFFF0, v51  }
0x255: {  	v3 =	vor.u32 v3, v4  }
0x256: {  	v4 =	vperm.xlane v3, v0;
	_ =	sdelay $0x1  }
0x257: {  	v3 =	vperm.xlane v3, v2;
	v4 =	vadd.s32 v1, v4;
	_ =	sdelay $0x1  }
0x258: {  	v3 =	vadd.s32 v1, v3;
	_ =	sdelay $0x1  }
0x259: {  	s18 =	simm.s32 $0x3400  }
0x25a: {  	[tilespmem:s18], [sflag:$0x1] =	stream.indirect_vreg.gather [hbm4b:s2+s3], $0x80, v4, vm0, $0xb8;
	[tilespmem:$0x18400] =	vst v63  }
0x25b: {  	s18 =	simm.s32 $0x3C00  }
0x25c: {  	[tilespmem:s18], [sflag:$0x1] =	stream.indirect_vreg.gather [hbm4b:s2+s3], $0x80, v3, vm0, $0xb8;
	[tilespmem:$0x18400] =	vst v63  }
0x25d: {  	v3 =	vld [tilespmem:$0x340];
	_ =	sdelay $0x4  }
0x25e: {  	v52 =	vshll.u32 v3, $0x1  }
0x25f: {  	v3 =	vand.u32 $0x7, v3;
	v4 =	vand.u32 $0xFFFFFFF0, v52  }
0x260: {  	v3 =	vor.u32 v3, v4  }
0x261: {  	v4 =	vperm.xlane v3, v0;
	_ =	sdelay $0x1  }
0x262: {  	v3 =	vperm.xlane v3, v2;
	v4 =	vadd.s32 v1, v4;
	_ =	sdelay $0x1  }
0x263: {  	v3 =	vadd.s32 v1, v3;
	_ =	sdelay $0x1  }
0x264: {  	s18 =	simm.s32 $0x4400  }
0x265: {  	[tilespmem:s18], [sflag:$0x1] =	stream.indirect_vreg.gather [hbm4b:s2+s3], $0x80, v4, vm0, $0xb8;
	[tilespmem:$0x18400] =	vst v63  }
0x266: {  	_ = 	snop  }
0x267: {  	[tilespmem:s29], [sflag:$0x1] =	stream.indirect_vreg.gather [hbm4b:s2+s3], $0x80, v3, vm0, $0xb8;
	[tilespmem:$0x18400] =	vst v63  }
0x268: {  	v3 =	vld [tilespmem:$0x350];
	_ =	sdelay $0x4  }
0x269: {  	v53 =	vshll.u32 v3, $0x1  }
0x26a: {  	v3 =	vand.u32 $0x7, v3;
	v4 =	vand.u32 $0xFFFFFFF0, v53  }
0x26b: {  	v3 =	vor.u32 v3, v4  }
0x26c: {  	v4 =	vperm.xlane v3, v0;
	_ =	sdelay $0x1  }
0x26d: {  	v3 =	vperm.xlane v3, v2;
	v4 =	vadd.s32 v1, v4;
	_ =	sdelay $0x1  }
0x26e: {  	v3 =	vadd.s32 v1, v3;
	_ =	sdelay $0x2  }
0x26f: {  	[tilespmem:s30], [sflag:$0x1] =	stream.indirect_vreg.gather [hbm4b:s2+s3], $0x80, v4, vm0, $0xb8;
	[tilespmem:$0x18400] =	vst v63  }
0x270: {  	_ = 	snop  }
0x271: {  	[tilespmem:s31], [sflag:$0x1] =	stream.indirect_vreg.gather [hbm4b:s2+s3], $0x80, v3, vm0, $0xb8;
	[tilespmem:$0x18400] =	vst v63  }
0x272: {  	v3 =	vld [tilespmem:$0x360];
	_ =	sdelay $0x4  }
0x273: {  	v54 =	vshll.u32 v3, $0x1  }
0x274: {  	v3 =	vand.u32 $0x7, v3;
	v4 =	vand.u32 $0xFFFFFFF0, v54  }
0x275: {  	v3 =	vor.u32 v3, v4  }
0x276: {  	v4 =	vperm.xlane v3, v0;
	_ =	sdelay $0x1  }
0x277: {  	v3 =	vperm.xlane v3, v2;
	v4 =	vadd.s32 v1, v4;
	_ =	sdelay $0x1  }
0x278: {  	v3 =	vadd.s32 v1, v3;
	_ =	sdelay $0x1  }
0x279: {  	s18 =	simm.s32 $0x6400  }
0x27a: {  	[tilespmem:s18], [sflag:$0x1] =	stream.indirect_vreg.gather [hbm4b:s2+s3], $0x80, v4, vm0, $0xb8;
	[tilespmem:$0x18400] =	vst v63  }
0x27b: {  	s18 =	simm.s32 $0x6C00  }
0x27c: {  	[tilespmem:s18], [sflag:$0x1] =	stream.indirect_vreg.gather [hbm4b:s2+s3], $0x80, v3, vm0, $0xb8;
	[tilespmem:$0x18400] =	vst v63  }
0x27d: {  	v3 =	vld [tilespmem:$0x370];
	_ =	sdelay $0x4  }
0x27e: {  	v55 =	vshll.u32 v3, $0x1  }
0x27f: {  	v3 =	vand.u32 $0x7, v3;
	v4 =	vand.u32 $0xFFFFFFF0, v55  }
0x280: {  	v3 =	vor.u32 v3, v4  }
0x281: {  	v4 =	vperm.xlane v3, v0;
	_ =	sdelay $0x1  }
0x282: {  	v3 =	vperm.xlane v3, v2;
	v4 =	vadd.s32 v1, v4;
	_ =	sdelay $0x1  }
0x283: {  	v3 =	vadd.s32 v1, v3;
	_ =	sdelay $0x1  }
0x284: {  	s18 =	simm.s32 $0x7400  }
0x285: {  	[tilespmem:s18], [sflag:$0x1] =	stream.indirect_vreg.gather [hbm4b:s2+s3], $0x80, v4, vm0, $0xb8;
	[tilespmem:$0x18400] =	vst v63  }
0x286: {  	s18 =	simm.s32 $0x7C00  }
0x287: {  	[tilespmem:s18], [sflag:$0x1] =	stream.indirect_vreg.gather [hbm4b:s2+s3], $0x80, v3, vm0, $0xb8;
	[tilespmem:$0x18400] =	vst v63  }
0x288: {  	_ =	swait.ge [sflag:s14], $0x8000  }
0x289: {  	[sflag:s14] =	ssyncset.done $0x0  }
0x28a: {  	s1 =	rddreg [dreg:$0x8];
	[sflag:s14] =	ssyncadd.s32 $0xFFFF8000  }
0x28b: {  	[hbm4b:s1+s3] =	stream.linear.scatter [tilespmem:s22], [sflag:$0x5], $0x8000, $0x38;
	[tilespmem:$0x18400] =	vst v63  }
0x28c: {  	_ =	swait.ge [sflag:s15], $0x8000  }
0x28d: {  	[sflag:s15] =	ssyncset.done $0x0  }
0x28e: {  	[sflag:s15] =	ssyncadd.s32 $0xFFFF8000  }
0x28f: {  	v3 =	vld [tilespmem:$0x380];
	_ =	sdelay $0x4  }
0x290: {  	v56 =	vshll.u32 v3, $0x1  }
0x291: {  	v3 =	vand.u32 $0x7, v3;
	v4 =	vand.u32 $0xFFFFFFF0, v56  }
0x292: {  	v3 =	vor.u32 v3, v4  }
0x293: {  	v4 =	vperm.xlane v3, v0;
	_ =	sdelay $0x1  }
0x294: {  	v3 =	vperm.xlane v3, v2;
	v4 =	vadd.s32 v1, v4;
	_ =	sdelay $0x1  }
0x295: {  	v3 =	vadd.s32 v1, v3;
	_ =	sdelay $0x2  }
0x296: {  	[tilespmem:s22], [sflag:$0x2] =	stream.indirect_vreg.gather [hbm4b:s2+s3], $0x80, v4, vm0, $0xb8;
	[tilespmem:$0x18400] =	vst v63  }
0x297: {  	s18 =	simm.s32 $0x8C00  }
0x298: {  	[tilespmem:s18], [sflag:$0x2] =	stream.indirect_vreg.gather [hbm4b:s2+s3], $0x80, v3, vm0, $0xb8;
	[tilespmem:$0x18400] =	vst v63  }
0x299: {  	v3 =	vld [tilespmem:$0x390];
	_ =	sdelay $0x4  }
0x29a: {  	v57 =	vshll.u32 v3, $0x1  }
0x29b: {  	v3 =	vand.u32 $0x7, v3;
	v4 =	vand.u32 $0xFFFFFFF0, v57  }
0x29c: {  	v3 =	vor.u32 v3, v4  }
0x29d: {  	v4 =	vperm.xlane v3, v0;
	_ =	sdelay $0x1  }
0x29e: {  	v3 =	vperm.xlane v3, v2;
	v4 =	vadd.s32 v1, v4;
	_ =	sdelay $0x1  }
0x29f: {  	v3 =	vadd.s32 v1, v3;
	_ =	sdelay $0x1  }
0x2a0: {  	s18 =	simm.s32 $0x9400  }
0x2a1: {  	[tilespmem:s18], [sflag:$0x2] =	stream.indirect_vreg.gather [hbm4b:s2+s3], $0x80, v4, vm0, $0xb8;
	[tilespmem:$0x18400] =	vst v63  }
0x2a2: {  	s18 =	simm.s32 $0x9C00  }
0x2a3: {  	[tilespmem:s18], [sflag:$0x2] =	stream.indirect_vreg.gather [hbm4b:s2+s3], $0x80, v3, vm0, $0xb8;
	[tilespmem:$0x18400] =	vst v63  }
0x2a4: {  	v3 =	vld [tilespmem:$0x3A0];
	_ =	sdelay $0x4  }
0x2a5: {  	v58 =	vshll.u32 v3, $0x1  }
0x2a6: {  	v3 =	vand.u32 $0x7, v3;
	v4 =	vand.u32 $0xFFFFFFF0, v58  }
0x2a7: {  	v3 =	vor.u32 v3, v4  }
0x2a8: {  	v4 =	vperm.xlane v3, v0;
	_ =	sdelay $0x1  }
0x2a9: {  	v3 =	vperm.xlane v3, v2;
	v4 =	vadd.s32 v1, v4;
	_ =	sdelay $0x1  }
0x2aa: {  	v3 =	vadd.s32 v1, v3;
	_ =	sdelay $0x1  }
0x2ab: {  	s18 =	simm.s32 $0xA400  }
0x2ac: {  	[tilespmem:s18], [sflag:$0x2] =	stream.indirect_vreg.gather [hbm4b:s2+s3], $0x80, v4, vm0, $0xb8;
	[tilespmem:$0x18400] =	vst v63  }
0x2ad: {  	s18 =	simm.s32 $0xAC00  }
0x2ae: {  	[tilespmem:s18], [sflag:$0x2] =	stream.indirect_vreg.gather [hbm4b:s2+s3], $0x80, v3, vm0, $0xb8;
	[tilespmem:$0x18400] =	vst v63  }
0x2af: {  	v3 =	vld [tilespmem:$0x3B0];
	_ =	sdelay $0x4  }
0x2b0: {  	v59 =	vshll.u32 v3, $0x1  }
0x2b1: {  	v3 =	vand.u32 $0x7, v3;
	v4 =	vand.u32 $0xFFFFFFF0, v59  }
0x2b2: {  	v3 =	vor.u32 v3, v4  }
0x2b3: {  	v4 =	vperm.xlane v3, v0;
	_ =	sdelay $0x1  }
0x2b4: {  	v3 =	vperm.xlane v3, v2;
	v4 =	vadd.s32 v1, v4;
	_ =	sdelay $0x1  }
0x2b5: {  	v3 =	vadd.s32 v1, v3;
	_ =	sdelay $0x1  }
0x2b6: {  	s18 =	simm.s32 $0xB400  }
0x2b7: {  	[tilespmem:s18], [sflag:$0x2] =	stream.indirect_vreg.gather [hbm4b:s2+s3], $0x80, v4, vm0, $0xb8;
	[tilespmem:$0x18400] =	vst v63  }
0x2b8: {  	s18 =	simm.s32 $0xBC00  }
0x2b9: {  	[tilespmem:s18], [sflag:$0x2] =	stream.indirect_vreg.gather [hbm4b:s2+s3], $0x80, v3, vm0, $0xb8;
	[tilespmem:$0x18400] =	vst v63  }
0x2ba: {  	v3 =	vld [tilespmem:$0x3C0];
	_ =	sdelay $0x4  }
0x2bb: {  	v60 =	vshll.u32 v3, $0x1  }
0x2bc: {  	v3 =	vand.u32 $0x7, v3;
	v4 =	vand.u32 $0xFFFFFFF0, v60  }
0x2bd: {  	v3 =	vor.u32 v3, v4  }
0x2be: {  	v4 =	vperm.xlane v3, v0;
	_ =	sdelay $0x1  }
0x2bf: {  	v3 =	vperm.xlane v3, v2;
	v4 =	vadd.s32 v1, v4;
	_ =	sdelay $0x1  }
0x2c0: {  	v3 =	vadd.s32 v1, v3;
	_ =	sdelay $0x1  }
0x2c1: {  	s18 =	simm.s32 $0xC400  }
0x2c2: {  	[tilespmem:s18], [sflag:$0x2] =	stream.indirect_vreg.gather [hbm4b:s2+s3], $0x80, v4, vm0, $0xb8;
	[tilespmem:$0x18400] =	vst v63  }
0x2c3: {  	s18 =	simm.s32 $0xCC00  }
0x2c4: {  	[tilespmem:s18], [sflag:$0x2] =	stream.indirect_vreg.gather [hbm4b:s2+s3], $0x80, v3, vm0, $0xb8;
	[tilespmem:$0x18400] =	vst v63  }
0x2c5: {  	v3 =	vld [tilespmem:$0x3D0];
	_ =	sdelay $0x4  }
0x2c6: {  	v61 =	vshll.u32 v3, $0x1  }
0x2c7: {  	v3 =	vand.u32 $0x7, v3;
	v4 =	vand.u32 $0xFFFFFFF0, v61  }
0x2c8: {  	v3 =	vor.u32 v3, v4  }
0x2c9: {  	v4 =	vperm.xlane v3, v0;
	_ =	sdelay $0x1  }
0x2ca: {  	v3 =	vperm.xlane v3, v2;
	v4 =	vadd.s32 v1, v4;
	_ =	sdelay $0x1  }
0x2cb: {  	v3 =	vadd.s32 v1, v3;
	_ =	sdelay $0x1  }
0x2cc: {  	s18 =	simm.s32 $0xD400  }
0x2cd: {  	[tilespmem:s18], [sflag:$0x2] =	stream.indirect_vreg.gather [hbm4b:s2+s3], $0x80, v4, vm0, $0xb8;
	[tilespmem:$0x18400] =	vst v63  }
0x2ce: {  	s18 =	simm.s32 $0xDC00  }
0x2cf: {  	[tilespmem:s18], [sflag:$0x2] =	stream.indirect_vreg.gather [hbm4b:s2+s3], $0x80, v3, vm0, $0xb8;
	[tilespmem:$0x18400] =	vst v63  }
0x2d0: {  	v3 =	vld [tilespmem:$0x3E0];
	_ =	sdelay $0x4  }
0x2d1: {  	v62 =	vshll.u32 v3, $0x1  }
0x2d2: {  	v3 =	vand.u32 $0x7, v3;
	v4 =	vand.u32 $0xFFFFFFF0, v62  }
0x2d3: {  	v3 =	vor.u32 v3, v4  }
0x2d4: {  	v4 =	vperm.xlane v3, v0;
	_ =	sdelay $0x1  }
0x2d5: {  	v3 =	vperm.xlane v3, v2;
	v4 =	vadd.s32 v1, v4;
	_ =	sdelay $0x1  }
0x2d6: {  	v3 =	vadd.s32 v1, v3;
	_ =	sdelay $0x1  }
0x2d7: {  	s18 =	simm.s32 $0xE400  }
0x2d8: {  	[tilespmem:s18], [sflag:$0x2] =	stream.indirect_vreg.gather [hbm4b:s2+s3], $0x80, v4, vm0, $0xb8;
	[tilespmem:$0x18400] =	vst v63  }
0x2d9: {  	s18 =	simm.s32 $0xEC00  }
0x2da: {  	[tilespmem:s18], [sflag:$0x2] =	stream.indirect_vreg.gather [hbm4b:s2+s3], $0x80, v3, vm0, $0xb8;
	[tilespmem:$0x18400] =	vst v63  }
0x2db: {  	v3 =	vld [tilespmem:$0x3F0];
	_ =	sdelay $0x4  }
0x2dc: {  	v63 =	vshll.u32 v3, $0x1  }
0x2dd: {  	v3 =	vand.u32 $0x7, v3;
	v4 =	vand.u32 $0xFFFFFFF0, v63  }
0x2de: {  	v3 =	vor.u32 v3, v4  }
0x2df: {  	v4 =	vperm.xlane v3, v0;
	_ =	sdelay $0x1  }
0x2e0: {  	v3 =	vperm.xlane v3, v2;
	v4 =	vadd.s32 v1, v4;
	_ =	sdelay $0x1  }
0x2e1: {  	v3 =	vadd.s32 v1, v3;
	_ =	sdelay $0x1  }
0x2e2: {  	s18 =	simm.s32 $0xF400  }
0x2e3: {  	[tilespmem:s18], [sflag:$0x2] =	stream.indirect_vreg.gather [hbm4b:s2+s3], $0x80, v4, vm0, $0xb8;
	[tilespmem:$0x18400] =	vst v63  }
0x2e4: {  	s18 =	simm.s32 $0xFC00  }
0x2e5: {  	[tilespmem:s18], [sflag:$0x2] =	stream.indirect_vreg.gather [hbm4b:s2+s3], $0x80, v3, vm0, $0xb8;
	[tilespmem:$0x18400] =	vst v63  }
0x2e6: {  	_ =	swait.ge [sflag:s16], $0x8000  }
0x2e7: {  	[sflag:s16] =	ssyncset.done $0x0  }
0x2e8: {  	s1 =	rddreg [dreg:$0x9];
	[sflag:s16] =	ssyncadd.s32 $0xFFFF8000  }
0x2e9: {  	[hbm4b:s1+s3] =	stream.linear.scatter [tilespmem:s0], [sflag:$0x6], $0x8000, $0x38;
	[tilespmem:$0x18400] =	vst v63  }
0x2ea: {  	_ =	swait.ge [sflag:s12], $0x8000  }
0x2eb: {  	[sflag:s12] =	ssyncset.done $0x0  }
0x2ec: {  	s0 =	rddreg [dreg:$0xa];
	[sflag:s12] =	ssyncadd.s32 $0xFFFF8000  }
0x2ed: {  	[hbm4b:s0+s3] =	stream.linear.scatter [tilespmem:s28], [sflag:$0x4], $0x8000, $0x38;
	[tilespmem:$0x18400] =	vst v63  }
0x2ee: {  	_ =	swait.ge [sflag:s14], $0x8000  }
0x2ef: {  	[sflag:s14] =	ssyncset.done $0x0  }
0x2f0: {  	s1 =	rddreg [dreg:$0xb];
	[sflag:s14] =	ssyncadd.s32 $0xFFFF8000  }
0x2f1: {  	[hbm4b:s1+s3] =	stream.linear.scatter [tilespmem:s22], [sflag:$0x5], $0x8000, $0x38;
	[tilespmem:$0x18400] =	vst v63  }
0x2f2: {  	_ =	swait.ge [sflag:s17], $0x8000  }
0x2f3: {  	[sflag:s17] =	ssyncset.done $0x0  }
0x2f4: {  	[sflag:s17] =	ssyncadd.s32 $0xFFFF8000  }
0x2f5: {  	p0 =	sne.s32 s4, $0x1;
	_ =	swait.ge [sflag:s13], $0x8000  }
.Ltmp0:
0x2f6: {  	[sflag:s13] =	ssyncset.done $0x0;
	(pc) =	sbr.rel @p0 .LBB2_1-.Ltmp0, $4  }
0x2f7: {  	[sflag:s13] =	ssyncadd.s32 $0xFFFF8000  }
0x2f8: {  	_ =	swait.ge [sflag:s15], $0x8000  }
0x2f9: {  	[sflag:s15] =	ssyncset.done $0x0  }
0x2fa: {  	s4 =	sadd.s32 $0xFFFFFFFF, s4;
	[sflag:s15] =	ssyncadd.s32 $0xFFFF8000  }
0x2fb: {  	_ =	sfence.sel $0x180000  }
0x2fc: {  	[bflag:$0x0] =	sbarrier.arrive $0xFFFF  }
0x2fd: {  	_ =	strace $0x9000004A  }
0x2fe: {  	s0 =	stileid.u32;
	[bflag:$0x2] =	sbarrier.arrive $0xFFFF  }
0x2ff: {  	p0 =	sne.s32 s0, $0x0;
	s0 =	rddreg [dreg:$0x2]  }
0x300: {  	s0 =	sadd.s32 @!p0 $0x100000, s0  }
0x301: {  	[sflag:s0] =	ssyncadd.tile.s32 @!p0 $0x1;
	_ =	shalt  }
.Lfunc_end2:
_tile_overlayer_lowered:
.L_overlay_start_2:
0x302: {  	(tag) =	ssettag $0x2  }
0x303: {  	s0 =	rddreg [dreg:$0x0];
	s2 =	stileid.u32  }
0x304: {  	s1 =	rddreg [dreg:$0x1];
	p0 =	sne.s32 s2, $0x0  }
0x305: {  	s3 =	rddreg [dreg:$0x2];
	[bflag:$0x3] =	sbarrier.arrive $0xFFFF;
	s2 =	simm.s32 @!p0 $0x1C07  }
0x306: {  	[timem:s3], [sflag:s2] =	dma.local @!p0 [hbm:s0], s1  }
0x307: {  	s0 =	simm.s32 @!p0 $0x7  }
0x308: {  	_ =	swait.ge @!p0 [sflag:s0], s1  }
0x309: {  	s1 =	ssub.s32 @!p0 $0x0, s1;
	[sflag:s0] =	ssyncset.done @!p0 $0x0  }
0x30a: {  	[sflag:s0] =	ssyncadd.s32 @!p0 s1  }
0x30b: {  	[bflag:$0x3] =	sbarrier.arrive $0xFFFF  }
0x30c: {  	_ =	shalt  }

</sc_bundles>
